<compile_context>
chip_gen: v7x
topology: tpu7x:2x2x1
jax: 0.10.2.dev20260603
libtpu: 0.0.44.dev20260713+nightly
codegen_flags: <defaults>
</compile_context>

<pallas_src>
import functools

import jax
import jax.numpy as jnp
from jax import lax
from jax.experimental import pallas as pl
from jax.experimental.pallas import tpu as pltpu
from jax.experimental.pallas import tpu_sc as plsc

V = 32768
D = 1024
B = 65536
NC = 2
NS = 16
NW = NC * NS
ROWS_PER_W = B // NW
C = 8
NCHUNK = ROWS_PER_W // C
NSTAGE = 4
LANES = 16


def _sc_body(table_hbm, b_hbm, e_hbm, out_hbm, idx_b, idx_e,
             bo0, bo1, bo2, bo3, be0, be1, be2, be3,
             smb0, smb1, smb2, smb3, sme0, sme1, sme2, sme3,
             smo0, smo1, smo2, smo3):
    buf_o = (bo0, bo1, bo2, bo3)
    buf_e = (be0, be1, be2, be3)
    sem_b = (smb0, smb1, smb2, smb3)
    sem_e = (sme0, sme1, sme2, sme3)
    sem_o = (smo0, smo1, smo2, smo3)

    wid = lax.axis_index("s") * NC + lax.axis_index("c")
    base = wid * ROWS_PER_W
    pltpu.sync_copy(b_hbm.at[pl.ds(base, ROWS_PER_W)], idx_b)
    pltpu.sync_copy(e_hbm.at[pl.ds(base, ROWS_PER_W)], idx_e)

    def issue_gathers(cix, p):
        off = cix * C
        pltpu.async_copy(table_hbm.at[idx_b.at[pl.ds(off, C)]], buf_o[p],
                         sem_b[p])
        pltpu.async_copy(table_hbm.at[idx_e.at[pl.ds(off, C)]], buf_e[p],
                         sem_e[p])

    def wait_out(p):
        pltpu.make_async_copy(buf_o[p], out_hbm.at[pl.ds(base, C)],
                              sem_o[p]).wait()

    for p in range(2):
        issue_gathers(p, p)

    def round_body(g, carry):
        for p in range(NSTAGE):
            cix = g * NSTAGE + p
            pf = (p + 2) % NSTAGE

            @pl.when(cix >= 2)
            def _(pf=pf):
                wait_out(pf)

            @pl.when(cix + 2 < NCHUNK)
            def _(cix=cix, pf=pf):
                issue_gathers(cix + 2, pf)

            pltpu.make_async_copy(table_hbm.at[idx_b.at[pl.ds(0, C)]],
                                  buf_o[p], sem_b[p]).wait()
            pltpu.make_async_copy(table_hbm.at[idx_e.at[pl.ds(0, C)]],
                                  buf_e[p], sem_e[p]).wait()

            def row_body(i, rcarry, p=p):
                for j in range(D // LANES):
                    s = pl.ds(j * LANES, LANES)
                    plsc.addupdate(buf_o[p].at[i, s], buf_e[p][i, s])
                return rcarry
            lax.fori_loop(0, C, row_body, 0, unroll=False)

            pltpu.async_copy(buf_o[p], out_hbm.at[pl.ds(base + cix * C, C)],
                             sem_o[p])
        return carry

    lax.fori_loop(0, NCHUNK // NSTAGE, round_body, 0, unroll=False)

    for cix in (NCHUNK - 2, NCHUNK - 1):
        wait_out(cix % NSTAGE)


_mesh = plsc.VectorSubcoreMesh(core_axis_name="c", subcore_axis_name="s")

_span_call = functools.partial(
    pl.kernel,
    out_type=jax.ShapeDtypeStruct((B, D), jnp.float32),
    mesh=_mesh,
    scratch_types=[
        pltpu.VMEM((ROWS_PER_W,), jnp.int32),
        pltpu.VMEM((ROWS_PER_W,), jnp.int32),
    ] + [pltpu.VMEM((C, D), jnp.float32)] * (2 * NSTAGE)
      + [pltpu.SemaphoreType.DMA] * (3 * NSTAGE),
)(_sc_body)


def kernel(inputs, b, e):
    return _span_call(inputs, b.astype(jnp.int32), e.astype(jnp.int32))

# --- scband reference (transcript-rebuilt; emitter-appended) ---
"""Pipeline reference for scband-span-extractor-42073499632374 (READ-ONLY COPY).

The authoritative reference and input builder live on the scoring server;
editing this copy changes nothing except your own understanding.
"""

import jax, jax.numpy as jnp
import numpy as np


def setup_inputs(seed: int = 0) -> dict:
    key = jax.random.key(seed)
    k1, k2, k3 = jax.random.split(key, 3)
    inputs = jax.random.normal(k1, (32768, 1024), dtype=jnp.float32)
    b = jax.random.randint(k2, (65536,), 0, 32768, dtype=jnp.int64) if jax.config.jax_enable_x64 else jax.random.randint(k2, (65536,), 0, 32768)
    e = jax.random.randint(k3, (65536,), 0, 32768)
    return {"inputs": inputs, "b": b, "e": e}


def reference(inputs, b, e):
    # Faithful translation: two row-gathers and an elementwise add.
    # Note: the module's ff / dropout are defined in __init__ but unused in forward.
    b_vec = jnp.take(inputs, b, axis=0)
    e_vec = jnp.take(inputs, e, axis=0)
    vec = b_vec + e_vec
    return vec

if __name__ == "__main__":
    import jax
    _d = setup_inputs()
    print(jax.jit(kernel)(*tuple(_d.values())))

</pallas_src>

<mosaic_0001>
#map = affine_map<(d0, d1) -> (0, 0)>
#map1 = affine_map<(d0, d1) -> (0)>
module attributes {stable_mosaic.version = 14 : i64} {
  func.func @_sc_body(%arg0: i32, %arg1: i32, %arg2: memref<32768x1024xf32, #tpu.memory_space<hbm>>, %arg3: memref<65536xi32, #tpu.memory_space<hbm>>, %arg4: memref<65536xi32, #tpu.memory_space<hbm>>, %arg5: memref<65536x1024xf32, #tpu.memory_space<hbm>>, %arg6: memref<2048xi32, #tpu.memory_space<vmem>>, %arg7: memref<2048xi32, #tpu.memory_space<vmem>>, %arg8: memref<8x1024xf32, #tpu.memory_space<vmem>>, %arg9: memref<8x1024xf32, #tpu.memory_space<vmem>>, %arg10: memref<8x1024xf32, #tpu.memory_space<vmem>>, %arg11: memref<8x1024xf32, #tpu.memory_space<vmem>>, %arg12: memref<8x1024xf32, #tpu.memory_space<vmem>>, %arg13: memref<8x1024xf32, #tpu.memory_space<vmem>>, %arg14: memref<8x1024xf32, #tpu.memory_space<vmem>>, %arg15: memref<8x1024xf32, #tpu.memory_space<vmem>>, %arg16: memref<!tpu.dma_semaphore, #tpu.memory_space<semaphore_mem>>, %arg17: memref<!tpu.dma_semaphore, #tpu.memory_space<semaphore_mem>>, %arg18: memref<!tpu.dma_semaphore, #tpu.memory_space<semaphore_mem>>, %arg19: memref<!tpu.dma_semaphore, #tpu.memory_space<semaphore_mem>>, %arg20: memref<!tpu.dma_semaphore, #tpu.memory_space<semaphore_mem>>, %arg21: memref<!tpu.dma_semaphore, #tpu.memory_space<semaphore_mem>>, %arg22: memref<!tpu.dma_semaphore, #tpu.memory_space<semaphore_mem>>, %arg23: memref<!tpu.dma_semaphore, #tpu.memory_space<semaphore_mem>>, %arg24: memref<!tpu.dma_semaphore, #tpu.memory_space<semaphore_mem>>, %arg25: memref<!tpu.dma_semaphore, #tpu.memory_space<semaphore_mem>>, %arg26: memref<!tpu.dma_semaphore, #tpu.memory_space<semaphore_mem>>, %arg27: memref<!tpu.dma_semaphore, #tpu.memory_space<semaphore_mem>>) attributes {dimension_semantics = [#tpu.dimension_semantics<core_parallel>, #tpu.dimension_semantics<subcore_parallel>], iteration_bounds = array<i64: 2, 16>, scalar_prefetch = 0 : i64, scratch_operands = 22 : i64, tpu.core_type = #tpu.core_type<sc_vector_subcore>, window_params = [{transform_indices = #map}, {transform_indices = #map1}, {transform_indices = #map1}, {transform_indices = #map}]} {
    %mul3A = arith.constant 2 : i32
    %mul3A_0 = arith.muli %arg1, %mul3A : i32
    %add3A = arith.addi %mul3A_0, %arg0 : i32
    %mul3A_1 = arith.constant 2048 : i32
    %mul3A_2 = arith.muli %add3A, %mul3A_1 : i32
    "tpu.region"() ({
      %run_scoped3A = tpu.sem_alloc : memref<!tpu.dma_semaphore, #tpu.memory_space<semaphore_mem>>
      %dma_start3A_34 = tpu.memref_slice %arg3[%mul3A_2] : memref<65536xi32, #tpu.memory_space<hbm>> -> memref<2048xi32, #tpu.memory_space<hbm>>
      %dma_start3A_35 = tpu.memref_slice %arg3[%mul3A_2] : memref<65536xi32, #tpu.memory_space<hbm>> -> memref<2048xi32, #tpu.memory_space<hbm>>
      tpu.enqueue_dma source(%dma_start3A_35 : memref<2048xi32, #tpu.memory_space<hbm>>) target(%arg6 : memref<2048xi32, #tpu.memory_space<vmem>>) target_semaphore(%run_scoped3A : memref<!tpu.dma_semaphore, #tpu.memory_space<semaphore_mem>>)
      %dma_wait3A_36 = tpu.memref_slice %arg3[%mul3A_2] : memref<65536xi32, #tpu.memory_space<hbm>> -> memref<2048xi32, #tpu.memory_space<hbm>>
      %dma_wait3A_37 = tpu.memref_slice %arg3[%mul3A_2] : memref<65536xi32, #tpu.memory_space<hbm>> -> memref<2048xi32, #tpu.memory_space<hbm>>
      tpu.wait_dma2 semaphore(%run_scoped3A : memref<!tpu.dma_semaphore, #tpu.memory_space<semaphore_mem>>) src(%dma_wait3A_37 : memref<2048xi32, #tpu.memory_space<hbm>>) dst(%arg6 : memref<2048xi32, #tpu.memory_space<vmem>>)
      tpu.yield
    }) : () -> ()
    "tpu.region"() ({
      %run_scoped3A = tpu.sem_alloc : memref<!tpu.dma_semaphore, #tpu.memory_space<semaphore_mem>>
      %dma_start3A_34 = tpu.memref_slice %arg4[%mul3A_2] : memref<65536xi32, #tpu.memory_space<hbm>> -> memref<2048xi32, #tpu.memory_space<hbm>>
      %dma_start3A_35 = tpu.memref_slice %arg4[%mul3A_2] : memref<65536xi32, #tpu.memory_space<hbm>> -> memref<2048xi32, #tpu.memory_space<hbm>>
      tpu.enqueue_dma source(%dma_start3A_35 : memref<2048xi32, #tpu.memory_space<hbm>>) target(%arg7 : memref<2048xi32, #tpu.memory_space<vmem>>) target_semaphore(%run_scoped3A : memref<!tpu.dma_semaphore, #tpu.memory_space<semaphore_mem>>)
      %dma_wait3A_36 = tpu.memref_slice %arg4[%mul3A_2] : memref<65536xi32, #tpu.memory_space<hbm>> -> memref<2048xi32, #tpu.memory_space<hbm>>
      %dma_wait3A_37 = tpu.memref_slice %arg4[%mul3A_2] : memref<65536xi32, #tpu.memory_space<hbm>> -> memref<2048xi32, #tpu.memory_space<hbm>>
      tpu.wait_dma2 semaphore(%run_scoped3A : memref<!tpu.dma_semaphore, #tpu.memory_space<semaphore_mem>>) src(%dma_wait3A_37 : memref<2048xi32, #tpu.memory_space<hbm>>) dst(%arg7 : memref<2048xi32, #tpu.memory_space<vmem>>)
      tpu.yield
    }) : () -> ()
    %dma_start3A = arith.constant 0 : i32
    %dma_start3A_3 = tpu.memref_slice %arg6[%dma_start3A] : memref<2048xi32, #tpu.memory_space<vmem>> -> memref<8xi32, #tpu.memory_space<vmem>>
    %dma_start3A_4 = arith.constant 0 : i32
    %dma_start3A_5 = arith.constant 0 : i32
    %dma_start3A_6 = tpu.memref_slice %arg2[%dma_start3A_4, %dma_start3A_5] : memref<32768x1024xf32, #tpu.memory_space<hbm>> -> memref<32768x1024xf32, #tpu.memory_space<hbm>>
    tpu.enqueue_indirect_dma source(%dma_start3A_6 : memref<32768x1024xf32, #tpu.memory_space<hbm>>) target(%arg8 : memref<8x1024xf32, #tpu.memory_space<vmem>>) offsets(%dma_start3A_3 : memref<8xi32, #tpu.memory_space<vmem>>) semaphore(%arg16 : memref<!tpu.dma_semaphore, #tpu.memory_space<semaphore_mem>>)
    %dma_start3A_7 = arith.constant 0 : i32
    %dma_start3A_8 = tpu.memref_slice %arg7[%dma_start3A_7] : memref<2048xi32, #tpu.memory_space<vmem>> -> memref<8xi32, #tpu.memory_space<vmem>>
    %dma_start3A_9 = arith.constant 0 : i32
    %dma_start3A_10 = arith.constant 0 : i32
    %dma_start3A_11 = tpu.memref_slice %arg2[%dma_start3A_9, %dma_start3A_10] : memref<32768x1024xf32, #tpu.memory_space<hbm>> -> memref<32768x1024xf32, #tpu.memory_space<hbm>>
    tpu.enqueue_indirect_dma source(%dma_start3A_11 : memref<32768x1024xf32, #tpu.memory_space<hbm>>) target(%arg12 : memref<8x1024xf32, #tpu.memory_space<vmem>>) offsets(%dma_start3A_8 : memref<8xi32, #tpu.memory_space<vmem>>) semaphore(%arg20 : memref<!tpu.dma_semaphore, #tpu.memory_space<semaphore_mem>>)
    %dma_start3A_12 = arith.constant 8 : i32
    %dma_start3A_13 = tpu.memref_slice %arg6[%dma_start3A_12] : memref<2048xi32, #tpu.memory_space<vmem>> -> memref<8xi32, #tpu.memory_space<vmem>>
    %dma_start3A_14 = arith.constant 0 : i32
    %dma_start3A_15 = arith.constant 0 : i32
    %dma_start3A_16 = tpu.memref_slice %arg2[%dma_start3A_14, %dma_start3A_15] : memref<32768x1024xf32, #tpu.memory_space<hbm>> -> memref<32768x1024xf32, #tpu.memory_space<hbm>>
    tpu.enqueue_indirect_dma source(%dma_start3A_16 : memref<32768x1024xf32, #tpu.memory_space<hbm>>) target(%arg9 : memref<8x1024xf32, #tpu.memory_space<vmem>>) offsets(%dma_start3A_13 : memref<8xi32, #tpu.memory_space<vmem>>) semaphore(%arg17 : memref<!tpu.dma_semaphore, #tpu.memory_space<semaphore_mem>>)
    %dma_start3A_17 = arith.constant 8 : i32
    %dma_start3A_18 = tpu.memref_slice %arg7[%dma_start3A_17] : memref<2048xi32, #tpu.memory_space<vmem>> -> memref<8xi32, #tpu.memory_space<vmem>>
    %dma_start3A_19 = arith.constant 0 : i32
    %dma_start3A_20 = arith.constant 0 : i32
    %dma_start3A_21 = tpu.memref_slice %arg2[%dma_start3A_19, %dma_start3A_20] : memref<32768x1024xf32, #tpu.memory_space<hbm>> -> memref<32768x1024xf32, #tpu.memory_space<hbm>>
    tpu.enqueue_indirect_dma source(%dma_start3A_21 : memref<32768x1024xf32, #tpu.memory_space<hbm>>) target(%arg13 : memref<8x1024xf32, #tpu.memory_space<vmem>>) offsets(%dma_start3A_18 : memref<8xi32, #tpu.memory_space<vmem>>) semaphore(%arg21 : memref<!tpu.dma_semaphore, #tpu.memory_space<semaphore_mem>>)
    %scan3A = arith.constant 0 : i32
    %scan3A_22 = arith.constant 0 : i32
    %scan3A_23 = arith.constant 64 : i32
    %scan3A_24 = arith.addi %scan3A_22, %scan3A_23 : i32
    %scan3A_25 = arith.constant 1 : i32
    scf.for %scan3A_34 = %scan3A_22 to %scan3A_24 step %scan3A_25  : i32 {
      %mul3A_35 = arith.constant 4 : i32
      %mul3A_36 = arith.muli %scan3A_34, %mul3A_35 : i32
      %add3A_37 = arith.constant 0 : i32
      %add3A_38 = arith.addi %mul3A_36, %add3A_37 : i32
      %ge3A = arith.constant 2 : i32
      %ge3A_39 = arith.cmpi sge, %add3A_38, %ge3A : i32
      %convert_element_type3A = arith.extui %ge3A_39 : i1 to i32
      %cond3A = arith.constant 0 : i32
      %cond3A_40 = arith.cmpi ne, %convert_element_type3A, %cond3A : i32
      scf.if %cond3A_40 {
        %dma_wait3A_187 = arith.constant 0 : i32
        %dma_wait3A_188 = tpu.memref_slice %arg5[%mul3A_2, %dma_wait3A_187] : memref<65536x1024xf32, #tpu.memory_space<hbm>> -> memref<8x1024xf32, #tpu.memory_space<hbm>>
        %dma_wait3A_189 = arith.constant 0 : i32
        %dma_wait3A_190 = tpu.memref_slice %arg5[%mul3A_2, %dma_wait3A_189] : memref<65536x1024xf32, #tpu.memory_space<hbm>> -> memref<8x1024xf32, #tpu.memory_space<hbm>>
        tpu.wait_dma2 semaphore(%arg26 : memref<!tpu.dma_semaphore, #tpu.memory_space<semaphore_mem>>) src(%arg10 : memref<8x1024xf32, #tpu.memory_space<vmem>>) dst(%dma_wait3A_190 : memref<8x1024xf32, #tpu.memory_space<hbm>>)
      } else {
      }
      %add3A_41 = arith.constant 2 : i32
      %add3A_42 = arith.addi %add3A_38, %add3A_41 : i32
      %lt3A = arith.constant 256 : i32
      %lt3A_43 = arith.cmpi slt, %add3A_42, %lt3A : i32
      %convert_element_type3A_44 = arith.extui %lt3A_43 : i1 to i32
      %cond3A_45 = arith.constant 0 : i32
      %cond3A_46 = arith.cmpi ne, %convert_element_type3A_44, %cond3A_45 : i32
      scf.if %cond3A_46 {
        %add3A_187 = arith.constant 2 : i32
        %add3A_188 = arith.addi %add3A_38, %add3A_187 : i32
        %mul3A_189 = arith.constant 8 : i32
        %mul3A_190 = arith.muli %add3A_188, %mul3A_189 : i32
        %dma_start3A_191 = tpu.memref_slice %arg6[%mul3A_190] : memref<2048xi32, #tpu.memory_space<vmem>> -> memref<8xi32, #tpu.memory_space<vmem>>
        %dma_start3A_192 = arith.constant 0 : i32
        %dma_start3A_193 = arith.constant 0 : i32
        %dma_start3A_194 = tpu.memref_slice %arg2[%dma_start3A_192, %dma_start3A_193] : memref<32768x1024xf32, #tpu.memory_space<hbm>> -> memref<32768x1024xf32, #tpu.memory_space<hbm>>
        tpu.enqueue_indirect_dma source(%dma_start3A_194 : memref<32768x1024xf32, #tpu.memory_space<hbm>>) target(%arg10 : memref<8x1024xf32, #tpu.memory_space<vmem>>) offsets(%dma_start3A_191 : memref<8xi32, #tpu.memory_space<vmem>>) semaphore(%arg18 : memref<!tpu.dma_semaphore, #tpu.memory_space<semaphore_mem>>)
        %dma_start3A_195 = tpu.memref_slice %arg7[%mul3A_190] : memref<2048xi32, #tpu.memory_space<vmem>> -> memref<8xi32, #tpu.memory_space<vmem>>
        %dma_start3A_196 = arith.constant 0 : i32
        %dma_start3A_197 = arith.constant 0 : i32
        %dma_start3A_198 = tpu.memref_slice %arg2[%dma_start3A_196, %dma_start3A_197] : memref<32768x1024xf32, #tpu.memory_space<hbm>> -> memref<32768x1024xf32, #tpu.memory_space<hbm>>
        tpu.enqueue_indirect_dma source(%dma_start3A_198 : memref<32768x1024xf32, #tpu.memory_space<hbm>>) target(%arg14 : memref<8x1024xf32, #tpu.memory_space<vmem>>) offsets(%dma_start3A_195 : memref<8xi32, #tpu.memory_space<vmem>>) semaphore(%arg22 : memref<!tpu.dma_semaphore, #tpu.memory_space<semaphore_mem>>)
      } else {
      }
      %dma_wait3A_47 = arith.constant 0 : i32
      %dma_wait3A_48 = tpu.memref_slice %arg6[%dma_wait3A_47] : memref<2048xi32, #tpu.memory_space<vmem>> -> memref<8xi32, #tpu.memory_space<vmem>>
      %dma_wait3A_49 = arith.constant 0 : i32
      %dma_wait3A_50 = arith.constant 0 : i32
      %dma_wait3A_51 = tpu.memref_slice %arg2[%dma_wait3A_49, %dma_wait3A_50] : memref<32768x1024xf32, #tpu.memory_space<hbm>> -> memref<32768x1024xf32, #tpu.memory_space<hbm>>
      tpu.wait_indirect_dma semaphore(%arg16 : memref<!tpu.dma_semaphore, #tpu.memory_space<semaphore_mem>>) src(%dma_wait3A_51 : memref<32768x1024xf32, #tpu.memory_space<hbm>>) dst(%arg8 : memref<8x1024xf32, #tpu.memory_space<vmem>>)
      %dma_wait3A_52 = arith.constant 0 : i32
      %dma_wait3A_53 = tpu.memref_slice %arg7[%dma_wait3A_52] : memref<2048xi32, #tpu.memory_space<vmem>> -> memref<8xi32, #tpu.memory_space<vmem>>
      %dma_wait3A_54 = arith.constant 0 : i32
      %dma_wait3A_55 = arith.constant 0 : i32
      %dma_wait3A_56 = tpu.memref_slice %arg2[%dma_wait3A_54, %dma_wait3A_55] : memref<32768x1024xf32, #tpu.memory_space<hbm>> -> memref<32768x1024xf32, #tpu.memory_space<hbm>>
      tpu.wait_indirect_dma semaphore(%arg20 : memref<!tpu.dma_semaphore, #tpu.memory_space<semaphore_mem>>) src(%dma_wait3A_56 : memref<32768x1024xf32, #tpu.memory_space<hbm>>) dst(%arg12 : memref<8x1024xf32, #tpu.memory_space<vmem>>)
      %scan3A_57 = arith.constant 0 : i32
      %scan3A_58 = arith.constant 0 : i32
      %scan3A_59 = arith.constant 8 : i32
      %scan3A_60 = arith.addi %scan3A_58, %scan3A_59 : i32
      %scan3A_61 = arith.constant 1 : i32
      scf.for %scan3A_187 = %scan3A_58 to %scan3A_60 step %scan3A_61  : i32 {
        %get3A = arith.index_cast %scan3A_187 : i32 to index
        %get3A_188 = arith.constant 0 : index
        %get3A_189 = tpu.vector_load %arg12[%get3A, %get3A_188] {strides = array<i32>} : memref<8x1024xf32, #tpu.memory_space<vmem>>, vector<1x16xf32>,
        %get3A_190 = vector.shape_cast %get3A_189 : vector<1x16xf32> to vector<16xf32>
        %swap3A = arith.index_cast %scan3A_187 : i32 to index
        %swap3A_191 = arith.constant 0 : index
        %swap3A_192 = tpu.vector_load %arg8[%swap3A, %swap3A_191] {strides = array<i32>} : memref<8x1024xf32, #tpu.memory_space<vmem>>, vector<1x16xf32>,
        %swap3A_193 = vector.shape_cast %swap3A_192 : vector<1x16xf32> to vector<16xf32>
        %swap3A_194 = vector.shape_cast %get3A_190 : vector<16xf32> to vector<1x16xf32>
        tpu.vector_store %arg8[%swap3A, %swap3A_191], %swap3A_194 {add = true, strides = array<i32>} : memref<8x1024xf32, #tpu.memory_space<vmem>>, vector<1x16xf32>,
        %get3A_195 = arith.index_cast %scan3A_187 : i32 to index
        %get3A_196 = arith.constant 16 : index
        %get3A_197 = tpu.vector_load %arg12[%get3A_195, %get3A_196] {strides = array<i32>} : memref<8x1024xf32, #tpu.memory_space<vmem>>, vector<1x16xf32>,
        %get3A_198 = vector.shape_cast %get3A_197 : vector<1x16xf32> to vector<16xf32>
        %swap3A_199 = arith.index_cast %scan3A_187 : i32 to index
        %swap3A_200 = arith.constant 16 : index
        %swap3A_201 = tpu.vector_load %arg8[%swap3A_199, %swap3A_200] {strides = array<i32>} : memref<8x1024xf32, #tpu.memory_space<vmem>>, vector<1x16xf32>,
        %swap3A_202 = vector.shape_cast %swap3A_201 : vector<1x16xf32> to vector<16xf32>
        %swap3A_203 = vector.shape_cast %get3A_198 : vector<16xf32> to vector<1x16xf32>
        tpu.vector_store %arg8[%swap3A_199, %swap3A_200], %swap3A_203 {add = true, strides = array<i32>} : memref<8x1024xf32, #tpu.memory_space<vmem>>, vector<1x16xf32>,
        %get3A_204 = arith.index_cast %scan3A_187 : i32 to index
        %get3A_205 = arith.constant 32 : index
        %get3A_206 = tpu.vector_load %arg12[%get3A_204, %get3A_205] {strides = array<i32>} : memref<8x1024xf32, #tpu.memory_space<vmem>>, vector<1x16xf32>,
        %get3A_207 = vector.shape_cast %get3A_206 : vector<1x16xf32> to vector<16xf32>
        %swap3A_208 = arith.index_cast %scan3A_187 : i32 to index
        %swap3A_209 = arith.constant 32 : index
        %swap3A_210 = tpu.vector_load %arg8[%swap3A_208, %swap3A_209] {strides = array<i32>} : memref<8x1024xf32, #tpu.memory_space<vmem>>, vector<1x16xf32>,
        %swap3A_211 = vector.shape_cast %swap3A_210 : vector<1x16xf32> to vector<16xf32>
        %swap3A_212 = vector.shape_cast %get3A_207 : vector<16xf32> to vector<1x16xf32>
        tpu.vector_store %arg8[%swap3A_208, %swap3A_209], %swap3A_212 {add = true, strides = array<i32>} : memref<8x1024xf32, #tpu.memory_space<vmem>>, vector<1x16xf32>,
        %get3A_213 = arith.index_cast %scan3A_187 : i32 to index
        %get3A_214 = arith.constant 48 : index
        %get3A_215 = tpu.vector_load %arg12[%get3A_213, %get3A_214] {strides = array<i32>} : memref<8x1024xf32, #tpu.memory_space<vmem>>, vector<1x16xf32>,
        %get3A_216 = vector.shape_cast %get3A_215 : vector<1x16xf32> to vector<16xf32>
        %swap3A_217 = arith.index_cast %scan3A_187 : i32 to index
        %swap3A_218 = arith.constant 48 : index
        %swap3A_219 = tpu.vector_load %arg8[%swap3A_217, %swap3A_218] {strides = array<i32>} : memref<8x1024xf32, #tpu.memory_space<vmem>>, vector<1x16xf32>,
        %swap3A_220 = vector.shape_cast %swap3A_219 : vector<1x16xf32> to vector<16xf32>
        %swap3A_221 = vector.shape_cast %get3A_216 : vector<16xf32> to vector<1x16xf32>
        tpu.vector_store %arg8[%swap3A_217, %swap3A_218], %swap3A_221 {add = true, strides = array<i32>} : memref<8x1024xf32, #tpu.memory_space<vmem>>, vector<1x16xf32>,
        %get3A_222 = arith.index_cast %scan3A_187 : i32 to index
        %get3A_223 = arith.constant 64 : index
        %get3A_224 = tpu.vector_load %arg12[%get3A_222, %get3A_223] {strides = array<i32>} : memref<8x1024xf32, #tpu.memory_space<vmem>>, vector<1x16xf32>,
        %get3A_225 = vector.shape_cast %get3A_224 : vector<1x16xf32> to vector<16xf32>
        %swap3A_226 = arith.index_cast %scan3A_187 : i32 to index
        %swap3A_227 = arith.constant 64 : index
        %swap3A_228 = tpu.vector_load %arg8[%swap3A_226, %swap3A_227] {strides = array<i32>} : memref<8x1024xf32, #tpu.memory_space<vmem>>, vector<1x16xf32>,
        %swap3A_229 = vector.shape_cast %swap3A_228 : vector<1x16xf32> to vector<16xf32>
        %swap3A_230 = vector.shape_cast %get3A_225 : vector<16xf32> to vector<1x16xf32>
        tpu.vector_store %arg8[%swap3A_226, %swap3A_227], %swap3A_230 {add = true, strides = array<i32>} : memref<8x1024xf32, #tpu.memory_space<vmem>>, vector<1x16xf32>,
        %get3A_231 = arith.index_cast %scan3A_187 : i32 to index
        %get3A_232 = arith.constant 80 : index
        %get3A_233 = tpu.vector_load %arg12[%get3A_231, %get3A_232] {strides = array<i32>} : memref<8x1024xf32, #tpu.memory_space<vmem>>, vector<1x16xf32>,
        %get3A_234 = vector.shape_cast %get3A_233 : vector<1x16xf32> to vector<16xf32>
        %swap3A_235 = arith.index_cast %scan3A_187 : i32 to index
        %swap3A_236 = arith.constant 80 : index
        %swap3A_237 = tpu.vector_load %arg8[%swap3A_235, %swap3A_236] {strides = array<i32>} : memref<8x1024xf32, #tpu.memory_space<vmem>>, vector<1x16xf32>,
        %swap3A_238 = vector.shape_cast %swap3A_237 : vector<1x16xf32> to vector<16xf32>
        %swap3A_239 = vector.shape_cast %get3A_234 : vector<16xf32> to vector<1x16xf32>
        tpu.vector_store %arg8[%swap3A_235, %swap3A_236], %swap3A_239 {add = true, strides = array<i32>} : memref<8x1024xf32, #tpu.memory_space<vmem>>, vector<1x16xf32>,
        %get3A_240 = arith.index_cast %scan3A_187 : i32 to index
        %get3A_241 = arith.constant 96 : index
        %get3A_242 = tpu.vector_load %arg12[%get3A_240, %get3A_241] {strides = array<i32>} : memref<8x1024xf32, #tpu.memory_space<vmem>>, vector<1x16xf32>,
        %get3A_243 = vector.shape_cast %get3A_242 : vector<1x16xf32> to vector<16xf32>
        %swap3A_244 = arith.index_cast %scan3A_187 : i32 to index
        %swap3A_245 = arith.constant 96 : index
        %swap3A_246 = tpu.vector_load %arg8[%swap3A_244, %swap3A_245] {strides = array<i32>} : memref<8x1024xf32, #tpu.memory_space<vmem>>, vector<1x16xf32>,
        %swap3A_247 = vector.shape_cast %swap3A_246 : vector<1x16xf32> to vector<16xf32>
        %swap3A_248 = vector.shape_cast %get3A_243 : vector<16xf32> to vector<1x16xf32>
        tpu.vector_store %arg8[%swap3A_244, %swap3A_245], %swap3A_248 {add = true, strides = array<i32>} : memref<8x1024xf32, #tpu.memory_space<vmem>>, vector<1x16xf32>,
        %get3A_249 = arith.index_cast %scan3A_187 : i32 to index
        %get3A_250 = arith.constant 112 : index
        %get3A_251 = tpu.vector_load %arg12[%get3A_249, %get3A_250] {strides = array<i32>} : memref<8x1024xf32, #tpu.memory_space<vmem>>, vector<1x16xf32>,
        %get3A_252 = vector.shape_cast %get3A_251 : vector<1x16xf32> to vector<16xf32>
        %swap3A_253 = arith.index_cast %scan3A_187 : i32 to index
        %swap3A_254 = arith.constant 112 : index
        %swap3A_255 = tpu.vector_load %arg8[%swap3A_253, %swap3A_254] {strides = array<i32>} : memref<8x1024xf32, #tpu.memory_space<vmem>>, vector<1x16xf32>,
        %swap3A_256 = vector.shape_cast %swap3A_255 : vector<1x16xf32> to vector<16xf32>
        %swap3A_257 = vector.shape_cast %get3A_252 : vector<16xf32> to vector<1x16xf32>
        tpu.vector_store %arg8[%swap3A_253, %swap3A_254], %swap3A_257 {add = true, strides = array<i32>} : memref<8x1024xf32, #tpu.memory_space<vmem>>, vector<1x16xf32>,
        %get3A_258 = arith.index_cast %scan3A_187 : i32 to index
        %get3A_259 = arith.constant 128 : index
        %get3A_260 = tpu.vector_load %arg12[%get3A_258, %get3A_259] {strides = array<i32>} : memref<8x1024xf32, #tpu.memory_space<vmem>>, vector<1x16xf32>,
        %get3A_261 = vector.shape_cast %get3A_260 : vector<1x16xf32> to vector<16xf32>
        %swap3A_262 = arith.index_cast %scan3A_187 : i32 to index
        %swap3A_263 = arith.constant 128 : index
        %swap3A_264 = tpu.vector_load %arg8[%swap3A_262, %swap3A_263] {strides = array<i32>} : memref<8x1024xf32, #tpu.memory_space<vmem>>, vector<1x16xf32>,
        %swap3A_265 = vector.shape_cast %swap3A_264 : vector<1x16xf32> to vector<16xf32>
        %swap3A_266 = vector.shape_cast %get3A_261 : vector<16xf32> to vector<1x16xf32>
        tpu.vector_store %arg8[%swap3A_262, %swap3A_263], %swap3A_266 {add = true, strides = array<i32>} : memref<8x1024xf32, #tpu.memory_space<vmem>>, vector<1x16xf32>,
        %get3A_267 = arith.index_cast %scan3A_187 : i32 to index
        %get3A_268 = arith.constant 144 : index
        %get3A_269 = tpu.vector_load %arg12[%get3A_267, %get3A_268] {strides = array<i32>} : memref<8x1024xf32, #tpu.memory_space<vmem>>, vector<1x16xf32>,
        %get3A_270 = vector.shape_cast %get3A_269 : vector<1x16xf32> to vector<16xf32>
        %swap3A_271 = arith.index_cast %scan3A_187 : i32 to index
        %swap3A_272 = arith.constant 144 : index
        %swap3A_273 = tpu.vector_load %arg8[%swap3A_271, %swap3A_272] {strides = array<i32>} : memref<8x1024xf32, #tpu.memory_space<vmem>>, vector<1x16xf32>,
        %swap3A_274 = vector.shape_cast %swap3A_273 : vector<1x16xf32> to vector<16xf32>
        %swap3A_275 = vector.shape_cast %get3A_270 : vector<16xf32> to vector<1x16xf32>
        tpu.vector_store %arg8[%swap3A_271, %swap3A_272], %swap3A_275 {add = true, strides = array<i32>} : memref<8x1024xf32, #tpu.memory_space<vmem>>, vector<1x16xf32>,
        %get3A_276 = arith.index_cast %scan3A_187 : i32 to index
        %get3A_277 = arith.constant 160 : index
        %get3A_278 = tpu.vector_load %arg12[%get3A_276, %get3A_277] {strides = array<i32>} : memref<8x1024xf32, #tpu.memory_space<vmem>>, vector<1x16xf32>,
        %get3A_279 = vector.shape_cast %get3A_278 : vector<1x16xf32> to vector<16xf32>
        %swap3A_280 = arith.index_cast %scan3A_187 : i32 to index
        %swap3A_281 = arith.constant 160 : index
        %swap3A_282 = tpu.vector_load %arg8[%swap3A_280, %swap3A_281] {strides = array<i32>} : memref<8x1024xf32, #tpu.memory_space<vmem>>, vector<1x16xf32>,
        %swap3A_283 = vector.shape_cast %swap3A_282 : vector<1x16xf32> to vector<16xf32>
        %swap3A_284 = vector.shape_cast %get3A_279 : vector<16xf32> to vector<1x16xf32>
        tpu.vector_store %arg8[%swap3A_280, %swap3A_281], %swap3A_284 {add = true, strides = array<i32>} : memref<8x1024xf32, #tpu.memory_space<vmem>>, vector<1x16xf32>,
        %get3A_285 = arith.index_cast %scan3A_187 : i32 to index
        %get3A_286 = arith.constant 176 : index
        %get3A_287 = tpu.vector_load %arg12[%get3A_285, %get3A_286] {strides = array<i32>} : memref<8x1024xf32, #tpu.memory_space<vmem>>, vector<1x16xf32>,
        %get3A_288 = vector.shape_cast %get3A_287 : vector<1x16xf32> to vector<16xf32>
        %swap3A_289 = arith.index_cast %scan3A_187 : i32 to index
        %swap3A_290 = arith.constant 176 : index
        %swap3A_291 = tpu.vector_load %arg8[%swap3A_289, %swap3A_290] {strides = array<i32>} : memref<8x1024xf32, #tpu.memory_space<vmem>>, vector<1x16xf32>,
        %swap3A_292 = vector.shape_cast %swap3A_291 : vector<1x16xf32> to vector<16xf32>
        %swap3A_293 = vector.shape_cast %get3A_288 : vector<16xf32> to vector<1x16xf32>
        tpu.vector_store %arg8[%swap3A_289, %swap3A_290], %swap3A_293 {add = true, strides = array<i32>} : memref<8x1024xf32, #tpu.memory_space<vmem>>, vector<1x16xf32>,
        %get3A_294 = arith.index_cast %scan3A_187 : i32 to index
        %get3A_295 = arith.constant 192 : index
        %get3A_296 = tpu.vector_load %arg12[%get3A_294, %get3A_295] {strides = array<i32>} : memref<8x1024xf32, #tpu.memory_space<vmem>>, vector<1x16xf32>,
        %get3A_297 = vector.shape_cast %get3A_296 : vector<1x16xf32> to vector<16xf32>
        %swap3A_298 = arith.index_cast %scan3A_187 : i32 to index
        %swap3A_299 = arith.constant 192 : index
        %swap3A_300 = tpu.vector_load %arg8[%swap3A_298, %swap3A_299] {strides = array<i32>} : memref<8x1024xf32, #tpu.memory_space<vmem>>, vector<1x16xf32>,
        %swap3A_301 = vector.shape_cast %swap3A_300 : vector<1x16xf32> to vector<16xf32>
        %swap3A_302 = vector.shape_cast %get3A_297 : vector<16xf32> to vector<1x16xf32>
        tpu.vector_store %arg8[%swap3A_298, %swap3A_299], %swap3A_302 {add = true, strides = array<i32>} : memref<8x1024xf32, #tpu.memory_space<vmem>>, vector<1x16xf32>,
        %get3A_303 = arith.index_cast %scan3A_187 : i32 to index
        %get3A_304 = arith.constant 208 : index
        %get3A_305 = tpu.vector_load %arg12[%get3A_303, %get3A_304] {strides = array<i32>} : memref<8x1024xf32, #tpu.memory_space<vmem>>, vector<1x16xf32>,
        %get3A_306 = vector.shape_cast %get3A_305 : vector<1x16xf32> to vector<16xf32>
        %swap3A_307 = arith.index_cast %scan3A_187 : i32 to index
        %swap3A_308 = arith.constant 208 : index
        %swap3A_309 = tpu.vector_load %arg8[%swap3A_307, %swap3A_308] {strides = array<i32>} : memref<8x1024xf32, #tpu.memory_space<vmem>>, vector<1x16xf32>,
        %swap3A_310 = vector.shape_cast %swap3A_309 : vector<1x16xf32> to vector<16xf32>
        %swap3A_311 = vector.shape_cast %get3A_306 : vector<16xf32> to vector<1x16xf32>
        tpu.vector_store %arg8[%swap3A_307, %swap3A_308], %swap3A_311 {add = true, strides = array<i32>} : memref<8x1024xf32, #tpu.memory_space<vmem>>, vector<1x16xf32>,
        %get3A_312 = arith.index_cast %scan3A_187 : i32 to index
        %get3A_313 = arith.constant 224 : index
        %get3A_314 = tpu.vector_load %arg12[%get3A_312, %get3A_313] {strides = array<i32>} : memref<8x1024xf32, #tpu.memory_space<vmem>>, vector<1x16xf32>,
        %get3A_315 = vector.shape_cast %get3A_314 : vector<1x16xf32> to vector<16xf32>
        %swap3A_316 = arith.index_cast %scan3A_187 : i32 to index
        %swap3A_317 = arith.constant 224 : index
        %swap3A_318 = tpu.vector_load %arg8[%swap3A_316, %swap3A_317] {strides = array<i32>} : memref<8x1024xf32, #tpu.memory_space<vmem>>, vector<1x16xf32>,
        %swap3A_319 = vector.shape_cast %swap3A_318 : vector<1x16xf32> to vector<16xf32>
        %swap3A_320 = vector.shape_cast %get3A_315 : vector<16xf32> to vector<1x16xf32>
        tpu.vector_store %arg8[%swap3A_316, %swap3A_317], %swap3A_320 {add = true, strides = array<i32>} : memref<8x1024xf32, #tpu.memory_space<vmem>>, vector<1x16xf32>,
        %get3A_321 = arith.index_cast %scan3A_187 : i32 to index
        %get3A_322 = arith.constant 240 : index
        %get3A_323 = tpu.vector_load %arg12[%get3A_321, %get3A_322] {strides = array<i32>} : memref<8x1024xf32, #tpu.memory_space<vmem>>, vector<1x16xf32>,
        %get3A_324 = vector.shape_cast %get3A_323 : vector<1x16xf32> to vector<16xf32>
        %swap3A_325 = arith.index_cast %scan3A_187 : i32 to index
        %swap3A_326 = arith.constant 240 : index
        %swap3A_327 = tpu.vector_load %arg8[%swap3A_325, %swap3A_326] {strides = array<i32>} : memref<8x1024xf32, #tpu.memory_space<vmem>>, vector<1x16xf32>,
        %swap3A_328 = vector.shape_cast %swap3A_327 : vector<1x16xf32> to vector<16xf32>
        %swap3A_329 = vector.shape_cast %get3A_324 : vector<16xf32> to vector<1x16xf32>
        tpu.vector_store %arg8[%swap3A_325, %swap3A_326], %swap3A_329 {add = true, strides = array<i32>} : memref<8x1024xf32, #tpu.memory_space<vmem>>, vector<1x16xf32>,
        %get3A_330 = arith.index_cast %scan3A_187 : i32 to index
        %get3A_331 = arith.constant 256 : index
        %get3A_332 = tpu.vector_load %arg12[%get3A_330, %get3A_331] {strides = array<i32>} : memref<8x1024xf32, #tpu.memory_space<vmem>>, vector<1x16xf32>,
        %get3A_333 = vector.shape_cast %get3A_332 : vector<1x16xf32> to vector<16xf32>
        %swap3A_334 = arith.index_cast %scan3A_187 : i32 to index
        %swap3A_335 = arith.constant 256 : index
        %swap3A_336 = tpu.vector_load %arg8[%swap3A_334, %swap3A_335] {strides = array<i32>} : memref<8x1024xf32, #tpu.memory_space<vmem>>, vector<1x16xf32>,
        %swap3A_337 = vector.shape_cast %swap3A_336 : vector<1x16xf32> to vector<16xf32>
        %swap3A_338 = vector.shape_cast %get3A_333 : vector<16xf32> to vector<1x16xf32>
        tpu.vector_store %arg8[%swap3A_334, %swap3A_335], %swap3A_338 {add = true, strides = array<i32>} : memref<8x1024xf32, #tpu.memory_space<vmem>>, vector<1x16xf32>,
        %get3A_339 = arith.index_cast %scan3A_187 : i32 to index
        %get3A_340 = arith.constant 272 : index
        %get3A_341 = tpu.vector_load %arg12[%get3A_339, %get3A_340] {strides = array<i32>} : memref<8x1024xf32, #tpu.memory_space<vmem>>, vector<1x16xf32>,
        %get3A_342 = vector.shape_cast %get3A_341 : vector<1x16xf32> to vector<16xf32>
        %swap3A_343 = arith.index_cast %scan3A_187 : i32 to index
        %swap3A_344 = arith.constant 272 : index
        %swap3A_345 = tpu.vector_load %arg8[%swap3A_343, %swap3A_344] {strides = array<i32>} : memref<8x1024xf32, #tpu.memory_space<vmem>>, vector<1x16xf32>,
        %swap3A_346 = vector.shape_cast %swap3A_345 : vector<1x16xf32> to vector<16xf32>
        %swap3A_347 = vector.shape_cast %get3A_342 : vector<16xf32> to vector<1x16xf32>
        tpu.vector_store %arg8[%swap3A_343, %swap3A_344], %swap3A_347 {add = true, strides = array<i32>} : memref<8x1024xf32, #tpu.memory_space<vmem>>, vector<1x16xf32>,
        %get3A_348 = arith.index_cast %scan3A_187 : i32 to index
        %get3A_349 = arith.constant 288 : index
        %get3A_350 = tpu.vector_load %arg12[%get3A_348, %get3A_349] {strides = array<i32>} : memref<8x1024xf32, #tpu.memory_space<vmem>>, vector<1x16xf32>,
        %get3A_351 = vector.shape_cast %get3A_350 : vector<1x16xf32> to vector<16xf32>
        %swap3A_352 = arith.index_cast %scan3A_187 : i32 to index
        %swap3A_353 = arith.constant 288 : index
        %swap3A_354 = tpu.vector_load %arg8[%swap3A_352, %swap3A_353] {strides = array<i32>} : memref<8x1024xf32, #tpu.memory_space<vmem>>, vector<1x16xf32>,
        %swap3A_355 = vector.shape_cast %swap3A_354 : vector<1x16xf32> to vector<16xf32>
        %swap3A_356 = vector.shape_cast %get3A_351 : vector<16xf32> to vector<1x16xf32>
        tpu.vector_store %arg8[%swap3A_352, %swap3A_353], %swap3A_356 {add = true, strides = array<i32>} : memref<8x1024xf32, #tpu.memory_space<vmem>>, vector<1x16xf32>,
        %get3A_357 = arith.index_cast %scan3A_187 : i32 to index
        %get3A_358 = arith.constant 304 : index
        %get3A_359 = tpu.vector_load %arg12[%get3A_357, %get3A_358] {strides = array<i32>} : memref<8x1024xf32, #tpu.memory_space<vmem>>, vector<1x16xf32>,
        %get3A_360 = vector.shape_cast %get3A_359 : vector<1x16xf32> to vector<16xf32>
        %swap3A_361 = arith.index_cast %scan3A_187 : i32 to index
        %swap3A_362 = arith.constant 304 : index
        %swap3A_363 = tpu.vector_load %arg8[%swap3A_361, %swap3A_362] {strides = array<i32>} : memref<8x1024xf32, #tpu.memory_space<vmem>>, vector<1x16xf32>,
        %swap3A_364 = vector.shape_cast %swap3A_363 : vector<1x16xf32> to vector<16xf32>
        %swap3A_365 = vector.shape_cast %get3A_360 : vector<16xf32> to vector<1x16xf32>
        tpu.vector_store %arg8[%swap3A_361, %swap3A_362], %swap3A_365 {add = true, strides = array<i32>} : memref<8x1024xf32, #tpu.memory_space<vmem>>, vector<1x16xf32>,
        %get3A_366 = arith.index_cast %scan3A_187 : i32 to index
        %get3A_367 = arith.constant 320 : index
        %get3A_368 = tpu.vector_load %arg12[%get3A_366, %get3A_367] {strides = array<i32>} : memref<8x1024xf32, #tpu.memory_space<vmem>>, vector<1x16xf32>,
        %get3A_369 = vector.shape_cast %get3A_368 : vector<1x16xf32> to vector<16xf32>
        %swap3A_370 = arith.index_cast %scan3A_187 : i32 to index
        %swap3A_371 = arith.constant 320 : index
        %swap3A_372 = tpu.vector_load %arg8[%swap3A_370, %swap3A_371] {strides = array<i32>} : memref<8x1024xf32, #tpu.memory_space<vmem>>, vector<1x16xf32>,
        %swap3A_373 = vector.shape_cast %swap3A_372 : vector<1x16xf32> to vector<16xf32>
        %swap3A_374 = vector.shape_cast %get3A_369 : vector<16xf32> to vector<1x16xf32>
        tpu.vector_store %arg8[%swap3A_370, %swap3A_371], %swap3A_374 {add = true, strides = array<i32>} : memref<8x1024xf32, #tpu.memory_space<vmem>>, vector<1x16xf32>,
        %get3A_375 = arith.index_cast %scan3A_187 : i32 to index
        %get3A_376 = arith.constant 336 : index
        %get3A_377 = tpu.vector_load %arg12[%get3A_375, %get3A_376] {strides = array<i32>} : memref<8x1024xf32, #tpu.memory_space<vmem>>, vector<1x16xf32>,
        %get3A_378 = vector.shape_cast %get3A_377 : vector<1x16xf32> to vector<16xf32>
        %swap3A_379 = arith.index_cast %scan3A_187 : i32 to index
        %swap3A_380 = arith.constant 336 : index
        %swap3A_381 = tpu.vector_load %arg8[%swap3A_379, %swap3A_380] {strides = array<i32>} : memref<8x1024xf32, #tpu.memory_space<vmem>>, vector<1x16xf32>,
        %swap3A_382 = vector.shape_cast %swap3A_381 : vector<1x16xf32> to vector<16xf32>
        %swap3A_383 = vector.shape_cast %get3A_378 : vector<16xf32> to vector<1x16xf32>
        tpu.vector_store %arg8[%swap3A_379, %swap3A_380], %swap3A_383 {add = true, strides = array<i32>} : memref<8x1024xf32, #tpu.memory_space<vmem>>, vector<1x16xf32>,
        %get3A_384 = arith.index_cast %scan3A_187 : i32 to index
        %get3A_385 = arith.constant 352 : index
        %get3A_386 = tpu.vector_load %arg12[%get3A_384, %get3A_385] {strides = array<i32>} : memref<8x1024xf32, #tpu.memory_space<vmem>>, vector<1x16xf32>,
        %get3A_387 = vector.shape_cast %get3A_386 : vector<1x16xf32> to vector<16xf32>
        %swap3A_388 = arith.index_cast %scan3A_187 : i32 to index
        %swap3A_389 = arith.constant 352 : index
        %swap3A_390 = tpu.vector_load %arg8[%swap3A_388, %swap3A_389] {strides = array<i32>} : memref<8x1024xf32, #tpu.memory_space<vmem>>, vector<1x16xf32>,
        %swap3A_391 = vector.shape_cast %swap3A_390 : vector<1x16xf32> to vector<16xf32>
        %swap3A_392 = vector.shape_cast %get3A_387 : vector<16xf32> to vector<1x16xf32>
        tpu.vector_store %arg8[%swap3A_388, %swap3A_389], %swap3A_392 {add = true, strides = array<i32>} : memref<8x1024xf32, #tpu.memory_space<vmem>>, vector<1x16xf32>,
        %get3A_393 = arith.index_cast %scan3A_187 : i32 to index
        %get3A_394 = arith.constant 368 : index
        %get3A_395 = tpu.vector_load %arg12[%get3A_393, %get3A_394] {strides = array<i32>} : memref<8x1024xf32, #tpu.memory_space<vmem>>, vector<1x16xf32>,
        %get3A_396 = vector.shape_cast %get3A_395 : vector<1x16xf32> to vector<16xf32>
        %swap3A_397 = arith.index_cast %scan3A_187 : i32 to index
        %swap3A_398 = arith.constant 368 : index
        %swap3A_399 = tpu.vector_load %arg8[%swap3A_397, %swap3A_398] {strides = array<i32>} : memref<8x1024xf32, #tpu.memory_space<vmem>>, vector<1x16xf32>,
        %swap3A_400 = vector.shape_cast %swap3A_399 : vector<1x16xf32> to vector<16xf32>
        %swap3A_401 = vector.shape_cast %get3A_396 : vector<16xf32> to vector<1x16xf32>
        tpu.vector_store %arg8[%swap3A_397, %swap3A_398], %swap3A_401 {add = true, strides = array<i32>} : memref<8x1024xf32, #tpu.memory_space<vmem>>, vector<1x16xf32>,
        %get3A_402 = arith.index_cast %scan3A_187 : i32 to index
        %get3A_403 = arith.constant 384 : index
        %get3A_404 = tpu.vector_load %arg12[%get3A_402, %get3A_403] {strides = array<i32>} : memref<8x1024xf32, #tpu.memory_space<vmem>>, vector<1x16xf32>,
        %get3A_405 = vector.shape_cast %get3A_404 : vector<1x16xf32> to vector<16xf32>
        %swap3A_406 = arith.index_cast %scan3A_187 : i32 to index
        %swap3A_407 = arith.constant 384 : index
        %swap3A_408 = tpu.vector_load %arg8[%swap3A_406, %swap3A_407] {strides = array<i32>} : memref<8x1024xf32, #tpu.memory_space<vmem>>, vector<1x16xf32>,
        %swap3A_409 = vector.shape_cast %swap3A_408 : vector<1x16xf32> to vector<16xf32>
        %swap3A_410 = vector.shape_cast %get3A_405 : vector<16xf32> to vector<1x16xf32>
        tpu.vector_store %arg8[%swap3A_406, %swap3A_407], %swap3A_410 {add = true, strides = array<i32>} : memref<8x1024xf32, #tpu.memory_space<vmem>>, vector<1x16xf32>,
        %get3A_411 = arith.index_cast %scan3A_187 : i32 to index
        %get3A_412 = arith.constant 400 : index
        %get3A_413 = tpu.vector_load %arg12[%get3A_411, %get3A_412] {strides = array<i32>} : memref<8x1024xf32, #tpu.memory_space<vmem>>, vector<1x16xf32>,
        %get3A_414 = vector.shape_cast %get3A_413 : vector<1x16xf32> to vector<16xf32>
        %swap3A_415 = arith.index_cast %scan3A_187 : i32 to index
        %swap3A_416 = arith.constant 400 : index
        %swap3A_417 = tpu.vector_load %arg8[%swap3A_415, %swap3A_416] {strides = array<i32>} : memref<8x1024xf32, #tpu.memory_space<vmem>>, vector<1x16xf32>,
        %swap3A_418 = vector.shape_cast %swap3A_417 : vector<1x16xf32> to vector<16xf32>
        %swap3A_419 = vector.shape_cast %get3A_414 : vector<16xf32> to vector<1x16xf32>
        tpu.vector_store %arg8[%swap3A_415, %swap3A_416], %swap3A_419 {add = true, strides = array<i32>} : memref<8x1024xf32, #tpu.memory_space<vmem>>, vector<1x16xf32>,
        %get3A_420 = arith.index_cast %scan3A_187 : i32 to index
        %get3A_421 = arith.constant 416 : index
        %get3A_422 = tpu.vector_load %arg12[%get3A_420, %get3A_421] {strides = array<i32>} : memref<8x1024xf32, #tpu.memory_space<vmem>>, vector<1x16xf32>,
        %get3A_423 = vector.shape_cast %get3A_422 : vector<1x16xf32> to vector<16xf32>
        %swap3A_424 = arith.index_cast %scan3A_187 : i32 to index
        %swap3A_425 = arith.constant 416 : index
        %swap3A_426 = tpu.vector_load %arg8[%swap3A_424, %swap3A_425] {strides = array<i32>} : memref<8x1024xf32, #tpu.memory_space<vmem>>, vector<1x16xf32>,
        %swap3A_427 = vector.shape_cast %swap3A_426 : vector<1x16xf32> to vector<16xf32>
        %swap3A_428 = vector.shape_cast %get3A_423 : vector<16xf32> to vector<1x16xf32>
        tpu.vector_store %arg8[%swap3A_424, %swap3A_425], %swap3A_428 {add = true, strides = array<i32>} : memref<8x1024xf32, #tpu.memory_space<vmem>>, vector<1x16xf32>,
        %get3A_429 = arith.index_cast %scan3A_187 : i32 to index
        %get3A_430 = arith.constant 432 : index
        %get3A_431 = tpu.vector_load %arg12[%get3A_429, %get3A_430] {strides = array<i32>} : memref<8x1024xf32, #tpu.memory_space<vmem>>, vector<1x16xf32>,
        %get3A_432 = vector.shape_cast %get3A_431 : vector<1x16xf32> to vector<16xf32>
        %swap3A_433 = arith.index_cast %scan3A_187 : i32 to index
        %swap3A_434 = arith.constant 432 : index
        %swap3A_435 = tpu.vector_load %arg8[%swap3A_433, %swap3A_434] {strides = array<i32>} : memref<8x1024xf32, #tpu.memory_space<vmem>>, vector<1x16xf32>,
        %swap3A_436 = vector.shape_cast %swap3A_435 : vector<1x16xf32> to vector<16xf32>
        %swap3A_437 = vector.shape_cast %get3A_432 : vector<16xf32> to vector<1x16xf32>
        tpu.vector_store %arg8[%swap3A_433, %swap3A_434], %swap3A_437 {add = true, strides = array<i32>} : memref<8x1024xf32, #tpu.memory_space<vmem>>, vector<1x16xf32>,
        %get3A_438 = arith.index_cast %scan3A_187 : i32 to index
        %get3A_439 = arith.constant 448 : index
        %get3A_440 = tpu.vector_load %arg12[%get3A_438, %get3A_439] {strides = array<i32>} : memref<8x1024xf32, #tpu.memory_space<vmem>>, vector<1x16xf32>,
        %get3A_441 = vector.shape_cast %get3A_440 : vector<1x16xf32> to vector<16xf32>
        %swap3A_442 = arith.index_cast %scan3A_187 : i32 to index
        %swap3A_443 = arith.constant 448 : index
        %swap3A_444 = tpu.vector_load %arg8[%swap3A_442, %swap3A_443] {strides = array<i32>} : memref<8x1024xf32, #tpu.memory_space<vmem>>, vector<1x16xf32>,
        %swap3A_445 = vector.shape_cast %swap3A_444 : vector<1x16xf32> to vector<16xf32>
        %swap3A_446 = vector.shape_cast %get3A_441 : vector<16xf32> to vector<1x16xf32>
        tpu.vector_store %arg8[%swap3A_442, %swap3A_443], %swap3A_446 {add = true, strides = array<i32>} : memref<8x1024xf32, #tpu.memory_space<vmem>>, vector<1x16xf32>,
        %get3A_447 = arith.index_cast %scan3A_187 : i32 to index
        %get3A_448 = arith.constant 464 : index
        %get3A_449 = tpu.vector_load %arg12[%get3A_447, %get3A_448] {strides = array<i32>} : memref<8x1024xf32, #tpu.memory_space<vmem>>, vector<1x16xf32>,
        %get3A_450 = vector.shape_cast %get3A_449 : vector<1x16xf32> to vector<16xf32>
        %swap3A_451 = arith.index_cast %scan3A_187 : i32 to index
        %swap3A_452 = arith.constant 464 : index
        %swap3A_453 = tpu.vector_load %arg8[%swap3A_451, %swap3A_452] {strides = array<i32>} : memref<8x1024xf32, #tpu.memory_space<vmem>>, vector<1x16xf32>,
        %swap3A_454 = vector.shape_cast %swap3A_453 : vector<1x16xf32> to vector<16xf32>
        %swap3A_455 = vector.shape_cast %get3A_450 : vector<16xf32> to vector<1x16xf32>
        tpu.vector_store %arg8[%swap3A_451, %swap3A_452], %swap3A_455 {add = true, strides = array<i32>} : memref<8x1024xf32, #tpu.memory_space<vmem>>, vector<1x16xf32>,
        %get3A_456 = arith.index_cast %scan3A_187 : i32 to index
        %get3A_457 = arith.constant 480 : index
        %get3A_458 = tpu.vector_load %arg12[%get3A_456, %get3A_457] {strides = array<i32>} : memref<8x1024xf32, #tpu.memory_space<vmem>>, vector<1x16xf32>,
        %get3A_459 = vector.shape_cast %get3A_458 : vector<1x16xf32> to vector<16xf32>
        %swap3A_460 = arith.index_cast %scan3A_187 : i32 to index
        %swap3A_461 = arith.constant 480 : index
        %swap3A_462 = tpu.vector_load %arg8[%swap3A_460, %swap3A_461] {strides = array<i32>} : memref<8x1024xf32, #tpu.memory_space<vmem>>, vector<1x16xf32>,
        %swap3A_463 = vector.shape_cast %swap3A_462 : vector<1x16xf32> to vector<16xf32>
        %swap3A_464 = vector.shape_cast %get3A_459 : vector<16xf32> to vector<1x16xf32>
        tpu.vector_store %arg8[%swap3A_460, %swap3A_461], %swap3A_464 {add = true, strides = array<i32>} : memref<8x1024xf32, #tpu.memory_space<vmem>>, vector<1x16xf32>,
        %get3A_465 = arith.index_cast %scan3A_187 : i32 to index
        %get3A_466 = arith.constant 496 : index
        %get3A_467 = tpu.vector_load %arg12[%get3A_465, %get3A_466] {strides = array<i32>} : memref<8x1024xf32, #tpu.memory_space<vmem>>, vector<1x16xf32>,
        %get3A_468 = vector.shape_cast %get3A_467 : vector<1x16xf32> to vector<16xf32>
        %swap3A_469 = arith.index_cast %scan3A_187 : i32 to index
        %swap3A_470 = arith.constant 496 : index
        %swap3A_471 = tpu.vector_load %arg8[%swap3A_469, %swap3A_470] {strides = array<i32>} : memref<8x1024xf32, #tpu.memory_space<vmem>>, vector<1x16xf32>,
        %swap3A_472 = vector.shape_cast %swap3A_471 : vector<1x16xf32> to vector<16xf32>
        %swap3A_473 = vector.shape_cast %get3A_468 : vector<16xf32> to vector<1x16xf32>
        tpu.vector_store %arg8[%swap3A_469, %swap3A_470], %swap3A_473 {add = true, strides = array<i32>} : memref<8x1024xf32, #tpu.memory_space<vmem>>, vector<1x16xf32>,
        %get3A_474 = arith.index_cast %scan3A_187 : i32 to index
        %get3A_475 = arith.constant 512 : index
        %get3A_476 = tpu.vector_load %arg12[%get3A_474, %get3A_475] {strides = array<i32>} : memref<8x1024xf32, #tpu.memory_space<vmem>>, vector<1x16xf32>,
        %get3A_477 = vector.shape_cast %get3A_476 : vector<1x16xf32> to vector<16xf32>
        %swap3A_478 = arith.index_cast %scan3A_187 : i32 to index
        %swap3A_479 = arith.constant 512 : index
        %swap3A_480 = tpu.vector_load %arg8[%swap3A_478, %swap3A_479] {strides = array<i32>} : memref<8x1024xf32, #tpu.memory_space<vmem>>, vector<1x16xf32>,
        %swap3A_481 = vector.shape_cast %swap3A_480 : vector<1x16xf32> to vector<16xf32>
        %swap3A_482 = vector.shape_cast %get3A_477 : vector<16xf32> to vector<1x16xf32>
        tpu.vector_store %arg8[%swap3A_478, %swap3A_479], %swap3A_482 {add = true, strides = array<i32>} : memref<8x1024xf32, #tpu.memory_space<vmem>>, vector<1x16xf32>,
        %get3A_483 = arith.index_cast %scan3A_187 : i32 to index
        %get3A_484 = arith.constant 528 : index
        %get3A_485 = tpu.vector_load %arg12[%get3A_483, %get3A_484] {strides = array<i32>} : memref<8x1024xf32, #tpu.memory_space<vmem>>, vector<1x16xf32>,
        %get3A_486 = vector.shape_cast %get3A_485 : vector<1x16xf32> to vector<16xf32>
        %swap3A_487 = arith.index_cast %scan3A_187 : i32 to index
        %swap3A_488 = arith.constant 528 : index
        %swap3A_489 = tpu.vector_load %arg8[%swap3A_487, %swap3A_488] {strides = array<i32>} : memref<8x1024xf32, #tpu.memory_space<vmem>>, vector<1x16xf32>,
        %swap3A_490 = vector.shape_cast %swap3A_489 : vector<1x16xf32> to vector<16xf32>
        %swap3A_491 = vector.shape_cast %get3A_486 : vector<16xf32> to vector<1x16xf32>
        tpu.vector_store %arg8[%swap3A_487, %swap3A_488], %swap3A_491 {add = true, strides = array<i32>} : memref<8x1024xf32, #tpu.memory_space<vmem>>, vector<1x16xf32>,
        %get3A_492 = arith.index_cast %scan3A_187 : i32 to index
        %get3A_493 = arith.constant 544 : index
        %get3A_494 = tpu.vector_load %arg12[%get3A_492, %get3A_493] {strides = array<i32>} : memref<8x1024xf32, #tpu.memory_space<vmem>>, vector<1x16xf32>,
        %get3A_495 = vector.shape_cast %get3A_494 : vector<1x16xf32> to vector<16xf32>
        %swap3A_496 = arith.index_cast %scan3A_187 : i32 to index
        %swap3A_497 = arith.constant 544 : index
        %swap3A_498 = tpu.vector_load %arg8[%swap3A_496, %swap3A_497] {strides = array<i32>} : memref<8x1024xf32, #tpu.memory_space<vmem>>, vector<1x16xf32>,
        %swap3A_499 = vector.shape_cast %swap3A_498 : vector<1x16xf32> to vector<16xf32>
        %swap3A_500 = vector.shape_cast %get3A_495 : vector<16xf32> to vector<1x16xf32>
        tpu.vector_store %arg8[%swap3A_496, %swap3A_497], %swap3A_500 {add = true, strides = array<i32>} : memref<8x1024xf32, #tpu.memory_space<vmem>>, vector<1x16xf32>,
        %get3A_501 = arith.index_cast %scan3A_187 : i32 to index
        %get3A_502 = arith.constant 560 : index
        %get3A_503 = tpu.vector_load %arg12[%get3A_501, %get3A_502] {strides = array<i32>} : memref<8x1024xf32, #tpu.memory_space<vmem>>, vector<1x16xf32>,
        %get3A_504 = vector.shape_cast %get3A_503 : vector<1x16xf32> to vector<16xf32>
        %swap3A_505 = arith.index_cast %scan3A_187 : i32 to index
        %swap3A_506 = arith.constant 560 : index
        %swap3A_507 = tpu.vector_load %arg8[%swap3A_505, %swap3A_506] {strides = array<i32>} : memref<8x1024xf32, #tpu.memory_space<vmem>>, vector<1x16xf32>,
        %swap3A_508 = vector.shape_cast %swap3A_507 : vector<1x16xf32> to vector<16xf32>
        %swap3A_509 = vector.shape_cast %get3A_504 : vector<16xf32> to vector<1x16xf32>
        tpu.vector_store %arg8[%swap3A_505, %swap3A_506], %swap3A_509 {add = true, strides = array<i32>} : memref<8x1024xf32, #tpu.memory_space<vmem>>, vector<1x16xf32>,
        %get3A_510 = arith.index_cast %scan3A_187 : i32 to index
        %get3A_511 = arith.constant 576 : index
        %get3A_512 = tpu.vector_load %arg12[%get3A_510, %get3A_511] {strides = array<i32>} : memref<8x1024xf32, #tpu.memory_space<vmem>>, vector<1x16xf32>,
        %get3A_513 = vector.shape_cast %get3A_512 : vector<1x16xf32> to vector<16xf32>
        %swap3A_514 = arith.index_cast %scan3A_187 : i32 to index
        %swap3A_515 = arith.constant 576 : index
        %swap3A_516 = tpu.vector_load %arg8[%swap3A_514, %swap3A_515] {strides = array<i32>} : memref<8x1024xf32, #tpu.memory_space<vmem>>, vector<1x16xf32>,
        %swap3A_517 = vector.shape_cast %swap3A_516 : vector<1x16xf32> to vector<16xf32>
        %swap3A_518 = vector.shape_cast %get3A_513 : vector<16xf32> to vector<1x16xf32>
        tpu.vector_store %arg8[%swap3A_514, %swap3A_515], %swap3A_518 {add = true, strides = array<i32>} : memref<8x1024xf32, #tpu.memory_space<vmem>>, vector<1x16xf32>,
        %get3A_519 = arith.index_cast %scan3A_187 : i32 to index
        %get3A_520 = arith.constant 592 : index
        %get3A_521 = tpu.vector_load %arg12[%get3A_519, %get3A_520] {strides = array<i32>} : memref<8x1024xf32, #tpu.memory_space<vmem>>, vector<1x16xf32>,
        %get3A_522 = vector.shape_cast %get3A_521 : vector<1x16xf32> to vector<16xf32>
        %swap3A_523 = arith.index_cast %scan3A_187 : i32 to index
        %swap3A_524 = arith.constant 592 : index
        %swap3A_525 = tpu.vector_load %arg8[%swap3A_523, %swap3A_524] {strides = array<i32>} : memref<8x1024xf32, #tpu.memory_space<vmem>>, vector<1x16xf32>,
        %swap3A_526 = vector.shape_cast %swap3A_525 : vector<1x16xf32> to vector<16xf32>
        %swap3A_527 = vector.shape_cast %get3A_522 : vector<16xf32> to vector<1x16xf32>
        tpu.vector_store %arg8[%swap3A_523, %swap3A_524], %swap3A_527 {add = true, strides = array<i32>} : memref<8x1024xf32, #tpu.memory_space<vmem>>, vector<1x16xf32>,
        %get3A_528 = arith.index_cast %scan3A_187 : i32 to index
        %get3A_529 = arith.constant 608 : index
        %get3A_530 = tpu.vector_load %arg12[%get3A_528, %get3A_529] {strides = array<i32>} : memref<8x1024xf32, #tpu.memory_space<vmem>>, vector<1x16xf32>,
        %get3A_531 = vector.shape_cast %get3A_530 : vector<1x16xf32> to vector<16xf32>
        %swap3A_532 = arith.index_cast %scan3A_187 : i32 to index
        %swap3A_533 = arith.constant 608 : index
        %swap3A_534 = tpu.vector_load %arg8[%swap3A_532, %swap3A_533] {strides = array<i32>} : memref<8x1024xf32, #tpu.memory_space<vmem>>, vector<1x16xf32>,
        %swap3A_535 = vector.shape_cast %swap3A_534 : vector<1x16xf32> to vector<16xf32>
        %swap3A_536 = vector.shape_cast %get3A_531 : vector<16xf32> to vector<1x16xf32>
        tpu.vector_store %arg8[%swap3A_532, %swap3A_533], %swap3A_536 {add = true, strides = array<i32>} : memref<8x1024xf32, #tpu.memory_space<vmem>>, vector<1x16xf32>,
        %get3A_537 = arith.index_cast %scan3A_187 : i32 to index
        %get3A_538 = arith.constant 624 : index
        %get3A_539 = tpu.vector_load %arg12[%get3A_537, %get3A_538] {strides = array<i32>} : memref<8x1024xf32, #tpu.memory_space<vmem>>, vector<1x16xf32>,
        %get3A_540 = vector.shape_cast %get3A_539 : vector<1x16xf32> to vector<16xf32>
        %swap3A_541 = arith.index_cast %scan3A_187 : i32 to index
        %swap3A_542 = arith.constant 624 : index
        %swap3A_543 = tpu.vector_load %arg8[%swap3A_541, %swap3A_542] {strides = array<i32>} : memref<8x1024xf32, #tpu.memory_space<vmem>>, vector<1x16xf32>,
        %swap3A_544 = vector.shape_cast %swap3A_543 : vector<1x16xf32> to vector<16xf32>
        %swap3A_545 = vector.shape_cast %get3A_540 : vector<16xf32> to vector<1x16xf32>
        tpu.vector_store %arg8[%swap3A_541, %swap3A_542], %swap3A_545 {add = true, strides = array<i32>} : memref<8x1024xf32, #tpu.memory_space<vmem>>, vector<1x16xf32>,
        %get3A_546 = arith.index_cast %scan3A_187 : i32 to index
        %get3A_547 = arith.constant 640 : index
        %get3A_548 = tpu.vector_load %arg12[%get3A_546, %get3A_547] {strides = array<i32>} : memref<8x1024xf32, #tpu.memory_space<vmem>>, vector<1x16xf32>,
        %get3A_549 = vector.shape_cast %get3A_548 : vector<1x16xf32> to vector<16xf32>
        %swap3A_550 = arith.index_cast %scan3A_187 : i32 to index
        %swap3A_551 = arith.constant 640 : index
        %swap3A_552 = tpu.vector_load %arg8[%swap3A_550, %swap3A_551] {strides = array<i32>} : memref<8x1024xf32, #tpu.memory_space<vmem>>, vector<1x16xf32>,
        %swap3A_553 = vector.shape_cast %swap3A_552 : vector<1x16xf32> to vector<16xf32>
        %swap3A_554 = vector.shape_cast %get3A_549 : vector<16xf32> to vector<1x16xf32>
        tpu.vector_store %arg8[%swap3A_550, %swap3A_551], %swap3A_554 {add = true, strides = array<i32>} : memref<8x1024xf32, #tpu.memory_space<vmem>>, vector<1x16xf32>,
        %get3A_555 = arith.index_cast %scan3A_187 : i32 to index
        %get3A_556 = arith.constant 656 : index
        %get3A_557 = tpu.vector_load %arg12[%get3A_555, %get3A_556] {strides = array<i32>} : memref<8x1024xf32, #tpu.memory_space<vmem>>, vector<1x16xf32>,
        %get3A_558 = vector.shape_cast %get3A_557 : vector<1x16xf32> to vector<16xf32>
        %swap3A_559 = arith.index_cast %scan3A_187 : i32 to index
        %swap3A_560 = arith.constant 656 : index
        %swap3A_561 = tpu.vector_load %arg8[%swap3A_559, %swap3A_560] {strides = array<i32>} : memref<8x1024xf32, #tpu.memory_space<vmem>>, vector<1x16xf32>,
        %swap3A_562 = vector.shape_cast %swap3A_561 : vector<1x16xf32> to vector<16xf32>
        %swap3A_563 = vector.shape_cast %get3A_558 : vector<16xf32> to vector<1x16xf32>
        tpu.vector_store %arg8[%swap3A_559, %swap3A_560], %swap3A_563 {add = true, strides = array<i32>} : memref<8x1024xf32, #tpu.memory_space<vmem>>, vector<1x16xf32>,
        %get3A_564 = arith.index_cast %scan3A_187 : i32 to index
        %get3A_565 = arith.constant 672 : index
        %get3A_566 = tpu.vector_load %arg12[%get3A_564, %get3A_565] {strides = array<i32>} : memref<8x1024xf32, #tpu.memory_space<vmem>>, vector<1x16xf32>,
        %get3A_567 = vector.shape_cast %get3A_566 : vector<1x16xf32> to vector<16xf32>
        %swap3A_568 = arith.index_cast %scan3A_187 : i32 to index
        %swap3A_569 = arith.constant 672 : index
        %swap3A_570 = tpu.vector_load %arg8[%swap3A_568, %swap3A_569] {strides = array<i32>} : memref<8x1024xf32, #tpu.memory_space<vmem>>, vector<1x16xf32>,
        %swap3A_571 = vector.shape_cast %swap3A_570 : vector<1x16xf32> to vector<16xf32>
        %swap3A_572 = vector.shape_cast %get3A_567 : vector<16xf32> to vector<1x16xf32>
        tpu.vector_store %arg8[%swap3A_568, %swap3A_569], %swap3A_572 {add = true, strides = array<i32>} : memref<8x1024xf32, #tpu.memory_space<vmem>>, vector<1x16xf32>,
        %get3A_573 = arith.index_cast %scan3A_187 : i32 to index
        %get3A_574 = arith.constant 688 : index
        %get3A_575 = tpu.vector_load %arg12[%get3A_573, %get3A_574] {strides = array<i32>} : memref<8x1024xf32, #tpu.memory_space<vmem>>, vector<1x16xf32>,
        %get3A_576 = vector.shape_cast %get3A_575 : vector<1x16xf32> to vector<16xf32>
        %swap3A_577 = arith.index_cast %scan3A_187 : i32 to index
        %swap3A_578 = arith.constant 688 : index
        %swap3A_579 = tpu.vector_load %arg8[%swap3A_577, %swap3A_578] {strides = array<i32>} : memref<8x1024xf32, #tpu.memory_space<vmem>>, vector<1x16xf32>,
        %swap3A_580 = vector.shape_cast %swap3A_579 : vector<1x16xf32> to vector<16xf32>
        %swap3A_581 = vector.shape_cast %get3A_576 : vector<16xf32> to vector<1x16xf32>
        tpu.vector_store %arg8[%swap3A_577, %swap3A_578], %swap3A_581 {add = true, strides = array<i32>} : memref<8x1024xf32, #tpu.memory_space<vmem>>, vector<1x16xf32>,
        %get3A_582 = arith.index_cast %scan3A_187 : i32 to index
        %get3A_583 = arith.constant 704 : index
        %get3A_584 = tpu.vector_load %arg12[%get3A_582, %get3A_583] {strides = array<i32>} : memref<8x1024xf32, #tpu.memory_space<vmem>>, vector<1x16xf32>,
        %get3A_585 = vector.shape_cast %get3A_584 : vector<1x16xf32> to vector<16xf32>
        %swap3A_586 = arith.index_cast %scan3A_187 : i32 to index
        %swap3A_587 = arith.constant 704 : index
        %swap3A_588 = tpu.vector_load %arg8[%swap3A_586, %swap3A_587] {strides = array<i32>} : memref<8x1024xf32, #tpu.memory_space<vmem>>, vector<1x16xf32>,
        %swap3A_589 = vector.shape_cast %swap3A_588 : vector<1x16xf32> to vector<16xf32>
        %swap3A_590 = vector.shape_cast %get3A_585 : vector<16xf32> to vector<1x16xf32>
        tpu.vector_store %arg8[%swap3A_586, %swap3A_587], %swap3A_590 {add = true, strides = array<i32>} : memref<8x1024xf32, #tpu.memory_space<vmem>>, vector<1x16xf32>,
        %get3A_591 = arith.index_cast %scan3A_187 : i32 to index
        %get3A_592 = arith.constant 720 : index
        %get3A_593 = tpu.vector_load %arg12[%get3A_591, %get3A_592] {strides = array<i32>} : memref<8x1024xf32, #tpu.memory_space<vmem>>, vector<1x16xf32>,
        %get3A_594 = vector.shape_cast %get3A_593 : vector<1x16xf32> to vector<16xf32>
        %swap3A_595 = arith.index_cast %scan3A_187 : i32 to index
        %swap3A_596 = arith.constant 720 : index
        %swap3A_597 = tpu.vector_load %arg8[%swap3A_595, %swap3A_596] {strides = array<i32>} : memref<8x1024xf32, #tpu.memory_space<vmem>>, vector<1x16xf32>,
        %swap3A_598 = vector.shape_cast %swap3A_597 : vector<1x16xf32> to vector<16xf32>
        %swap3A_599 = vector.shape_cast %get3A_594 : vector<16xf32> to vector<1x16xf32>
        tpu.vector_store %arg8[%swap3A_595, %swap3A_596], %swap3A_599 {add = true, strides = array<i32>} : memref<8x1024xf32, #tpu.memory_space<vmem>>, vector<1x16xf32>,
        %get3A_600 = arith.index_cast %scan3A_187 : i32 to index
        %get3A_601 = arith.constant 736 : index
        %get3A_602 = tpu.vector_load %arg12[%get3A_600, %get3A_601] {strides = array<i32>} : memref<8x1024xf32, #tpu.memory_space<vmem>>, vector<1x16xf32>,
        %get3A_603 = vector.shape_cast %get3A_602 : vector<1x16xf32> to vector<16xf32>
        %swap3A_604 = arith.index_cast %scan3A_187 : i32 to index
        %swap3A_605 = arith.constant 736 : index
        %swap3A_606 = tpu.vector_load %arg8[%swap3A_604, %swap3A_605] {strides = array<i32>} : memref<8x1024xf32, #tpu.memory_space<vmem>>, vector<1x16xf32>,
        %swap3A_607 = vector.shape_cast %swap3A_606 : vector<1x16xf32> to vector<16xf32>
        %swap3A_608 = vector.shape_cast %get3A_603 : vector<16xf32> to vector<1x16xf32>
        tpu.vector_store %arg8[%swap3A_604, %swap3A_605], %swap3A_608 {add = true, strides = array<i32>} : memref<8x1024xf32, #tpu.memory_space<vmem>>, vector<1x16xf32>,
        %get3A_609 = arith.index_cast %scan3A_187 : i32 to index
        %get3A_610 = arith.constant 752 : index
        %get3A_611 = tpu.vector_load %arg12[%get3A_609, %get3A_610] {strides = array<i32>} : memref<8x1024xf32, #tpu.memory_space<vmem>>, vector<1x16xf32>,
        %get3A_612 = vector.shape_cast %get3A_611 : vector<1x16xf32> to vector<16xf32>
        %swap3A_613 = arith.index_cast %scan3A_187 : i32 to index
        %swap3A_614 = arith.constant 752 : index
        %swap3A_615 = tpu.vector_load %arg8[%swap3A_613, %swap3A_614] {strides = array<i32>} : memref<8x1024xf32, #tpu.memory_space<vmem>>, vector<1x16xf32>,
        %swap3A_616 = vector.shape_cast %swap3A_615 : vector<1x16xf32> to vector<16xf32>
        %swap3A_617 = vector.shape_cast %get3A_612 : vector<16xf32> to vector<1x16xf32>
        tpu.vector_store %arg8[%swap3A_613, %swap3A_614], %swap3A_617 {add = true, strides = array<i32>} : memref<8x1024xf32, #tpu.memory_space<vmem>>, vector<1x16xf32>,
        %get3A_618 = arith.index_cast %scan3A_187 : i32 to index
        %get3A_619 = arith.constant 768 : index
        %get3A_620 = tpu.vector_load %arg12[%get3A_618, %get3A_619] {strides = array<i32>} : memref<8x1024xf32, #tpu.memory_space<vmem>>, vector<1x16xf32>,
        %get3A_621 = vector.shape_cast %get3A_620 : vector<1x16xf32> to vector<16xf32>
        %swap3A_622 = arith.index_cast %scan3A_187 : i32 to index
        %swap3A_623 = arith.constant 768 : index
        %swap3A_624 = tpu.vector_load %arg8[%swap3A_622, %swap3A_623] {strides = array<i32>} : memref<8x1024xf32, #tpu.memory_space<vmem>>, vector<1x16xf32>,
        %swap3A_625 = vector.shape_cast %swap3A_624 : vector<1x16xf32> to vector<16xf32>
        %swap3A_626 = vector.shape_cast %get3A_621 : vector<16xf32> to vector<1x16xf32>
        tpu.vector_store %arg8[%swap3A_622, %swap3A_623], %swap3A_626 {add = true, strides = array<i32>} : memref<8x1024xf32, #tpu.memory_space<vmem>>, vector<1x16xf32>,
        %get3A_627 = arith.index_cast %scan3A_187 : i32 to index
        %get3A_628 = arith.constant 784 : index
        %get3A_629 = tpu.vector_load %arg12[%get3A_627, %get3A_628] {strides = array<i32>} : memref<8x1024xf32, #tpu.memory_space<vmem>>, vector<1x16xf32>,
        %get3A_630 = vector.shape_cast %get3A_629 : vector<1x16xf32> to vector<16xf32>
        %swap3A_631 = arith.index_cast %scan3A_187 : i32 to index
        %swap3A_632 = arith.constant 784 : index
        %swap3A_633 = tpu.vector_load %arg8[%swap3A_631, %swap3A_632] {strides = array<i32>} : memref<8x1024xf32, #tpu.memory_space<vmem>>, vector<1x16xf32>,
        %swap3A_634 = vector.shape_cast %swap3A_633 : vector<1x16xf32> to vector<16xf32>
        %swap3A_635 = vector.shape_cast %get3A_630 : vector<16xf32> to vector<1x16xf32>
        tpu.vector_store %arg8[%swap3A_631, %swap3A_632], %swap3A_635 {add = true, strides = array<i32>} : memref<8x1024xf32, #tpu.memory_space<vmem>>, vector<1x16xf32>,
        %get3A_636 = arith.index_cast %scan3A_187 : i32 to index
        %get3A_637 = arith.constant 800 : index
        %get3A_638 = tpu.vector_load %arg12[%get3A_636, %get3A_637] {strides = array<i32>} : memref<8x1024xf32, #tpu.memory_space<vmem>>, vector<1x16xf32>,
        %get3A_639 = vector.shape_cast %get3A_638 : vector<1x16xf32> to vector<16xf32>
        %swap3A_640 = arith.index_cast %scan3A_187 : i32 to index
        %swap3A_641 = arith.constant 800 : index
        %swap3A_642 = tpu.vector_load %arg8[%swap3A_640, %swap3A_641] {strides = array<i32>} : memref<8x1024xf32, #tpu.memory_space<vmem>>, vector<1x16xf32>,
        %swap3A_643 = vector.shape_cast %swap3A_642 : vector<1x16xf32> to vector<16xf32>
        %swap3A_644 = vector.shape_cast %get3A_639 : vector<16xf32> to vector<1x16xf32>
        tpu.vector_store %arg8[%swap3A_640, %swap3A_641], %swap3A_644 {add = true, strides = array<i32>} : memref<8x1024xf32, #tpu.memory_space<vmem>>, vector<1x16xf32>,
        %get3A_645 = arith.index_cast %scan3A_187 : i32 to index
        %get3A_646 = arith.constant 816 : index
        %get3A_647 = tpu.vector_load %arg12[%get3A_645, %get3A_646] {strides = array<i32>} : memref<8x1024xf32, #tpu.memory_space<vmem>>, vector<1x16xf32>,
        %get3A_648 = vector.shape_cast %get3A_647 : vector<1x16xf32> to vector<16xf32>
        %swap3A_649 = arith.index_cast %scan3A_187 : i32 to index
        %swap3A_650 = arith.constant 816 : index
        %swap3A_651 = tpu.vector_load %arg8[%swap3A_649, %swap3A_650] {strides = array<i32>} : memref<8x1024xf32, #tpu.memory_space<vmem>>, vector<1x16xf32>,
        %swap3A_652 = vector.shape_cast %swap3A_651 : vector<1x16xf32> to vector<16xf32>
        %swap3A_653 = vector.shape_cast %get3A_648 : vector<16xf32> to vector<1x16xf32>
        tpu.vector_store %arg8[%swap3A_649, %swap3A_650], %swap3A_653 {add = true, strides = array<i32>} : memref<8x1024xf32, #tpu.memory_space<vmem>>, vector<1x16xf32>,
        %get3A_654 = arith.index_cast %scan3A_187 : i32 to index
        %get3A_655 = arith.constant 832 : index
        %get3A_656 = tpu.vector_load %arg12[%get3A_654, %get3A_655] {strides = array<i32>} : memref<8x1024xf32, #tpu.memory_space<vmem>>, vector<1x16xf32>,
        %get3A_657 = vector.shape_cast %get3A_656 : vector<1x16xf32> to vector<16xf32>
        %swap3A_658 = arith.index_cast %scan3A_187 : i32 to index
        %swap3A_659 = arith.constant 832 : index
        %swap3A_660 = tpu.vector_load %arg8[%swap3A_658, %swap3A_659] {strides = array<i32>} : memref<8x1024xf32, #tpu.memory_space<vmem>>, vector<1x16xf32>,
        %swap3A_661 = vector.shape_cast %swap3A_660 : vector<1x16xf32> to vector<16xf32>
        %swap3A_662 = vector.shape_cast %get3A_657 : vector<16xf32> to vector<1x16xf32>
        tpu.vector_store %arg8[%swap3A_658, %swap3A_659], %swap3A_662 {add = true, strides = array<i32>} : memref<8x1024xf32, #tpu.memory_space<vmem>>, vector<1x16xf32>,
        %get3A_663 = arith.index_cast %scan3A_187 : i32 to index
        %get3A_664 = arith.constant 848 : index
        %get3A_665 = tpu.vector_load %arg12[%get3A_663, %get3A_664] {strides = array<i32>} : memref<8x1024xf32, #tpu.memory_space<vmem>>, vector<1x16xf32>,
        %get3A_666 = vector.shape_cast %get3A_665 : vector<1x16xf32> to vector<16xf32>
        %swap3A_667 = arith.index_cast %scan3A_187 : i32 to index
        %swap3A_668 = arith.constant 848 : index
        %swap3A_669 = tpu.vector_load %arg8[%swap3A_667, %swap3A_668] {strides = array<i32>} : memref<8x1024xf32, #tpu.memory_space<vmem>>, vector<1x16xf32>,
        %swap3A_670 = vector.shape_cast %swap3A_669 : vector<1x16xf32> to vector<16xf32>
        %swap3A_671 = vector.shape_cast %get3A_666 : vector<16xf32> to vector<1x16xf32>
        tpu.vector_store %arg8[%swap3A_667, %swap3A_668], %swap3A_671 {add = true, strides = array<i32>} : memref<8x1024xf32, #tpu.memory_space<vmem>>, vector<1x16xf32>,
        %get3A_672 = arith.index_cast %scan3A_187 : i32 to index
        %get3A_673 = arith.constant 864 : index
        %get3A_674 = tpu.vector_load %arg12[%get3A_672, %get3A_673] {strides = array<i32>} : memref<8x1024xf32, #tpu.memory_space<vmem>>, vector<1x16xf32>,
        %get3A_675 = vector.shape_cast %get3A_674 : vector<1x16xf32> to vector<16xf32>
        %swap3A_676 = arith.index_cast %scan3A_187 : i32 to index
        %swap3A_677 = arith.constant 864 : index
        %swap3A_678 = tpu.vector_load %arg8[%swap3A_676, %swap3A_677] {strides = array<i32>} : memref<8x1024xf32, #tpu.memory_space<vmem>>, vector<1x16xf32>,
        %swap3A_679 = vector.shape_cast %swap3A_678 : vector<1x16xf32> to vector<16xf32>
        %swap3A_680 = vector.shape_cast %get3A_675 : vector<16xf32> to vector<1x16xf32>
        tpu.vector_store %arg8[%swap3A_676, %swap3A_677], %swap3A_680 {add = true, strides = array<i32>} : memref<8x1024xf32, #tpu.memory_space<vmem>>, vector<1x16xf32>,
        %get3A_681 = arith.index_cast %scan3A_187 : i32 to index
        %get3A_682 = arith.constant 880 : index
        %get3A_683 = tpu.vector_load %arg12[%get3A_681, %get3A_682] {strides = array<i32>} : memref<8x1024xf32, #tpu.memory_space<vmem>>, vector<1x16xf32>,
        %get3A_684 = vector.shape_cast %get3A_683 : vector<1x16xf32> to vector<16xf32>
        %swap3A_685 = arith.index_cast %scan3A_187 : i32 to index
        %swap3A_686 = arith.constant 880 : index
        %swap3A_687 = tpu.vector_load %arg8[%swap3A_685, %swap3A_686] {strides = array<i32>} : memref<8x1024xf32, #tpu.memory_space<vmem>>, vector<1x16xf32>,
        %swap3A_688 = vector.shape_cast %swap3A_687 : vector<1x16xf32> to vector<16xf32>
        %swap3A_689 = vector.shape_cast %get3A_684 : vector<16xf32> to vector<1x16xf32>
        tpu.vector_store %arg8[%swap3A_685, %swap3A_686], %swap3A_689 {add = true, strides = array<i32>} : memref<8x1024xf32, #tpu.memory_space<vmem>>, vector<1x16xf32>,
        %get3A_690 = arith.index_cast %scan3A_187 : i32 to index
        %get3A_691 = arith.constant 896 : index
        %get3A_692 = tpu.vector_load %arg12[%get3A_690, %get3A_691] {strides = array<i32>} : memref<8x1024xf32, #tpu.memory_space<vmem>>, vector<1x16xf32>,
        %get3A_693 = vector.shape_cast %get3A_692 : vector<1x16xf32> to vector<16xf32>
        %swap3A_694 = arith.index_cast %scan3A_187 : i32 to index
        %swap3A_695 = arith.constant 896 : index
        %swap3A_696 = tpu.vector_load %arg8[%swap3A_694, %swap3A_695] {strides = array<i32>} : memref<8x1024xf32, #tpu.memory_space<vmem>>, vector<1x16xf32>,
        %swap3A_697 = vector.shape_cast %swap3A_696 : vector<1x16xf32> to vector<16xf32>
        %swap3A_698 = vector.shape_cast %get3A_693 : vector<16xf32> to vector<1x16xf32>
        tpu.vector_store %arg8[%swap3A_694, %swap3A_695], %swap3A_698 {add = true, strides = array<i32>} : memref<8x1024xf32, #tpu.memory_space<vmem>>, vector<1x16xf32>,
        %get3A_699 = arith.index_cast %scan3A_187 : i32 to index
        %get3A_700 = arith.constant 912 : index
        %get3A_701 = tpu.vector_load %arg12[%get3A_699, %get3A_700] {strides = array<i32>} : memref<8x1024xf32, #tpu.memory_space<vmem>>, vector<1x16xf32>,
        %get3A_702 = vector.shape_cast %get3A_701 : vector<1x16xf32> to vector<16xf32>
        %swap3A_703 = arith.index_cast %scan3A_187 : i32 to index
        %swap3A_704 = arith.constant 912 : index
        %swap3A_705 = tpu.vector_load %arg8[%swap3A_703, %swap3A_704] {strides = array<i32>} : memref<8x1024xf32, #tpu.memory_space<vmem>>, vector<1x16xf32>,
        %swap3A_706 = vector.shape_cast %swap3A_705 : vector<1x16xf32> to vector<16xf32>
        %swap3A_707 = vector.shape_cast %get3A_702 : vector<16xf32> to vector<1x16xf32>
        tpu.vector_store %arg8[%swap3A_703, %swap3A_704], %swap3A_707 {add = true, strides = array<i32>} : memref<8x1024xf32, #tpu.memory_space<vmem>>, vector<1x16xf32>,
        %get3A_708 = arith.index_cast %scan3A_187 : i32 to index
        %get3A_709 = arith.constant 928 : index
        %get3A_710 = tpu.vector_load %arg12[%get3A_708, %get3A_709] {strides = array<i32>} : memref<8x1024xf32, #tpu.memory_space<vmem>>, vector<1x16xf32>,
        %get3A_711 = vector.shape_cast %get3A_710 : vector<1x16xf32> to vector<16xf32>
        %swap3A_712 = arith.index_cast %scan3A_187 : i32 to index
        %swap3A_713 = arith.constant 928 : index
        %swap3A_714 = tpu.vector_load %arg8[%swap3A_712, %swap3A_713] {strides = array<i32>} : memref<8x1024xf32, #tpu.memory_space<vmem>>, vector<1x16xf32>,
        %swap3A_715 = vector.shape_cast %swap3A_714 : vector<1x16xf32> to vector<16xf32>
        %swap3A_716 = vector.shape_cast %get3A_711 : vector<16xf32> to vector<1x16xf32>
        tpu.vector_store %arg8[%swap3A_712, %swap3A_713], %swap3A_716 {add = true, strides = array<i32>} : memref<8x1024xf32, #tpu.memory_space<vmem>>, vector<1x16xf32>,
        %get3A_717 = arith.index_cast %scan3A_187 : i32 to index
        %get3A_718 = arith.constant 944 : index
        %get3A_719 = tpu.vector_load %arg12[%get3A_717, %get3A_718] {strides = array<i32>} : memref<8x1024xf32, #tpu.memory_space<vmem>>, vector<1x16xf32>,
        %get3A_720 = vector.shape_cast %get3A_719 : vector<1x16xf32> to vector<16xf32>
        %swap3A_721 = arith.index_cast %scan3A_187 : i32 to index
        %swap3A_722 = arith.constant 944 : index
        %swap3A_723 = tpu.vector_load %arg8[%swap3A_721, %swap3A_722] {strides = array<i32>} : memref<8x1024xf32, #tpu.memory_space<vmem>>, vector<1x16xf32>,
        %swap3A_724 = vector.shape_cast %swap3A_723 : vector<1x16xf32> to vector<16xf32>
        %swap3A_725 = vector.shape_cast %get3A_720 : vector<16xf32> to vector<1x16xf32>
        tpu.vector_store %arg8[%swap3A_721, %swap3A_722], %swap3A_725 {add = true, strides = array<i32>} : memref<8x1024xf32, #tpu.memory_space<vmem>>, vector<1x16xf32>,
        %get3A_726 = arith.index_cast %scan3A_187 : i32 to index
        %get3A_727 = arith.constant 960 : index
        %get3A_728 = tpu.vector_load %arg12[%get3A_726, %get3A_727] {strides = array<i32>} : memref<8x1024xf32, #tpu.memory_space<vmem>>, vector<1x16xf32>,
        %get3A_729 = vector.shape_cast %get3A_728 : vector<1x16xf32> to vector<16xf32>
        %swap3A_730 = arith.index_cast %scan3A_187 : i32 to index
        %swap3A_731 = arith.constant 960 : index
        %swap3A_732 = tpu.vector_load %arg8[%swap3A_730, %swap3A_731] {strides = array<i32>} : memref<8x1024xf32, #tpu.memory_space<vmem>>, vector<1x16xf32>,
        %swap3A_733 = vector.shape_cast %swap3A_732 : vector<1x16xf32> to vector<16xf32>
        %swap3A_734 = vector.shape_cast %get3A_729 : vector<16xf32> to vector<1x16xf32>
        tpu.vector_store %arg8[%swap3A_730, %swap3A_731], %swap3A_734 {add = true, strides = array<i32>} : memref<8x1024xf32, #tpu.memory_space<vmem>>, vector<1x16xf32>,
        %get3A_735 = arith.index_cast %scan3A_187 : i32 to index
        %get3A_736 = arith.constant 976 : index
        %get3A_737 = tpu.vector_load %arg12[%get3A_735, %get3A_736] {strides = array<i32>} : memref<8x1024xf32, #tpu.memory_space<vmem>>, vector<1x16xf32>,
        %get3A_738 = vector.shape_cast %get3A_737 : vector<1x16xf32> to vector<16xf32>
        %swap3A_739 = arith.index_cast %scan3A_187 : i32 to index
        %swap3A_740 = arith.constant 976 : index
        %swap3A_741 = tpu.vector_load %arg8[%swap3A_739, %swap3A_740] {strides = array<i32>} : memref<8x1024xf32, #tpu.memory_space<vmem>>, vector<1x16xf32>,
        %swap3A_742 = vector.shape_cast %swap3A_741 : vector<1x16xf32> to vector<16xf32>
        %swap3A_743 = vector.shape_cast %get3A_738 : vector<16xf32> to vector<1x16xf32>
        tpu.vector_store %arg8[%swap3A_739, %swap3A_740], %swap3A_743 {add = true, strides = array<i32>} : memref<8x1024xf32, #tpu.memory_space<vmem>>, vector<1x16xf32>,
        %get3A_744 = arith.index_cast %scan3A_187 : i32 to index
        %get3A_745 = arith.constant 992 : index
        %get3A_746 = tpu.vector_load %arg12[%get3A_744, %get3A_745] {strides = array<i32>} : memref<8x1024xf32, #tpu.memory_space<vmem>>, vector<1x16xf32>,
        %get3A_747 = vector.shape_cast %get3A_746 : vector<1x16xf32> to vector<16xf32>
        %swap3A_748 = arith.index_cast %scan3A_187 : i32 to index
        %swap3A_749 = arith.constant 992 : index
        %swap3A_750 = tpu.vector_load %arg8[%swap3A_748, %swap3A_749] {strides = array<i32>} : memref<8x1024xf32, #tpu.memory_space<vmem>>, vector<1x16xf32>,
        %swap3A_751 = vector.shape_cast %swap3A_750 : vector<1x16xf32> to vector<16xf32>
        %swap3A_752 = vector.shape_cast %get3A_747 : vector<16xf32> to vector<1x16xf32>
        tpu.vector_store %arg8[%swap3A_748, %swap3A_749], %swap3A_752 {add = true, strides = array<i32>} : memref<8x1024xf32, #tpu.memory_space<vmem>>, vector<1x16xf32>,
        %get3A_753 = arith.index_cast %scan3A_187 : i32 to index
        %get3A_754 = arith.constant 1008 : index
        %get3A_755 = tpu.vector_load %arg12[%get3A_753, %get3A_754] {strides = array<i32>} : memref<8x1024xf32, #tpu.memory_space<vmem>>, vector<1x16xf32>,
        %get3A_756 = vector.shape_cast %get3A_755 : vector<1x16xf32> to vector<16xf32>
        %swap3A_757 = arith.index_cast %scan3A_187 : i32 to index
        %swap3A_758 = arith.constant 1008 : index
        %swap3A_759 = tpu.vector_load %arg8[%swap3A_757, %swap3A_758] {strides = array<i32>} : memref<8x1024xf32, #tpu.memory_space<vmem>>, vector<1x16xf32>,
        %swap3A_760 = vector.shape_cast %swap3A_759 : vector<1x16xf32> to vector<16xf32>
        %swap3A_761 = vector.shape_cast %get3A_756 : vector<16xf32> to vector<1x16xf32>
        tpu.vector_store %arg8[%swap3A_757, %swap3A_758], %swap3A_761 {add = true, strides = array<i32>} : memref<8x1024xf32, #tpu.memory_space<vmem>>, vector<1x16xf32>,
      }
      %scan3A_62 = arith.constant 8 : i32
      %mul3A_63 = arith.constant 8 : i32
      %mul3A_64 = arith.muli %add3A_38, %mul3A_63 : i32
      %add3A_65 = arith.addi %mul3A_2, %mul3A_64 : i32
      %dma_start3A_66 = arith.constant 0 : i32
      %dma_start3A_67 = tpu.memref_slice %arg5[%add3A_65, %dma_start3A_66] : memref<65536x1024xf32, #tpu.memory_space<hbm>> -> memref<8x1024xf32, #tpu.memory_space<hbm>>
      %dma_start3A_68 = arith.constant 0 : i32
      %dma_start3A_69 = tpu.memref_slice %arg5[%add3A_65, %dma_start3A_68] : memref<65536x1024xf32, #tpu.memory_space<hbm>> -> memref<8x1024xf32, #tpu.memory_space<hbm>>
      tpu.enqueue_dma source(%arg8 : memref<8x1024xf32, #tpu.memory_space<vmem>>) target(%dma_start3A_69 : memref<8x1024xf32, #tpu.memory_space<hbm>>) target_semaphore(%arg24 : memref<!tpu.dma_semaphore, #tpu.memory_space<semaphore_mem>>)
      %mul3A_70 = arith.constant 4 : i32
      %mul3A_71 = arith.muli %scan3A_34, %mul3A_70 : i32
      %add3A_72 = arith.constant 1 : i32
      %add3A_73 = arith.addi %mul3A_71, %add3A_72 : i32
      %ge3A_74 = arith.constant 2 : i32
      %ge3A_75 = arith.cmpi sge, %add3A_73, %ge3A_74 : i32
      %convert_element_type3A_76 = arith.extui %ge3A_75 : i1 to i32
      %cond3A_77 = arith.constant 0 : i32
      %cond3A_78 = arith.cmpi ne, %convert_element_type3A_76, %cond3A_77 : i32
      scf.if %cond3A_78 {
        %dma_wait3A_187 = arith.constant 0 : i32
        %dma_wait3A_188 = tpu.memref_slice %arg5[%mul3A_2, %dma_wait3A_187] : memref<65536x1024xf32, #tpu.memory_space<hbm>> -> memref<8x1024xf32, #tpu.memory_space<hbm>>
        %dma_wait3A_189 = arith.constant 0 : i32
        %dma_wait3A_190 = tpu.memref_slice %arg5[%mul3A_2, %dma_wait3A_189] : memref<65536x1024xf32, #tpu.memory_space<hbm>> -> memref<8x1024xf32, #tpu.memory_space<hbm>>
        tpu.wait_dma2 semaphore(%arg27 : memref<!tpu.dma_semaphore, #tpu.memory_space<semaphore_mem>>) src(%arg11 : memref<8x1024xf32, #tpu.memory_space<vmem>>) dst(%dma_wait3A_190 : memref<8x1024xf32, #tpu.memory_space<hbm>>)
      } else {
      }
      %add3A_79 = arith.constant 2 : i32
      %add3A_80 = arith.addi %add3A_73, %add3A_79 : i32
      %lt3A_81 = arith.constant 256 : i32
      %lt3A_82 = arith.cmpi slt, %add3A_80, %lt3A_81 : i32
      %convert_element_type3A_83 = arith.extui %lt3A_82 : i1 to i32
      %cond3A_84 = arith.constant 0 : i32
      %cond3A_85 = arith.cmpi ne, %convert_element_type3A_83, %cond3A_84 : i32
      scf.if %cond3A_85 {
        %add3A_187 = arith.constant 2 : i32
        %add3A_188 = arith.addi %add3A_73, %add3A_187 : i32
        %mul3A_189 = arith.constant 8 : i32
        %mul3A_190 = arith.muli %add3A_188, %mul3A_189 : i32
        %dma_start3A_191 = tpu.memref_slice %arg6[%mul3A_190] : memref<2048xi32, #tpu.memory_space<vmem>> -> memref<8xi32, #tpu.memory_space<vmem>>
        %dma_start3A_192 = arith.constant 0 : i32
        %dma_start3A_193 = arith.constant 0 : i32
        %dma_start3A_194 = tpu.memref_slice %arg2[%dma_start3A_192, %dma_start3A_193] : memref<32768x1024xf32, #tpu.memory_space<hbm>> -> memref<32768x1024xf32, #tpu.memory_space<hbm>>
        tpu.enqueue_indirect_dma source(%dma_start3A_194 : memref<32768x1024xf32, #tpu.memory_space<hbm>>) target(%arg11 : memref<8x1024xf32, #tpu.memory_space<vmem>>) offsets(%dma_start3A_191 : memref<8xi32, #tpu.memory_space<vmem>>) semaphore(%arg19 : memref<!tpu.dma_semaphore, #tpu.memory_space<semaphore_mem>>)
        %dma_start3A_195 = tpu.memref_slice %arg7[%mul3A_190] : memref<2048xi32, #tpu.memory_space<vmem>> -> memref<8xi32, #tpu.memory_space<vmem>>
        %dma_start3A_196 = arith.constant 0 : i32
        %dma_start3A_197 = arith.constant 0 : i32
        %dma_start3A_198 = tpu.memref_slice %arg2[%dma_start3A_196, %dma_start3A_197] : memref<32768x1024xf32, #tpu.memory_space<hbm>> -> memref<32768x1024xf32, #tpu.memory_space<hbm>>
        tpu.enqueue_indirect_dma source(%dma_start3A_198 : memref<32768x1024xf32, #tpu.memory_space<hbm>>) target(%arg15 : memref<8x1024xf32, #tpu.memory_space<vmem>>) offsets(%dma_start3A_195 : memref<8xi32, #tpu.memory_space<vmem>>) semaphore(%arg23 : memref<!tpu.dma_semaphore, #tpu.memory_space<semaphore_mem>>)
      } else {
      }
      %dma_wait3A_86 = arith.constant 0 : i32
      %dma_wait3A_87 = tpu.memref_slice %arg6[%dma_wait3A_86] : memref<2048xi32, #tpu.memory_space<vmem>> -> memref<8xi32, #tpu.memory_space<vmem>>
      %dma_wait3A_88 = arith.constant 0 : i32
      %dma_wait3A_89 = arith.constant 0 : i32
      %dma_wait3A_90 = tpu.memref_slice %arg2[%dma_wait3A_88, %dma_wait3A_89] : memref<32768x1024xf32, #tpu.memory_space<hbm>> -> memref<32768x1024xf32, #tpu.memory_space<hbm>>
      tpu.wait_indirect_dma semaphore(%arg17 : memref<!tpu.dma_semaphore, #tpu.memory_space<semaphore_mem>>) src(%dma_wait3A_90 : memref<32768x1024xf32, #tpu.memory_space<hbm>>) dst(%arg9 : memref<8x1024xf32, #tpu.memory_space<vmem>>)
      %dma_wait3A_91 = arith.constant 0 : i32
      %dma_wait3A_92 = tpu.memref_slice %arg7[%dma_wait3A_91] : memref<2048xi32, #tpu.memory_space<vmem>> -> memref<8xi32, #tpu.memory_space<vmem>>
      %dma_wait3A_93 = arith.constant 0 : i32
      %dma_wait3A_94 = arith.constant 0 : i32
      %dma_wait3A_95 = tpu.memref_slice %arg2[%dma_wait3A_93, %dma_wait3A_94] : memref<32768x1024xf32, #tpu.memory_space<hbm>> -> memref<32768x1024xf32, #tpu.memory_space<hbm>>
      tpu.wait_indirect_dma semaphore(%arg21 : memref<!tpu.dma_semaphore, #tpu.memory_space<semaphore_mem>>) src(%dma_wait3A_95 : memref<32768x1024xf32, #tpu.memory_space<hbm>>) dst(%arg13 : memref<8x1024xf32, #tpu.memory_space<vmem>>)
      %scan3A_96 = arith.constant 0 : i32
      %scan3A_97 = arith.constant 0 : i32
      %scan3A_98 = arith.constant 8 : i32
      %scan3A_99 = arith.addi %scan3A_97, %scan3A_98 : i32
      %scan3A_100 = arith.constant 1 : i32
      scf.for %scan3A_187 = %scan3A_97 to %scan3A_99 step %scan3A_100  : i32 {
        %get3A = arith.index_cast %scan3A_187 : i32 to index
        %get3A_188 = arith.constant 0 : index
        %get3A_189 = tpu.vector_load %arg13[%get3A, %get3A_188] {strides = array<i32>} : memref<8x1024xf32, #tpu.memory_space<vmem>>, vector<1x16xf32>,
        %get3A_190 = vector.shape_cast %get3A_189 : vector<1x16xf32> to vector<16xf32>
        %swap3A = arith.index_cast %scan3A_187 : i32 to index
        %swap3A_191 = arith.constant 0 : index
        %swap3A_192 = tpu.vector_load %arg9[%swap3A, %swap3A_191] {strides = array<i32>} : memref<8x1024xf32, #tpu.memory_space<vmem>>, vector<1x16xf32>,
        %swap3A_193 = vector.shape_cast %swap3A_192 : vector<1x16xf32> to vector<16xf32>
        %swap3A_194 = vector.shape_cast %get3A_190 : vector<16xf32> to vector<1x16xf32>
        tpu.vector_store %arg9[%swap3A, %swap3A_191], %swap3A_194 {add = true, strides = array<i32>} : memref<8x1024xf32, #tpu.memory_space<vmem>>, vector<1x16xf32>,
        %get3A_195 = arith.index_cast %scan3A_187 : i32 to index
        %get3A_196 = arith.constant 16 : index
        %get3A_197 = tpu.vector_load %arg13[%get3A_195, %get3A_196] {strides = array<i32>} : memref<8x1024xf32, #tpu.memory_space<vmem>>, vector<1x16xf32>,
        %get3A_198 = vector.shape_cast %get3A_197 : vector<1x16xf32> to vector<16xf32>
        %swap3A_199 = arith.index_cast %scan3A_187 : i32 to index
        %swap3A_200 = arith.constant 16 : index
        %swap3A_201 = tpu.vector_load %arg9[%swap3A_199, %swap3A_200] {strides = array<i32>} : memref<8x1024xf32, #tpu.memory_space<vmem>>, vector<1x16xf32>,
        %swap3A_202 = vector.shape_cast %swap3A_201 : vector<1x16xf32> to vector<16xf32>
        %swap3A_203 = vector.shape_cast %get3A_198 : vector<16xf32> to vector<1x16xf32>
        tpu.vector_store %arg9[%swap3A_199, %swap3A_200], %swap3A_203 {add = true, strides = array<i32>} : memref<8x1024xf32, #tpu.memory_space<vmem>>, vector<1x16xf32>,
        %get3A_204 = arith.index_cast %scan3A_187 : i32 to index
        %get3A_205 = arith.constant 32 : index
        %get3A_206 = tpu.vector_load %arg13[%get3A_204, %get3A_205] {strides = array<i32>} : memref<8x1024xf32, #tpu.memory_space<vmem>>, vector<1x16xf32>,
        %get3A_207 = vector.shape_cast %get3A_206 : vector<1x16xf32> to vector<16xf32>
        %swap3A_208 = arith.index_cast %scan3A_187 : i32 to index
        %swap3A_209 = arith.constant 32 : index
        %swap3A_210 = tpu.vector_load %arg9[%swap3A_208, %swap3A_209] {strides = array<i32>} : memref<8x1024xf32, #tpu.memory_space<vmem>>, vector<1x16xf32>,
        %swap3A_211 = vector.shape_cast %swap3A_210 : vector<1x16xf32> to vector<16xf32>
        %swap3A_212 = vector.shape_cast %get3A_207 : vector<16xf32> to vector<1x16xf32>
        tpu.vector_store %arg9[%swap3A_208, %swap3A_209], %swap3A_212 {add = true, strides = array<i32>} : memref<8x1024xf32, #tpu.memory_space<vmem>>, vector<1x16xf32>,
        %get3A_213 = arith.index_cast %scan3A_187 : i32 to index
        %get3A_214 = arith.constant 48 : index
        %get3A_215 = tpu.vector_load %arg13[%get3A_213, %get3A_214] {strides = array<i32>} : memref<8x1024xf32, #tpu.memory_space<vmem>>, vector<1x16xf32>,
        %get3A_216 = vector.shape_cast %get3A_215 : vector<1x16xf32> to vector<16xf32>
        %swap3A_217 = arith.index_cast %scan3A_187 : i32 to index
        %swap3A_218 = arith.constant 48 : index
        %swap3A_219 = tpu.vector_load %arg9[%swap3A_217, %swap3A_218] {strides = array<i32>} : memref<8x1024xf32, #tpu.memory_space<vmem>>, vector<1x16xf32>,
        %swap3A_220 = vector.shape_cast %swap3A_219 : vector<1x16xf32> to vector<16xf32>
        %swap3A_221 = vector.shape_cast %get3A_216 : vector<16xf32> to vector<1x16xf32>
        tpu.vector_store %arg9[%swap3A_217, %swap3A_218], %swap3A_221 {add = true, strides = array<i32>} : memref<8x1024xf32, #tpu.memory_space<vmem>>, vector<1x16xf32>,
        %get3A_222 = arith.index_cast %scan3A_187 : i32 to index
        %get3A_223 = arith.constant 64 : index
        %get3A_224 = tpu.vector_load %arg13[%get3A_222, %get3A_223] {strides = array<i32>} : memref<8x1024xf32, #tpu.memory_space<vmem>>, vector<1x16xf32>,
        %get3A_225 = vector.shape_cast %get3A_224 : vector<1x16xf32> to vector<16xf32>
        %swap3A_226 = arith.index_cast %scan3A_187 : i32 to index
        %swap3A_227 = arith.constant 64 : index
        %swap3A_228 = tpu.vector_load %arg9[%swap3A_226, %swap3A_227] {strides = array<i32>} : memref<8x1024xf32, #tpu.memory_space<vmem>>, vector<1x16xf32>,
        %swap3A_229 = vector.shape_cast %swap3A_228 : vector<1x16xf32> to vector<16xf32>
        %swap3A_230 = vector.shape_cast %get3A_225 : vector<16xf32> to vector<1x16xf32>
        tpu.vector_store %arg9[%swap3A_226, %swap3A_227], %swap3A_230 {add = true, strides = array<i32>} : memref<8x1024xf32, #tpu.memory_space<vmem>>, vector<1x16xf32>,
        %get3A_231 = arith.index_cast %scan3A_187 : i32 to index
        %get3A_232 = arith.constant 80 : index
        %get3A_233 = tpu.vector_load %arg13[%get3A_231, %get3A_232] {strides = array<i32>} : memref<8x1024xf32, #tpu.memory_space<vmem>>, vector<1x16xf32>,
        %get3A_234 = vector.shape_cast %get3A_233 : vector<1x16xf32> to vector<16xf32>
        %swap3A_235 = arith.index_cast %scan3A_187 : i32 to index
        %swap3A_236 = arith.constant 80 : index
        %swap3A_237 = tpu.vector_load %arg9[%swap3A_235, %swap3A_236] {strides = array<i32>} : memref<8x1024xf32, #tpu.memory_space<vmem>>, vector<1x16xf32>,
        %swap3A_238 = vector.shape_cast %swap3A_237 : vector<1x16xf32> to vector<16xf32>
        %swap3A_239 = vector.shape_cast %get3A_234 : vector<16xf32> to vector<1x16xf32>
        tpu.vector_store %arg9[%swap3A_235, %swap3A_236], %swap3A_239 {add = true, strides = array<i32>} : memref<8x1024xf32, #tpu.memory_space<vmem>>, vector<1x16xf32>,
        %get3A_240 = arith.index_cast %scan3A_187 : i32 to index
        %get3A_241 = arith.constant 96 : index
        %get3A_242 = tpu.vector_load %arg13[%get3A_240, %get3A_241] {strides = array<i32>} : memref<8x1024xf32, #tpu.memory_space<vmem>>, vector<1x16xf32>,
        %get3A_243 = vector.shape_cast %get3A_242 : vector<1x16xf32> to vector<16xf32>
        %swap3A_244 = arith.index_cast %scan3A_187 : i32 to index
        %swap3A_245 = arith.constant 96 : index
        %swap3A_246 = tpu.vector_load %arg9[%swap3A_244, %swap3A_245] {strides = array<i32>} : memref<8x1024xf32, #tpu.memory_space<vmem>>, vector<1x16xf32>,
        %swap3A_247 = vector.shape_cast %swap3A_246 : vector<1x16xf32> to vector<16xf32>
        %swap3A_248 = vector.shape_cast %get3A_243 : vector<16xf32> to vector<1x16xf32>
        tpu.vector_store %arg9[%swap3A_244, %swap3A_245], %swap3A_248 {add = true, strides = array<i32>} : memref<8x1024xf32, #tpu.memory_space<vmem>>, vector<1x16xf32>,
        %get3A_249 = arith.index_cast %scan3A_187 : i32 to index
        %get3A_250 = arith.constant 112 : index
        %get3A_251 = tpu.vector_load %arg13[%get3A_249, %get3A_250] {strides = array<i32>} : memref<8x1024xf32, #tpu.memory_space<vmem>>, vector<1x16xf32>,
        %get3A_252 = vector.shape_cast %get3A_251 : vector<1x16xf32> to vector<16xf32>
        %swap3A_253 = arith.index_cast %scan3A_187 : i32 to index
        %swap3A_254 = arith.constant 112 : index
        %swap3A_255 = tpu.vector_load %arg9[%swap3A_253, %swap3A_254] {strides = array<i32>} : memref<8x1024xf32, #tpu.memory_space<vmem>>, vector<1x16xf32>,
        %swap3A_256 = vector.shape_cast %swap3A_255 : vector<1x16xf32> to vector<16xf32>
        %swap3A_257 = vector.shape_cast %get3A_252 : vector<16xf32> to vector<1x16xf32>
        tpu.vector_store %arg9[%swap3A_253, %swap3A_254], %swap3A_257 {add = true, strides = array<i32>} : memref<8x1024xf32, #tpu.memory_space<vmem>>, vector<1x16xf32>,
        %get3A_258 = arith.index_cast %scan3A_187 : i32 to index
        %get3A_259 = arith.constant 128 : index
        %get3A_260 = tpu.vector_load %arg13[%get3A_258, %get3A_259] {strides = array<i32>} : memref<8x1024xf32, #tpu.memory_space<vmem>>, vector<1x16xf32>,
        %get3A_261 = vector.shape_cast %get3A_260 : vector<1x16xf32> to vector<16xf32>
        %swap3A_262 = arith.index_cast %scan3A_187 : i32 to index
        %swap3A_263 = arith.constant 128 : index
        %swap3A_264 = tpu.vector_load %arg9[%swap3A_262, %swap3A_263] {strides = array<i32>} : memref<8x1024xf32, #tpu.memory_space<vmem>>, vector<1x16xf32>,
        %swap3A_265 = vector.shape_cast %swap3A_264 : vector<1x16xf32> to vector<16xf32>
        %swap3A_266 = vector.shape_cast %get3A_261 : vector<16xf32> to vector<1x16xf32>
        tpu.vector_store %arg9[%swap3A_262, %swap3A_263], %swap3A_266 {add = true, strides = array<i32>} : memref<8x1024xf32, #tpu.memory_space<vmem>>, vector<1x16xf32>,
        %get3A_267 = arith.index_cast %scan3A_187 : i32 to index
        %get3A_268 = arith.constant 144 : index
        %get3A_269 = tpu.vector_load %arg13[%get3A_267, %get3A_268] {strides = array<i32>} : memref<8x1024xf32, #tpu.memory_space<vmem>>, vector<1x16xf32>,
        %get3A_270 = vector.shape_cast %get3A_269 : vector<1x16xf32> to vector<16xf32>
        %swap3A_271 = arith.index_cast %scan3A_187 : i32 to index
        %swap3A_272 = arith.constant 144 : index
        %swap3A_273 = tpu.vector_load %arg9[%swap3A_271, %swap3A_272] {strides = array<i32>} : memref<8x1024xf32, #tpu.memory_space<vmem>>, vector<1x16xf32>,
        %swap3A_274 = vector.shape_cast %swap3A_273 : vector<1x16xf32> to vector<16xf32>
        %swap3A_275 = vector.shape_cast %get3A_270 : vector<16xf32> to vector<1x16xf32>
        tpu.vector_store %arg9[%swap3A_271, %swap3A_272], %swap3A_275 {add = true, strides = array<i32>} : memref<8x1024xf32, #tpu.memory_space<vmem>>, vector<1x16xf32>,
        %get3A_276 = arith.index_cast %scan3A_187 : i32 to index
        %get3A_277 = arith.constant 160 : index
        %get3A_278 = tpu.vector_load %arg13[%get3A_276, %get3A_277] {strides = array<i32>} : memref<8x1024xf32, #tpu.memory_space<vmem>>, vector<1x16xf32>,
        %get3A_279 = vector.shape_cast %get3A_278 : vector<1x16xf32> to vector<16xf32>
        %swap3A_280 = arith.index_cast %scan3A_187 : i32 to index
        %swap3A_281 = arith.constant 160 : index
        %swap3A_282 = tpu.vector_load %arg9[%swap3A_280, %swap3A_281] {strides = array<i32>} : memref<8x1024xf32, #tpu.memory_space<vmem>>, vector<1x16xf32>,
        %swap3A_283 = vector.shape_cast %swap3A_282 : vector<1x16xf32> to vector<16xf32>
        %swap3A_284 = vector.shape_cast %get3A_279 : vector<16xf32> to vector<1x16xf32>
        tpu.vector_store %arg9[%swap3A_280, %swap3A_281], %swap3A_284 {add = true, strides = array<i32>} : memref<8x1024xf32, #tpu.memory_space<vmem>>, vector<1x16xf32>,
        %get3A_285 = arith.index_cast %scan3A_187 : i32 to index
        %get3A_286 = arith.constant 176 : index
        %get3A_287 = tpu.vector_load %arg13[%get3A_285, %get3A_286] {strides = array<i32>} : memref<8x1024xf32, #tpu.memory_space<vmem>>, vector<1x16xf32>,
        %get3A_288 = vector.shape_cast %get3A_287 : vector<1x16xf32> to vector<16xf32>
        %swap3A_289 = arith.index_cast %scan3A_187 : i32 to index
        %swap3A_290 = arith.constant 176 : index
        %swap3A_291 = tpu.vector_load %arg9[%swap3A_289, %swap3A_290] {strides = array<i32>} : memref<8x1024xf32, #tpu.memory_space<vmem>>, vector<1x16xf32>,
        %swap3A_292 = vector.shape_cast %swap3A_291 : vector<1x16xf32> to vector<16xf32>
        %swap3A_293 = vector.shape_cast %get3A_288 : vector<16xf32> to vector<1x16xf32>
        tpu.vector_store %arg9[%swap3A_289, %swap3A_290], %swap3A_293 {add = true, strides = array<i32>} : memref<8x1024xf32, #tpu.memory_space<vmem>>, vector<1x16xf32>,
        %get3A_294 = arith.index_cast %scan3A_187 : i32 to index
        %get3A_295 = arith.constant 192 : index
        %get3A_296 = tpu.vector_load %arg13[%get3A_294, %get3A_295] {strides = array<i32>} : memref<8x1024xf32, #tpu.memory_space<vmem>>, vector<1x16xf32>,
        %get3A_297 = vector.shape_cast %get3A_296 : vector<1x16xf32> to vector<16xf32>
        %swap3A_298 = arith.index_cast %scan3A_187 : i32 to index
        %swap3A_299 = arith.constant 192 : index
        %swap3A_300 = tpu.vector_load %arg9[%swap3A_298, %swap3A_299] {strides = array<i32>} : memref<8x1024xf32, #tpu.memory_space<vmem>>, vector<1x16xf32>,
        %swap3A_301 = vector.shape_cast %swap3A_300 : vector<1x16xf32> to vector<16xf32>
        %swap3A_302 = vector.shape_cast %get3A_297 : vector<16xf32> to vector<1x16xf32>
        tpu.vector_store %arg9[%swap3A_298, %swap3A_299], %swap3A_302 {add = true, strides = array<i32>} : memref<8x1024xf32, #tpu.memory_space<vmem>>, vector<1x16xf32>,
        %get3A_303 = arith.index_cast %scan3A_187 : i32 to index
        %get3A_304 = arith.constant 208 : index
        %get3A_305 = tpu.vector_load %arg13[%get3A_303, %get3A_304] {strides = array<i32>} : memref<8x1024xf32, #tpu.memory_space<vmem>>, vector<1x16xf32>,
        %get3A_306 = vector.shape_cast %get3A_305 : vector<1x16xf32> to vector<16xf32>
        %swap3A_307 = arith.index_cast %scan3A_187 : i32 to index
        %swap3A_308 = arith.constant 208 : index
        %swap3A_309 = tpu.vector_load %arg9[%swap3A_307, %swap3A_308] {strides = array<i32>} : memref<8x1024xf32, #tpu.memory_space<vmem>>, vector<1x16xf32>,
        %swap3A_310 = vector.shape_cast %swap3A_309 : vector<1x16xf32> to vector<16xf32>
        %swap3A_311 = vector.shape_cast %get3A_306 : vector<16xf32> to vector<1x16xf32>
        tpu.vector_store %arg9[%swap3A_307, %swap3A_308], %swap3A_311 {add = true, strides = array<i32>} : memref<8x1024xf32, #tpu.memory_space<vmem>>, vector<1x16xf32>,
        %get3A_312 = arith.index_cast %scan3A_187 : i32 to index
        %get3A_313 = arith.constant 224 : index
        %get3A_314 = tpu.vector_load %arg13[%get3A_312, %get3A_313] {strides = array<i32>} : memref<8x1024xf32, #tpu.memory_space<vmem>>, vector<1x16xf32>,
        %get3A_315 = vector.shape_cast %get3A_314 : vector<1x16xf32> to vector<16xf32>
        %swap3A_316 = arith.index_cast %scan3A_187 : i32 to index
        %swap3A_317 = arith.constant 224 : index
        %swap3A_318 = tpu.vector_load %arg9[%swap3A_316, %swap3A_317] {strides = array<i32>} : memref<8x1024xf32, #tpu.memory_space<vmem>>, vector<1x16xf32>,
        %swap3A_319 = vector.shape_cast %swap3A_318 : vector<1x16xf32> to vector<16xf32>
        %swap3A_320 = vector.shape_cast %get3A_315 : vector<16xf32> to vector<1x16xf32>
        tpu.vector_store %arg9[%swap3A_316, %swap3A_317], %swap3A_320 {add = true, strides = array<i32>} : memref<8x1024xf32, #tpu.memory_space<vmem>>, vector<1x16xf32>,
        %get3A_321 = arith.index_cast %scan3A_187 : i32 to index
        %get3A_322 = arith.constant 240 : index
        %get3A_323 = tpu.vector_load %arg13[%get3A_321, %get3A_322] {strides = array<i32>} : memref<8x1024xf32, #tpu.memory_space<vmem>>, vector<1x16xf32>,
        %get3A_324 = vector.shape_cast %get3A_323 : vector<1x16xf32> to vector<16xf32>
        %swap3A_325 = arith.index_cast %scan3A_187 : i32 to index
        %swap3A_326 = arith.constant 240 : index
        %swap3A_327 = tpu.vector_load %arg9[%swap3A_325, %swap3A_326] {strides = array<i32>} : memref<8x1024xf32, #tpu.memory_space<vmem>>, vector<1x16xf32>,
        %swap3A_328 = vector.shape_cast %swap3A_327 : vector<1x16xf32> to vector<16xf32>
        %swap3A_329 = vector.shape_cast %get3A_324 : vector<16xf32> to vector<1x16xf32>
        tpu.vector_store %arg9[%swap3A_325, %swap3A_326], %swap3A_329 {add = true, strides = array<i32>} : memref<8x1024xf32, #tpu.memory_space<vmem>>, vector<1x16xf32>,
        %get3A_330 = arith.index_cast %scan3A_187 : i32 to index
        %get3A_331 = arith.constant 256 : index
        %get3A_332 = tpu.vector_load %arg13[%get3A_330, %get3A_331] {strides = array<i32>} : memref<8x1024xf32, #tpu.memory_space<vmem>>, vector<1x16xf32>,
        %get3A_333 = vector.shape_cast %get3A_332 : vector<1x16xf32> to vector<16xf32>
        %swap3A_334 = arith.index_cast %scan3A_187 : i32 to index
        %swap3A_335 = arith.constant 256 : index
        %swap3A_336 = tpu.vector_load %arg9[%swap3A_334, %swap3A_335] {strides = array<i32>} : memref<8x1024xf32, #tpu.memory_space<vmem>>, vector<1x16xf32>,
        %swap3A_337 = vector.shape_cast %swap3A_336 : vector<1x16xf32> to vector<16xf32>
        %swap3A_338 = vector.shape_cast %get3A_333 : vector<16xf32> to vector<1x16xf32>
        tpu.vector_store %arg9[%swap3A_334, %swap3A_335], %swap3A_338 {add = true, strides = array<i32>} : memref<8x1024xf32, #tpu.memory_space<vmem>>, vector<1x16xf32>,
        %get3A_339 = arith.index_cast %scan3A_187 : i32 to index
        %get3A_340 = arith.constant 272 : index
        %get3A_341 = tpu.vector_load %arg13[%get3A_339, %get3A_340] {strides = array<i32>} : memref<8x1024xf32, #tpu.memory_space<vmem>>, vector<1x16xf32>,
        %get3A_342 = vector.shape_cast %get3A_341 : vector<1x16xf32> to vector<16xf32>
        %swap3A_343 = arith.index_cast %scan3A_187 : i32 to index
        %swap3A_344 = arith.constant 272 : index
        %swap3A_345 = tpu.vector_load %arg9[%swap3A_343, %swap3A_344] {strides = array<i32>} : memref<8x1024xf32, #tpu.memory_space<vmem>>, vector<1x16xf32>,
        %swap3A_346 = vector.shape_cast %swap3A_345 : vector<1x16xf32> to vector<16xf32>
        %swap3A_347 = vector.shape_cast %get3A_342 : vector<16xf32> to vector<1x16xf32>
        tpu.vector_store %arg9[%swap3A_343, %swap3A_344], %swap3A_347 {add = true, strides = array<i32>} : memref<8x1024xf32, #tpu.memory_space<vmem>>, vector<1x16xf32>,
        %get3A_348 = arith.index_cast %scan3A_187 : i32 to index
        %get3A_349 = arith.constant 288 : index
        %get3A_350 = tpu.vector_load %arg13[%get3A_348, %get3A_349] {strides = array<i32>} : memref<8x1024xf32, #tpu.memory_space<vmem>>, vector<1x16xf32>,
        %get3A_351 = vector.shape_cast %get3A_350 : vector<1x16xf32> to vector<16xf32>
        %swap3A_352 = arith.index_cast %scan3A_187 : i32 to index
        %swap3A_353 = arith.constant 288 : index
        %swap3A_354 = tpu.vector_load %arg9[%swap3A_352, %swap3A_353] {strides = array<i32>} : memref<8x1024xf32, #tpu.memory_space<vmem>>, vector<1x16xf32>,
        %swap3A_355 = vector.shape_cast %swap3A_354 : vector<1x16xf32> to vector<16xf32>
        %swap3A_356 = vector.shape_cast %get3A_351 : vector<16xf32> to vector<1x16xf32>
        tpu.vector_store %arg9[%swap3A_352, %swap3A_353], %swap3A_356 {add = true, strides = array<i32>} : memref<8x1024xf32, #tpu.memory_space<vmem>>, vector<1x16xf32>,
        %get3A_357 = arith.index_cast %scan3A_187 : i32 to index
        %get3A_358 = arith.constant 304 : index
        %get3A_359 = tpu.vector_load %arg13[%get3A_357, %get3A_358] {strides = array<i32>} : memref<8x1024xf32, #tpu.memory_space<vmem>>, vector<1x16xf32>,
        %get3A_360 = vector.shape_cast %get3A_359 : vector<1x16xf32> to vector<16xf32>
        %swap3A_361 = arith.index_cast %scan3A_187 : i32 to index
        %swap3A_362 = arith.constant 304 : index
        %swap3A_363 = tpu.vector_load %arg9[%swap3A_361, %swap3A_362] {strides = array<i32>} : memref<8x1024xf32, #tpu.memory_space<vmem>>, vector<1x16xf32>,
        %swap3A_364 = vector.shape_cast %swap3A_363 : vector<1x16xf32> to vector<16xf32>
        %swap3A_365 = vector.shape_cast %get3A_360 : vector<16xf32> to vector<1x16xf32>
        tpu.vector_store %arg9[%swap3A_361, %swap3A_362], %swap3A_365 {add = true, strides = array<i32>} : memref<8x1024xf32, #tpu.memory_space<vmem>>, vector<1x16xf32>,
        %get3A_366 = arith.index_cast %scan3A_187 : i32 to index
        %get3A_367 = arith.constant 320 : index
        %get3A_368 = tpu.vector_load %arg13[%get3A_366, %get3A_367] {strides = array<i32>} : memref<8x1024xf32, #tpu.memory_space<vmem>>, vector<1x16xf32>,
        %get3A_369 = vector.shape_cast %get3A_368 : vector<1x16xf32> to vector<16xf32>
        %swap3A_370 = arith.index_cast %scan3A_187 : i32 to index
        %swap3A_371 = arith.constant 320 : index
        %swap3A_372 = tpu.vector_load %arg9[%swap3A_370, %swap3A_371] {strides = array<i32>} : memref<8x1024xf32, #tpu.memory_space<vmem>>, vector<1x16xf32>,
        %swap3A_373 = vector.shape_cast %swap3A_372 : vector<1x16xf32> to vector<16xf32>
        %swap3A_374 = vector.shape_cast %get3A_369 : vector<16xf32> to vector<1x16xf32>
        tpu.vector_store %arg9[%swap3A_370, %swap3A_371], %swap3A_374 {add = true, strides = array<i32>} : memref<8x1024xf32, #tpu.memory_space<vmem>>, vector<1x16xf32>,
        %get3A_375 = arith.index_cast %scan3A_187 : i32 to index
        %get3A_376 = arith.constant 336 : index
        %get3A_377 = tpu.vector_load %arg13[%get3A_375, %get3A_376] {strides = array<i32>} : memref<8x1024xf32, #tpu.memory_space<vmem>>, vector<1x16xf32>,
        %get3A_378 = vector.shape_cast %get3A_377 : vector<1x16xf32> to vector<16xf32>
        %swap3A_379 = arith.index_cast %scan3A_187 : i32 to index
        %swap3A_380 = arith.constant 336 : index
        %swap3A_381 = tpu.vector_load %arg9[%swap3A_379, %swap3A_380] {strides = array<i32>} : memref<8x1024xf32, #tpu.memory_space<vmem>>, vector<1x16xf32>,
        %swap3A_382 = vector.shape_cast %swap3A_381 : vector<1x16xf32> to vector<16xf32>
        %swap3A_383 = vector.shape_cast %get3A_378 : vector<16xf32> to vector<1x16xf32>
        tpu.vector_store %arg9[%swap3A_379, %swap3A_380], %swap3A_383 {add = true, strides = array<i32>} : memref<8x1024xf32, #tpu.memory_space<vmem>>, vector<1x16xf32>,
        %get3A_384 = arith.index_cast %scan3A_187 : i32 to index
        %get3A_385 = arith.constant 352 : index
        %get3A_386 = tpu.vector_load %arg13[%get3A_384, %get3A_385] {strides = array<i32>} : memref<8x1024xf32, #tpu.memory_space<vmem>>, vector<1x16xf32>,
        %get3A_387 = vector.shape_cast %get3A_386 : vector<1x16xf32> to vector<16xf32>
        %swap3A_388 = arith.index_cast %scan3A_187 : i32 to index
        %swap3A_389 = arith.constant 352 : index
        %swap3A_390 = tpu.vector_load %arg9[%swap3A_388, %swap3A_389] {strides = array<i32>} : memref<8x1024xf32, #tpu.memory_space<vmem>>, vector<1x16xf32>,
        %swap3A_391 = vector.shape_cast %swap3A_390 : vector<1x16xf32> to vector<16xf32>
        %swap3A_392 = vector.shape_cast %get3A_387 : vector<16xf32> to vector<1x16xf32>
        tpu.vector_store %arg9[%swap3A_388, %swap3A_389], %swap3A_392 {add = true, strides = array<i32>} : memref<8x1024xf32, #tpu.memory_space<vmem>>, vector<1x16xf32>,
        %get3A_393 = arith.index_cast %scan3A_187 : i32 to index
        %get3A_394 = arith.constant 368 : index
        %get3A_395 = tpu.vector_load %arg13[%get3A_393, %get3A_394] {strides = array<i32>} : memref<8x1024xf32, #tpu.memory_space<vmem>>, vector<1x16xf32>,
        %get3A_396 = vector.shape_cast %get3A_395 : vector<1x16xf32> to vector<16xf32>
        %swap3A_397 = arith.index_cast %scan3A_187 : i32 to index
        %swap3A_398 = arith.constant 368 : index
        %swap3A_399 = tpu.vector_load %arg9[%swap3A_397, %swap3A_398] {strides = array<i32>} : memref<8x1024xf32, #tpu.memory_space<vmem>>, vector<1x16xf32>,
        %swap3A_400 = vector.shape_cast %swap3A_399 : vector<1x16xf32> to vector<16xf32>
        %swap3A_401 = vector.shape_cast %get3A_396 : vector<16xf32> to vector<1x16xf32>
        tpu.vector_store %arg9[%swap3A_397, %swap3A_398], %swap3A_401 {add = true, strides = array<i32>} : memref<8x1024xf32, #tpu.memory_space<vmem>>, vector<1x16xf32>,
        %get3A_402 = arith.index_cast %scan3A_187 : i32 to index
        %get3A_403 = arith.constant 384 : index
        %get3A_404 = tpu.vector_load %arg13[%get3A_402, %get3A_403] {strides = array<i32>} : memref<8x1024xf32, #tpu.memory_space<vmem>>, vector<1x16xf32>,
        %get3A_405 = vector.shape_cast %get3A_404 : vector<1x16xf32> to vector<16xf32>
        %swap3A_406 = arith.index_cast %scan3A_187 : i32 to index
        %swap3A_407 = arith.constant 384 : index
        %swap3A_408 = tpu.vector_load %arg9[%swap3A_406, %swap3A_407] {strides = array<i32>} : memref<8x1024xf32, #tpu.memory_space<vmem>>, vector<1x16xf32>,
        %swap3A_409 = vector.shape_cast %swap3A_408 : vector<1x16xf32> to vector<16xf32>
        %swap3A_410 = vector.shape_cast %get3A_405 : vector<16xf32> to vector<1x16xf32>
        tpu.vector_store %arg9[%swap3A_406, %swap3A_407], %swap3A_410 {add = true, strides = array<i32>} : memref<8x1024xf32, #tpu.memory_space<vmem>>, vector<1x16xf32>,
        %get3A_411 = arith.index_cast %scan3A_187 : i32 to index
        %get3A_412 = arith.constant 400 : index
        %get3A_413 = tpu.vector_load %arg13[%get3A_411, %get3A_412] {strides = array<i32>} : memref<8x1024xf32, #tpu.memory_space<vmem>>, vector<1x16xf32>,
        %get3A_414 = vector.shape_cast %get3A_413 : vector<1x16xf32> to vector<16xf32>
        %swap3A_415 = arith.index_cast %scan3A_187 : i32 to index
        %swap3A_416 = arith.constant 400 : index
        %swap3A_417 = tpu.vector_load %arg9[%swap3A_415, %swap3A_416] {strides = array<i32>} : memref<8x1024xf32, #tpu.memory_space<vmem>>, vector<1x16xf32>,
        %swap3A_418 = vector.shape_cast %swap3A_417 : vector<1x16xf32> to vector<16xf32>
        %swap3A_419 = vector.shape_cast %get3A_414 : vector<16xf32> to vector<1x16xf32>
        tpu.vector_store %arg9[%swap3A_415, %swap3A_416], %swap3A_419 {add = true, strides = array<i32>} : memref<8x1024xf32, #tpu.memory_space<vmem>>, vector<1x16xf32>,
        %get3A_420 = arith.index_cast %scan3A_187 : i32 to index
        %get3A_421 = arith.constant 416 : index
        %get3A_422 = tpu.vector_load %arg13[%get3A_420, %get3A_421] {strides = array<i32>} : memref<8x1024xf32, #tpu.memory_space<vmem>>, vector<1x16xf32>,
        %get3A_423 = vector.shape_cast %get3A_422 : vector<1x16xf32> to vector<16xf32>
        %swap3A_424 = arith.index_cast %scan3A_187 : i32 to index
        %swap3A_425 = arith.constant 416 : index
        %swap3A_426 = tpu.vector_load %arg9[%swap3A_424, %swap3A_425] {strides = array<i32>} : memref<8x1024xf32, #tpu.memory_space<vmem>>, vector<1x16xf32>,
        %swap3A_427 = vector.shape_cast %swap3A_426 : vector<1x16xf32> to vector<16xf32>
        %swap3A_428 = vector.shape_cast %get3A_423 : vector<16xf32> to vector<1x16xf32>
        tpu.vector_store %arg9[%swap3A_424, %swap3A_425], %swap3A_428 {add = true, strides = array<i32>} : memref<8x1024xf32, #tpu.memory_space<vmem>>, vector<1x16xf32>,
        %get3A_429 = arith.index_cast %scan3A_187 : i32 to index
        %get3A_430 = arith.constant 432 : index
        %get3A_431 = tpu.vector_load %arg13[%get3A_429, %get3A_430] {strides = array<i32>} : memref<8x1024xf32, #tpu.memory_space<vmem>>, vector<1x16xf32>,
        %get3A_432 = vector.shape_cast %get3A_431 : vector<1x16xf32> to vector<16xf32>
        %swap3A_433 = arith.index_cast %scan3A_187 : i32 to index
        %swap3A_434 = arith.constant 432 : index
        %swap3A_435 = tpu.vector_load %arg9[%swap3A_433, %swap3A_434] {strides = array<i32>} : memref<8x1024xf32, #tpu.memory_space<vmem>>, vector<1x16xf32>,
        %swap3A_436 = vector.shape_cast %swap3A_435 : vector<1x16xf32> to vector<16xf32>
        %swap3A_437 = vector.shape_cast %get3A_432 : vector<16xf32> to vector<1x16xf32>
        tpu.vector_store %arg9[%swap3A_433, %swap3A_434], %swap3A_437 {add = true, strides = array<i32>} : memref<8x1024xf32, #tpu.memory_space<vmem>>, vector<1x16xf32>,
        %get3A_438 = arith.index_cast %scan3A_187 : i32 to index
        %get3A_439 = arith.constant 448 : index
        %get3A_440 = tpu.vector_load %arg13[%get3A_438, %get3A_439] {strides = array<i32>} : memref<8x1024xf32, #tpu.memory_space<vmem>>, vector<1x16xf32>,
        %get3A_441 = vector.shape_cast %get3A_440 : vector<1x16xf32> to vector<16xf32>
        %swap3A_442 = arith.index_cast %scan3A_187 : i32 to index
        %swap3A_443 = arith.constant 448 : index
        %swap3A_444 = tpu.vector_load %arg9[%swap3A_442, %swap3A_443] {strides = array<i32>} : memref<8x1024xf32, #tpu.memory_space<vmem>>, vector<1x16xf32>,
        %swap3A_445 = vector.shape_cast %swap3A_444 : vector<1x16xf32> to vector<16xf32>
        %swap3A_446 = vector.shape_cast %get3A_441 : vector<16xf32> to vector<1x16xf32>
        tpu.vector_store %arg9[%swap3A_442, %swap3A_443], %swap3A_446 {add = true, strides = array<i32>} : memref<8x1024xf32, #tpu.memory_space<vmem>>, vector<1x16xf32>,
        %get3A_447 = arith.index_cast %scan3A_187 : i32 to index
        %get3A_448 = arith.constant 464 : index
        %get3A_449 = tpu.vector_load %arg13[%get3A_447, %get3A_448] {strides = array<i32>} : memref<8x1024xf32, #tpu.memory_space<vmem>>, vector<1x16xf32>,
        %get3A_450 = vector.shape_cast %get3A_449 : vector<1x16xf32> to vector<16xf32>
        %swap3A_451 = arith.index_cast %scan3A_187 : i32 to index
        %swap3A_452 = arith.constant 464 : index
        %swap3A_453 = tpu.vector_load %arg9[%swap3A_451, %swap3A_452] {strides = array<i32>} : memref<8x1024xf32, #tpu.memory_space<vmem>>, vector<1x16xf32>,
        %swap3A_454 = vector.shape_cast %swap3A_453 : vector<1x16xf32> to vector<16xf32>
        %swap3A_455 = vector.shape_cast %get3A_450 : vector<16xf32> to vector<1x16xf32>
        tpu.vector_store %arg9[%swap3A_451, %swap3A_452], %swap3A_455 {add = true, strides = array<i32>} : memref<8x1024xf32, #tpu.memory_space<vmem>>, vector<1x16xf32>,
        %get3A_456 = arith.index_cast %scan3A_187 : i32 to index
        %get3A_457 = arith.constant 480 : index
        %get3A_458 = tpu.vector_load %arg13[%get3A_456, %get3A_457] {strides = array<i32>} : memref<8x1024xf32, #tpu.memory_space<vmem>>, vector<1x16xf32>,
        %get3A_459 = vector.shape_cast %get3A_458 : vector<1x16xf32> to vector<16xf32>
        %swap3A_460 = arith.index_cast %scan3A_187 : i32 to index
        %swap3A_461 = arith.constant 480 : index
        %swap3A_462 = tpu.vector_load %arg9[%swap3A_460, %swap3A_461] {strides = array<i32>} : memref<8x1024xf32, #tpu.memory_space<vmem>>, vector<1x16xf32>,
        %swap3A_463 = vector.shape_cast %swap3A_462 : vector<1x16xf32> to vector<16xf32>
        %swap3A_464 = vector.shape_cast %get3A_459 : vector<16xf32> to vector<1x16xf32>
        tpu.vector_store %arg9[%swap3A_460, %swap3A_461], %swap3A_464 {add = true, strides = array<i32>} : memref<8x1024xf32, #tpu.memory_space<vmem>>, vector<1x16xf32>,
        %get3A_465 = arith.index_cast %scan3A_187 : i32 to index
        %get3A_466 = arith.constant 496 : index
        %get3A_467 = tpu.vector_load %arg13[%get3A_465, %get3A_466] {strides = array<i32>} : memref<8x1024xf32, #tpu.memory_space<vmem>>, vector<1x16xf32>,
        %get3A_468 = vector.shape_cast %get3A_467 : vector<1x16xf32> to vector<16xf32>
        %swap3A_469 = arith.index_cast %scan3A_187 : i32 to index
        %swap3A_470 = arith.constant 496 : index
        %swap3A_471 = tpu.vector_load %arg9[%swap3A_469, %swap3A_470] {strides = array<i32>} : memref<8x1024xf32, #tpu.memory_space<vmem>>, vector<1x16xf32>,
        %swap3A_472 = vector.shape_cast %swap3A_471 : vector<1x16xf32> to vector<16xf32>
        %swap3A_473 = vector.shape_cast %get3A_468 : vector<16xf32> to vector<1x16xf32>
        tpu.vector_store %arg9[%swap3A_469, %swap3A_470], %swap3A_473 {add = true, strides = array<i32>} : memref<8x1024xf32, #tpu.memory_space<vmem>>, vector<1x16xf32>,
        %get3A_474 = arith.index_cast %scan3A_187 : i32 to index
        %get3A_475 = arith.constant 512 : index
        %get3A_476 = tpu.vector_load %arg13[%get3A_474, %get3A_475] {strides = array<i32>} : memref<8x1024xf32, #tpu.memory_space<vmem>>, vector<1x16xf32>,
        %get3A_477 = vector.shape_cast %get3A_476 : vector<1x16xf32> to vector<16xf32>
        %swap3A_478 = arith.index_cast %scan3A_187 : i32 to index
        %swap3A_479 = arith.constant 512 : index
        %swap3A_480 = tpu.vector_load %arg9[%swap3A_478, %swap3A_479] {strides = array<i32>} : memref<8x1024xf32, #tpu.memory_space<vmem>>, vector<1x16xf32>,
        %swap3A_481 = vector.shape_cast %swap3A_480 : vector<1x16xf32> to vector<16xf32>
        %swap3A_482 = vector.shape_cast %get3A_477 : vector<16xf32> to vector<1x16xf32>
        tpu.vector_store %arg9[%swap3A_478, %swap3A_479], %swap3A_482 {add = true, strides = array<i32>} : memref<8x1024xf32, #tpu.memory_space<vmem>>, vector<1x16xf32>,
        %get3A_483 = arith.index_cast %scan3A_187 : i32 to index
        %get3A_484 = arith.constant 528 : index
        %get3A_485 = tpu.vector_load %arg13[%get3A_483, %get3A_484] {strides = array<i32>} : memref<8x1024xf32, #tpu.memory_space<vmem>>, vector<1x16xf32>,
        %get3A_486 = vector.shape_cast %get3A_485 : vector<1x16xf32> to vector<16xf32>
        %swap3A_487 = arith.index_cast %scan3A_187 : i32 to index
        %swap3A_488 = arith.constant 528 : index
        %swap3A_489 = tpu.vector_load %arg9[%swap3A_487, %swap3A_488] {strides = array<i32>} : memref<8x1024xf32, #tpu.memory_space<vmem>>, vector<1x16xf32>,
        %swap3A_490 = vector.shape_cast %swap3A_489 : vector<1x16xf32> to vector<16xf32>
        %swap3A_491 = vector.shape_cast %get3A_486 : vector<16xf32> to vector<1x16xf32>
        tpu.vector_store %arg9[%swap3A_487, %swap3A_488], %swap3A_491 {add = true, strides = array<i32>} : memref<8x1024xf32, #tpu.memory_space<vmem>>, vector<1x16xf32>,
        %get3A_492 = arith.index_cast %scan3A_187 : i32 to index
        %get3A_493 = arith.constant 544 : index
        %get3A_494 = tpu.vector_load %arg13[%get3A_492, %get3A_493] {strides = array<i32>} : memref<8x1024xf32, #tpu.memory_space<vmem>>, vector<1x16xf32>,
        %get3A_495 = vector.shape_cast %get3A_494 : vector<1x16xf32> to vector<16xf32>
        %swap3A_496 = arith.index_cast %scan3A_187 : i32 to index
        %swap3A_497 = arith.constant 544 : index
        %swap3A_498 = tpu.vector_load %arg9[%swap3A_496, %swap3A_497] {strides = array<i32>} : memref<8x1024xf32, #tpu.memory_space<vmem>>, vector<1x16xf32>,
        %swap3A_499 = vector.shape_cast %swap3A_498 : vector<1x16xf32> to vector<16xf32>
        %swap3A_500 = vector.shape_cast %get3A_495 : vector<16xf32> to vector<1x16xf32>
        tpu.vector_store %arg9[%swap3A_496, %swap3A_497], %swap3A_500 {add = true, strides = array<i32>} : memref<8x1024xf32, #tpu.memory_space<vmem>>, vector<1x16xf32>,
        %get3A_501 = arith.index_cast %scan3A_187 : i32 to index
        %get3A_502 = arith.constant 560 : index
        %get3A_503 = tpu.vector_load %arg13[%get3A_501, %get3A_502] {strides = array<i32>} : memref<8x1024xf32, #tpu.memory_space<vmem>>, vector<1x16xf32>,
        %get3A_504 = vector.shape_cast %get3A_503 : vector<1x16xf32> to vector<16xf32>
        %swap3A_505 = arith.index_cast %scan3A_187 : i32 to index
        %swap3A_506 = arith.constant 560 : index
        %swap3A_507 = tpu.vector_load %arg9[%swap3A_505, %swap3A_506] {strides = array<i32>} : memref<8x1024xf32, #tpu.memory_space<vmem>>, vector<1x16xf32>,
        %swap3A_508 = vector.shape_cast %swap3A_507 : vector<1x16xf32> to vector<16xf32>
        %swap3A_509 = vector.shape_cast %get3A_504 : vector<16xf32> to vector<1x16xf32>
        tpu.vector_store %arg9[%swap3A_505, %swap3A_506], %swap3A_509 {add = true, strides = array<i32>} : memref<8x1024xf32, #tpu.memory_space<vmem>>, vector<1x16xf32>,
        %get3A_510 = arith.index_cast %scan3A_187 : i32 to index
        %get3A_511 = arith.constant 576 : index
        %get3A_512 = tpu.vector_load %arg13[%get3A_510, %get3A_511] {strides = array<i32>} : memref<8x1024xf32, #tpu.memory_space<vmem>>, vector<1x16xf32>,
        %get3A_513 = vector.shape_cast %get3A_512 : vector<1x16xf32> to vector<16xf32>
        %swap3A_514 = arith.index_cast %scan3A_187 : i32 to index
        %swap3A_515 = arith.constant 576 : index
        %swap3A_516 = tpu.vector_load %arg9[%swap3A_514, %swap3A_515] {strides = array<i32>} : memref<8x1024xf32, #tpu.memory_space<vmem>>, vector<1x16xf32>,
        %swap3A_517 = vector.shape_cast %swap3A_516 : vector<1x16xf32> to vector<16xf32>
        %swap3A_518 = vector.shape_cast %get3A_513 : vector<16xf32> to vector<1x16xf32>
        tpu.vector_store %arg9[%swap3A_514, %swap3A_515], %swap3A_518 {add = true, strides = array<i32>} : memref<8x1024xf32, #tpu.memory_space<vmem>>, vector<1x16xf32>,
        %get3A_519 = arith.index_cast %scan3A_187 : i32 to index
        %get3A_520 = arith.constant 592 : index
        %get3A_521 = tpu.vector_load %arg13[%get3A_519, %get3A_520] {strides = array<i32>} : memref<8x1024xf32, #tpu.memory_space<vmem>>, vector<1x16xf32>,
        %get3A_522 = vector.shape_cast %get3A_521 : vector<1x16xf32> to vector<16xf32>
        %swap3A_523 = arith.index_cast %scan3A_187 : i32 to index
        %swap3A_524 = arith.constant 592 : index
        %swap3A_525 = tpu.vector_load %arg9[%swap3A_523, %swap3A_524] {strides = array<i32>} : memref<8x1024xf32, #tpu.memory_space<vmem>>, vector<1x16xf32>,
        %swap3A_526 = vector.shape_cast %swap3A_525 : vector<1x16xf32> to vector<16xf32>
        %swap3A_527 = vector.shape_cast %get3A_522 : vector<16xf32> to vector<1x16xf32>
        tpu.vector_store %arg9[%swap3A_523, %swap3A_524], %swap3A_527 {add = true, strides = array<i32>} : memref<8x1024xf32, #tpu.memory_space<vmem>>, vector<1x16xf32>,
        %get3A_528 = arith.index_cast %scan3A_187 : i32 to index
        %get3A_529 = arith.constant 608 : index
        %get3A_530 = tpu.vector_load %arg13[%get3A_528, %get3A_529] {strides = array<i32>} : memref<8x1024xf32, #tpu.memory_space<vmem>>, vector<1x16xf32>,
        %get3A_531 = vector.shape_cast %get3A_530 : vector<1x16xf32> to vector<16xf32>
        %swap3A_532 = arith.index_cast %scan3A_187 : i32 to index
        %swap3A_533 = arith.constant 608 : index
        %swap3A_534 = tpu.vector_load %arg9[%swap3A_532, %swap3A_533] {strides = array<i32>} : memref<8x1024xf32, #tpu.memory_space<vmem>>, vector<1x16xf32>,
        %swap3A_535 = vector.shape_cast %swap3A_534 : vector<1x16xf32> to vector<16xf32>
        %swap3A_536 = vector.shape_cast %get3A_531 : vector<16xf32> to vector<1x16xf32>
        tpu.vector_store %arg9[%swap3A_532, %swap3A_533], %swap3A_536 {add = true, strides = array<i32>} : memref<8x1024xf32, #tpu.memory_space<vmem>>, vector<1x16xf32>,
        %get3A_537 = arith.index_cast %scan3A_187 : i32 to index
        %get3A_538 = arith.constant 624 : index
        %get3A_539 = tpu.vector_load %arg13[%get3A_537, %get3A_538] {strides = array<i32>} : memref<8x1024xf32, #tpu.memory_space<vmem>>, vector<1x16xf32>,
        %get3A_540 = vector.shape_cast %get3A_539 : vector<1x16xf32> to vector<16xf32>
        %swap3A_541 = arith.index_cast %scan3A_187 : i32 to index
        %swap3A_542 = arith.constant 624 : index
        %swap3A_543 = tpu.vector_load %arg9[%swap3A_541, %swap3A_542] {strides = array<i32>} : memref<8x1024xf32, #tpu.memory_space<vmem>>, vector<1x16xf32>,
        %swap3A_544 = vector.shape_cast %swap3A_543 : vector<1x16xf32> to vector<16xf32>
        %swap3A_545 = vector.shape_cast %get3A_540 : vector<16xf32> to vector<1x16xf32>
        tpu.vector_store %arg9[%swap3A_541, %swap3A_542], %swap3A_545 {add = true, strides = array<i32>} : memref<8x1024xf32, #tpu.memory_space<vmem>>, vector<1x16xf32>,
        %get3A_546 = arith.index_cast %scan3A_187 : i32 to index
        %get3A_547 = arith.constant 640 : index
        %get3A_548 = tpu.vector_load %arg13[%get3A_546, %get3A_547] {strides = array<i32>} : memref<8x1024xf32, #tpu.memory_space<vmem>>, vector<1x16xf32>,
        %get3A_549 = vector.shape_cast %get3A_548 : vector<1x16xf32> to vector<16xf32>
        %swap3A_550 = arith.index_cast %scan3A_187 : i32 to index
        %swap3A_551 = arith.constant 640 : index
        %swap3A_552 = tpu.vector_load %arg9[%swap3A_550, %swap3A_551] {strides = array<i32>} : memref<8x1024xf32, #tpu.memory_space<vmem>>, vector<1x16xf32>,
        %swap3A_553 = vector.shape_cast %swap3A_552 : vector<1x16xf32> to vector<16xf32>
        %swap3A_554 = vector.shape_cast %get3A_549 : vector<16xf32> to vector<1x16xf32>
        tpu.vector_store %arg9[%swap3A_550, %swap3A_551], %swap3A_554 {add = true, strides = array<i32>} : memref<8x1024xf32, #tpu.memory_space<vmem>>, vector<1x16xf32>,
        %get3A_555 = arith.index_cast %scan3A_187 : i32 to index
        %get3A_556 = arith.constant 656 : index
        %get3A_557 = tpu.vector_load %arg13[%get3A_555, %get3A_556] {strides = array<i32>} : memref<8x1024xf32, #tpu.memory_space<vmem>>, vector<1x16xf32>,
        %get3A_558 = vector.shape_cast %get3A_557 : vector<1x16xf32> to vector<16xf32>
        %swap3A_559 = arith.index_cast %scan3A_187 : i32 to index
        %swap3A_560 = arith.constant 656 : index
        %swap3A_561 = tpu.vector_load %arg9[%swap3A_559, %swap3A_560] {strides = array<i32>} : memref<8x1024xf32, #tpu.memory_space<vmem>>, vector<1x16xf32>,
        %swap3A_562 = vector.shape_cast %swap3A_561 : vector<1x16xf32> to vector<16xf32>
        %swap3A_563 = vector.shape_cast %get3A_558 : vector<16xf32> to vector<1x16xf32>
        tpu.vector_store %arg9[%swap3A_559, %swap3A_560], %swap3A_563 {add = true, strides = array<i32>} : memref<8x1024xf32, #tpu.memory_space<vmem>>, vector<1x16xf32>,
        %get3A_564 = arith.index_cast %scan3A_187 : i32 to index
        %get3A_565 = arith.constant 672 : index
        %get3A_566 = tpu.vector_load %arg13[%get3A_564, %get3A_565] {strides = array<i32>} : memref<8x1024xf32, #tpu.memory_space<vmem>>, vector<1x16xf32>,
        %get3A_567 = vector.shape_cast %get3A_566 : vector<1x16xf32> to vector<16xf32>
        %swap3A_568 = arith.index_cast %scan3A_187 : i32 to index
        %swap3A_569 = arith.constant 672 : index
        %swap3A_570 = tpu.vector_load %arg9[%swap3A_568, %swap3A_569] {strides = array<i32>} : memref<8x1024xf32, #tpu.memory_space<vmem>>, vector<1x16xf32>,
        %swap3A_571 = vector.shape_cast %swap3A_570 : vector<1x16xf32> to vector<16xf32>
        %swap3A_572 = vector.shape_cast %get3A_567 : vector<16xf32> to vector<1x16xf32>
        tpu.vector_store %arg9[%swap3A_568, %swap3A_569], %swap3A_572 {add = true, strides = array<i32>} : memref<8x1024xf32, #tpu.memory_space<vmem>>, vector<1x16xf32>,
        %get3A_573 = arith.index_cast %scan3A_187 : i32 to index
        %get3A_574 = arith.constant 688 : index
        %get3A_575 = tpu.vector_load %arg13[%get3A_573, %get3A_574] {strides = array<i32>} : memref<8x1024xf32, #tpu.memory_space<vmem>>, vector<1x16xf32>,
        %get3A_576 = vector.shape_cast %get3A_575 : vector<1x16xf32> to vector<16xf32>
        %swap3A_577 = arith.index_cast %scan3A_187 : i32 to index
        %swap3A_578 = arith.constant 688 : index
        %swap3A_579 = tpu.vector_load %arg9[%swap3A_577, %swap3A_578] {strides = array<i32>} : memref<8x1024xf32, #tpu.memory_space<vmem>>, vector<1x16xf32>,
        %swap3A_580 = vector.shape_cast %swap3A_579 : vector<1x16xf32> to vector<16xf32>
        %swap3A_581 = vector.shape_cast %get3A_576 : vector<16xf32> to vector<1x16xf32>
        tpu.vector_store %arg9[%swap3A_577, %swap3A_578], %swap3A_581 {add = true, strides = array<i32>} : memref<8x1024xf32, #tpu.memory_space<vmem>>, vector<1x16xf32>,
        %get3A_582 = arith.index_cast %scan3A_187 : i32 to index
        %get3A_583 = arith.constant 704 : index
        %get3A_584 = tpu.vector_load %arg13[%get3A_582, %get3A_583] {strides = array<i32>} : memref<8x1024xf32, #tpu.memory_space<vmem>>, vector<1x16xf32>,
        %get3A_585 = vector.shape_cast %get3A_584 : vector<1x16xf32> to vector<16xf32>
        %swap3A_586 = arith.index_cast %scan3A_187 : i32 to index
        %swap3A_587 = arith.constant 704 : index
        %swap3A_588 = tpu.vector_load %arg9[%swap3A_586, %swap3A_587] {strides = array<i32>} : memref<8x1024xf32, #tpu.memory_space<vmem>>, vector<1x16xf32>,
        %swap3A_589 = vector.shape_cast %swap3A_588 : vector<1x16xf32> to vector<16xf32>
        %swap3A_590 = vector.shape_cast %get3A_585 : vector<16xf32> to vector<1x16xf32>
        tpu.vector_store %arg9[%swap3A_586, %swap3A_587], %swap3A_590 {add = true, strides = array<i32>} : memref<8x1024xf32, #tpu.memory_space<vmem>>, vector<1x16xf32>,
        %get3A_591 = arith.index_cast %scan3A_187 : i32 to index
        %get3A_592 = arith.constant 720 : index
        %get3A_593 = tpu.vector_load %arg13[%get3A_591, %get3A_592] {strides = array<i32>} : memref<8x1024xf32, #tpu.memory_space<vmem>>, vector<1x16xf32>,
        %get3A_594 = vector.shape_cast %get3A_593 : vector<1x16xf32> to vector<16xf32>
        %swap3A_595 = arith.index_cast %scan3A_187 : i32 to index
        %swap3A_596 = arith.constant 720 : index
        %swap3A_597 = tpu.vector_load %arg9[%swap3A_595, %swap3A_596] {strides = array<i32>} : memref<8x1024xf32, #tpu.memory_space<vmem>>, vector<1x16xf32>,
        %swap3A_598 = vector.shape_cast %swap3A_597 : vector<1x16xf32> to vector<16xf32>
        %swap3A_599 = vector.shape_cast %get3A_594 : vector<16xf32> to vector<1x16xf32>
        tpu.vector_store %arg9[%swap3A_595, %swap3A_596], %swap3A_599 {add = true, strides = array<i32>} : memref<8x1024xf32, #tpu.memory_space<vmem>>, vector<1x16xf32>,
        %get3A_600 = arith.index_cast %scan3A_187 : i32 to index
        %get3A_601 = arith.constant 736 : index
        %get3A_602 = tpu.vector_load %arg13[%get3A_600, %get3A_601] {strides = array<i32>} : memref<8x1024xf32, #tpu.memory_space<vmem>>, vector<1x16xf32>,
        %get3A_603 = vector.shape_cast %get3A_602 : vector<1x16xf32> to vector<16xf32>
        %swap3A_604 = arith.index_cast %scan3A_187 : i32 to index
        %swap3A_605 = arith.constant 736 : index
        %swap3A_606 = tpu.vector_load %arg9[%swap3A_604, %swap3A_605] {strides = array<i32>} : memref<8x1024xf32, #tpu.memory_space<vmem>>, vector<1x16xf32>,
        %swap3A_607 = vector.shape_cast %swap3A_606 : vector<1x16xf32> to vector<16xf32>
        %swap3A_608 = vector.shape_cast %get3A_603 : vector<16xf32> to vector<1x16xf32>
        tpu.vector_store %arg9[%swap3A_604, %swap3A_605], %swap3A_608 {add = true, strides = array<i32>} : memref<8x1024xf32, #tpu.memory_space<vmem>>, vector<1x16xf32>,
        %get3A_609 = arith.index_cast %scan3A_187 : i32 to index
        %get3A_610 = arith.constant 752 : index
        %get3A_611 = tpu.vector_load %arg13[%get3A_609, %get3A_610] {strides = array<i32>} : memref<8x1024xf32, #tpu.memory_space<vmem>>, vector<1x16xf32>,
        %get3A_612 = vector.shape_cast %get3A_611 : vector<1x16xf32> to vector<16xf32>
        %swap3A_613 = arith.index_cast %scan3A_187 : i32 to index
        %swap3A_614 = arith.constant 752 : index
        %swap3A_615 = tpu.vector_load %arg9[%swap3A_613, %swap3A_614] {strides = array<i32>} : memref<8x1024xf32, #tpu.memory_space<vmem>>, vector<1x16xf32>,
        %swap3A_616 = vector.shape_cast %swap3A_615 : vector<1x16xf32> to vector<16xf32>
        %swap3A_617 = vector.shape_cast %get3A_612 : vector<16xf32> to vector<1x16xf32>
        tpu.vector_store %arg9[%swap3A_613, %swap3A_614], %swap3A_617 {add = true, strides = array<i32>} : memref<8x1024xf32, #tpu.memory_space<vmem>>, vector<1x16xf32>,
        %get3A_618 = arith.index_cast %scan3A_187 : i32 to index
        %get3A_619 = arith.constant 768 : index
        %get3A_620 = tpu.vector_load %arg13[%get3A_618, %get3A_619] {strides = array<i32>} : memref<8x1024xf32, #tpu.memory_space<vmem>>, vector<1x16xf32>,
        %get3A_621 = vector.shape_cast %get3A_620 : vector<1x16xf32> to vector<16xf32>
        %swap3A_622 = arith.index_cast %scan3A_187 : i32 to index
        %swap3A_623 = arith.constant 768 : index
        %swap3A_624 = tpu.vector_load %arg9[%swap3A_622, %swap3A_623] {strides = array<i32>} : memref<8x1024xf32, #tpu.memory_space<vmem>>, vector<1x16xf32>,
        %swap3A_625 = vector.shape_cast %swap3A_624 : vector<1x16xf32> to vector<16xf32>
        %swap3A_626 = vector.shape_cast %get3A_621 : vector<16xf32> to vector<1x16xf32>
        tpu.vector_store %arg9[%swap3A_622, %swap3A_623], %swap3A_626 {add = true, strides = array<i32>} : memref<8x1024xf32, #tpu.memory_space<vmem>>, vector<1x16xf32>,
        %get3A_627 = arith.index_cast %scan3A_187 : i32 to index
        %get3A_628 = arith.constant 784 : index
        %get3A_629 = tpu.vector_load %arg13[%get3A_627, %get3A_628] {strides = array<i32>} : memref<8x1024xf32, #tpu.memory_space<vmem>>, vector<1x16xf32>,
        %get3A_630 = vector.shape_cast %get3A_629 : vector<1x16xf32> to vector<16xf32>
        %swap3A_631 = arith.index_cast %scan3A_187 : i32 to index
        %swap3A_632 = arith.constant 784 : index
        %swap3A_633 = tpu.vector_load %arg9[%swap3A_631, %swap3A_632] {strides = array<i32>} : memref<8x1024xf32, #tpu.memory_space<vmem>>, vector<1x16xf32>,
        %swap3A_634 = vector.shape_cast %swap3A_633 : vector<1x16xf32> to vector<16xf32>
        %swap3A_635 = vector.shape_cast %get3A_630 : vector<16xf32> to vector<1x16xf32>
        tpu.vector_store %arg9[%swap3A_631, %swap3A_632], %swap3A_635 {add = true, strides = array<i32>} : memref<8x1024xf32, #tpu.memory_space<vmem>>, vector<1x16xf32>,
        %get3A_636 = arith.index_cast %scan3A_187 : i32 to index
        %get3A_637 = arith.constant 800 : index
        %get3A_638 = tpu.vector_load %arg13[%get3A_636, %get3A_637] {strides = array<i32>} : memref<8x1024xf32, #tpu.memory_space<vmem>>, vector<1x16xf32>,
        %get3A_639 = vector.shape_cast %get3A_638 : vector<1x16xf32> to vector<16xf32>
        %swap3A_640 = arith.index_cast %scan3A_187 : i32 to index
        %swap3A_641 = arith.constant 800 : index
        %swap3A_642 = tpu.vector_load %arg9[%swap3A_640, %swap3A_641] {strides = array<i32>} : memref<8x1024xf32, #tpu.memory_space<vmem>>, vector<1x16xf32>,
        %swap3A_643 = vector.shape_cast %swap3A_642 : vector<1x16xf32> to vector<16xf32>
        %swap3A_644 = vector.shape_cast %get3A_639 : vector<16xf32> to vector<1x16xf32>
        tpu.vector_store %arg9[%swap3A_640, %swap3A_641], %swap3A_644 {add = true, strides = array<i32>} : memref<8x1024xf32, #tpu.memory_space<vmem>>, vector<1x16xf32>,
        %get3A_645 = arith.index_cast %scan3A_187 : i32 to index
        %get3A_646 = arith.constant 816 : index
        %get3A_647 = tpu.vector_load %arg13[%get3A_645, %get3A_646] {strides = array<i32>} : memref<8x1024xf32, #tpu.memory_space<vmem>>, vector<1x16xf32>,
        %get3A_648 = vector.shape_cast %get3A_647 : vector<1x16xf32> to vector<16xf32>
        %swap3A_649 = arith.index_cast %scan3A_187 : i32 to index
        %swap3A_650 = arith.constant 816 : index
        %swap3A_651 = tpu.vector_load %arg9[%swap3A_649, %swap3A_650] {strides = array<i32>} : memref<8x1024xf32, #tpu.memory_space<vmem>>, vector<1x16xf32>,
        %swap3A_652 = vector.shape_cast %swap3A_651 : vector<1x16xf32> to vector<16xf32>
        %swap3A_653 = vector.shape_cast %get3A_648 : vector<16xf32> to vector<1x16xf32>
        tpu.vector_store %arg9[%swap3A_649, %swap3A_650], %swap3A_653 {add = true, strides = array<i32>} : memref<8x1024xf32, #tpu.memory_space<vmem>>, vector<1x16xf32>,
        %get3A_654 = arith.index_cast %scan3A_187 : i32 to index
        %get3A_655 = arith.constant 832 : index
        %get3A_656 = tpu.vector_load %arg13[%get3A_654, %get3A_655] {strides = array<i32>} : memref<8x1024xf32, #tpu.memory_space<vmem>>, vector<1x16xf32>,
        %get3A_657 = vector.shape_cast %get3A_656 : vector<1x16xf32> to vector<16xf32>
        %swap3A_658 = arith.index_cast %scan3A_187 : i32 to index
        %swap3A_659 = arith.constant 832 : index
        %swap3A_660 = tpu.vector_load %arg9[%swap3A_658, %swap3A_659] {strides = array<i32>} : memref<8x1024xf32, #tpu.memory_space<vmem>>, vector<1x16xf32>,
        %swap3A_661 = vector.shape_cast %swap3A_660 : vector<1x16xf32> to vector<16xf32>
        %swap3A_662 = vector.shape_cast %get3A_657 : vector<16xf32> to vector<1x16xf32>
        tpu.vector_store %arg9[%swap3A_658, %swap3A_659], %swap3A_662 {add = true, strides = array<i32>} : memref<8x1024xf32, #tpu.memory_space<vmem>>, vector<1x16xf32>,
        %get3A_663 = arith.index_cast %scan3A_187 : i32 to index
        %get3A_664 = arith.constant 848 : index
        %get3A_665 = tpu.vector_load %arg13[%get3A_663, %get3A_664] {strides = array<i32>} : memref<8x1024xf32, #tpu.memory_space<vmem>>, vector<1x16xf32>,
        %get3A_666 = vector.shape_cast %get3A_665 : vector<1x16xf32> to vector<16xf32>
        %swap3A_667 = arith.index_cast %scan3A_187 : i32 to index
        %swap3A_668 = arith.constant 848 : index
        %swap3A_669 = tpu.vector_load %arg9[%swap3A_667, %swap3A_668] {strides = array<i32>} : memref<8x1024xf32, #tpu.memory_space<vmem>>, vector<1x16xf32>,
        %swap3A_670 = vector.shape_cast %swap3A_669 : vector<1x16xf32> to vector<16xf32>
        %swap3A_671 = vector.shape_cast %get3A_666 : vector<16xf32> to vector<1x16xf32>
        tpu.vector_store %arg9[%swap3A_667, %swap3A_668], %swap3A_671 {add = true, strides = array<i32>} : memref<8x1024xf32, #tpu.memory_space<vmem>>, vector<1x16xf32>,
        %get3A_672 = arith.index_cast %scan3A_187 : i32 to index
        %get3A_673 = arith.constant 864 : index
        %get3A_674 = tpu.vector_load %arg13[%get3A_672, %get3A_673] {strides = array<i32>} : memref<8x1024xf32, #tpu.memory_space<vmem>>, vector<1x16xf32>,
        %get3A_675 = vector.shape_cast %get3A_674 : vector<1x16xf32> to vector<16xf32>
        %swap3A_676 = arith.index_cast %scan3A_187 : i32 to index
        %swap3A_677 = arith.constant 864 : index
        %swap3A_678 = tpu.vector_load %arg9[%swap3A_676, %swap3A_677] {strides = array<i32>} : memref<8x1024xf32, #tpu.memory_space<vmem>>, vector<1x16xf32>,
        %swap3A_679 = vector.shape_cast %swap3A_678 : vector<1x16xf32> to vector<16xf32>
        %swap3A_680 = vector.shape_cast %get3A_675 : vector<16xf32> to vector<1x16xf32>
        tpu.vector_store %arg9[%swap3A_676, %swap3A_677], %swap3A_680 {add = true, strides = array<i32>} : memref<8x1024xf32, #tpu.memory_space<vmem>>, vector<1x16xf32>,
        %get3A_681 = arith.index_cast %scan3A_187 : i32 to index
        %get3A_682 = arith.constant 880 : index
        %get3A_683 = tpu.vector_load %arg13[%get3A_681, %get3A_682] {strides = array<i32>} : memref<8x1024xf32, #tpu.memory_space<vmem>>, vector<1x16xf32>,
        %get3A_684 = vector.shape_cast %get3A_683 : vector<1x16xf32> to vector<16xf32>
        %swap3A_685 = arith.index_cast %scan3A_187 : i32 to index
        %swap3A_686 = arith.constant 880 : index
        %swap3A_687 = tpu.vector_load %arg9[%swap3A_685, %swap3A_686] {strides = array<i32>} : memref<8x1024xf32, #tpu.memory_space<vmem>>, vector<1x16xf32>,
        %swap3A_688 = vector.shape_cast %swap3A_687 : vector<1x16xf32> to vector<16xf32>
        %swap3A_689 = vector.shape_cast %get3A_684 : vector<16xf32> to vector<1x16xf32>
        tpu.vector_store %arg9[%swap3A_685, %swap3A_686], %swap3A_689 {add = true, strides = array<i32>} : memref<8x1024xf32, #tpu.memory_space<vmem>>, vector<1x16xf32>,
        %get3A_690 = arith.index_cast %scan3A_187 : i32 to index
        %get3A_691 = arith.constant 896 : index
        %get3A_692 = tpu.vector_load %arg13[%get3A_690, %get3A_691] {strides = array<i32>} : memref<8x1024xf32, #tpu.memory_space<vmem>>, vector<1x16xf32>,
        %get3A_693 = vector.shape_cast %get3A_692 : vector<1x16xf32> to vector<16xf32>
        %swap3A_694 = arith.index_cast %scan3A_187 : i32 to index
        %swap3A_695 = arith.constant 896 : index
        %swap3A_696 = tpu.vector_load %arg9[%swap3A_694, %swap3A_695] {strides = array<i32>} : memref<8x1024xf32, #tpu.memory_space<vmem>>, vector<1x16xf32>,
        %swap3A_697 = vector.shape_cast %swap3A_696 : vector<1x16xf32> to vector<16xf32>
        %swap3A_698 = vector.shape_cast %get3A_693 : vector<16xf32> to vector<1x16xf32>
        tpu.vector_store %arg9[%swap3A_694, %swap3A_695], %swap3A_698 {add = true, strides = array<i32>} : memref<8x1024xf32, #tpu.memory_space<vmem>>, vector<1x16xf32>,
        %get3A_699 = arith.index_cast %scan3A_187 : i32 to index
        %get3A_700 = arith.constant 912 : index
        %get3A_701 = tpu.vector_load %arg13[%get3A_699, %get3A_700] {strides = array<i32>} : memref<8x1024xf32, #tpu.memory_space<vmem>>, vector<1x16xf32>,
        %get3A_702 = vector.shape_cast %get3A_701 : vector<1x16xf32> to vector<16xf32>
        %swap3A_703 = arith.index_cast %scan3A_187 : i32 to index
        %swap3A_704 = arith.constant 912 : index
        %swap3A_705 = tpu.vector_load %arg9[%swap3A_703, %swap3A_704] {strides = array<i32>} : memref<8x1024xf32, #tpu.memory_space<vmem>>, vector<1x16xf32>,
        %swap3A_706 = vector.shape_cast %swap3A_705 : vector<1x16xf32> to vector<16xf32>
        %swap3A_707 = vector.shape_cast %get3A_702 : vector<16xf32> to vector<1x16xf32>
        tpu.vector_store %arg9[%swap3A_703, %swap3A_704], %swap3A_707 {add = true, strides = array<i32>} : memref<8x1024xf32, #tpu.memory_space<vmem>>, vector<1x16xf32>,
        %get3A_708 = arith.index_cast %scan3A_187 : i32 to index
        %get3A_709 = arith.constant 928 : index
        %get3A_710 = tpu.vector_load %arg13[%get3A_708, %get3A_709] {strides = array<i32>} : memref<8x1024xf32, #tpu.memory_space<vmem>>, vector<1x16xf32>,
        %get3A_711 = vector.shape_cast %get3A_710 : vector<1x16xf32> to vector<16xf32>
        %swap3A_712 = arith.index_cast %scan3A_187 : i32 to index
        %swap3A_713 = arith.constant 928 : index
        %swap3A_714 = tpu.vector_load %arg9[%swap3A_712, %swap3A_713] {strides = array<i32>} : memref<8x1024xf32, #tpu.memory_space<vmem>>, vector<1x16xf32>,
        %swap3A_715 = vector.shape_cast %swap3A_714 : vector<1x16xf32> to vector<16xf32>
        %swap3A_716 = vector.shape_cast %get3A_711 : vector<16xf32> to vector<1x16xf32>
        tpu.vector_store %arg9[%swap3A_712, %swap3A_713], %swap3A_716 {add = true, strides = array<i32>} : memref<8x1024xf32, #tpu.memory_space<vmem>>, vector<1x16xf32>,
        %get3A_717 = arith.index_cast %scan3A_187 : i32 to index
        %get3A_718 = arith.constant 944 : index
        %get3A_719 = tpu.vector_load %arg13[%get3A_717, %get3A_718] {strides = array<i32>} : memref<8x1024xf32, #tpu.memory_space<vmem>>, vector<1x16xf32>,
        %get3A_720 = vector.shape_cast %get3A_719 : vector<1x16xf32> to vector<16xf32>
        %swap3A_721 = arith.index_cast %scan3A_187 : i32 to index
        %swap3A_722 = arith.constant 944 : index
        %swap3A_723 = tpu.vector_load %arg9[%swap3A_721, %swap3A_722] {strides = array<i32>} : memref<8x1024xf32, #tpu.memory_space<vmem>>, vector<1x16xf32>,
        %swap3A_724 = vector.shape_cast %swap3A_723 : vector<1x16xf32> to vector<16xf32>
        %swap3A_725 = vector.shape_cast %get3A_720 : vector<16xf32> to vector<1x16xf32>
        tpu.vector_store %arg9[%swap3A_721, %swap3A_722], %swap3A_725 {add = true, strides = array<i32>} : memref<8x1024xf32, #tpu.memory_space<vmem>>, vector<1x16xf32>,
        %get3A_726 = arith.index_cast %scan3A_187 : i32 to index
        %get3A_727 = arith.constant 960 : index
        %get3A_728 = tpu.vector_load %arg13[%get3A_726, %get3A_727] {strides = array<i32>} : memref<8x1024xf32, #tpu.memory_space<vmem>>, vector<1x16xf32>,
        %get3A_729 = vector.shape_cast %get3A_728 : vector<1x16xf32> to vector<16xf32>
        %swap3A_730 = arith.index_cast %scan3A_187 : i32 to index
        %swap3A_731 = arith.constant 960 : index
        %swap3A_732 = tpu.vector_load %arg9[%swap3A_730, %swap3A_731] {strides = array<i32>} : memref<8x1024xf32, #tpu.memory_space<vmem>>, vector<1x16xf32>,
        %swap3A_733 = vector.shape_cast %swap3A_732 : vector<1x16xf32> to vector<16xf32>
        %swap3A_734 = vector.shape_cast %get3A_729 : vector<16xf32> to vector<1x16xf32>
        tpu.vector_store %arg9[%swap3A_730, %swap3A_731], %swap3A_734 {add = true, strides = array<i32>} : memref<8x1024xf32, #tpu.memory_space<vmem>>, vector<1x16xf32>,
        %get3A_735 = arith.index_cast %scan3A_187 : i32 to index
        %get3A_736 = arith.constant 976 : index
        %get3A_737 = tpu.vector_load %arg13[%get3A_735, %get3A_736] {strides = array<i32>} : memref<8x1024xf32, #tpu.memory_space<vmem>>, vector<1x16xf32>,
        %get3A_738 = vector.shape_cast %get3A_737 : vector<1x16xf32> to vector<16xf32>
        %swap3A_739 = arith.index_cast %scan3A_187 : i32 to index
        %swap3A_740 = arith.constant 976 : index
        %swap3A_741 = tpu.vector_load %arg9[%swap3A_739, %swap3A_740] {strides = array<i32>} : memref<8x1024xf32, #tpu.memory_space<vmem>>, vector<1x16xf32>,
        %swap3A_742 = vector.shape_cast %swap3A_741 : vector<1x16xf32> to vector<16xf32>
        %swap3A_743 = vector.shape_cast %get3A_738 : vector<16xf32> to vector<1x16xf32>
        tpu.vector_store %arg9[%swap3A_739, %swap3A_740], %swap3A_743 {add = true, strides = array<i32>} : memref<8x1024xf32, #tpu.memory_space<vmem>>, vector<1x16xf32>,
        %get3A_744 = arith.index_cast %scan3A_187 : i32 to index
        %get3A_745 = arith.constant 992 : index
        %get3A_746 = tpu.vector_load %arg13[%get3A_744, %get3A_745] {strides = array<i32>} : memref<8x1024xf32, #tpu.memory_space<vmem>>, vector<1x16xf32>,
        %get3A_747 = vector.shape_cast %get3A_746 : vector<1x16xf32> to vector<16xf32>
        %swap3A_748 = arith.index_cast %scan3A_187 : i32 to index
        %swap3A_749 = arith.constant 992 : index
        %swap3A_750 = tpu.vector_load %arg9[%swap3A_748, %swap3A_749] {strides = array<i32>} : memref<8x1024xf32, #tpu.memory_space<vmem>>, vector<1x16xf32>,
        %swap3A_751 = vector.shape_cast %swap3A_750 : vector<1x16xf32> to vector<16xf32>
        %swap3A_752 = vector.shape_cast %get3A_747 : vector<16xf32> to vector<1x16xf32>
        tpu.vector_store %arg9[%swap3A_748, %swap3A_749], %swap3A_752 {add = true, strides = array<i32>} : memref<8x1024xf32, #tpu.memory_space<vmem>>, vector<1x16xf32>,
        %get3A_753 = arith.index_cast %scan3A_187 : i32 to index
        %get3A_754 = arith.constant 1008 : index
        %get3A_755 = tpu.vector_load %arg13[%get3A_753, %get3A_754] {strides = array<i32>} : memref<8x1024xf32, #tpu.memory_space<vmem>>, vector<1x16xf32>,
        %get3A_756 = vector.shape_cast %get3A_755 : vector<1x16xf32> to vector<16xf32>
        %swap3A_757 = arith.index_cast %scan3A_187 : i32 to index
        %swap3A_758 = arith.constant 1008 : index
        %swap3A_759 = tpu.vector_load %arg9[%swap3A_757, %swap3A_758] {strides = array<i32>} : memref<8x1024xf32, #tpu.memory_space<vmem>>, vector<1x16xf32>,
        %swap3A_760 = vector.shape_cast %swap3A_759 : vector<1x16xf32> to vector<16xf32>
        %swap3A_761 = vector.shape_cast %get3A_756 : vector<16xf32> to vector<1x16xf32>
        tpu.vector_store %arg9[%swap3A_757, %swap3A_758], %swap3A_761 {add = true, strides = array<i32>} : memref<8x1024xf32, #tpu.memory_space<vmem>>, vector<1x16xf32>,
      }
      %scan3A_101 = arith.constant 8 : i32
      %mul3A_102 = arith.constant 8 : i32
      %mul3A_103 = arith.muli %add3A_73, %mul3A_102 : i32
      %add3A_104 = arith.addi %mul3A_2, %mul3A_103 : i32
      %dma_start3A_105 = arith.constant 0 : i32
      %dma_start3A_106 = tpu.memref_slice %arg5[%add3A_104, %dma_start3A_105] : memref<65536x1024xf32, #tpu.memory_space<hbm>> -> memref<8x1024xf32, #tpu.memory_space<hbm>>
      %dma_start3A_107 = arith.constant 0 : i32
      %dma_start3A_108 = tpu.memref_slice %arg5[%add3A_104, %dma_start3A_107] : memref<65536x1024xf32, #tpu.memory_space<hbm>> -> memref<8x1024xf32, #tpu.memory_space<hbm>>
      tpu.enqueue_dma source(%arg9 : memref<8x1024xf32, #tpu.memory_space<vmem>>) target(%dma_start3A_108 : memref<8x1024xf32, #tpu.memory_space<hbm>>) target_semaphore(%arg25 : memref<!tpu.dma_semaphore, #tpu.memory_space<semaphore_mem>>)
      %mul3A_109 = arith.constant 4 : i32
      %mul3A_110 = arith.muli %scan3A_34, %mul3A_109 : i32
      %add3A_111 = arith.constant 2 : i32
      %add3A_112 = arith.addi %mul3A_110, %add3A_111 : i32
      %ge3A_113 = arith.constant 2 : i32
      %ge3A_114 = arith.cmpi sge, %add3A_112, %ge3A_113 : i32
      %convert_element_type3A_115 = arith.extui %ge3A_114 : i1 to i32
      %cond3A_116 = arith.constant 0 : i32
      %cond3A_117 = arith.cmpi ne, %convert_element_type3A_115, %cond3A_116 : i32
      scf.if %cond3A_117 {
        %dma_wait3A_187 = arith.constant 0 : i32
        %dma_wait3A_188 = tpu.memref_slice %arg5[%mul3A_2, %dma_wait3A_187] : memref<65536x1024xf32, #tpu.memory_space<hbm>> -> memref<8x1024xf32, #tpu.memory_space<hbm>>
        %dma_wait3A_189 = arith.constant 0 : i32
        %dma_wait3A_190 = tpu.memref_slice %arg5[%mul3A_2, %dma_wait3A_189] : memref<65536x1024xf32, #tpu.memory_space<hbm>> -> memref<8x1024xf32, #tpu.memory_space<hbm>>
        tpu.wait_dma2 semaphore(%arg24 : memref<!tpu.dma_semaphore, #tpu.memory_space<semaphore_mem>>) src(%arg8 : memref<8x1024xf32, #tpu.memory_space<vmem>>) dst(%dma_wait3A_190 : memref<8x1024xf32, #tpu.memory_space<hbm>>)
      } else {
      }
      %add3A_118 = arith.constant 2 : i32
      %add3A_119 = arith.addi %add3A_112, %add3A_118 : i32
      %lt3A_120 = arith.constant 256 : i32
      %lt3A_121 = arith.cmpi slt, %add3A_119, %lt3A_120 : i32
      %convert_element_type3A_122 = arith.extui %lt3A_121 : i1 to i32
      %cond3A_123 = arith.constant 0 : i32
      %cond3A_124 = arith.cmpi ne, %convert_element_type3A_122, %cond3A_123 : i32
      scf.if %cond3A_124 {
        %add3A_187 = arith.constant 2 : i32
        %add3A_188 = arith.addi %add3A_112, %add3A_187 : i32
        %mul3A_189 = arith.constant 8 : i32
        %mul3A_190 = arith.muli %add3A_188, %mul3A_189 : i32
        %dma_start3A_191 = tpu.memref_slice %arg6[%mul3A_190] : memref<2048xi32, #tpu.memory_space<vmem>> -> memref<8xi32, #tpu.memory_space<vmem>>
        %dma_start3A_192 = arith.constant 0 : i32
        %dma_start3A_193 = arith.constant 0 : i32
        %dma_start3A_194 = tpu.memref_slice %arg2[%dma_start3A_192, %dma_start3A_193] : memref<32768x1024xf32, #tpu.memory_space<hbm>> -> memref<32768x1024xf32, #tpu.memory_space<hbm>>
        tpu.enqueue_indirect_dma source(%dma_start3A_194 : memref<32768x1024xf32, #tpu.memory_space<hbm>>) target(%arg8 : memref<8x1024xf32, #tpu.memory_space<vmem>>) offsets(%dma_start3A_191 : memref<8xi32, #tpu.memory_space<vmem>>) semaphore(%arg16 : memref<!tpu.dma_semaphore, #tpu.memory_space<semaphore_mem>>)
        %dma_start3A_195 = tpu.memref_slice %arg7[%mul3A_190] : memref<2048xi32, #tpu.memory_space<vmem>> -> memref<8xi32, #tpu.memory_space<vmem>>
        %dma_start3A_196 = arith.constant 0 : i32
        %dma_start3A_197 = arith.constant 0 : i32
        %dma_start3A_198 = tpu.memref_slice %arg2[%dma_start3A_196, %dma_start3A_197] : memref<32768x1024xf32, #tpu.memory_space<hbm>> -> memref<32768x1024xf32, #tpu.memory_space<hbm>>
        tpu.enqueue_indirect_dma source(%dma_start3A_198 : memref<32768x1024xf32, #tpu.memory_space<hbm>>) target(%arg12 : memref<8x1024xf32, #tpu.memory_space<vmem>>) offsets(%dma_start3A_195 : memref<8xi32, #tpu.memory_space<vmem>>) semaphore(%arg20 : memref<!tpu.dma_semaphore, #tpu.memory_space<semaphore_mem>>)
      } else {
      }
      %dma_wait3A_125 = arith.constant 0 : i32
      %dma_wait3A_126 = tpu.memref_slice %arg6[%dma_wait3A_125] : memref<2048xi32, #tpu.memory_space<vmem>> -> memref<8xi32, #tpu.memory_space<vmem>>
      %dma_wait3A_127 = arith.constant 0 : i32
      %dma_wait3A_128 = arith.constant 0 : i32
      %dma_wait3A_129 = tpu.memref_slice %arg2[%dma_wait3A_127, %dma_wait3A_128] : memref<32768x1024xf32, #tpu.memory_space<hbm>> -> memref<32768x1024xf32, #tpu.memory_space<hbm>>
      tpu.wait_indirect_dma semaphore(%arg18 : memref<!tpu.dma_semaphore, #tpu.memory_space<semaphore_mem>>) src(%dma_wait3A_129 : memref<32768x1024xf32, #tpu.memory_space<hbm>>) dst(%arg10 : memref<8x1024xf32, #tpu.memory_space<vmem>>)
      %dma_wait3A_130 = arith.constant 0 : i32
      %dma_wait3A_131 = tpu.memref_slice %arg7[%dma_wait3A_130] : memref<2048xi32, #tpu.memory_space<vmem>> -> memref<8xi32, #tpu.memory_space<vmem>>
      %dma_wait3A_132 = arith.constant 0 : i32
      %dma_wait3A_133 = arith.constant 0 : i32
      %dma_wait3A_134 = tpu.memref_slice %arg2[%dma_wait3A_132, %dma_wait3A_133] : memref<32768x1024xf32, #tpu.memory_space<hbm>> -> memref<32768x1024xf32, #tpu.memory_space<hbm>>
      tpu.wait_indirect_dma semaphore(%arg22 : memref<!tpu.dma_semaphore, #tpu.memory_space<semaphore_mem>>) src(%dma_wait3A_134 : memref<32768x1024xf32, #tpu.memory_space<hbm>>) dst(%arg14 : memref<8x1024xf32, #tpu.memory_space<vmem>>)
      %scan3A_135 = arith.constant 0 : i32
      %scan3A_136 = arith.constant 0 : i32
      %scan3A_137 = arith.constant 8 : i32
      %scan3A_138 = arith.addi %scan3A_136, %scan3A_137 : i32
      %scan3A_139 = arith.constant 1 : i32
      scf.for %scan3A_187 = %scan3A_136 to %scan3A_138 step %scan3A_139  : i32 {
        %get3A = arith.index_cast %scan3A_187 : i32 to index
        %get3A_188 = arith.constant 0 : index
        %get3A_189 = tpu.vector_load %arg14[%get3A, %get3A_188] {strides = array<i32>} : memref<8x1024xf32, #tpu.memory_space<vmem>>, vector<1x16xf32>,
        %get3A_190 = vector.shape_cast %get3A_189 : vector<1x16xf32> to vector<16xf32>
        %swap3A = arith.index_cast %scan3A_187 : i32 to index
        %swap3A_191 = arith.constant 0 : index
        %swap3A_192 = tpu.vector_load %arg10[%swap3A, %swap3A_191] {strides = array<i32>} : memref<8x1024xf32, #tpu.memory_space<vmem>>, vector<1x16xf32>,
        %swap3A_193 = vector.shape_cast %swap3A_192 : vector<1x16xf32> to vector<16xf32>
        %swap3A_194 = vector.shape_cast %get3A_190 : vector<16xf32> to vector<1x16xf32>
        tpu.vector_store %arg10[%swap3A, %swap3A_191], %swap3A_194 {add = true, strides = array<i32>} : memref<8x1024xf32, #tpu.memory_space<vmem>>, vector<1x16xf32>,
        %get3A_195 = arith.index_cast %scan3A_187 : i32 to index
        %get3A_196 = arith.constant 16 : index
        %get3A_197 = tpu.vector_load %arg14[%get3A_195, %get3A_196] {strides = array<i32>} : memref<8x1024xf32, #tpu.memory_space<vmem>>, vector<1x16xf32>,
        %get3A_198 = vector.shape_cast %get3A_197 : vector<1x16xf32> to vector<16xf32>
        %swap3A_199 = arith.index_cast %scan3A_187 : i32 to index
        %swap3A_200 = arith.constant 16 : index
        %swap3A_201 = tpu.vector_load %arg10[%swap3A_199, %swap3A_200] {strides = array<i32>} : memref<8x1024xf32, #tpu.memory_space<vmem>>, vector<1x16xf32>,
        %swap3A_202 = vector.shape_cast %swap3A_201 : vector<1x16xf32> to vector<16xf32>
        %swap3A_203 = vector.shape_cast %get3A_198 : vector<16xf32> to vector<1x16xf32>
        tpu.vector_store %arg10[%swap3A_199, %swap3A_200], %swap3A_203 {add = true, strides = array<i32>} : memref<8x1024xf32, #tpu.memory_space<vmem>>, vector<1x16xf32>,
        %get3A_204 = arith.index_cast %scan3A_187 : i32 to index
        %get3A_205 = arith.constant 32 : index
        %get3A_206 = tpu.vector_load %arg14[%get3A_204, %get3A_205] {strides = array<i32>} : memref<8x1024xf32, #tpu.memory_space<vmem>>, vector<1x16xf32>,
        %get3A_207 = vector.shape_cast %get3A_206 : vector<1x16xf32> to vector<16xf32>
        %swap3A_208 = arith.index_cast %scan3A_187 : i32 to index
        %swap3A_209 = arith.constant 32 : index
        %swap3A_210 = tpu.vector_load %arg10[%swap3A_208, %swap3A_209] {strides = array<i32>} : memref<8x1024xf32, #tpu.memory_space<vmem>>, vector<1x16xf32>,
        %swap3A_211 = vector.shape_cast %swap3A_210 : vector<1x16xf32> to vector<16xf32>
        %swap3A_212 = vector.shape_cast %get3A_207 : vector<16xf32> to vector<1x16xf32>
        tpu.vector_store %arg10[%swap3A_208, %swap3A_209], %swap3A_212 {add = true, strides = array<i32>} : memref<8x1024xf32, #tpu.memory_space<vmem>>, vector<1x16xf32>,
        %get3A_213 = arith.index_cast %scan3A_187 : i32 to index
        %get3A_214 = arith.constant 48 : index
        %get3A_215 = tpu.vector_load %arg14[%get3A_213, %get3A_214] {strides = array<i32>} : memref<8x1024xf32, #tpu.memory_space<vmem>>, vector<1x16xf32>,
        %get3A_216 = vector.shape_cast %get3A_215 : vector<1x16xf32> to vector<16xf32>
        %swap3A_217 = arith.index_cast %scan3A_187 : i32 to index
        %swap3A_218 = arith.constant 48 : index
        %swap3A_219 = tpu.vector_load %arg10[%swap3A_217, %swap3A_218] {strides = array<i32>} : memref<8x1024xf32, #tpu.memory_space<vmem>>, vector<1x16xf32>,
        %swap3A_220 = vector.shape_cast %swap3A_219 : vector<1x16xf32> to vector<16xf32>
        %swap3A_221 = vector.shape_cast %get3A_216 : vector<16xf32> to vector<1x16xf32>
        tpu.vector_store %arg10[%swap3A_217, %swap3A_218], %swap3A_221 {add = true, strides = array<i32>} : memref<8x1024xf32, #tpu.memory_space<vmem>>, vector<1x16xf32>,
        %get3A_222 = arith.index_cast %scan3A_187 : i32 to index
        %get3A_223 = arith.constant 64 : index
        %get3A_224 = tpu.vector_load %arg14[%get3A_222, %get3A_223] {strides = array<i32>} : memref<8x1024xf32, #tpu.memory_space<vmem>>, vector<1x16xf32>,
        %get3A_225 = vector.shape_cast %get3A_224 : vector<1x16xf32> to vector<16xf32>
        %swap3A_226 = arith.index_cast %scan3A_187 : i32 to index
        %swap3A_227 = arith.constant 64 : index
        %swap3A_228 = tpu.vector_load %arg10[%swap3A_226, %swap3A_227] {strides = array<i32>} : memref<8x1024xf32, #tpu.memory_space<vmem>>, vector<1x16xf32>,
        %swap3A_229 = vector.shape_cast %swap3A_228 : vector<1x16xf32> to vector<16xf32>
        %swap3A_230 = vector.shape_cast %get3A_225 : vector<16xf32> to vector<1x16xf32>
        tpu.vector_store %arg10[%swap3A_226, %swap3A_227], %swap3A_230 {add = true, strides = array<i32>} : memref<8x1024xf32, #tpu.memory_space<vmem>>, vector<1x16xf32>,
        %get3A_231 = arith.index_cast %scan3A_187 : i32 to index
        %get3A_232 = arith.constant 80 : index
        %get3A_233 = tpu.vector_load %arg14[%get3A_231, %get3A_232] {strides = array<i32>} : memref<8x1024xf32, #tpu.memory_space<vmem>>, vector<1x16xf32>,
        %get3A_234 = vector.shape_cast %get3A_233 : vector<1x16xf32> to vector<16xf32>
        %swap3A_235 = arith.index_cast %scan3A_187 : i32 to index
        %swap3A_236 = arith.constant 80 : index
        %swap3A_237 = tpu.vector_load %arg10[%swap3A_235, %swap3A_236] {strides = array<i32>} : memref<8x1024xf32, #tpu.memory_space<vmem>>, vector<1x16xf32>,
        %swap3A_238 = vector.shape_cast %swap3A_237 : vector<1x16xf32> to vector<16xf32>
        %swap3A_239 = vector.shape_cast %get3A_234 : vector<16xf32> to vector<1x16xf32>
        tpu.vector_store %arg10[%swap3A_235, %swap3A_236], %swap3A_239 {add = true, strides = array<i32>} : memref<8x1024xf32, #tpu.memory_space<vmem>>, vector<1x16xf32>,
        %get3A_240 = arith.index_cast %scan3A_187 : i32 to index
        %get3A_241 = arith.constant 96 : index
        %get3A_242 = tpu.vector_load %arg14[%get3A_240, %get3A_241] {strides = array<i32>} : memref<8x1024xf32, #tpu.memory_space<vmem>>, vector<1x16xf32>,
        %get3A_243 = vector.shape_cast %get3A_242 : vector<1x16xf32> to vector<16xf32>
        %swap3A_244 = arith.index_cast %scan3A_187 : i32 to index
        %swap3A_245 = arith.constant 96 : index
        %swap3A_246 = tpu.vector_load %arg10[%swap3A_244, %swap3A_245] {strides = array<i32>} : memref<8x1024xf32, #tpu.memory_space<vmem>>, vector<1x16xf32>,
        %swap3A_247 = vector.shape_cast %swap3A_246 : vector<1x16xf32> to vector<16xf32>
        %swap3A_248 = vector.shape_cast %get3A_243 : vector<16xf32> to vector<1x16xf32>
        tpu.vector_store %arg10[%swap3A_244, %swap3A_245], %swap3A_248 {add = true, strides = array<i32>} : memref<8x1024xf32, #tpu.memory_space<vmem>>, vector<1x16xf32>,
        %get3A_249 = arith.index_cast %scan3A_187 : i32 to index
        %get3A_250 = arith.constant 112 : index
        %get3A_251 = tpu.vector_load %arg14[%get3A_249, %get3A_250] {strides = array<i32>} : memref<8x1024xf32, #tpu.memory_space<vmem>>, vector<1x16xf32>,
        %get3A_252 = vector.shape_cast %get3A_251 : vector<1x16xf32> to vector<16xf32>
        %swap3A_253 = arith.index_cast %scan3A_187 : i32 to index
        %swap3A_254 = arith.constant 112 : index
        %swap3A_255 = tpu.vector_load %arg10[%swap3A_253, %swap3A_254] {strides = array<i32>} : memref<8x1024xf32, #tpu.memory_space<vmem>>, vector<1x16xf32>,
        %swap3A_256 = vector.shape_cast %swap3A_255 : vector<1x16xf32> to vector<16xf32>
        %swap3A_257 = vector.shape_cast %get3A_252 : vector<16xf32> to vector<1x16xf32>
        tpu.vector_store %arg10[%swap3A_253, %swap3A_254], %swap3A_257 {add = true, strides = array<i32>} : memref<8x1024xf32, #tpu.memory_space<vmem>>, vector<1x16xf32>,
        %get3A_258 = arith.index_cast %scan3A_187 : i32 to index
        %get3A_259 = arith.constant 128 : index
        %get3A_260 = tpu.vector_load %arg14[%get3A_258, %get3A_259] {strides = array<i32>} : memref<8x1024xf32, #tpu.memory_space<vmem>>, vector<1x16xf32>,
        %get3A_261 = vector.shape_cast %get3A_260 : vector<1x16xf32> to vector<16xf32>
        %swap3A_262 = arith.index_cast %scan3A_187 : i32 to index
        %swap3A_263 = arith.constant 128 : index
        %swap3A_264 = tpu.vector_load %arg10[%swap3A_262, %swap3A_263] {strides = array<i32>} : memref<8x1024xf32, #tpu.memory_space<vmem>>, vector<1x16xf32>,
        %swap3A_265 = vector.shape_cast %swap3A_264 : vector<1x16xf32> to vector<16xf32>
        %swap3A_266 = vector.shape_cast %get3A_261 : vector<16xf32> to vector<1x16xf32>
        tpu.vector_store %arg10[%swap3A_262, %swap3A_263], %swap3A_266 {add = true, strides = array<i32>} : memref<8x1024xf32, #tpu.memory_space<vmem>>, vector<1x16xf32>,
        %get3A_267 = arith.index_cast %scan3A_187 : i32 to index
        %get3A_268 = arith.constant 144 : index
        %get3A_269 = tpu.vector_load %arg14[%get3A_267, %get3A_268] {strides = array<i32>} : memref<8x1024xf32, #tpu.memory_space<vmem>>, vector<1x16xf32>,
        %get3A_270 = vector.shape_cast %get3A_269 : vector<1x16xf32> to vector<16xf32>
        %swap3A_271 = arith.index_cast %scan3A_187 : i32 to index
        %swap3A_272 = arith.constant 144 : index
        %swap3A_273 = tpu.vector_load %arg10[%swap3A_271, %swap3A_272] {strides = array<i32>} : memref<8x1024xf32, #tpu.memory_space<vmem>>, vector<1x16xf32>,
        %swap3A_274 = vector.shape_cast %swap3A_273 : vector<1x16xf32> to vector<16xf32>
        %swap3A_275 = vector.shape_cast %get3A_270 : vector<16xf32> to vector<1x16xf32>
        tpu.vector_store %arg10[%swap3A_271, %swap3A_272], %swap3A_275 {add = true, strides = array<i32>} : memref<8x1024xf32, #tpu.memory_space<vmem>>, vector<1x16xf32>,
        %get3A_276 = arith.index_cast %scan3A_187 : i32 to index
        %get3A_277 = arith.constant 160 : index
        %get3A_278 = tpu.vector_load %arg14[%get3A_276, %get3A_277] {strides = array<i32>} : memref<8x1024xf32, #tpu.memory_space<vmem>>, vector<1x16xf32>,
        %get3A_279 = vector.shape_cast %get3A_278 : vector<1x16xf32> to vector<16xf32>
        %swap3A_280 = arith.index_cast %scan3A_187 : i32 to index
        %swap3A_281 = arith.constant 160 : index
        %swap3A_282 = tpu.vector_load %arg10[%swap3A_280, %swap3A_281] {strides = array<i32>} : memref<8x1024xf32, #tpu.memory_space<vmem>>, vector<1x16xf32>,
        %swap3A_283 = vector.shape_cast %swap3A_282 : vector<1x16xf32> to vector<16xf32>
        %swap3A_284 = vector.shape_cast %get3A_279 : vector<16xf32> to vector<1x16xf32>
        tpu.vector_store %arg10[%swap3A_280, %swap3A_281], %swap3A_284 {add = true, strides = array<i32>} : memref<8x1024xf32, #tpu.memory_space<vmem>>, vector<1x16xf32>,
        %get3A_285 = arith.index_cast %scan3A_187 : i32 to index
        %get3A_286 = arith.constant 176 : index
        %get3A_287 = tpu.vector_load %arg14[%get3A_285, %get3A_286] {strides = array<i32>} : memref<8x1024xf32, #tpu.memory_space<vmem>>, vector<1x16xf32>,
        %get3A_288 = vector.shape_cast %get3A_287 : vector<1x16xf32> to vector<16xf32>
        %swap3A_289 = arith.index_cast %scan3A_187 : i32 to index
        %swap3A_290 = arith.constant 176 : index
        %swap3A_291 = tpu.vector_load %arg10[%swap3A_289, %swap3A_290] {strides = array<i32>} : memref<8x1024xf32, #tpu.memory_space<vmem>>, vector<1x16xf32>,
        %swap3A_292 = vector.shape_cast %swap3A_291 : vector<1x16xf32> to vector<16xf32>
        %swap3A_293 = vector.shape_cast %get3A_288 : vector<16xf32> to vector<1x16xf32>
        tpu.vector_store %arg10[%swap3A_289, %swap3A_290], %swap3A_293 {add = true, strides = array<i32>} : memref<8x1024xf32, #tpu.memory_space<vmem>>, vector<1x16xf32>,
        %get3A_294 = arith.index_cast %scan3A_187 : i32 to index
        %get3A_295 = arith.constant 192 : index
        %get3A_296 = tpu.vector_load %arg14[%get3A_294, %get3A_295] {strides = array<i32>} : memref<8x1024xf32, #tpu.memory_space<vmem>>, vector<1x16xf32>,
        %get3A_297 = vector.shape_cast %get3A_296 : vector<1x16xf32> to vector<16xf32>
        %swap3A_298 = arith.index_cast %scan3A_187 : i32 to index
        %swap3A_299 = arith.constant 192 : index
        %swap3A_300 = tpu.vector_load %arg10[%swap3A_298, %swap3A_299] {strides = array<i32>} : memref<8x1024xf32, #tpu.memory_space<vmem>>, vector<1x16xf32>,
        %swap3A_301 = vector.shape_cast %swap3A_300 : vector<1x16xf32> to vector<16xf32>
        %swap3A_302 = vector.shape_cast %get3A_297 : vector<16xf32> to vector<1x16xf32>
        tpu.vector_store %arg10[%swap3A_298, %swap3A_299], %swap3A_302 {add = true, strides = array<i32>} : memref<8x1024xf32, #tpu.memory_space<vmem>>, vector<1x16xf32>,
        %get3A_303 = arith.index_cast %scan3A_187 : i32 to index
        %get3A_304 = arith.constant 208 : index
        %get3A_305 = tpu.vector_load %arg14[%get3A_303, %get3A_304] {strides = array<i32>} : memref<8x1024xf32, #tpu.memory_space<vmem>>, vector<1x16xf32>,
        %get3A_306 = vector.shape_cast %get3A_305 : vector<1x16xf32> to vector<16xf32>
        %swap3A_307 = arith.index_cast %scan3A_187 : i32 to index
        %swap3A_308 = arith.constant 208 : index
        %swap3A_309 = tpu.vector_load %arg10[%swap3A_307, %swap3A_308] {strides = array<i32>} : memref<8x1024xf32, #tpu.memory_space<vmem>>, vector<1x16xf32>,
        %swap3A_310 = vector.shape_cast %swap3A_309 : vector<1x16xf32> to vector<16xf32>
        %swap3A_311 = vector.shape_cast %get3A_306 : vector<16xf32> to vector<1x16xf32>
        tpu.vector_store %arg10[%swap3A_307, %swap3A_308], %swap3A_311 {add = true, strides = array<i32>} : memref<8x1024xf32, #tpu.memory_space<vmem>>, vector<1x16xf32>,
        %get3A_312 = arith.index_cast %scan3A_187 : i32 to index
        %get3A_313 = arith.constant 224 : index
        %get3A_314 = tpu.vector_load %arg14[%get3A_312, %get3A_313] {strides = array<i32>} : memref<8x1024xf32, #tpu.memory_space<vmem>>, vector<1x16xf32>,
        %get3A_315 = vector.shape_cast %get3A_314 : vector<1x16xf32> to vector<16xf32>
        %swap3A_316 = arith.index_cast %scan3A_187 : i32 to index
        %swap3A_317 = arith.constant 224 : index
        %swap3A_318 = tpu.vector_load %arg10[%swap3A_316, %swap3A_317] {strides = array<i32>} : memref<8x1024xf32, #tpu.memory_space<vmem>>, vector<1x16xf32>,
        %swap3A_319 = vector.shape_cast %swap3A_318 : vector<1x16xf32> to vector<16xf32>
        %swap3A_320 = vector.shape_cast %get3A_315 : vector<16xf32> to vector<1x16xf32>
        tpu.vector_store %arg10[%swap3A_316, %swap3A_317], %swap3A_320 {add = true, strides = array<i32>} : memref<8x1024xf32, #tpu.memory_space<vmem>>, vector<1x16xf32>,
        %get3A_321 = arith.index_cast %scan3A_187 : i32 to index
        %get3A_322 = arith.constant 240 : index
        %get3A_323 = tpu.vector_load %arg14[%get3A_321, %get3A_322] {strides = array<i32>} : memref<8x1024xf32, #tpu.memory_space<vmem>>, vector<1x16xf32>,
        %get3A_324 = vector.shape_cast %get3A_323 : vector<1x16xf32> to vector<16xf32>
        %swap3A_325 = arith.index_cast %scan3A_187 : i32 to index
        %swap3A_326 = arith.constant 240 : index
        %swap3A_327 = tpu.vector_load %arg10[%swap3A_325, %swap3A_326] {strides = array<i32>} : memref<8x1024xf32, #tpu.memory_space<vmem>>, vector<1x16xf32>,
        %swap3A_328 = vector.shape_cast %swap3A_327 : vector<1x16xf32> to vector<16xf32>
        %swap3A_329 = vector.shape_cast %get3A_324 : vector<16xf32> to vector<1x16xf32>
        tpu.vector_store %arg10[%swap3A_325, %swap3A_326], %swap3A_329 {add = true, strides = array<i32>} : memref<8x1024xf32, #tpu.memory_space<vmem>>, vector<1x16xf32>,
        %get3A_330 = arith.index_cast %scan3A_187 : i32 to index
        %get3A_331 = arith.constant 256 : index
        %get3A_332 = tpu.vector_load %arg14[%get3A_330, %get3A_331] {strides = array<i32>} : memref<8x1024xf32, #tpu.memory_space<vmem>>, vector<1x16xf32>,
        %get3A_333 = vector.shape_cast %get3A_332 : vector<1x16xf32> to vector<16xf32>
        %swap3A_334 = arith.index_cast %scan3A_187 : i32 to index
        %swap3A_335 = arith.constant 256 : index
        %swap3A_336 = tpu.vector_load %arg10[%swap3A_334, %swap3A_335] {strides = array<i32>} : memref<8x1024xf32, #tpu.memory_space<vmem>>, vector<1x16xf32>,
        %swap3A_337 = vector.shape_cast %swap3A_336 : vector<1x16xf32> to vector<16xf32>
        %swap3A_338 = vector.shape_cast %get3A_333 : vector<16xf32> to vector<1x16xf32>
        tpu.vector_store %arg10[%swap3A_334, %swap3A_335], %swap3A_338 {add = true, strides = array<i32>} : memref<8x1024xf32, #tpu.memory_space<vmem>>, vector<1x16xf32>,
        %get3A_339 = arith.index_cast %scan3A_187 : i32 to index
        %get3A_340 = arith.constant 272 : index
        %get3A_341 = tpu.vector_load %arg14[%get3A_339, %get3A_340] {strides = array<i32>} : memref<8x1024xf32, #tpu.memory_space<vmem>>, vector<1x16xf32>,
        %get3A_342 = vector.shape_cast %get3A_341 : vector<1x16xf32> to vector<16xf32>
        %swap3A_343 = arith.index_cast %scan3A_187 : i32 to index
        %swap3A_344 = arith.constant 272 : index
        %swap3A_345 = tpu.vector_load %arg10[%swap3A_343, %swap3A_344] {strides = array<i32>} : memref<8x1024xf32, #tpu.memory_space<vmem>>, vector<1x16xf32>,
        %swap3A_346 = vector.shape_cast %swap3A_345 : vector<1x16xf32> to vector<16xf32>
        %swap3A_347 = vector.shape_cast %get3A_342 : vector<16xf32> to vector<1x16xf32>
        tpu.vector_store %arg10[%swap3A_343, %swap3A_344], %swap3A_347 {add = true, strides = array<i32>} : memref<8x1024xf32, #tpu.memory_space<vmem>>, vector<1x16xf32>,
        %get3A_348 = arith.index_cast %scan3A_187 : i32 to index
        %get3A_349 = arith.constant 288 : index
        %get3A_350 = tpu.vector_load %arg14[%get3A_348, %get3A_349] {strides = array<i32>} : memref<8x1024xf32, #tpu.memory_space<vmem>>, vector<1x16xf32>,
        %get3A_351 = vector.shape_cast %get3A_350 : vector<1x16xf32> to vector<16xf32>
        %swap3A_352 = arith.index_cast %scan3A_187 : i32 to index
        %swap3A_353 = arith.constant 288 : index
        %swap3A_354 = tpu.vector_load %arg10[%swap3A_352, %swap3A_353] {strides = array<i32>} : memref<8x1024xf32, #tpu.memory_space<vmem>>, vector<1x16xf32>,
        %swap3A_355 = vector.shape_cast %swap3A_354 : vector<1x16xf32> to vector<16xf32>
        %swap3A_356 = vector.shape_cast %get3A_351 : vector<16xf32> to vector<1x16xf32>
        tpu.vector_store %arg10[%swap3A_352, %swap3A_353], %swap3A_356 {add = true, strides = array<i32>} : memref<8x1024xf32, #tpu.memory_space<vmem>>, vector<1x16xf32>,
        %get3A_357 = arith.index_cast %scan3A_187 : i32 to index
        %get3A_358 = arith.constant 304 : index
        %get3A_359 = tpu.vector_load %arg14[%get3A_357, %get3A_358] {strides = array<i32>} : memref<8x1024xf32, #tpu.memory_space<vmem>>, vector<1x16xf32>,
        %get3A_360 = vector.shape_cast %get3A_359 : vector<1x16xf32> to vector<16xf32>
        %swap3A_361 = arith.index_cast %scan3A_187 : i32 to index
        %swap3A_362 = arith.constant 304 : index
        %swap3A_363 = tpu.vector_load %arg10[%swap3A_361, %swap3A_362] {strides = array<i32>} : memref<8x1024xf32, #tpu.memory_space<vmem>>, vector<1x16xf32>,
        %swap3A_364 = vector.shape_cast %swap3A_363 : vector<1x16xf32> to vector<16xf32>
        %swap3A_365 = vector.shape_cast %get3A_360 : vector<16xf32> to vector<1x16xf32>
        tpu.vector_store %arg10[%swap3A_361, %swap3A_362], %swap3A_365 {add = true, strides = array<i32>} : memref<8x1024xf32, #tpu.memory_space<vmem>>, vector<1x16xf32>,
        %get3A_366 = arith.index_cast %scan3A_187 : i32 to index
        %get3A_367 = arith.constant 320 : index
        %get3A_368 = tpu.vector_load %arg14[%get3A_366, %get3A_367] {strides = array<i32>} : memref<8x1024xf32, #tpu.memory_space<vmem>>, vector<1x16xf32>,
        %get3A_369 = vector.shape_cast %get3A_368 : vector<1x16xf32> to vector<16xf32>
        %swap3A_370 = arith.index_cast %scan3A_187 : i32 to index
        %swap3A_371 = arith.constant 320 : index
        %swap3A_372 = tpu.vector_load %arg10[%swap3A_370, %swap3A_371] {strides = array<i32>} : memref<8x1024xf32, #tpu.memory_space<vmem>>, vector<1x16xf32>,
        %swap3A_373 = vector.shape_cast %swap3A_372 : vector<1x16xf32> to vector<16xf32>
        %swap3A_374 = vector.shape_cast %get3A_369 : vector<16xf32> to vector<1x16xf32>
        tpu.vector_store %arg10[%swap3A_370, %swap3A_371], %swap3A_374 {add = true, strides = array<i32>} : memref<8x1024xf32, #tpu.memory_space<vmem>>, vector<1x16xf32>,
        %get3A_375 = arith.index_cast %scan3A_187 : i32 to index
        %get3A_376 = arith.constant 336 : index
        %get3A_377 = tpu.vector_load %arg14[%get3A_375, %get3A_376] {strides = array<i32>} : memref<8x1024xf32, #tpu.memory_space<vmem>>, vector<1x16xf32>,
        %get3A_378 = vector.shape_cast %get3A_377 : vector<1x16xf32> to vector<16xf32>
        %swap3A_379 = arith.index_cast %scan3A_187 : i32 to index
        %swap3A_380 = arith.constant 336 : index
        %swap3A_381 = tpu.vector_load %arg10[%swap3A_379, %swap3A_380] {strides = array<i32>} : memref<8x1024xf32, #tpu.memory_space<vmem>>, vector<1x16xf32>,
        %swap3A_382 = vector.shape_cast %swap3A_381 : vector<1x16xf32> to vector<16xf32>
        %swap3A_383 = vector.shape_cast %get3A_378 : vector<16xf32> to vector<1x16xf32>
        tpu.vector_store %arg10[%swap3A_379, %swap3A_380], %swap3A_383 {add = true, strides = array<i32>} : memref<8x1024xf32, #tpu.memory_space<vmem>>, vector<1x16xf32>,
        %get3A_384 = arith.index_cast %scan3A_187 : i32 to index
        %get3A_385 = arith.constant 352 : index
        %get3A_386 = tpu.vector_load %arg14[%get3A_384, %get3A_385] {strides = array<i32>} : memref<8x1024xf32, #tpu.memory_space<vmem>>, vector<1x16xf32>,
        %get3A_387 = vector.shape_cast %get3A_386 : vector<1x16xf32> to vector<16xf32>
        %swap3A_388 = arith.index_cast %scan3A_187 : i32 to index
        %swap3A_389 = arith.constant 352 : index
        %swap3A_390 = tpu.vector_load %arg10[%swap3A_388, %swap3A_389] {strides = array<i32>} : memref<8x1024xf32, #tpu.memory_space<vmem>>, vector<1x16xf32>,
        %swap3A_391 = vector.shape_cast %swap3A_390 : vector<1x16xf32> to vector<16xf32>
        %swap3A_392 = vector.shape_cast %get3A_387 : vector<16xf32> to vector<1x16xf32>
        tpu.vector_store %arg10[%swap3A_388, %swap3A_389], %swap3A_392 {add = true, strides = array<i32>} : memref<8x1024xf32, #tpu.memory_space<vmem>>, vector<1x16xf32>,
        %get3A_393 = arith.index_cast %scan3A_187 : i32 to index
        %get3A_394 = arith.constant 368 : index
        %get3A_395 = tpu.vector_load %arg14[%get3A_393, %get3A_394] {strides = array<i32>} : memref<8x1024xf32, #tpu.memory_space<vmem>>, vector<1x16xf32>,
        %get3A_396 = vector.shape_cast %get3A_395 : vector<1x16xf32> to vector<16xf32>
        %swap3A_397 = arith.index_cast %scan3A_187 : i32 to index
        %swap3A_398 = arith.constant 368 : index
        %swap3A_399 = tpu.vector_load %arg10[%swap3A_397, %swap3A_398] {strides = array<i32>} : memref<8x1024xf32, #tpu.memory_space<vmem>>, vector<1x16xf32>,
        %swap3A_400 = vector.shape_cast %swap3A_399 : vector<1x16xf32> to vector<16xf32>
        %swap3A_401 = vector.shape_cast %get3A_396 : vector<16xf32> to vector<1x16xf32>
        tpu.vector_store %arg10[%swap3A_397, %swap3A_398], %swap3A_401 {add = true, strides = array<i32>} : memref<8x1024xf32, #tpu.memory_space<vmem>>, vector<1x16xf32>,
        %get3A_402 = arith.index_cast %scan3A_187 : i32 to index
        %get3A_403 = arith.constant 384 : index
        %get3A_404 = tpu.vector_load %arg14[%get3A_402, %get3A_403] {strides = array<i32>} : memref<8x1024xf32, #tpu.memory_space<vmem>>, vector<1x16xf32>,
        %get3A_405 = vector.shape_cast %get3A_404 : vector<1x16xf32> to vector<16xf32>
        %swap3A_406 = arith.index_cast %scan3A_187 : i32 to index
        %swap3A_407 = arith.constant 384 : index
        %swap3A_408 = tpu.vector_load %arg10[%swap3A_406, %swap3A_407] {strides = array<i32>} : memref<8x1024xf32, #tpu.memory_space<vmem>>, vector<1x16xf32>,
        %swap3A_409 = vector.shape_cast %swap3A_408 : vector<1x16xf32> to vector<16xf32>
        %swap3A_410 = vector.shape_cast %get3A_405 : vector<16xf32> to vector<1x16xf32>
        tpu.vector_store %arg10[%swap3A_406, %swap3A_407], %swap3A_410 {add = true, strides = array<i32>} : memref<8x1024xf32, #tpu.memory_space<vmem>>, vector<1x16xf32>,
        %get3A_411 = arith.index_cast %scan3A_187 : i32 to index
        %get3A_412 = arith.constant 400 : index
        %get3A_413 = tpu.vector_load %arg14[%get3A_411, %get3A_412] {strides = array<i32>} : memref<8x1024xf32, #tpu.memory_space<vmem>>, vector<1x16xf32>,
        %get3A_414 = vector.shape_cast %get3A_413 : vector<1x16xf32> to vector<16xf32>
        %swap3A_415 = arith.index_cast %scan3A_187 : i32 to index
        %swap3A_416 = arith.constant 400 : index
        %swap3A_417 = tpu.vector_load %arg10[%swap3A_415, %swap3A_416] {strides = array<i32>} : memref<8x1024xf32, #tpu.memory_space<vmem>>, vector<1x16xf32>,
        %swap3A_418 = vector.shape_cast %swap3A_417 : vector<1x16xf32> to vector<16xf32>
        %swap3A_419 = vector.shape_cast %get3A_414 : vector<16xf32> to vector<1x16xf32>
        tpu.vector_store %arg10[%swap3A_415, %swap3A_416], %swap3A_419 {add = true, strides = array<i32>} : memref<8x1024xf32, #tpu.memory_space<vmem>>, vector<1x16xf32>,
        %get3A_420 = arith.index_cast %scan3A_187 : i32 to index
        %get3A_421 = arith.constant 416 : index
        %get3A_422 = tpu.vector_load %arg14[%get3A_420, %get3A_421] {strides = array<i32>} : memref<8x1024xf32, #tpu.memory_space<vmem>>, vector<1x16xf32>,
        %get3A_423 = vector.shape_cast %get3A_422 : vector<1x16xf32> to vector<16xf32>
        %swap3A_424 = arith.index_cast %scan3A_187 : i32 to index
        %swap3A_425 = arith.constant 416 : index
        %swap3A_426 = tpu.vector_load %arg10[%swap3A_424, %swap3A_425] {strides = array<i32>} : memref<8x1024xf32, #tpu.memory_space<vmem>>, vector<1x16xf32>,
        %swap3A_427 = vector.shape_cast %swap3A_426 : vector<1x16xf32> to vector<16xf32>
        %swap3A_428 = vector.shape_cast %get3A_423 : vector<16xf32> to vector<1x16xf32>
        tpu.vector_store %arg10[%swap3A_424, %swap3A_425], %swap3A_428 {add = true, strides = array<i32>} : memref<8x1024xf32, #tpu.memory_space<vmem>>, vector<1x16xf32>,
        %get3A_429 = arith.index_cast %scan3A_187 : i32 to index
        %get3A_430 = arith.constant 432 : index
        %get3A_431 = tpu.vector_load %arg14[%get3A_429, %get3A_430] {strides = array<i32>} : memref<8x1024xf32, #tpu.memory_space<vmem>>, vector<1x16xf32>,
        %get3A_432 = vector.shape_cast %get3A_431 : vector<1x16xf32> to vector<16xf32>
        %swap3A_433 = arith.index_cast %scan3A_187 : i32 to index
        %swap3A_434 = arith.constant 432 : index
        %swap3A_435 = tpu.vector_load %arg10[%swap3A_433, %swap3A_434] {strides = array<i32>} : memref<8x1024xf32, #tpu.memory_space<vmem>>, vector<1x16xf32>,
        %swap3A_436 = vector.shape_cast %swap3A_435 : vector<1x16xf32> to vector<16xf32>
        %swap3A_437 = vector.shape_cast %get3A_432 : vector<16xf32> to vector<1x16xf32>
        tpu.vector_store %arg10[%swap3A_433, %swap3A_434], %swap3A_437 {add = true, strides = array<i32>} : memref<8x1024xf32, #tpu.memory_space<vmem>>, vector<1x16xf32>,
        %get3A_438 = arith.index_cast %scan3A_187 : i32 to index
        %get3A_439 = arith.constant 448 : index
        %get3A_440 = tpu.vector_load %arg14[%get3A_438, %get3A_439] {strides = array<i32>} : memref<8x1024xf32, #tpu.memory_space<vmem>>, vector<1x16xf32>,
        %get3A_441 = vector.shape_cast %get3A_440 : vector<1x16xf32> to vector<16xf32>
        %swap3A_442 = arith.index_cast %scan3A_187 : i32 to index
        %swap3A_443 = arith.constant 448 : index
        %swap3A_444 = tpu.vector_load %arg10[%swap3A_442, %swap3A_443] {strides = array<i32>} : memref<8x1024xf32, #tpu.memory_space<vmem>>, vector<1x16xf32>,
        %swap3A_445 = vector.shape_cast %swap3A_444 : vector<1x16xf32> to vector<16xf32>
        %swap3A_446 = vector.shape_cast %get3A_441 : vector<16xf32> to vector<1x16xf32>
        tpu.vector_store %arg10[%swap3A_442, %swap3A_443], %swap3A_446 {add = true, strides = array<i32>} : memref<8x1024xf32, #tpu.memory_space<vmem>>, vector<1x16xf32>,
        %get3A_447 = arith.index_cast %scan3A_187 : i32 to index
        %get3A_448 = arith.constant 464 : index
        %get3A_449 = tpu.vector_load %arg14[%get3A_447, %get3A_448] {strides = array<i32>} : memref<8x1024xf32, #tpu.memory_space<vmem>>, vector<1x16xf32>,
        %get3A_450 = vector.shape_cast %get3A_449 : vector<1x16xf32> to vector<16xf32>
        %swap3A_451 = arith.index_cast %scan3A_187 : i32 to index
        %swap3A_452 = arith.constant 464 : index
        %swap3A_453 = tpu.vector_load %arg10[%swap3A_451, %swap3A_452] {strides = array<i32>} : memref<8x1024xf32, #tpu.memory_space<vmem>>, vector<1x16xf32>,
        %swap3A_454 = vector.shape_cast %swap3A_453 : vector<1x16xf32> to vector<16xf32>
        %swap3A_455 = vector.shape_cast %get3A_450 : vector<16xf32> to vector<1x16xf32>
        tpu.vector_store %arg10[%swap3A_451, %swap3A_452], %swap3A_455 {add = true, strides = array<i32>} : memref<8x1024xf32, #tpu.memory_space<vmem>>, vector<1x16xf32>,
        %get3A_456 = arith.index_cast %scan3A_187 : i32 to index
        %get3A_457 = arith.constant 480 : index
        %get3A_458 = tpu.vector_load %arg14[%get3A_456, %get3A_457] {strides = array<i32>} : memref<8x1024xf32, #tpu.memory_space<vmem>>, vector<1x16xf32>,
        %get3A_459 = vector.shape_cast %get3A_458 : vector<1x16xf32> to vector<16xf32>
        %swap3A_460 = arith.index_cast %scan3A_187 : i32 to index
        %swap3A_461 = arith.constant 480 : index
        %swap3A_462 = tpu.vector_load %arg10[%swap3A_460, %swap3A_461] {strides = array<i32>} : memref<8x1024xf32, #tpu.memory_space<vmem>>, vector<1x16xf32>,
        %swap3A_463 = vector.shape_cast %swap3A_462 : vector<1x16xf32> to vector<16xf32>
        %swap3A_464 = vector.shape_cast %get3A_459 : vector<16xf32> to vector<1x16xf32>
        tpu.vector_store %arg10[%swap3A_460, %swap3A_461], %swap3A_464 {add = true, strides = array<i32>} : memref<8x1024xf32, #tpu.memory_space<vmem>>, vector<1x16xf32>,
        %get3A_465 = arith.index_cast %scan3A_187 : i32 to index
        %get3A_466 = arith.constant 496 : index
        %get3A_467 = tpu.vector_load %arg14[%get3A_465, %get3A_466] {strides = array<i32>} : memref<8x1024xf32, #tpu.memory_space<vmem>>, vector<1x16xf32>,
        %get3A_468 = vector.shape_cast %get3A_467 : vector<1x16xf32> to vector<16xf32>
        %swap3A_469 = arith.index_cast %scan3A_187 : i32 to index
        %swap3A_470 = arith.constant 496 : index
        %swap3A_471 = tpu.vector_load %arg10[%swap3A_469, %swap3A_470] {strides = array<i32>} : memref<8x1024xf32, #tpu.memory_space<vmem>>, vector<1x16xf32>,
        %swap3A_472 = vector.shape_cast %swap3A_471 : vector<1x16xf32> to vector<16xf32>
        %swap3A_473 = vector.shape_cast %get3A_468 : vector<16xf32> to vector<1x16xf32>
        tpu.vector_store %arg10[%swap3A_469, %swap3A_470], %swap3A_473 {add = true, strides = array<i32>} : memref<8x1024xf32, #tpu.memory_space<vmem>>, vector<1x16xf32>,
        %get3A_474 = arith.index_cast %scan3A_187 : i32 to index
        %get3A_475 = arith.constant 512 : index
        %get3A_476 = tpu.vector_load %arg14[%get3A_474, %get3A_475] {strides = array<i32>} : memref<8x1024xf32, #tpu.memory_space<vmem>>, vector<1x16xf32>,
        %get3A_477 = vector.shape_cast %get3A_476 : vector<1x16xf32> to vector<16xf32>
        %swap3A_478 = arith.index_cast %scan3A_187 : i32 to index
        %swap3A_479 = arith.constant 512 : index
        %swap3A_480 = tpu.vector_load %arg10[%swap3A_478, %swap3A_479] {strides = array<i32>} : memref<8x1024xf32, #tpu.memory_space<vmem>>, vector<1x16xf32>,
        %swap3A_481 = vector.shape_cast %swap3A_480 : vector<1x16xf32> to vector<16xf32>
        %swap3A_482 = vector.shape_cast %get3A_477 : vector<16xf32> to vector<1x16xf32>
        tpu.vector_store %arg10[%swap3A_478, %swap3A_479], %swap3A_482 {add = true, strides = array<i32>} : memref<8x1024xf32, #tpu.memory_space<vmem>>, vector<1x16xf32>,
        %get3A_483 = arith.index_cast %scan3A_187 : i32 to index
        %get3A_484 = arith.constant 528 : index
        %get3A_485 = tpu.vector_load %arg14[%get3A_483, %get3A_484] {strides = array<i32>} : memref<8x1024xf32, #tpu.memory_space<vmem>>, vector<1x16xf32>,
        %get3A_486 = vector.shape_cast %get3A_485 : vector<1x16xf32> to vector<16xf32>
        %swap3A_487 = arith.index_cast %scan3A_187 : i32 to index
        %swap3A_488 = arith.constant 528 : index
        %swap3A_489 = tpu.vector_load %arg10[%swap3A_487, %swap3A_488] {strides = array<i32>} : memref<8x1024xf32, #tpu.memory_space<vmem>>, vector<1x16xf32>,
        %swap3A_490 = vector.shape_cast %swap3A_489 : vector<1x16xf32> to vector<16xf32>
        %swap3A_491 = vector.shape_cast %get3A_486 : vector<16xf32> to vector<1x16xf32>
        tpu.vector_store %arg10[%swap3A_487, %swap3A_488], %swap3A_491 {add = true, strides = array<i32>} : memref<8x1024xf32, #tpu.memory_space<vmem>>, vector<1x16xf32>,
        %get3A_492 = arith.index_cast %scan3A_187 : i32 to index
        %get3A_493 = arith.constant 544 : index
        %get3A_494 = tpu.vector_load %arg14[%get3A_492, %get3A_493] {strides = array<i32>} : memref<8x1024xf32, #tpu.memory_space<vmem>>, vector<1x16xf32>,
        %get3A_495 = vector.shape_cast %get3A_494 : vector<1x16xf32> to vector<16xf32>
        %swap3A_496 = arith.index_cast %scan3A_187 : i32 to index
        %swap3A_497 = arith.constant 544 : index
        %swap3A_498 = tpu.vector_load %arg10[%swap3A_496, %swap3A_497] {strides = array<i32>} : memref<8x1024xf32, #tpu.memory_space<vmem>>, vector<1x16xf32>,
        %swap3A_499 = vector.shape_cast %swap3A_498 : vector<1x16xf32> to vector<16xf32>
        %swap3A_500 = vector.shape_cast %get3A_495 : vector<16xf32> to vector<1x16xf32>
        tpu.vector_store %arg10[%swap3A_496, %swap3A_497], %swap3A_500 {add = true, strides = array<i32>} : memref<8x1024xf32, #tpu.memory_space<vmem>>, vector<1x16xf32>,
        %get3A_501 = arith.index_cast %scan3A_187 : i32 to index
        %get3A_502 = arith.constant 560 : index
        %get3A_503 = tpu.vector_load %arg14[%get3A_501, %get3A_502] {strides = array<i32>} : memref<8x1024xf32, #tpu.memory_space<vmem>>, vector<1x16xf32>,
        %get3A_504 = vector.shape_cast %get3A_503 : vector<1x16xf32> to vector<16xf32>
        %swap3A_505 = arith.index_cast %scan3A_187 : i32 to index
        %swap3A_506 = arith.constant 560 : index
        %swap3A_507 = tpu.vector_load %arg10[%swap3A_505, %swap3A_506] {strides = array<i32>} : memref<8x1024xf32, #tpu.memory_space<vmem>>, vector<1x16xf32>,
        %swap3A_508 = vector.shape_cast %swap3A_507 : vector<1x16xf32> to vector<16xf32>
        %swap3A_509 = vector.shape_cast %get3A_504 : vector<16xf32> to vector<1x16xf32>
        tpu.vector_store %arg10[%swap3A_505, %swap3A_506], %swap3A_509 {add = true, strides = array<i32>} : memref<8x1024xf32, #tpu.memory_space<vmem>>, vector<1x16xf32>,
        %get3A_510 = arith.index_cast %scan3A_187 : i32 to index
        %get3A_511 = arith.constant 576 : index
        %get3A_512 = tpu.vector_load %arg14[%get3A_510, %get3A_511] {strides = array<i32>} : memref<8x1024xf32, #tpu.memory_space<vmem>>, vector<1x16xf32>,
        %get3A_513 = vector.shape_cast %get3A_512 : vector<1x16xf32> to vector<16xf32>
        %swap3A_514 = arith.index_cast %scan3A_187 : i32 to index
        %swap3A_515 = arith.constant 576 : index
        %swap3A_516 = tpu.vector_load %arg10[%swap3A_514, %swap3A_515] {strides = array<i32>} : memref<8x1024xf32, #tpu.memory_space<vmem>>, vector<1x16xf32>,
        %swap3A_517 = vector.shape_cast %swap3A_516 : vector<1x16xf32> to vector<16xf32>
        %swap3A_518 = vector.shape_cast %get3A_513 : vector<16xf32> to vector<1x16xf32>
        tpu.vector_store %arg10[%swap3A_514, %swap3A_515], %swap3A_518 {add = true, strides = array<i32>} : memref<8x1024xf32, #tpu.memory_space<vmem>>, vector<1x16xf32>,
        %get3A_519 = arith.index_cast %scan3A_187 : i32 to index
        %get3A_520 = arith.constant 592 : index
        %get3A_521 = tpu.vector_load %arg14[%get3A_519, %get3A_520] {strides = array<i32>} : memref<8x1024xf32, #tpu.memory_space<vmem>>, vector<1x16xf32>,
        %get3A_522 = vector.shape_cast %get3A_521 : vector<1x16xf32> to vector<16xf32>
        %swap3A_523 = arith.index_cast %scan3A_187 : i32 to index
        %swap3A_524 = arith.constant 592 : index
        %swap3A_525 = tpu.vector_load %arg10[%swap3A_523, %swap3A_524] {strides = array<i32>} : memref<8x1024xf32, #tpu.memory_space<vmem>>, vector<1x16xf32>,
        %swap3A_526 = vector.shape_cast %swap3A_525 : vector<1x16xf32> to vector<16xf32>
        %swap3A_527 = vector.shape_cast %get3A_522 : vector<16xf32> to vector<1x16xf32>
        tpu.vector_store %arg10[%swap3A_523, %swap3A_524], %swap3A_527 {add = true, strides = array<i32>} : memref<8x1024xf32, #tpu.memory_space<vmem>>, vector<1x16xf32>,
        %get3A_528 = arith.index_cast %scan3A_187 : i32 to index
        %get3A_529 = arith.constant 608 : index
        %get3A_530 = tpu.vector_load %arg14[%get3A_528, %get3A_529] {strides = array<i32>} : memref<8x1024xf32, #tpu.memory_space<vmem>>, vector<1x16xf32>,
        %get3A_531 = vector.shape_cast %get3A_530 : vector<1x16xf32> to vector<16xf32>
        %swap3A_532 = arith.index_cast %scan3A_187 : i32 to index
        %swap3A_533 = arith.constant 608 : index
        %swap3A_534 = tpu.vector_load %arg10[%swap3A_532, %swap3A_533] {strides = array<i32>} : memref<8x1024xf32, #tpu.memory_space<vmem>>, vector<1x16xf32>,
        %swap3A_535 = vector.shape_cast %swap3A_534 : vector<1x16xf32> to vector<16xf32>
        %swap3A_536 = vector.shape_cast %get3A_531 : vector<16xf32> to vector<1x16xf32>
        tpu.vector_store %arg10[%swap3A_532, %swap3A_533], %swap3A_536 {add = true, strides = array<i32>} : memref<8x1024xf32, #tpu.memory_space<vmem>>, vector<1x16xf32>,
        %get3A_537 = arith.index_cast %scan3A_187 : i32 to index
        %get3A_538 = arith.constant 624 : index
        %get3A_539 = tpu.vector_load %arg14[%get3A_537, %get3A_538] {strides = array<i32>} : memref<8x1024xf32, #tpu.memory_space<vmem>>, vector<1x16xf32>,
        %get3A_540 = vector.shape_cast %get3A_539 : vector<1x16xf32> to vector<16xf32>
        %swap3A_541 = arith.index_cast %scan3A_187 : i32 to index
        %swap3A_542 = arith.constant 624 : index
        %swap3A_543 = tpu.vector_load %arg10[%swap3A_541, %swap3A_542] {strides = array<i32>} : memref<8x1024xf32, #tpu.memory_space<vmem>>, vector<1x16xf32>,
        %swap3A_544 = vector.shape_cast %swap3A_543 : vector<1x16xf32> to vector<16xf32>
        %swap3A_545 = vector.shape_cast %get3A_540 : vector<16xf32> to vector<1x16xf32>
        tpu.vector_store %arg10[%swap3A_541, %swap3A_542], %swap3A_545 {add = true, strides = array<i32>} : memref<8x1024xf32, #tpu.memory_space<vmem>>, vector<1x16xf32>,
        %get3A_546 = arith.index_cast %scan3A_187 : i32 to index
        %get3A_547 = arith.constant 640 : index
        %get3A_548 = tpu.vector_load %arg14[%get3A_546, %get3A_547] {strides = array<i32>} : memref<8x1024xf32, #tpu.memory_space<vmem>>, vector<1x16xf32>,
        %get3A_549 = vector.shape_cast %get3A_548 : vector<1x16xf32> to vector<16xf32>
        %swap3A_550 = arith.index_cast %scan3A_187 : i32 to index
        %swap3A_551 = arith.constant 640 : index
        %swap3A_552 = tpu.vector_load %arg10[%swap3A_550, %swap3A_551] {strides = array<i32>} : memref<8x1024xf32, #tpu.memory_space<vmem>>, vector<1x16xf32>,
        %swap3A_553 = vector.shape_cast %swap3A_552 : vector<1x16xf32> to vector<16xf32>
        %swap3A_554 = vector.shape_cast %get3A_549 : vector<16xf32> to vector<1x16xf32>
        tpu.vector_store %arg10[%swap3A_550, %swap3A_551], %swap3A_554 {add = true, strides = array<i32>} : memref<8x1024xf32, #tpu.memory_space<vmem>>, vector<1x16xf32>,
        %get3A_555 = arith.index_cast %scan3A_187 : i32 to index
        %get3A_556 = arith.constant 656 : index
        %get3A_557 = tpu.vector_load %arg14[%get3A_555, %get3A_556] {strides = array<i32>} : memref<8x1024xf32, #tpu.memory_space<vmem>>, vector<1x16xf32>,
        %get3A_558 = vector.shape_cast %get3A_557 : vector<1x16xf32> to vector<16xf32>
        %swap3A_559 = arith.index_cast %scan3A_187 : i32 to index
        %swap3A_560 = arith.constant 656 : index
        %swap3A_561 = tpu.vector_load %arg10[%swap3A_559, %swap3A_560] {strides = array<i32>} : memref<8x1024xf32, #tpu.memory_space<vmem>>, vector<1x16xf32>,
        %swap3A_562 = vector.shape_cast %swap3A_561 : vector<1x16xf32> to vector<16xf32>
        %swap3A_563 = vector.shape_cast %get3A_558 : vector<16xf32> to vector<1x16xf32>
        tpu.vector_store %arg10[%swap3A_559, %swap3A_560], %swap3A_563 {add = true, strides = array<i32>} : memref<8x1024xf32, #tpu.memory_space<vmem>>, vector<1x16xf32>,
        %get3A_564 = arith.index_cast %scan3A_187 : i32 to index
        %get3A_565 = arith.constant 672 : index
        %get3A_566 = tpu.vector_load %arg14[%get3A_564, %get3A_565] {strides = array<i32>} : memref<8x1024xf32, #tpu.memory_space<vmem>>, vector<1x16xf32>,
        %get3A_567 = vector.shape_cast %get3A_566 : vector<1x16xf32> to vector<16xf32>
        %swap3A_568 = arith.index_cast %scan3A_187 : i32 to index
        %swap3A_569 = arith.constant 672 : index
        %swap3A_570 = tpu.vector_load %arg10[%swap3A_568, %swap3A_569] {strides = array<i32>} : memref<8x1024xf32, #tpu.memory_space<vmem>>, vector<1x16xf32>,
        %swap3A_571 = vector.shape_cast %swap3A_570 : vector<1x16xf32> to vector<16xf32>
        %swap3A_572 = vector.shape_cast %get3A_567 : vector<16xf32> to vector<1x16xf32>
        tpu.vector_store %arg10[%swap3A_568, %swap3A_569], %swap3A_572 {add = true, strides = array<i32>} : memref<8x1024xf32, #tpu.memory_space<vmem>>, vector<1x16xf32>,
        %get3A_573 = arith.index_cast %scan3A_187 : i32 to index
        %get3A_574 = arith.constant 688 : index
        %get3A_575 = tpu.vector_load %arg14[%get3A_573, %get3A_574] {strides = array<i32>} : memref<8x1024xf32, #tpu.memory_space<vmem>>, vector<1x16xf32>,
        %get3A_576 = vector.shape_cast %get3A_575 : vector<1x16xf32> to vector<16xf32>
        %swap3A_577 = arith.index_cast %scan3A_187 : i32 to index
        %swap3A_578 = arith.constant 688 : index
        %swap3A_579 = tpu.vector_load %arg10[%swap3A_577, %swap3A_578] {strides = array<i32>} : memref<8x1024xf32, #tpu.memory_space<vmem>>, vector<1x16xf32>,
        %swap3A_580 = vector.shape_cast %swap3A_579 : vector<1x16xf32> to vector<16xf32>
        %swap3A_581 = vector.shape_cast %get3A_576 : vector<16xf32> to vector<1x16xf32>
        tpu.vector_store %arg10[%swap3A_577, %swap3A_578], %swap3A_581 {add = true, strides = array<i32>} : memref<8x1024xf32, #tpu.memory_space<vmem>>, vector<1x16xf32>,
        %get3A_582 = arith.index_cast %scan3A_187 : i32 to index
        %get3A_583 = arith.constant 704 : index
        %get3A_584 = tpu.vector_load %arg14[%get3A_582, %get3A_583] {strides = array<i32>} : memref<8x1024xf32, #tpu.memory_space<vmem>>, vector<1x16xf32>,
        %get3A_585 = vector.shape_cast %get3A_584 : vector<1x16xf32> to vector<16xf32>
        %swap3A_586 = arith.index_cast %scan3A_187 : i32 to index
        %swap3A_587 = arith.constant 704 : index
        %swap3A_588 = tpu.vector_load %arg10[%swap3A_586, %swap3A_587] {strides = array<i32>} : memref<8x1024xf32, #tpu.memory_space<vmem>>, vector<1x16xf32>,
        %swap3A_589 = vector.shape_cast %swap3A_588 : vector<1x16xf32> to vector<16xf32>
        %swap3A_590 = vector.shape_cast %get3A_585 : vector<16xf32> to vector<1x16xf32>
        tpu.vector_store %arg10[%swap3A_586, %swap3A_587], %swap3A_590 {add = true, strides = array<i32>} : memref<8x1024xf32, #tpu.memory_space<vmem>>, vector<1x16xf32>,
        %get3A_591 = arith.index_cast %scan3A_187 : i32 to index
        %get3A_592 = arith.constant 720 : index
        %get3A_593 = tpu.vector_load %arg14[%get3A_591, %get3A_592] {strides = array<i32>} : memref<8x1024xf32, #tpu.memory_space<vmem>>, vector<1x16xf32>,
        %get3A_594 = vector.shape_cast %get3A_593 : vector<1x16xf32> to vector<16xf32>
        %swap3A_595 = arith.index_cast %scan3A_187 : i32 to index
        %swap3A_596 = arith.constant 720 : index
        %swap3A_597 = tpu.vector_load %arg10[%swap3A_595, %swap3A_596] {strides = array<i32>} : memref<8x1024xf32, #tpu.memory_space<vmem>>, vector<1x16xf32>,
        %swap3A_598 = vector.shape_cast %swap3A_597 : vector<1x16xf32> to vector<16xf32>
        %swap3A_599 = vector.shape_cast %get3A_594 : vector<16xf32> to vector<1x16xf32>
        tpu.vector_store %arg10[%swap3A_595, %swap3A_596], %swap3A_599 {add = true, strides = array<i32>} : memref<8x1024xf32, #tpu.memory_space<vmem>>, vector<1x16xf32>,
        %get3A_600 = arith.index_cast %scan3A_187 : i32 to index
        %get3A_601 = arith.constant 736 : index
        %get3A_602 = tpu.vector_load %arg14[%get3A_600, %get3A_601] {strides = array<i32>} : memref<8x1024xf32, #tpu.memory_space<vmem>>, vector<1x16xf32>,
        %get3A_603 = vector.shape_cast %get3A_602 : vector<1x16xf32> to vector<16xf32>
        %swap3A_604 = arith.index_cast %scan3A_187 : i32 to index
        %swap3A_605 = arith.constant 736 : index
        %swap3A_606 = tpu.vector_load %arg10[%swap3A_604, %swap3A_605] {strides = array<i32>} : memref<8x1024xf32, #tpu.memory_space<vmem>>, vector<1x16xf32>,
        %swap3A_607 = vector.shape_cast %swap3A_606 : vector<1x16xf32> to vector<16xf32>
        %swap3A_608 = vector.shape_cast %get3A_603 : vector<16xf32> to vector<1x16xf32>
        tpu.vector_store %arg10[%swap3A_604, %swap3A_605], %swap3A_608 {add = true, strides = array<i32>} : memref<8x1024xf32, #tpu.memory_space<vmem>>, vector<1x16xf32>,
        %get3A_609 = arith.index_cast %scan3A_187 : i32 to index
        %get3A_610 = arith.constant 752 : index
        %get3A_611 = tpu.vector_load %arg14[%get3A_609, %get3A_610] {strides = array<i32>} : memref<8x1024xf32, #tpu.memory_space<vmem>>, vector<1x16xf32>,
        %get3A_612 = vector.shape_cast %get3A_611 : vector<1x16xf32> to vector<16xf32>
        %swap3A_613 = arith.index_cast %scan3A_187 : i32 to index
        %swap3A_614 = arith.constant 752 : index
        %swap3A_615 = tpu.vector_load %arg10[%swap3A_613, %swap3A_614] {strides = array<i32>} : memref<8x1024xf32, #tpu.memory_space<vmem>>, vector<1x16xf32>,
        %swap3A_616 = vector.shape_cast %swap3A_615 : vector<1x16xf32> to vector<16xf32>
        %swap3A_617 = vector.shape_cast %get3A_612 : vector<16xf32> to vector<1x16xf32>
        tpu.vector_store %arg10[%swap3A_613, %swap3A_614], %swap3A_617 {add = true, strides = array<i32>} : memref<8x1024xf32, #tpu.memory_space<vmem>>, vector<1x16xf32>,
        %get3A_618 = arith.index_cast %scan3A_187 : i32 to index
        %get3A_619 = arith.constant 768 : index
        %get3A_620 = tpu.vector_load %arg14[%get3A_618, %get3A_619] {strides = array<i32>} : memref<8x1024xf32, #tpu.memory_space<vmem>>, vector<1x16xf32>,
        %get3A_621 = vector.shape_cast %get3A_620 : vector<1x16xf32> to vector<16xf32>
        %swap3A_622 = arith.index_cast %scan3A_187 : i32 to index
        %swap3A_623 = arith.constant 768 : index
        %swap3A_624 = tpu.vector_load %arg10[%swap3A_622, %swap3A_623] {strides = array<i32>} : memref<8x1024xf32, #tpu.memory_space<vmem>>, vector<1x16xf32>,
        %swap3A_625 = vector.shape_cast %swap3A_624 : vector<1x16xf32> to vector<16xf32>
        %swap3A_626 = vector.shape_cast %get3A_621 : vector<16xf32> to vector<1x16xf32>
        tpu.vector_store %arg10[%swap3A_622, %swap3A_623], %swap3A_626 {add = true, strides = array<i32>} : memref<8x1024xf32, #tpu.memory_space<vmem>>, vector<1x16xf32>,
        %get3A_627 = arith.index_cast %scan3A_187 : i32 to index
        %get3A_628 = arith.constant 784 : index
        %get3A_629 = tpu.vector_load %arg14[%get3A_627, %get3A_628] {strides = array<i32>} : memref<8x1024xf32, #tpu.memory_space<vmem>>, vector<1x16xf32>,
        %get3A_630 = vector.shape_cast %get3A_629 : vector<1x16xf32> to vector<16xf32>
        %swap3A_631 = arith.index_cast %scan3A_187 : i32 to index
        %swap3A_632 = arith.constant 784 : index
        %swap3A_633 = tpu.vector_load %arg10[%swap3A_631, %swap3A_632] {strides = array<i32>} : memref<8x1024xf32, #tpu.memory_space<vmem>>, vector<1x16xf32>,
        %swap3A_634 = vector.shape_cast %swap3A_633 : vector<1x16xf32> to vector<16xf32>
        %swap3A_635 = vector.shape_cast %get3A_630 : vector<16xf32> to vector<1x16xf32>
        tpu.vector_store %arg10[%swap3A_631, %swap3A_632], %swap3A_635 {add = true, strides = array<i32>} : memref<8x1024xf32, #tpu.memory_space<vmem>>, vector<1x16xf32>,
        %get3A_636 = arith.index_cast %scan3A_187 : i32 to index
        %get3A_637 = arith.constant 800 : index
        %get3A_638 = tpu.vector_load %arg14[%get3A_636, %get3A_637] {strides = array<i32>} : memref<8x1024xf32, #tpu.memory_space<vmem>>, vector<1x16xf32>,
        %get3A_639 = vector.shape_cast %get3A_638 : vector<1x16xf32> to vector<16xf32>
        %swap3A_640 = arith.index_cast %scan3A_187 : i32 to index
        %swap3A_641 = arith.constant 800 : index
        %swap3A_642 = tpu.vector_load %arg10[%swap3A_640, %swap3A_641] {strides = array<i32>} : memref<8x1024xf32, #tpu.memory_space<vmem>>, vector<1x16xf32>,
        %swap3A_643 = vector.shape_cast %swap3A_642 : vector<1x16xf32> to vector<16xf32>
        %swap3A_644 = vector.shape_cast %get3A_639 : vector<16xf32> to vector<1x16xf32>
        tpu.vector_store %arg10[%swap3A_640, %swap3A_641], %swap3A_644 {add = true, strides = array<i32>} : memref<8x1024xf32, #tpu.memory_space<vmem>>, vector<1x16xf32>,
        %get3A_645 = arith.index_cast %scan3A_187 : i32 to index
        %get3A_646 = arith.constant 816 : index
        %get3A_647 = tpu.vector_load %arg14[%get3A_645, %get3A_646] {strides = array<i32>} : memref<8x1024xf32, #tpu.memory_space<vmem>>, vector<1x16xf32>,
        %get3A_648 = vector.shape_cast %get3A_647 : vector<1x16xf32> to vector<16xf32>
        %swap3A_649 = arith.index_cast %scan3A_187 : i32 to index
        %swap3A_650 = arith.constant 816 : index
        %swap3A_651 = tpu.vector_load %arg10[%swap3A_649, %swap3A_650] {strides = array<i32>} : memref<8x1024xf32, #tpu.memory_space<vmem>>, vector<1x16xf32>,
        %swap3A_652 = vector.shape_cast %swap3A_651 : vector<1x16xf32> to vector<16xf32>
        %swap3A_653 = vector.shape_cast %get3A_648 : vector<16xf32> to vector<1x16xf32>
        tpu.vector_store %arg10[%swap3A_649, %swap3A_650], %swap3A_653 {add = true, strides = array<i32>} : memref<8x1024xf32, #tpu.memory_space<vmem>>, vector<1x16xf32>,
        %get3A_654 = arith.index_cast %scan3A_187 : i32 to index
        %get3A_655 = arith.constant 832 : index
        %get3A_656 = tpu.vector_load %arg14[%get3A_654, %get3A_655] {strides = array<i32>} : memref<8x1024xf32, #tpu.memory_space<vmem>>, vector<1x16xf32>,
        %get3A_657 = vector.shape_cast %get3A_656 : vector<1x16xf32> to vector<16xf32>
        %swap3A_658 = arith.index_cast %scan3A_187 : i32 to index
        %swap3A_659 = arith.constant 832 : index
        %swap3A_660 = tpu.vector_load %arg10[%swap3A_658, %swap3A_659] {strides = array<i32>} : memref<8x1024xf32, #tpu.memory_space<vmem>>, vector<1x16xf32>,
        %swap3A_661 = vector.shape_cast %swap3A_660 : vector<1x16xf32> to vector<16xf32>
        %swap3A_662 = vector.shape_cast %get3A_657 : vector<16xf32> to vector<1x16xf32>
        tpu.vector_store %arg10[%swap3A_658, %swap3A_659], %swap3A_662 {add = true, strides = array<i32>} : memref<8x1024xf32, #tpu.memory_space<vmem>>, vector<1x16xf32>,
        %get3A_663 = arith.index_cast %scan3A_187 : i32 to index
        %get3A_664 = arith.constant 848 : index
        %get3A_665 = tpu.vector_load %arg14[%get3A_663, %get3A_664] {strides = array<i32>} : memref<8x1024xf32, #tpu.memory_space<vmem>>, vector<1x16xf32>,
        %get3A_666 = vector.shape_cast %get3A_665 : vector<1x16xf32> to vector<16xf32>
        %swap3A_667 = arith.index_cast %scan3A_187 : i32 to index
        %swap3A_668 = arith.constant 848 : index
        %swap3A_669 = tpu.vector_load %arg10[%swap3A_667, %swap3A_668] {strides = array<i32>} : memref<8x1024xf32, #tpu.memory_space<vmem>>, vector<1x16xf32>,
        %swap3A_670 = vector.shape_cast %swap3A_669 : vector<1x16xf32> to vector<16xf32>
        %swap3A_671 = vector.shape_cast %get3A_666 : vector<16xf32> to vector<1x16xf32>
        tpu.vector_store %arg10[%swap3A_667, %swap3A_668], %swap3A_671 {add = true, strides = array<i32>} : memref<8x1024xf32, #tpu.memory_space<vmem>>, vector<1x16xf32>,
        %get3A_672 = arith.index_cast %scan3A_187 : i32 to index
        %get3A_673 = arith.constant 864 : index
        %get3A_674 = tpu.vector_load %arg14[%get3A_672, %get3A_673] {strides = array<i32>} : memref<8x1024xf32, #tpu.memory_space<vmem>>, vector<1x16xf32>,
        %get3A_675 = vector.shape_cast %get3A_674 : vector<1x16xf32> to vector<16xf32>
        %swap3A_676 = arith.index_cast %scan3A_187 : i32 to index
        %swap3A_677 = arith.constant 864 : index
        %swap3A_678 = tpu.vector_load %arg10[%swap3A_676, %swap3A_677] {strides = array<i32>} : memref<8x1024xf32, #tpu.memory_space<vmem>>, vector<1x16xf32>,
        %swap3A_679 = vector.shape_cast %swap3A_678 : vector<1x16xf32> to vector<16xf32>
        %swap3A_680 = vector.shape_cast %get3A_675 : vector<16xf32> to vector<1x16xf32>
        tpu.vector_store %arg10[%swap3A_676, %swap3A_677], %swap3A_680 {add = true, strides = array<i32>} : memref<8x1024xf32, #tpu.memory_space<vmem>>, vector<1x16xf32>,
        %get3A_681 = arith.index_cast %scan3A_187 : i32 to index
        %get3A_682 = arith.constant 880 : index
        %get3A_683 = tpu.vector_load %arg14[%get3A_681, %get3A_682] {strides = array<i32>} : memref<8x1024xf32, #tpu.memory_space<vmem>>, vector<1x16xf32>,
        %get3A_684 = vector.shape_cast %get3A_683 : vector<1x16xf32> to vector<16xf32>
        %swap3A_685 = arith.index_cast %scan3A_187 : i32 to index
        %swap3A_686 = arith.constant 880 : index
        %swap3A_687 = tpu.vector_load %arg10[%swap3A_685, %swap3A_686] {strides = array<i32>} : memref<8x1024xf32, #tpu.memory_space<vmem>>, vector<1x16xf32>,
        %swap3A_688 = vector.shape_cast %swap3A_687 : vector<1x16xf32> to vector<16xf32>
        %swap3A_689 = vector.shape_cast %get3A_684 : vector<16xf32> to vector<1x16xf32>
        tpu.vector_store %arg10[%swap3A_685, %swap3A_686], %swap3A_689 {add = true, strides = array<i32>} : memref<8x1024xf32, #tpu.memory_space<vmem>>, vector<1x16xf32>,
        %get3A_690 = arith.index_cast %scan3A_187 : i32 to index
        %get3A_691 = arith.constant 896 : index
        %get3A_692 = tpu.vector_load %arg14[%get3A_690, %get3A_691] {strides = array<i32>} : memref<8x1024xf32, #tpu.memory_space<vmem>>, vector<1x16xf32>,
        %get3A_693 = vector.shape_cast %get3A_692 : vector<1x16xf32> to vector<16xf32>
        %swap3A_694 = arith.index_cast %scan3A_187 : i32 to index
        %swap3A_695 = arith.constant 896 : index
        %swap3A_696 = tpu.vector_load %arg10[%swap3A_694, %swap3A_695] {strides = array<i32>} : memref<8x1024xf32, #tpu.memory_space<vmem>>, vector<1x16xf32>,
        %swap3A_697 = vector.shape_cast %swap3A_696 : vector<1x16xf32> to vector<16xf32>
        %swap3A_698 = vector.shape_cast %get3A_693 : vector<16xf32> to vector<1x16xf32>
        tpu.vector_store %arg10[%swap3A_694, %swap3A_695], %swap3A_698 {add = true, strides = array<i32>} : memref<8x1024xf32, #tpu.memory_space<vmem>>, vector<1x16xf32>,
        %get3A_699 = arith.index_cast %scan3A_187 : i32 to index
        %get3A_700 = arith.constant 912 : index
        %get3A_701 = tpu.vector_load %arg14[%get3A_699, %get3A_700] {strides = array<i32>} : memref<8x1024xf32, #tpu.memory_space<vmem>>, vector<1x16xf32>,
        %get3A_702 = vector.shape_cast %get3A_701 : vector<1x16xf32> to vector<16xf32>
        %swap3A_703 = arith.index_cast %scan3A_187 : i32 to index
        %swap3A_704 = arith.constant 912 : index
        %swap3A_705 = tpu.vector_load %arg10[%swap3A_703, %swap3A_704] {strides = array<i32>} : memref<8x1024xf32, #tpu.memory_space<vmem>>, vector<1x16xf32>,
        %swap3A_706 = vector.shape_cast %swap3A_705 : vector<1x16xf32> to vector<16xf32>
        %swap3A_707 = vector.shape_cast %get3A_702 : vector<16xf32> to vector<1x16xf32>
        tpu.vector_store %arg10[%swap3A_703, %swap3A_704], %swap3A_707 {add = true, strides = array<i32>} : memref<8x1024xf32, #tpu.memory_space<vmem>>, vector<1x16xf32>,
        %get3A_708 = arith.index_cast %scan3A_187 : i32 to index
        %get3A_709 = arith.constant 928 : index
        %get3A_710 = tpu.vector_load %arg14[%get3A_708, %get3A_709] {strides = array<i32>} : memref<8x1024xf32, #tpu.memory_space<vmem>>, vector<1x16xf32>,
        %get3A_711 = vector.shape_cast %get3A_710 : vector<1x16xf32> to vector<16xf32>
        %swap3A_712 = arith.index_cast %scan3A_187 : i32 to index
        %swap3A_713 = arith.constant 928 : index
        %swap3A_714 = tpu.vector_load %arg10[%swap3A_712, %swap3A_713] {strides = array<i32>} : memref<8x1024xf32, #tpu.memory_space<vmem>>, vector<1x16xf32>,
        %swap3A_715 = vector.shape_cast %swap3A_714 : vector<1x16xf32> to vector<16xf32>
        %swap3A_716 = vector.shape_cast %get3A_711 : vector<16xf32> to vector<1x16xf32>
        tpu.vector_store %arg10[%swap3A_712, %swap3A_713], %swap3A_716 {add = true, strides = array<i32>} : memref<8x1024xf32, #tpu.memory_space<vmem>>, vector<1x16xf32>,
        %get3A_717 = arith.index_cast %scan3A_187 : i32 to index
        %get3A_718 = arith.constant 944 : index
        %get3A_719 = tpu.vector_load %arg14[%get3A_717, %get3A_718] {strides = array<i32>} : memref<8x1024xf32, #tpu.memory_space<vmem>>, vector<1x16xf32>,
        %get3A_720 = vector.shape_cast %get3A_719 : vector<1x16xf32> to vector<16xf32>
        %swap3A_721 = arith.index_cast %scan3A_187 : i32 to index
        %swap3A_722 = arith.constant 944 : index
        %swap3A_723 = tpu.vector_load %arg10[%swap3A_721, %swap3A_722] {strides = array<i32>} : memref<8x1024xf32, #tpu.memory_space<vmem>>, vector<1x16xf32>,
        %swap3A_724 = vector.shape_cast %swap3A_723 : vector<1x16xf32> to vector<16xf32>
        %swap3A_725 = vector.shape_cast %get3A_720 : vector<16xf32> to vector<1x16xf32>
        tpu.vector_store %arg10[%swap3A_721, %swap3A_722], %swap3A_725 {add = true, strides = array<i32>} : memref<8x1024xf32, #tpu.memory_space<vmem>>, vector<1x16xf32>,
        %get3A_726 = arith.index_cast %scan3A_187 : i32 to index
        %get3A_727 = arith.constant 960 : index
        %get3A_728 = tpu.vector_load %arg14[%get3A_726, %get3A_727] {strides = array<i32>} : memref<8x1024xf32, #tpu.memory_space<vmem>>, vector<1x16xf32>,
        %get3A_729 = vector.shape_cast %get3A_728 : vector<1x16xf32> to vector<16xf32>
        %swap3A_730 = arith.index_cast %scan3A_187 : i32 to index
        %swap3A_731 = arith.constant 960 : index
        %swap3A_732 = tpu.vector_load %arg10[%swap3A_730, %swap3A_731] {strides = array<i32>} : memref<8x1024xf32, #tpu.memory_space<vmem>>, vector<1x16xf32>,
        %swap3A_733 = vector.shape_cast %swap3A_732 : vector<1x16xf32> to vector<16xf32>
        %swap3A_734 = vector.shape_cast %get3A_729 : vector<16xf32> to vector<1x16xf32>
        tpu.vector_store %arg10[%swap3A_730, %swap3A_731], %swap3A_734 {add = true, strides = array<i32>} : memref<8x1024xf32, #tpu.memory_space<vmem>>, vector<1x16xf32>,
        %get3A_735 = arith.index_cast %scan3A_187 : i32 to index
        %get3A_736 = arith.constant 976 : index
        %get3A_737 = tpu.vector_load %arg14[%get3A_735, %get3A_736] {strides = array<i32>} : memref<8x1024xf32, #tpu.memory_space<vmem>>, vector<1x16xf32>,
        %get3A_738 = vector.shape_cast %get3A_737 : vector<1x16xf32> to vector<16xf32>
        %swap3A_739 = arith.index_cast %scan3A_187 : i32 to index
        %swap3A_740 = arith.constant 976 : index
        %swap3A_741 = tpu.vector_load %arg10[%swap3A_739, %swap3A_740] {strides = array<i32>} : memref<8x1024xf32, #tpu.memory_space<vmem>>, vector<1x16xf32>,
        %swap3A_742 = vector.shape_cast %swap3A_741 : vector<1x16xf32> to vector<16xf32>
        %swap3A_743 = vector.shape_cast %get3A_738 : vector<16xf32> to vector<1x16xf32>
        tpu.vector_store %arg10[%swap3A_739, %swap3A_740], %swap3A_743 {add = true, strides = array<i32>} : memref<8x1024xf32, #tpu.memory_space<vmem>>, vector<1x16xf32>,
        %get3A_744 = arith.index_cast %scan3A_187 : i32 to index
        %get3A_745 = arith.constant 992 : index
        %get3A_746 = tpu.vector_load %arg14[%get3A_744, %get3A_745] {strides = array<i32>} : memref<8x1024xf32, #tpu.memory_space<vmem>>, vector<1x16xf32>,
        %get3A_747 = vector.shape_cast %get3A_746 : vector<1x16xf32> to vector<16xf32>
        %swap3A_748 = arith.index_cast %scan3A_187 : i32 to index
        %swap3A_749 = arith.constant 992 : index
        %swap3A_750 = tpu.vector_load %arg10[%swap3A_748, %swap3A_749] {strides = array<i32>} : memref<8x1024xf32, #tpu.memory_space<vmem>>, vector<1x16xf32>,
        %swap3A_751 = vector.shape_cast %swap3A_750 : vector<1x16xf32> to vector<16xf32>
        %swap3A_752 = vector.shape_cast %get3A_747 : vector<16xf32> to vector<1x16xf32>
        tpu.vector_store %arg10[%swap3A_748, %swap3A_749], %swap3A_752 {add = true, strides = array<i32>} : memref<8x1024xf32, #tpu.memory_space<vmem>>, vector<1x16xf32>,
        %get3A_753 = arith.index_cast %scan3A_187 : i32 to index
        %get3A_754 = arith.constant 1008 : index
        %get3A_755 = tpu.vector_load %arg14[%get3A_753, %get3A_754] {strides = array<i32>} : memref<8x1024xf32, #tpu.memory_space<vmem>>, vector<1x16xf32>,
        %get3A_756 = vector.shape_cast %get3A_755 : vector<1x16xf32> to vector<16xf32>
        %swap3A_757 = arith.index_cast %scan3A_187 : i32 to index
        %swap3A_758 = arith.constant 1008 : index
        %swap3A_759 = tpu.vector_load %arg10[%swap3A_757, %swap3A_758] {strides = array<i32>} : memref<8x1024xf32, #tpu.memory_space<vmem>>, vector<1x16xf32>,
        %swap3A_760 = vector.shape_cast %swap3A_759 : vector<1x16xf32> to vector<16xf32>
        %swap3A_761 = vector.shape_cast %get3A_756 : vector<16xf32> to vector<1x16xf32>
        tpu.vector_store %arg10[%swap3A_757, %swap3A_758], %swap3A_761 {add = true, strides = array<i32>} : memref<8x1024xf32, #tpu.memory_space<vmem>>, vector<1x16xf32>,
      }
      %scan3A_140 = arith.constant 8 : i32
      %mul3A_141 = arith.constant 8 : i32
      %mul3A_142 = arith.muli %add3A_112, %mul3A_141 : i32
      %add3A_143 = arith.addi %mul3A_2, %mul3A_142 : i32
      %dma_start3A_144 = arith.constant 0 : i32
      %dma_start3A_145 = tpu.memref_slice %arg5[%add3A_143, %dma_start3A_144] : memref<65536x1024xf32, #tpu.memory_space<hbm>> -> memref<8x1024xf32, #tpu.memory_space<hbm>>
      %dma_start3A_146 = arith.constant 0 : i32
      %dma_start3A_147 = tpu.memref_slice %arg5[%add3A_143, %dma_start3A_146] : memref<65536x1024xf32, #tpu.memory_space<hbm>> -> memref<8x1024xf32, #tpu.memory_space<hbm>>
      tpu.enqueue_dma source(%arg10 : memref<8x1024xf32, #tpu.memory_space<vmem>>) target(%dma_start3A_147 : memref<8x1024xf32, #tpu.memory_space<hbm>>) target_semaphore(%arg26 : memref<!tpu.dma_semaphore, #tpu.memory_space<semaphore_mem>>)
      %mul3A_148 = arith.constant 4 : i32
      %mul3A_149 = arith.muli %scan3A_34, %mul3A_148 : i32
      %add3A_150 = arith.constant 3 : i32
      %add3A_151 = arith.addi %mul3A_149, %add3A_150 : i32
      %ge3A_152 = arith.constant 2 : i32
      %ge3A_153 = arith.cmpi sge, %add3A_151, %ge3A_152 : i32
      %convert_element_type3A_154 = arith.extui %ge3A_153 : i1 to i32
      %cond3A_155 = arith.constant 0 : i32
      %cond3A_156 = arith.cmpi ne, %convert_element_type3A_154, %cond3A_155 : i32
      scf.if %cond3A_156 {
        %dma_wait3A_187 = arith.constant 0 : i32
        %dma_wait3A_188 = tpu.memref_slice %arg5[%mul3A_2, %dma_wait3A_187] : memref<65536x1024xf32, #tpu.memory_space<hbm>> -> memref<8x1024xf32, #tpu.memory_space<hbm>>
        %dma_wait3A_189 = arith.constant 0 : i32
        %dma_wait3A_190 = tpu.memref_slice %arg5[%mul3A_2, %dma_wait3A_189] : memref<65536x1024xf32, #tpu.memory_space<hbm>> -> memref<8x1024xf32, #tpu.memory_space<hbm>>
        tpu.wait_dma2 semaphore(%arg25 : memref<!tpu.dma_semaphore, #tpu.memory_space<semaphore_mem>>) src(%arg9 : memref<8x1024xf32, #tpu.memory_space<vmem>>) dst(%dma_wait3A_190 : memref<8x1024xf32, #tpu.memory_space<hbm>>)
      } else {
      }
      %add3A_157 = arith.constant 2 : i32
      %add3A_158 = arith.addi %add3A_151, %add3A_157 : i32
      %lt3A_159 = arith.constant 256 : i32
      %lt3A_160 = arith.cmpi slt, %add3A_158, %lt3A_159 : i32
      %convert_element_type3A_161 = arith.extui %lt3A_160 : i1 to i32
      %cond3A_162 = arith.constant 0 : i32
      %cond3A_163 = arith.cmpi ne, %convert_element_type3A_161, %cond3A_162 : i32
      scf.if %cond3A_163 {
        %add3A_187 = arith.constant 2 : i32
        %add3A_188 = arith.addi %add3A_151, %add3A_187 : i32
        %mul3A_189 = arith.constant 8 : i32
        %mul3A_190 = arith.muli %add3A_188, %mul3A_189 : i32
        %dma_start3A_191 = tpu.memref_slice %arg6[%mul3A_190] : memref<2048xi32, #tpu.memory_space<vmem>> -> memref<8xi32, #tpu.memory_space<vmem>>
        %dma_start3A_192 = arith.constant 0 : i32
        %dma_start3A_193 = arith.constant 0 : i32
        %dma_start3A_194 = tpu.memref_slice %arg2[%dma_start3A_192, %dma_start3A_193] : memref<32768x1024xf32, #tpu.memory_space<hbm>> -> memref<32768x1024xf32, #tpu.memory_space<hbm>>
        tpu.enqueue_indirect_dma source(%dma_start3A_194 : memref<32768x1024xf32, #tpu.memory_space<hbm>>) target(%arg9 : memref<8x1024xf32, #tpu.memory_space<vmem>>) offsets(%dma_start3A_191 : memref<8xi32, #tpu.memory_space<vmem>>) semaphore(%arg17 : memref<!tpu.dma_semaphore, #tpu.memory_space<semaphore_mem>>)
        %dma_start3A_195 = tpu.memref_slice %arg7[%mul3A_190] : memref<2048xi32, #tpu.memory_space<vmem>> -> memref<8xi32, #tpu.memory_space<vmem>>
        %dma_start3A_196 = arith.constant 0 : i32
        %dma_start3A_197 = arith.constant 0 : i32
        %dma_start3A_198 = tpu.memref_slice %arg2[%dma_start3A_196, %dma_start3A_197] : memref<32768x1024xf32, #tpu.memory_space<hbm>> -> memref<32768x1024xf32, #tpu.memory_space<hbm>>
        tpu.enqueue_indirect_dma source(%dma_start3A_198 : memref<32768x1024xf32, #tpu.memory_space<hbm>>) target(%arg13 : memref<8x1024xf32, #tpu.memory_space<vmem>>) offsets(%dma_start3A_195 : memref<8xi32, #tpu.memory_space<vmem>>) semaphore(%arg21 : memref<!tpu.dma_semaphore, #tpu.memory_space<semaphore_mem>>)
      } else {
      }
      %dma_wait3A_164 = arith.constant 0 : i32
      %dma_wait3A_165 = tpu.memref_slice %arg6[%dma_wait3A_164] : memref<2048xi32, #tpu.memory_space<vmem>> -> memref<8xi32, #tpu.memory_space<vmem>>
      %dma_wait3A_166 = arith.constant 0 : i32
      %dma_wait3A_167 = arith.constant 0 : i32
      %dma_wait3A_168 = tpu.memref_slice %arg2[%dma_wait3A_166, %dma_wait3A_167] : memref<32768x1024xf32, #tpu.memory_space<hbm>> -> memref<32768x1024xf32, #tpu.memory_space<hbm>>
      tpu.wait_indirect_dma semaphore(%arg19 : memref<!tpu.dma_semaphore, #tpu.memory_space<semaphore_mem>>) src(%dma_wait3A_168 : memref<32768x1024xf32, #tpu.memory_space<hbm>>) dst(%arg11 : memref<8x1024xf32, #tpu.memory_space<vmem>>)
      %dma_wait3A_169 = arith.constant 0 : i32
      %dma_wait3A_170 = tpu.memref_slice %arg7[%dma_wait3A_169] : memref<2048xi32, #tpu.memory_space<vmem>> -> memref<8xi32, #tpu.memory_space<vmem>>
      %dma_wait3A_171 = arith.constant 0 : i32
      %dma_wait3A_172 = arith.constant 0 : i32
      %dma_wait3A_173 = tpu.memref_slice %arg2[%dma_wait3A_171, %dma_wait3A_172] : memref<32768x1024xf32, #tpu.memory_space<hbm>> -> memref<32768x1024xf32, #tpu.memory_space<hbm>>
      tpu.wait_indirect_dma semaphore(%arg23 : memref<!tpu.dma_semaphore, #tpu.memory_space<semaphore_mem>>) src(%dma_wait3A_173 : memref<32768x1024xf32, #tpu.memory_space<hbm>>) dst(%arg15 : memref<8x1024xf32, #tpu.memory_space<vmem>>)
      %scan3A_174 = arith.constant 0 : i32
      %scan3A_175 = arith.constant 0 : i32
      %scan3A_176 = arith.constant 8 : i32
      %scan3A_177 = arith.addi %scan3A_175, %scan3A_176 : i32
      %scan3A_178 = arith.constant 1 : i32
      scf.for %scan3A_187 = %scan3A_175 to %scan3A_177 step %scan3A_178  : i32 {
        %get3A = arith.index_cast %scan3A_187 : i32 to index
        %get3A_188 = arith.constant 0 : index
        %get3A_189 = tpu.vector_load %arg15[%get3A, %get3A_188] {strides = array<i32>} : memref<8x1024xf32, #tpu.memory_space<vmem>>, vector<1x16xf32>,
        %get3A_190 = vector.shape_cast %get3A_189 : vector<1x16xf32> to vector<16xf32>
        %swap3A = arith.index_cast %scan3A_187 : i32 to index
        %swap3A_191 = arith.constant 0 : index
        %swap3A_192 = tpu.vector_load %arg11[%swap3A, %swap3A_191] {strides = array<i32>} : memref<8x1024xf32, #tpu.memory_space<vmem>>, vector<1x16xf32>,
        %swap3A_193 = vector.shape_cast %swap3A_192 : vector<1x16xf32> to vector<16xf32>
        %swap3A_194 = vector.shape_cast %get3A_190 : vector<16xf32> to vector<1x16xf32>
        tpu.vector_store %arg11[%swap3A, %swap3A_191], %swap3A_194 {add = true, strides = array<i32>} : memref<8x1024xf32, #tpu.memory_space<vmem>>, vector<1x16xf32>,
        %get3A_195 = arith.index_cast %scan3A_187 : i32 to index
        %get3A_196 = arith.constant 16 : index
        %get3A_197 = tpu.vector_load %arg15[%get3A_195, %get3A_196] {strides = array<i32>} : memref<8x1024xf32, #tpu.memory_space<vmem>>, vector<1x16xf32>,
        %get3A_198 = vector.shape_cast %get3A_197 : vector<1x16xf32> to vector<16xf32>
        %swap3A_199 = arith.index_cast %scan3A_187 : i32 to index
        %swap3A_200 = arith.constant 16 : index
        %swap3A_201 = tpu.vector_load %arg11[%swap3A_199, %swap3A_200] {strides = array<i32>} : memref<8x1024xf32, #tpu.memory_space<vmem>>, vector<1x16xf32>,
        %swap3A_202 = vector.shape_cast %swap3A_201 : vector<1x16xf32> to vector<16xf32>
        %swap3A_203 = vector.shape_cast %get3A_198 : vector<16xf32> to vector<1x16xf32>
        tpu.vector_store %arg11[%swap3A_199, %swap3A_200], %swap3A_203 {add = true, strides = array<i32>} : memref<8x1024xf32, #tpu.memory_space<vmem>>, vector<1x16xf32>,
        %get3A_204 = arith.index_cast %scan3A_187 : i32 to index
        %get3A_205 = arith.constant 32 : index
        %get3A_206 = tpu.vector_load %arg15[%get3A_204, %get3A_205] {strides = array<i32>} : memref<8x1024xf32, #tpu.memory_space<vmem>>, vector<1x16xf32>,
        %get3A_207 = vector.shape_cast %get3A_206 : vector<1x16xf32> to vector<16xf32>
        %swap3A_208 = arith.index_cast %scan3A_187 : i32 to index
        %swap3A_209 = arith.constant 32 : index
        %swap3A_210 = tpu.vector_load %arg11[%swap3A_208, %swap3A_209] {strides = array<i32>} : memref<8x1024xf32, #tpu.memory_space<vmem>>, vector<1x16xf32>,
        %swap3A_211 = vector.shape_cast %swap3A_210 : vector<1x16xf32> to vector<16xf32>
        %swap3A_212 = vector.shape_cast %get3A_207 : vector<16xf32> to vector<1x16xf32>
        tpu.vector_store %arg11[%swap3A_208, %swap3A_209], %swap3A_212 {add = true, strides = array<i32>} : memref<8x1024xf32, #tpu.memory_space<vmem>>, vector<1x16xf32>,
        %get3A_213 = arith.index_cast %scan3A_187 : i32 to index
        %get3A_214 = arith.constant 48 : index
        %get3A_215 = tpu.vector_load %arg15[%get3A_213, %get3A_214] {strides = array<i32>} : memref<8x1024xf32, #tpu.memory_space<vmem>>, vector<1x16xf32>,
        %get3A_216 = vector.shape_cast %get3A_215 : vector<1x16xf32> to vector<16xf32>
        %swap3A_217 = arith.index_cast %scan3A_187 : i32 to index
        %swap3A_218 = arith.constant 48 : index
        %swap3A_219 = tpu.vector_load %arg11[%swap3A_217, %swap3A_218] {strides = array<i32>} : memref<8x1024xf32, #tpu.memory_space<vmem>>, vector<1x16xf32>,
        %swap3A_220 = vector.shape_cast %swap3A_219 : vector<1x16xf32> to vector<16xf32>
        %swap3A_221 = vector.shape_cast %get3A_216 : vector<16xf32> to vector<1x16xf32>
        tpu.vector_store %arg11[%swap3A_217, %swap3A_218], %swap3A_221 {add = true, strides = array<i32>} : memref<8x1024xf32, #tpu.memory_space<vmem>>, vector<1x16xf32>,
        %get3A_222 = arith.index_cast %scan3A_187 : i32 to index
        %get3A_223 = arith.constant 64 : index
        %get3A_224 = tpu.vector_load %arg15[%get3A_222, %get3A_223] {strides = array<i32>} : memref<8x1024xf32, #tpu.memory_space<vmem>>, vector<1x16xf32>,
        %get3A_225 = vector.shape_cast %get3A_224 : vector<1x16xf32> to vector<16xf32>
        %swap3A_226 = arith.index_cast %scan3A_187 : i32 to index
        %swap3A_227 = arith.constant 64 : index
        %swap3A_228 = tpu.vector_load %arg11[%swap3A_226, %swap3A_227] {strides = array<i32>} : memref<8x1024xf32, #tpu.memory_space<vmem>>, vector<1x16xf32>,
        %swap3A_229 = vector.shape_cast %swap3A_228 : vector<1x16xf32> to vector<16xf32>
        %swap3A_230 = vector.shape_cast %get3A_225 : vector<16xf32> to vector<1x16xf32>
        tpu.vector_store %arg11[%swap3A_226, %swap3A_227], %swap3A_230 {add = true, strides = array<i32>} : memref<8x1024xf32, #tpu.memory_space<vmem>>, vector<1x16xf32>,
        %get3A_231 = arith.index_cast %scan3A_187 : i32 to index
        %get3A_232 = arith.constant 80 : index
        %get3A_233 = tpu.vector_load %arg15[%get3A_231, %get3A_232] {strides = array<i32>} : memref<8x1024xf32, #tpu.memory_space<vmem>>, vector<1x16xf32>,
        %get3A_234 = vector.shape_cast %get3A_233 : vector<1x16xf32> to vector<16xf32>
        %swap3A_235 = arith.index_cast %scan3A_187 : i32 to index
        %swap3A_236 = arith.constant 80 : index
        %swap3A_237 = tpu.vector_load %arg11[%swap3A_235, %swap3A_236] {strides = array<i32>} : memref<8x1024xf32, #tpu.memory_space<vmem>>, vector<1x16xf32>,
        %swap3A_238 = vector.shape_cast %swap3A_237 : vector<1x16xf32> to vector<16xf32>
        %swap3A_239 = vector.shape_cast %get3A_234 : vector<16xf32> to vector<1x16xf32>
        tpu.vector_store %arg11[%swap3A_235, %swap3A_236], %swap3A_239 {add = true, strides = array<i32>} : memref<8x1024xf32, #tpu.memory_space<vmem>>, vector<1x16xf32>,
        %get3A_240 = arith.index_cast %scan3A_187 : i32 to index
        %get3A_241 = arith.constant 96 : index
        %get3A_242 = tpu.vector_load %arg15[%get3A_240, %get3A_241] {strides = array<i32>} : memref<8x1024xf32, #tpu.memory_space<vmem>>, vector<1x16xf32>,
        %get3A_243 = vector.shape_cast %get3A_242 : vector<1x16xf32> to vector<16xf32>
        %swap3A_244 = arith.index_cast %scan3A_187 : i32 to index
        %swap3A_245 = arith.constant 96 : index
        %swap3A_246 = tpu.vector_load %arg11[%swap3A_244, %swap3A_245] {strides = array<i32>} : memref<8x1024xf32, #tpu.memory_space<vmem>>, vector<1x16xf32>,
        %swap3A_247 = vector.shape_cast %swap3A_246 : vector<1x16xf32> to vector<16xf32>
        %swap3A_248 = vector.shape_cast %get3A_243 : vector<16xf32> to vector<1x16xf32>
        tpu.vector_store %arg11[%swap3A_244, %swap3A_245], %swap3A_248 {add = true, strides = array<i32>} : memref<8x1024xf32, #tpu.memory_space<vmem>>, vector<1x16xf32>,
        %get3A_249 = arith.index_cast %scan3A_187 : i32 to index
        %get3A_250 = arith.constant 112 : index
        %get3A_251 = tpu.vector_load %arg15[%get3A_249, %get3A_250] {strides = array<i32>} : memref<8x1024xf32, #tpu.memory_space<vmem>>, vector<1x16xf32>,
        %get3A_252 = vector.shape_cast %get3A_251 : vector<1x16xf32> to vector<16xf32>
        %swap3A_253 = arith.index_cast %scan3A_187 : i32 to index
        %swap3A_254 = arith.constant 112 : index
        %swap3A_255 = tpu.vector_load %arg11[%swap3A_253, %swap3A_254] {strides = array<i32>} : memref<8x1024xf32, #tpu.memory_space<vmem>>, vector<1x16xf32>,
        %swap3A_256 = vector.shape_cast %swap3A_255 : vector<1x16xf32> to vector<16xf32>
        %swap3A_257 = vector.shape_cast %get3A_252 : vector<16xf32> to vector<1x16xf32>
        tpu.vector_store %arg11[%swap3A_253, %swap3A_254], %swap3A_257 {add = true, strides = array<i32>} : memref<8x1024xf32, #tpu.memory_space<vmem>>, vector<1x16xf32>,
        %get3A_258 = arith.index_cast %scan3A_187 : i32 to index
        %get3A_259 = arith.constant 128 : index
        %get3A_260 = tpu.vector_load %arg15[%get3A_258, %get3A_259] {strides = array<i32>} : memref<8x1024xf32, #tpu.memory_space<vmem>>, vector<1x16xf32>,
        %get3A_261 = vector.shape_cast %get3A_260 : vector<1x16xf32> to vector<16xf32>
        %swap3A_262 = arith.index_cast %scan3A_187 : i32 to index
        %swap3A_263 = arith.constant 128 : index
        %swap3A_264 = tpu.vector_load %arg11[%swap3A_262, %swap3A_263] {strides = array<i32>} : memref<8x1024xf32, #tpu.memory_space<vmem>>, vector<1x16xf32>,
        %swap3A_265 = vector.shape_cast %swap3A_264 : vector<1x16xf32> to vector<16xf32>
        %swap3A_266 = vector.shape_cast %get3A_261 : vector<16xf32> to vector<1x16xf32>
        tpu.vector_store %arg11[%swap3A_262, %swap3A_263], %swap3A_266 {add = true, strides = array<i32>} : memref<8x1024xf32, #tpu.memory_space<vmem>>, vector<1x16xf32>,
        %get3A_267 = arith.index_cast %scan3A_187 : i32 to index
        %get3A_268 = arith.constant 144 : index
        %get3A_269 = tpu.vector_load %arg15[%get3A_267, %get3A_268] {strides = array<i32>} : memref<8x1024xf32, #tpu.memory_space<vmem>>, vector<1x16xf32>,
        %get3A_270 = vector.shape_cast %get3A_269 : vector<1x16xf32> to vector<16xf32>
        %swap3A_271 = arith.index_cast %scan3A_187 : i32 to index
        %swap3A_272 = arith.constant 144 : index
        %swap3A_273 = tpu.vector_load %arg11[%swap3A_271, %swap3A_272] {strides = array<i32>} : memref<8x1024xf32, #tpu.memory_space<vmem>>, vector<1x16xf32>,
        %swap3A_274 = vector.shape_cast %swap3A_273 : vector<1x16xf32> to vector<16xf32>
        %swap3A_275 = vector.shape_cast %get3A_270 : vector<16xf32> to vector<1x16xf32>
        tpu.vector_store %arg11[%swap3A_271, %swap3A_272], %swap3A_275 {add = true, strides = array<i32>} : memref<8x1024xf32, #tpu.memory_space<vmem>>, vector<1x16xf32>,
        %get3A_276 = arith.index_cast %scan3A_187 : i32 to index
        %get3A_277 = arith.constant 160 : index
        %get3A_278 = tpu.vector_load %arg15[%get3A_276, %get3A_277] {strides = array<i32>} : memref<8x1024xf32, #tpu.memory_space<vmem>>, vector<1x16xf32>,
        %get3A_279 = vector.shape_cast %get3A_278 : vector<1x16xf32> to vector<16xf32>
        %swap3A_280 = arith.index_cast %scan3A_187 : i32 to index
        %swap3A_281 = arith.constant 160 : index
        %swap3A_282 = tpu.vector_load %arg11[%swap3A_280, %swap3A_281] {strides = array<i32>} : memref<8x1024xf32, #tpu.memory_space<vmem>>, vector<1x16xf32>,
        %swap3A_283 = vector.shape_cast %swap3A_282 : vector<1x16xf32> to vector<16xf32>
        %swap3A_284 = vector.shape_cast %get3A_279 : vector<16xf32> to vector<1x16xf32>
        tpu.vector_store %arg11[%swap3A_280, %swap3A_281], %swap3A_284 {add = true, strides = array<i32>} : memref<8x1024xf32, #tpu.memory_space<vmem>>, vector<1x16xf32>,
        %get3A_285 = arith.index_cast %scan3A_187 : i32 to index
        %get3A_286 = arith.constant 176 : index
        %get3A_287 = tpu.vector_load %arg15[%get3A_285, %get3A_286] {strides = array<i32>} : memref<8x1024xf32, #tpu.memory_space<vmem>>, vector<1x16xf32>,
        %get3A_288 = vector.shape_cast %get3A_287 : vector<1x16xf32> to vector<16xf32>
        %swap3A_289 = arith.index_cast %scan3A_187 : i32 to index
        %swap3A_290 = arith.constant 176 : index
        %swap3A_291 = tpu.vector_load %arg11[%swap3A_289, %swap3A_290] {strides = array<i32>} : memref<8x1024xf32, #tpu.memory_space<vmem>>, vector<1x16xf32>,
        %swap3A_292 = vector.shape_cast %swap3A_291 : vector<1x16xf32> to vector<16xf32>
        %swap3A_293 = vector.shape_cast %get3A_288 : vector<16xf32> to vector<1x16xf32>
        tpu.vector_store %arg11[%swap3A_289, %swap3A_290], %swap3A_293 {add = true, strides = array<i32>} : memref<8x1024xf32, #tpu.memory_space<vmem>>, vector<1x16xf32>,
        %get3A_294 = arith.index_cast %scan3A_187 : i32 to index
        %get3A_295 = arith.constant 192 : index
        %get3A_296 = tpu.vector_load %arg15[%get3A_294, %get3A_295] {strides = array<i32>} : memref<8x1024xf32, #tpu.memory_space<vmem>>, vector<1x16xf32>,
        %get3A_297 = vector.shape_cast %get3A_296 : vector<1x16xf32> to vector<16xf32>
        %swap3A_298 = arith.index_cast %scan3A_187 : i32 to index
        %swap3A_299 = arith.constant 192 : index
        %swap3A_300 = tpu.vector_load %arg11[%swap3A_298, %swap3A_299] {strides = array<i32>} : memref<8x1024xf32, #tpu.memory_space<vmem>>, vector<1x16xf32>,
        %swap3A_301 = vector.shape_cast %swap3A_300 : vector<1x16xf32> to vector<16xf32>
        %swap3A_302 = vector.shape_cast %get3A_297 : vector<16xf32> to vector<1x16xf32>
        tpu.vector_store %arg11[%swap3A_298, %swap3A_299], %swap3A_302 {add = true, strides = array<i32>} : memref<8x1024xf32, #tpu.memory_space<vmem>>, vector<1x16xf32>,
        %get3A_303 = arith.index_cast %scan3A_187 : i32 to index
        %get3A_304 = arith.constant 208 : index
        %get3A_305 = tpu.vector_load %arg15[%get3A_303, %get3A_304] {strides = array<i32>} : memref<8x1024xf32, #tpu.memory_space<vmem>>, vector<1x16xf32>,
        %get3A_306 = vector.shape_cast %get3A_305 : vector<1x16xf32> to vector<16xf32>
        %swap3A_307 = arith.index_cast %scan3A_187 : i32 to index
        %swap3A_308 = arith.constant 208 : index
        %swap3A_309 = tpu.vector_load %arg11[%swap3A_307, %swap3A_308] {strides = array<i32>} : memref<8x1024xf32, #tpu.memory_space<vmem>>, vector<1x16xf32>,
        %swap3A_310 = vector.shape_cast %swap3A_309 : vector<1x16xf32> to vector<16xf32>
        %swap3A_311 = vector.shape_cast %get3A_306 : vector<16xf32> to vector<1x16xf32>
        tpu.vector_store %arg11[%swap3A_307, %swap3A_308], %swap3A_311 {add = true, strides = array<i32>} : memref<8x1024xf32, #tpu.memory_space<vmem>>, vector<1x16xf32>,
        %get3A_312 = arith.index_cast %scan3A_187 : i32 to index
        %get3A_313 = arith.constant 224 : index
        %get3A_314 = tpu.vector_load %arg15[%get3A_312, %get3A_313] {strides = array<i32>} : memref<8x1024xf32, #tpu.memory_space<vmem>>, vector<1x16xf32>,
        %get3A_315 = vector.shape_cast %get3A_314 : vector<1x16xf32> to vector<16xf32>
        %swap3A_316 = arith.index_cast %scan3A_187 : i32 to index
        %swap3A_317 = arith.constant 224 : index
        %swap3A_318 = tpu.vector_load %arg11[%swap3A_316, %swap3A_317] {strides = array<i32>} : memref<8x1024xf32, #tpu.memory_space<vmem>>, vector<1x16xf32>,
        %swap3A_319 = vector.shape_cast %swap3A_318 : vector<1x16xf32> to vector<16xf32>
        %swap3A_320 = vector.shape_cast %get3A_315 : vector<16xf32> to vector<1x16xf32>
        tpu.vector_store %arg11[%swap3A_316, %swap3A_317], %swap3A_320 {add = true, strides = array<i32>} : memref<8x1024xf32, #tpu.memory_space<vmem>>, vector<1x16xf32>,
        %get3A_321 = arith.index_cast %scan3A_187 : i32 to index
        %get3A_322 = arith.constant 240 : index
        %get3A_323 = tpu.vector_load %arg15[%get3A_321, %get3A_322] {strides = array<i32>} : memref<8x1024xf32, #tpu.memory_space<vmem>>, vector<1x16xf32>,
        %get3A_324 = vector.shape_cast %get3A_323 : vector<1x16xf32> to vector<16xf32>
        %swap3A_325 = arith.index_cast %scan3A_187 : i32 to index
        %swap3A_326 = arith.constant 240 : index
        %swap3A_327 = tpu.vector_load %arg11[%swap3A_325, %swap3A_326] {strides = array<i32>} : memref<8x1024xf32, #tpu.memory_space<vmem>>, vector<1x16xf32>,
        %swap3A_328 = vector.shape_cast %swap3A_327 : vector<1x16xf32> to vector<16xf32>
        %swap3A_329 = vector.shape_cast %get3A_324 : vector<16xf32> to vector<1x16xf32>
        tpu.vector_store %arg11[%swap3A_325, %swap3A_326], %swap3A_329 {add = true, strides = array<i32>} : memref<8x1024xf32, #tpu.memory_space<vmem>>, vector<1x16xf32>,
        %get3A_330 = arith.index_cast %scan3A_187 : i32 to index
        %get3A_331 = arith.constant 256 : index
        %get3A_332 = tpu.vector_load %arg15[%get3A_330, %get3A_331] {strides = array<i32>} : memref<8x1024xf32, #tpu.memory_space<vmem>>, vector<1x16xf32>,
        %get3A_333 = vector.shape_cast %get3A_332 : vector<1x16xf32> to vector<16xf32>
        %swap3A_334 = arith.index_cast %scan3A_187 : i32 to index
        %swap3A_335 = arith.constant 256 : index
        %swap3A_336 = tpu.vector_load %arg11[%swap3A_334, %swap3A_335] {strides = array<i32>} : memref<8x1024xf32, #tpu.memory_space<vmem>>, vector<1x16xf32>,
        %swap3A_337 = vector.shape_cast %swap3A_336 : vector<1x16xf32> to vector<16xf32>
        %swap3A_338 = vector.shape_cast %get3A_333 : vector<16xf32> to vector<1x16xf32>
        tpu.vector_store %arg11[%swap3A_334, %swap3A_335], %swap3A_338 {add = true, strides = array<i32>} : memref<8x1024xf32, #tpu.memory_space<vmem>>, vector<1x16xf32>,
        %get3A_339 = arith.index_cast %scan3A_187 : i32 to index
        %get3A_340 = arith.constant 272 : index
        %get3A_341 = tpu.vector_load %arg15[%get3A_339, %get3A_340] {strides = array<i32>} : memref<8x1024xf32, #tpu.memory_space<vmem>>, vector<1x16xf32>,
        %get3A_342 = vector.shape_cast %get3A_341 : vector<1x16xf32> to vector<16xf32>
        %swap3A_343 = arith.index_cast %scan3A_187 : i32 to index
        %swap3A_344 = arith.constant 272 : index
        %swap3A_345 = tpu.vector_load %arg11[%swap3A_343, %swap3A_344] {strides = array<i32>} : memref<8x1024xf32, #tpu.memory_space<vmem>>, vector<1x16xf32>,
        %swap3A_346 = vector.shape_cast %swap3A_345 : vector<1x16xf32> to vector<16xf32>
        %swap3A_347 = vector.shape_cast %get3A_342 : vector<16xf32> to vector<1x16xf32>
        tpu.vector_store %arg11[%swap3A_343, %swap3A_344], %swap3A_347 {add = true, strides = array<i32>} : memref<8x1024xf32, #tpu.memory_space<vmem>>, vector<1x16xf32>,
        %get3A_348 = arith.index_cast %scan3A_187 : i32 to index
        %get3A_349 = arith.constant 288 : index
        %get3A_350 = tpu.vector_load %arg15[%get3A_348, %get3A_349] {strides = array<i32>} : memref<8x1024xf32, #tpu.memory_space<vmem>>, vector<1x16xf32>,
        %get3A_351 = vector.shape_cast %get3A_350 : vector<1x16xf32> to vector<16xf32>
        %swap3A_352 = arith.index_cast %scan3A_187 : i32 to index
        %swap3A_353 = arith.constant 288 : index
        %swap3A_354 = tpu.vector_load %arg11[%swap3A_352, %swap3A_353] {strides = array<i32>} : memref<8x1024xf32, #tpu.memory_space<vmem>>, vector<1x16xf32>,
        %swap3A_355 = vector.shape_cast %swap3A_354 : vector<1x16xf32> to vector<16xf32>
        %swap3A_356 = vector.shape_cast %get3A_351 : vector<16xf32> to vector<1x16xf32>
        tpu.vector_store %arg11[%swap3A_352, %swap3A_353], %swap3A_356 {add = true, strides = array<i32>} : memref<8x1024xf32, #tpu.memory_space<vmem>>, vector<1x16xf32>,
        %get3A_357 = arith.index_cast %scan3A_187 : i32 to index
        %get3A_358 = arith.constant 304 : index
        %get3A_359 = tpu.vector_load %arg15[%get3A_357, %get3A_358] {strides = array<i32>} : memref<8x1024xf32, #tpu.memory_space<vmem>>, vector<1x16xf32>,
        %get3A_360 = vector.shape_cast %get3A_359 : vector<1x16xf32> to vector<16xf32>
        %swap3A_361 = arith.index_cast %scan3A_187 : i32 to index
        %swap3A_362 = arith.constant 304 : index
        %swap3A_363 = tpu.vector_load %arg11[%swap3A_361, %swap3A_362] {strides = array<i32>} : memref<8x1024xf32, #tpu.memory_space<vmem>>, vector<1x16xf32>,
        %swap3A_364 = vector.shape_cast %swap3A_363 : vector<1x16xf32> to vector<16xf32>
        %swap3A_365 = vector.shape_cast %get3A_360 : vector<16xf32> to vector<1x16xf32>
        tpu.vector_store %arg11[%swap3A_361, %swap3A_362], %swap3A_365 {add = true, strides = array<i32>} : memref<8x1024xf32, #tpu.memory_space<vmem>>, vector<1x16xf32>,
        %get3A_366 = arith.index_cast %scan3A_187 : i32 to index
        %get3A_367 = arith.constant 320 : index
        %get3A_368 = tpu.vector_load %arg15[%get3A_366, %get3A_367] {strides = array<i32>} : memref<8x1024xf32, #tpu.memory_space<vmem>>, vector<1x16xf32>,
        %get3A_369 = vector.shape_cast %get3A_368 : vector<1x16xf32> to vector<16xf32>
        %swap3A_370 = arith.index_cast %scan3A_187 : i32 to index
        %swap3A_371 = arith.constant 320 : index
        %swap3A_372 = tpu.vector_load %arg11[%swap3A_370, %swap3A_371] {strides = array<i32>} : memref<8x1024xf32, #tpu.memory_space<vmem>>, vector<1x16xf32>,
        %swap3A_373 = vector.shape_cast %swap3A_372 : vector<1x16xf32> to vector<16xf32>
        %swap3A_374 = vector.shape_cast %get3A_369 : vector<16xf32> to vector<1x16xf32>
        tpu.vector_store %arg11[%swap3A_370, %swap3A_371], %swap3A_374 {add = true, strides = array<i32>} : memref<8x1024xf32, #tpu.memory_space<vmem>>, vector<1x16xf32>,
        %get3A_375 = arith.index_cast %scan3A_187 : i32 to index
        %get3A_376 = arith.constant 336 : index
        %get3A_377 = tpu.vector_load %arg15[%get3A_375, %get3A_376] {strides = array<i32>} : memref<8x1024xf32, #tpu.memory_space<vmem>>, vector<1x16xf32>,
        %get3A_378 = vector.shape_cast %get3A_377 : vector<1x16xf32> to vector<16xf32>
        %swap3A_379 = arith.index_cast %scan3A_187 : i32 to index
        %swap3A_380 = arith.constant 336 : index
        %swap3A_381 = tpu.vector_load %arg11[%swap3A_379, %swap3A_380] {strides = array<i32>} : memref<8x1024xf32, #tpu.memory_space<vmem>>, vector<1x16xf32>,
        %swap3A_382 = vector.shape_cast %swap3A_381 : vector<1x16xf32> to vector<16xf32>
        %swap3A_383 = vector.shape_cast %get3A_378 : vector<16xf32> to vector<1x16xf32>
        tpu.vector_store %arg11[%swap3A_379, %swap3A_380], %swap3A_383 {add = true, strides = array<i32>} : memref<8x1024xf32, #tpu.memory_space<vmem>>, vector<1x16xf32>,
        %get3A_384 = arith.index_cast %scan3A_187 : i32 to index
        %get3A_385 = arith.constant 352 : index
        %get3A_386 = tpu.vector_load %arg15[%get3A_384, %get3A_385] {strides = array<i32>} : memref<8x1024xf32, #tpu.memory_space<vmem>>, vector<1x16xf32>,
        %get3A_387 = vector.shape_cast %get3A_386 : vector<1x16xf32> to vector<16xf32>
        %swap3A_388 = arith.index_cast %scan3A_187 : i32 to index
        %swap3A_389 = arith.constant 352 : index
        %swap3A_390 = tpu.vector_load %arg11[%swap3A_388, %swap3A_389] {strides = array<i32>} : memref<8x1024xf32, #tpu.memory_space<vmem>>, vector<1x16xf32>,
        %swap3A_391 = vector.shape_cast %swap3A_390 : vector<1x16xf32> to vector<16xf32>
        %swap3A_392 = vector.shape_cast %get3A_387 : vector<16xf32> to vector<1x16xf32>
        tpu.vector_store %arg11[%swap3A_388, %swap3A_389], %swap3A_392 {add = true, strides = array<i32>} : memref<8x1024xf32, #tpu.memory_space<vmem>>, vector<1x16xf32>,
        %get3A_393 = arith.index_cast %scan3A_187 : i32 to index
        %get3A_394 = arith.constant 368 : index
        %get3A_395 = tpu.vector_load %arg15[%get3A_393, %get3A_394] {strides = array<i32>} : memref<8x1024xf32, #tpu.memory_space<vmem>>, vector<1x16xf32>,
        %get3A_396 = vector.shape_cast %get3A_395 : vector<1x16xf32> to vector<16xf32>
        %swap3A_397 = arith.index_cast %scan3A_187 : i32 to index
        %swap3A_398 = arith.constant 368 : index
        %swap3A_399 = tpu.vector_load %arg11[%swap3A_397, %swap3A_398] {strides = array<i32>} : memref<8x1024xf32, #tpu.memory_space<vmem>>, vector<1x16xf32>,
        %swap3A_400 = vector.shape_cast %swap3A_399 : vector<1x16xf32> to vector<16xf32>
        %swap3A_401 = vector.shape_cast %get3A_396 : vector<16xf32> to vector<1x16xf32>
        tpu.vector_store %arg11[%swap3A_397, %swap3A_398], %swap3A_401 {add = true, strides = array<i32>} : memref<8x1024xf32, #tpu.memory_space<vmem>>, vector<1x16xf32>,
        %get3A_402 = arith.index_cast %scan3A_187 : i32 to index
        %get3A_403 = arith.constant 384 : index
        %get3A_404 = tpu.vector_load %arg15[%get3A_402, %get3A_403] {strides = array<i32>} : memref<8x1024xf32, #tpu.memory_space<vmem>>, vector<1x16xf32>,
        %get3A_405 = vector.shape_cast %get3A_404 : vector<1x16xf32> to vector<16xf32>
        %swap3A_406 = arith.index_cast %scan3A_187 : i32 to index
        %swap3A_407 = arith.constant 384 : index
        %swap3A_408 = tpu.vector_load %arg11[%swap3A_406, %swap3A_407] {strides = array<i32>} : memref<8x1024xf32, #tpu.memory_space<vmem>>, vector<1x16xf32>,
        %swap3A_409 = vector.shape_cast %swap3A_408 : vector<1x16xf32> to vector<16xf32>
        %swap3A_410 = vector.shape_cast %get3A_405 : vector<16xf32> to vector<1x16xf32>
        tpu.vector_store %arg11[%swap3A_406, %swap3A_407], %swap3A_410 {add = true, strides = array<i32>} : memref<8x1024xf32, #tpu.memory_space<vmem>>, vector<1x16xf32>,
        %get3A_411 = arith.index_cast %scan3A_187 : i32 to index
        %get3A_412 = arith.constant 400 : index
        %get3A_413 = tpu.vector_load %arg15[%get3A_411, %get3A_412] {strides = array<i32>} : memref<8x1024xf32, #tpu.memory_space<vmem>>, vector<1x16xf32>,
        %get3A_414 = vector.shape_cast %get3A_413 : vector<1x16xf32> to vector<16xf32>
        %swap3A_415 = arith.index_cast %scan3A_187 : i32 to index
        %swap3A_416 = arith.constant 400 : index
        %swap3A_417 = tpu.vector_load %arg11[%swap3A_415, %swap3A_416] {strides = array<i32>} : memref<8x1024xf32, #tpu.memory_space<vmem>>, vector<1x16xf32>,
        %swap3A_418 = vector.shape_cast %swap3A_417 : vector<1x16xf32> to vector<16xf32>
        %swap3A_419 = vector.shape_cast %get3A_414 : vector<16xf32> to vector<1x16xf32>
        tpu.vector_store %arg11[%swap3A_415, %swap3A_416], %swap3A_419 {add = true, strides = array<i32>} : memref<8x1024xf32, #tpu.memory_space<vmem>>, vector<1x16xf32>,
        %get3A_420 = arith.index_cast %scan3A_187 : i32 to index
        %get3A_421 = arith.constant 416 : index
        %get3A_422 = tpu.vector_load %arg15[%get3A_420, %get3A_421] {strides = array<i32>} : memref<8x1024xf32, #tpu.memory_space<vmem>>, vector<1x16xf32>,
        %get3A_423 = vector.shape_cast %get3A_422 : vector<1x16xf32> to vector<16xf32>
        %swap3A_424 = arith.index_cast %scan3A_187 : i32 to index
        %swap3A_425 = arith.constant 416 : index
        %swap3A_426 = tpu.vector_load %arg11[%swap3A_424, %swap3A_425] {strides = array<i32>} : memref<8x1024xf32, #tpu.memory_space<vmem>>, vector<1x16xf32>,
        %swap3A_427 = vector.shape_cast %swap3A_426 : vector<1x16xf32> to vector<16xf32>
        %swap3A_428 = vector.shape_cast %get3A_423 : vector<16xf32> to vector<1x16xf32>
        tpu.vector_store %arg11[%swap3A_424, %swap3A_425], %swap3A_428 {add = true, strides = array<i32>} : memref<8x1024xf32, #tpu.memory_space<vmem>>, vector<1x16xf32>,
        %get3A_429 = arith.index_cast %scan3A_187 : i32 to index
        %get3A_430 = arith.constant 432 : index
        %get3A_431 = tpu.vector_load %arg15[%get3A_429, %get3A_430] {strides = array<i32>} : memref<8x1024xf32, #tpu.memory_space<vmem>>, vector<1x16xf32>,
        %get3A_432 = vector.shape_cast %get3A_431 : vector<1x16xf32> to vector<16xf32>
        %swap3A_433 = arith.index_cast %scan3A_187 : i32 to index
        %swap3A_434 = arith.constant 432 : index
        %swap3A_435 = tpu.vector_load %arg11[%swap3A_433, %swap3A_434] {strides = array<i32>} : memref<8x1024xf32, #tpu.memory_space<vmem>>, vector<1x16xf32>,
        %swap3A_436 = vector.shape_cast %swap3A_435 : vector<1x16xf32> to vector<16xf32>
        %swap3A_437 = vector.shape_cast %get3A_432 : vector<16xf32> to vector<1x16xf32>
        tpu.vector_store %arg11[%swap3A_433, %swap3A_434], %swap3A_437 {add = true, strides = array<i32>} : memref<8x1024xf32, #tpu.memory_space<vmem>>, vector<1x16xf32>,
        %get3A_438 = arith.index_cast %scan3A_187 : i32 to index
        %get3A_439 = arith.constant 448 : index
        %get3A_440 = tpu.vector_load %arg15[%get3A_438, %get3A_439] {strides = array<i32>} : memref<8x1024xf32, #tpu.memory_space<vmem>>, vector<1x16xf32>,
        %get3A_441 = vector.shape_cast %get3A_440 : vector<1x16xf32> to vector<16xf32>
        %swap3A_442 = arith.index_cast %scan3A_187 : i32 to index
        %swap3A_443 = arith.constant 448 : index
        %swap3A_444 = tpu.vector_load %arg11[%swap3A_442, %swap3A_443] {strides = array<i32>} : memref<8x1024xf32, #tpu.memory_space<vmem>>, vector<1x16xf32>,
        %swap3A_445 = vector.shape_cast %swap3A_444 : vector<1x16xf32> to vector<16xf32>
        %swap3A_446 = vector.shape_cast %get3A_441 : vector<16xf32> to vector<1x16xf32>
        tpu.vector_store %arg11[%swap3A_442, %swap3A_443], %swap3A_446 {add = true, strides = array<i32>} : memref<8x1024xf32, #tpu.memory_space<vmem>>, vector<1x16xf32>,
        %get3A_447 = arith.index_cast %scan3A_187 : i32 to index
        %get3A_448 = arith.constant 464 : index
        %get3A_449 = tpu.vector_load %arg15[%get3A_447, %get3A_448] {strides = array<i32>} : memref<8x1024xf32, #tpu.memory_space<vmem>>, vector<1x16xf32>,
        %get3A_450 = vector.shape_cast %get3A_449 : vector<1x16xf32> to vector<16xf32>
        %swap3A_451 = arith.index_cast %scan3A_187 : i32 to index
        %swap3A_452 = arith.constant 464 : index
        %swap3A_453 = tpu.vector_load %arg11[%swap3A_451, %swap3A_452] {strides = array<i32>} : memref<8x1024xf32, #tpu.memory_space<vmem>>, vector<1x16xf32>,
        %swap3A_454 = vector.shape_cast %swap3A_453 : vector<1x16xf32> to vector<16xf32>
        %swap3A_455 = vector.shape_cast %get3A_450 : vector<16xf32> to vector<1x16xf32>
        tpu.vector_store %arg11[%swap3A_451, %swap3A_452], %swap3A_455 {add = true, strides = array<i32>} : memref<8x1024xf32, #tpu.memory_space<vmem>>, vector<1x16xf32>,
        %get3A_456 = arith.index_cast %scan3A_187 : i32 to index
        %get3A_457 = arith.constant 480 : index
        %get3A_458 = tpu.vector_load %arg15[%get3A_456, %get3A_457] {strides = array<i32>} : memref<8x1024xf32, #tpu.memory_space<vmem>>, vector<1x16xf32>,
        %get3A_459 = vector.shape_cast %get3A_458 : vector<1x16xf32> to vector<16xf32>
        %swap3A_460 = arith.index_cast %scan3A_187 : i32 to index
        %swap3A_461 = arith.constant 480 : index
        %swap3A_462 = tpu.vector_load %arg11[%swap3A_460, %swap3A_461] {strides = array<i32>} : memref<8x1024xf32, #tpu.memory_space<vmem>>, vector<1x16xf32>,
        %swap3A_463 = vector.shape_cast %swap3A_462 : vector<1x16xf32> to vector<16xf32>
        %swap3A_464 = vector.shape_cast %get3A_459 : vector<16xf32> to vector<1x16xf32>
        tpu.vector_store %arg11[%swap3A_460, %swap3A_461], %swap3A_464 {add = true, strides = array<i32>} : memref<8x1024xf32, #tpu.memory_space<vmem>>, vector<1x16xf32>,
        %get3A_465 = arith.index_cast %scan3A_187 : i32 to index
        %get3A_466 = arith.constant 496 : index
        %get3A_467 = tpu.vector_load %arg15[%get3A_465, %get3A_466] {strides = array<i32>} : memref<8x1024xf32, #tpu.memory_space<vmem>>, vector<1x16xf32>,
        %get3A_468 = vector.shape_cast %get3A_467 : vector<1x16xf32> to vector<16xf32>
        %swap3A_469 = arith.index_cast %scan3A_187 : i32 to index
        %swap3A_470 = arith.constant 496 : index
        %swap3A_471 = tpu.vector_load %arg11[%swap3A_469, %swap3A_470] {strides = array<i32>} : memref<8x1024xf32, #tpu.memory_space<vmem>>, vector<1x16xf32>,
        %swap3A_472 = vector.shape_cast %swap3A_471 : vector<1x16xf32> to vector<16xf32>
        %swap3A_473 = vector.shape_cast %get3A_468 : vector<16xf32> to vector<1x16xf32>
        tpu.vector_store %arg11[%swap3A_469, %swap3A_470], %swap3A_473 {add = true, strides = array<i32>} : memref<8x1024xf32, #tpu.memory_space<vmem>>, vector<1x16xf32>,
        %get3A_474 = arith.index_cast %scan3A_187 : i32 to index
        %get3A_475 = arith.constant 512 : index
        %get3A_476 = tpu.vector_load %arg15[%get3A_474, %get3A_475] {strides = array<i32>} : memref<8x1024xf32, #tpu.memory_space<vmem>>, vector<1x16xf32>,
        %get3A_477 = vector.shape_cast %get3A_476 : vector<1x16xf32> to vector<16xf32>
        %swap3A_478 = arith.index_cast %scan3A_187 : i32 to index
        %swap3A_479 = arith.constant 512 : index
        %swap3A_480 = tpu.vector_load %arg11[%swap3A_478, %swap3A_479] {strides = array<i32>} : memref<8x1024xf32, #tpu.memory_space<vmem>>, vector<1x16xf32>,
        %swap3A_481 = vector.shape_cast %swap3A_480 : vector<1x16xf32> to vector<16xf32>
        %swap3A_482 = vector.shape_cast %get3A_477 : vector<16xf32> to vector<1x16xf32>
        tpu.vector_store %arg11[%swap3A_478, %swap3A_479], %swap3A_482 {add = true, strides = array<i32>} : memref<8x1024xf32, #tpu.memory_space<vmem>>, vector<1x16xf32>,
        %get3A_483 = arith.index_cast %scan3A_187 : i32 to index
        %get3A_484 = arith.constant 528 : index
        %get3A_485 = tpu.vector_load %arg15[%get3A_483, %get3A_484] {strides = array<i32>} : memref<8x1024xf32, #tpu.memory_space<vmem>>, vector<1x16xf32>,
        %get3A_486 = vector.shape_cast %get3A_485 : vector<1x16xf32> to vector<16xf32>
        %swap3A_487 = arith.index_cast %scan3A_187 : i32 to index
        %swap3A_488 = arith.constant 528 : index
        %swap3A_489 = tpu.vector_load %arg11[%swap3A_487, %swap3A_488] {strides = array<i32>} : memref<8x1024xf32, #tpu.memory_space<vmem>>, vector<1x16xf32>,
        %swap3A_490 = vector.shape_cast %swap3A_489 : vector<1x16xf32> to vector<16xf32>
        %swap3A_491 = vector.shape_cast %get3A_486 : vector<16xf32> to vector<1x16xf32>
        tpu.vector_store %arg11[%swap3A_487, %swap3A_488], %swap3A_491 {add = true, strides = array<i32>} : memref<8x1024xf32, #tpu.memory_space<vmem>>, vector<1x16xf32>,
        %get3A_492 = arith.index_cast %scan3A_187 : i32 to index
        %get3A_493 = arith.constant 544 : index
        %get3A_494 = tpu.vector_load %arg15[%get3A_492, %get3A_493] {strides = array<i32>} : memref<8x1024xf32, #tpu.memory_space<vmem>>, vector<1x16xf32>,
        %get3A_495 = vector.shape_cast %get3A_494 : vector<1x16xf32> to vector<16xf32>
        %swap3A_496 = arith.index_cast %scan3A_187 : i32 to index
        %swap3A_497 = arith.constant 544 : index
        %swap3A_498 = tpu.vector_load %arg11[%swap3A_496, %swap3A_497] {strides = array<i32>} : memref<8x1024xf32, #tpu.memory_space<vmem>>, vector<1x16xf32>,
        %swap3A_499 = vector.shape_cast %swap3A_498 : vector<1x16xf32> to vector<16xf32>
        %swap3A_500 = vector.shape_cast %get3A_495 : vector<16xf32> to vector<1x16xf32>
        tpu.vector_store %arg11[%swap3A_496, %swap3A_497], %swap3A_500 {add = true, strides = array<i32>} : memref<8x1024xf32, #tpu.memory_space<vmem>>, vector<1x16xf32>,
        %get3A_501 = arith.index_cast %scan3A_187 : i32 to index
        %get3A_502 = arith.constant 560 : index
        %get3A_503 = tpu.vector_load %arg15[%get3A_501, %get3A_502] {strides = array<i32>} : memref<8x1024xf32, #tpu.memory_space<vmem>>, vector<1x16xf32>,
        %get3A_504 = vector.shape_cast %get3A_503 : vector<1x16xf32> to vector<16xf32>
        %swap3A_505 = arith.index_cast %scan3A_187 : i32 to index
        %swap3A_506 = arith.constant 560 : index
        %swap3A_507 = tpu.vector_load %arg11[%swap3A_505, %swap3A_506] {strides = array<i32>} : memref<8x1024xf32, #tpu.memory_space<vmem>>, vector<1x16xf32>,
        %swap3A_508 = vector.shape_cast %swap3A_507 : vector<1x16xf32> to vector<16xf32>
        %swap3A_509 = vector.shape_cast %get3A_504 : vector<16xf32> to vector<1x16xf32>
        tpu.vector_store %arg11[%swap3A_505, %swap3A_506], %swap3A_509 {add = true, strides = array<i32>} : memref<8x1024xf32, #tpu.memory_space<vmem>>, vector<1x16xf32>,
        %get3A_510 = arith.index_cast %scan3A_187 : i32 to index
        %get3A_511 = arith.constant 576 : index
        %get3A_512 = tpu.vector_load %arg15[%get3A_510, %get3A_511] {strides = array<i32>} : memref<8x1024xf32, #tpu.memory_space<vmem>>, vector<1x16xf32>,
        %get3A_513 = vector.shape_cast %get3A_512 : vector<1x16xf32> to vector<16xf32>
        %swap3A_514 = arith.index_cast %scan3A_187 : i32 to index
        %swap3A_515 = arith.constant 576 : index
        %swap3A_516 = tpu.vector_load %arg11[%swap3A_514, %swap3A_515] {strides = array<i32>} : memref<8x1024xf32, #tpu.memory_space<vmem>>, vector<1x16xf32>,
        %swap3A_517 = vector.shape_cast %swap3A_516 : vector<1x16xf32> to vector<16xf32>
        %swap3A_518 = vector.shape_cast %get3A_513 : vector<16xf32> to vector<1x16xf32>
        tpu.vector_store %arg11[%swap3A_514, %swap3A_515], %swap3A_518 {add = true, strides = array<i32>} : memref<8x1024xf32, #tpu.memory_space<vmem>>, vector<1x16xf32>,
        %get3A_519 = arith.index_cast %scan3A_187 : i32 to index
        %get3A_520 = arith.constant 592 : index
        %get3A_521 = tpu.vector_load %arg15[%get3A_519, %get3A_520] {strides = array<i32>} : memref<8x1024xf32, #tpu.memory_space<vmem>>, vector<1x16xf32>,
        %get3A_522 = vector.shape_cast %get3A_521 : vector<1x16xf32> to vector<16xf32>
        %swap3A_523 = arith.index_cast %scan3A_187 : i32 to index
        %swap3A_524 = arith.constant 592 : index
        %swap3A_525 = tpu.vector_load %arg11[%swap3A_523, %swap3A_524] {strides = array<i32>} : memref<8x1024xf32, #tpu.memory_space<vmem>>, vector<1x16xf32>,
        %swap3A_526 = vector.shape_cast %swap3A_525 : vector<1x16xf32> to vector<16xf32>
        %swap3A_527 = vector.shape_cast %get3A_522 : vector<16xf32> to vector<1x16xf32>
        tpu.vector_store %arg11[%swap3A_523, %swap3A_524], %swap3A_527 {add = true, strides = array<i32>} : memref<8x1024xf32, #tpu.memory_space<vmem>>, vector<1x16xf32>,
        %get3A_528 = arith.index_cast %scan3A_187 : i32 to index
        %get3A_529 = arith.constant 608 : index
        %get3A_530 = tpu.vector_load %arg15[%get3A_528, %get3A_529] {strides = array<i32>} : memref<8x1024xf32, #tpu.memory_space<vmem>>, vector<1x16xf32>,
        %get3A_531 = vector.shape_cast %get3A_530 : vector<1x16xf32> to vector<16xf32>
        %swap3A_532 = arith.index_cast %scan3A_187 : i32 to index
        %swap3A_533 = arith.constant 608 : index
        %swap3A_534 = tpu.vector_load %arg11[%swap3A_532, %swap3A_533] {strides = array<i32>} : memref<8x1024xf32, #tpu.memory_space<vmem>>, vector<1x16xf32>,
        %swap3A_535 = vector.shape_cast %swap3A_534 : vector<1x16xf32> to vector<16xf32>
        %swap3A_536 = vector.shape_cast %get3A_531 : vector<16xf32> to vector<1x16xf32>
        tpu.vector_store %arg11[%swap3A_532, %swap3A_533], %swap3A_536 {add = true, strides = array<i32>} : memref<8x1024xf32, #tpu.memory_space<vmem>>, vector<1x16xf32>,
        %get3A_537 = arith.index_cast %scan3A_187 : i32 to index
        %get3A_538 = arith.constant 624 : index
        %get3A_539 = tpu.vector_load %arg15[%get3A_537, %get3A_538] {strides = array<i32>} : memref<8x1024xf32, #tpu.memory_space<vmem>>, vector<1x16xf32>,
        %get3A_540 = vector.shape_cast %get3A_539 : vector<1x16xf32> to vector<16xf32>
        %swap3A_541 = arith.index_cast %scan3A_187 : i32 to index
        %swap3A_542 = arith.constant 624 : index
        %swap3A_543 = tpu.vector_load %arg11[%swap3A_541, %swap3A_542] {strides = array<i32>} : memref<8x1024xf32, #tpu.memory_space<vmem>>, vector<1x16xf32>,
        %swap3A_544 = vector.shape_cast %swap3A_543 : vector<1x16xf32> to vector<16xf32>
        %swap3A_545 = vector.shape_cast %get3A_540 : vector<16xf32> to vector<1x16xf32>
        tpu.vector_store %arg11[%swap3A_541, %swap3A_542], %swap3A_545 {add = true, strides = array<i32>} : memref<8x1024xf32, #tpu.memory_space<vmem>>, vector<1x16xf32>,
        %get3A_546 = arith.index_cast %scan3A_187 : i32 to index
        %get3A_547 = arith.constant 640 : index
        %get3A_548 = tpu.vector_load %arg15[%get3A_546, %get3A_547] {strides = array<i32>} : memref<8x1024xf32, #tpu.memory_space<vmem>>, vector<1x16xf32>,
        %get3A_549 = vector.shape_cast %get3A_548 : vector<1x16xf32> to vector<16xf32>
        %swap3A_550 = arith.index_cast %scan3A_187 : i32 to index
        %swap3A_551 = arith.constant 640 : index
        %swap3A_552 = tpu.vector_load %arg11[%swap3A_550, %swap3A_551] {strides = array<i32>} : memref<8x1024xf32, #tpu.memory_space<vmem>>, vector<1x16xf32>,
        %swap3A_553 = vector.shape_cast %swap3A_552 : vector<1x16xf32> to vector<16xf32>
        %swap3A_554 = vector.shape_cast %get3A_549 : vector<16xf32> to vector<1x16xf32>
        tpu.vector_store %arg11[%swap3A_550, %swap3A_551], %swap3A_554 {add = true, strides = array<i32>} : memref<8x1024xf32, #tpu.memory_space<vmem>>, vector<1x16xf32>,
        %get3A_555 = arith.index_cast %scan3A_187 : i32 to index
        %get3A_556 = arith.constant 656 : index
        %get3A_557 = tpu.vector_load %arg15[%get3A_555, %get3A_556] {strides = array<i32>} : memref<8x1024xf32, #tpu.memory_space<vmem>>, vector<1x16xf32>,
        %get3A_558 = vector.shape_cast %get3A_557 : vector<1x16xf32> to vector<16xf32>
        %swap3A_559 = arith.index_cast %scan3A_187 : i32 to index
        %swap3A_560 = arith.constant 656 : index
        %swap3A_561 = tpu.vector_load %arg11[%swap3A_559, %swap3A_560] {strides = array<i32>} : memref<8x1024xf32, #tpu.memory_space<vmem>>, vector<1x16xf32>,
        %swap3A_562 = vector.shape_cast %swap3A_561 : vector<1x16xf32> to vector<16xf32>
        %swap3A_563 = vector.shape_cast %get3A_558 : vector<16xf32> to vector<1x16xf32>
        tpu.vector_store %arg11[%swap3A_559, %swap3A_560], %swap3A_563 {add = true, strides = array<i32>} : memref<8x1024xf32, #tpu.memory_space<vmem>>, vector<1x16xf32>,
        %get3A_564 = arith.index_cast %scan3A_187 : i32 to index
        %get3A_565 = arith.constant 672 : index
        %get3A_566 = tpu.vector_load %arg15[%get3A_564, %get3A_565] {strides = array<i32>} : memref<8x1024xf32, #tpu.memory_space<vmem>>, vector<1x16xf32>,
        %get3A_567 = vector.shape_cast %get3A_566 : vector<1x16xf32> to vector<16xf32>
        %swap3A_568 = arith.index_cast %scan3A_187 : i32 to index
        %swap3A_569 = arith.constant 672 : index
        %swap3A_570 = tpu.vector_load %arg11[%swap3A_568, %swap3A_569] {strides = array<i32>} : memref<8x1024xf32, #tpu.memory_space<vmem>>, vector<1x16xf32>,
        %swap3A_571 = vector.shape_cast %swap3A_570 : vector<1x16xf32> to vector<16xf32>
        %swap3A_572 = vector.shape_cast %get3A_567 : vector<16xf32> to vector<1x16xf32>
        tpu.vector_store %arg11[%swap3A_568, %swap3A_569], %swap3A_572 {add = true, strides = array<i32>} : memref<8x1024xf32, #tpu.memory_space<vmem>>, vector<1x16xf32>,
        %get3A_573 = arith.index_cast %scan3A_187 : i32 to index
        %get3A_574 = arith.constant 688 : index
        %get3A_575 = tpu.vector_load %arg15[%get3A_573, %get3A_574] {strides = array<i32>} : memref<8x1024xf32, #tpu.memory_space<vmem>>, vector<1x16xf32>,
        %get3A_576 = vector.shape_cast %get3A_575 : vector<1x16xf32> to vector<16xf32>
        %swap3A_577 = arith.index_cast %scan3A_187 : i32 to index
        %swap3A_578 = arith.constant 688 : index
        %swap3A_579 = tpu.vector_load %arg11[%swap3A_577, %swap3A_578] {strides = array<i32>} : memref<8x1024xf32, #tpu.memory_space<vmem>>, vector<1x16xf32>,
        %swap3A_580 = vector.shape_cast %swap3A_579 : vector<1x16xf32> to vector<16xf32>
        %swap3A_581 = vector.shape_cast %get3A_576 : vector<16xf32> to vector<1x16xf32>
        tpu.vector_store %arg11[%swap3A_577, %swap3A_578], %swap3A_581 {add = true, strides = array<i32>} : memref<8x1024xf32, #tpu.memory_space<vmem>>, vector<1x16xf32>,
        %get3A_582 = arith.index_cast %scan3A_187 : i32 to index
        %get3A_583 = arith.constant 704 : index
        %get3A_584 = tpu.vector_load %arg15[%get3A_582, %get3A_583] {strides = array<i32>} : memref<8x1024xf32, #tpu.memory_space<vmem>>, vector<1x16xf32>,
        %get3A_585 = vector.shape_cast %get3A_584 : vector<1x16xf32> to vector<16xf32>
        %swap3A_586 = arith.index_cast %scan3A_187 : i32 to index
        %swap3A_587 = arith.constant 704 : index
        %swap3A_588 = tpu.vector_load %arg11[%swap3A_586, %swap3A_587] {strides = array<i32>} : memref<8x1024xf32, #tpu.memory_space<vmem>>, vector<1x16xf32>,
        %swap3A_589 = vector.shape_cast %swap3A_588 : vector<1x16xf32> to vector<16xf32>
        %swap3A_590 = vector.shape_cast %get3A_585 : vector<16xf32> to vector<1x16xf32>
        tpu.vector_store %arg11[%swap3A_586, %swap3A_587], %swap3A_590 {add = true, strides = array<i32>} : memref<8x1024xf32, #tpu.memory_space<vmem>>, vector<1x16xf32>,
        %get3A_591 = arith.index_cast %scan3A_187 : i32 to index
        %get3A_592 = arith.constant 720 : index
        %get3A_593 = tpu.vector_load %arg15[%get3A_591, %get3A_592] {strides = array<i32>} : memref<8x1024xf32, #tpu.memory_space<vmem>>, vector<1x16xf32>,
        %get3A_594 = vector.shape_cast %get3A_593 : vector<1x16xf32> to vector<16xf32>
        %swap3A_595 = arith.index_cast %scan3A_187 : i32 to index
        %swap3A_596 = arith.constant 720 : index
        %swap3A_597 = tpu.vector_load %arg11[%swap3A_595, %swap3A_596] {strides = array<i32>} : memref<8x1024xf32, #tpu.memory_space<vmem>>, vector<1x16xf32>,
        %swap3A_598 = vector.shape_cast %swap3A_597 : vector<1x16xf32> to vector<16xf32>
        %swap3A_599 = vector.shape_cast %get3A_594 : vector<16xf32> to vector<1x16xf32>
        tpu.vector_store %arg11[%swap3A_595, %swap3A_596], %swap3A_599 {add = true, strides = array<i32>} : memref<8x1024xf32, #tpu.memory_space<vmem>>, vector<1x16xf32>,
        %get3A_600 = arith.index_cast %scan3A_187 : i32 to index
        %get3A_601 = arith.constant 736 : index
        %get3A_602 = tpu.vector_load %arg15[%get3A_600, %get3A_601] {strides = array<i32>} : memref<8x1024xf32, #tpu.memory_space<vmem>>, vector<1x16xf32>,
        %get3A_603 = vector.shape_cast %get3A_602 : vector<1x16xf32> to vector<16xf32>
        %swap3A_604 = arith.index_cast %scan3A_187 : i32 to index
        %swap3A_605 = arith.constant 736 : index
        %swap3A_606 = tpu.vector_load %arg11[%swap3A_604, %swap3A_605] {strides = array<i32>} : memref<8x1024xf32, #tpu.memory_space<vmem>>, vector<1x16xf32>,
        %swap3A_607 = vector.shape_cast %swap3A_606 : vector<1x16xf32> to vector<16xf32>
        %swap3A_608 = vector.shape_cast %get3A_603 : vector<16xf32> to vector<1x16xf32>
        tpu.vector_store %arg11[%swap3A_604, %swap3A_605], %swap3A_608 {add = true, strides = array<i32>} : memref<8x1024xf32, #tpu.memory_space<vmem>>, vector<1x16xf32>,
        %get3A_609 = arith.index_cast %scan3A_187 : i32 to index
        %get3A_610 = arith.constant 752 : index
        %get3A_611 = tpu.vector_load %arg15[%get3A_609, %get3A_610] {strides = array<i32>} : memref<8x1024xf32, #tpu.memory_space<vmem>>, vector<1x16xf32>,
        %get3A_612 = vector.shape_cast %get3A_611 : vector<1x16xf32> to vector<16xf32>
        %swap3A_613 = arith.index_cast %scan3A_187 : i32 to index
        %swap3A_614 = arith.constant 752 : index
        %swap3A_615 = tpu.vector_load %arg11[%swap3A_613, %swap3A_614] {strides = array<i32>} : memref<8x1024xf32, #tpu.memory_space<vmem>>, vector<1x16xf32>,
        %swap3A_616 = vector.shape_cast %swap3A_615 : vector<1x16xf32> to vector<16xf32>
        %swap3A_617 = vector.shape_cast %get3A_612 : vector<16xf32> to vector<1x16xf32>
        tpu.vector_store %arg11[%swap3A_613, %swap3A_614], %swap3A_617 {add = true, strides = array<i32>} : memref<8x1024xf32, #tpu.memory_space<vmem>>, vector<1x16xf32>,
        %get3A_618 = arith.index_cast %scan3A_187 : i32 to index
        %get3A_619 = arith.constant 768 : index
        %get3A_620 = tpu.vector_load %arg15[%get3A_618, %get3A_619] {strides = array<i32>} : memref<8x1024xf32, #tpu.memory_space<vmem>>, vector<1x16xf32>,
        %get3A_621 = vector.shape_cast %get3A_620 : vector<1x16xf32> to vector<16xf32>
        %swap3A_622 = arith.index_cast %scan3A_187 : i32 to index
        %swap3A_623 = arith.constant 768 : index
        %swap3A_624 = tpu.vector_load %arg11[%swap3A_622, %swap3A_623] {strides = array<i32>} : memref<8x1024xf32, #tpu.memory_space<vmem>>, vector<1x16xf32>,
        %swap3A_625 = vector.shape_cast %swap3A_624 : vector<1x16xf32> to vector<16xf32>
        %swap3A_626 = vector.shape_cast %get3A_621 : vector<16xf32> to vector<1x16xf32>
        tpu.vector_store %arg11[%swap3A_622, %swap3A_623], %swap3A_626 {add = true, strides = array<i32>} : memref<8x1024xf32, #tpu.memory_space<vmem>>, vector<1x16xf32>,
        %get3A_627 = arith.index_cast %scan3A_187 : i32 to index
        %get3A_628 = arith.constant 784 : index
        %get3A_629 = tpu.vector_load %arg15[%get3A_627, %get3A_628] {strides = array<i32>} : memref<8x1024xf32, #tpu.memory_space<vmem>>, vector<1x16xf32>,
        %get3A_630 = vector.shape_cast %get3A_629 : vector<1x16xf32> to vector<16xf32>
        %swap3A_631 = arith.index_cast %scan3A_187 : i32 to index
        %swap3A_632 = arith.constant 784 : index
        %swap3A_633 = tpu.vector_load %arg11[%swap3A_631, %swap3A_632] {strides = array<i32>} : memref<8x1024xf32, #tpu.memory_space<vmem>>, vector<1x16xf32>,
        %swap3A_634 = vector.shape_cast %swap3A_633 : vector<1x16xf32> to vector<16xf32>
        %swap3A_635 = vector.shape_cast %get3A_630 : vector<16xf32> to vector<1x16xf32>
        tpu.vector_store %arg11[%swap3A_631, %swap3A_632], %swap3A_635 {add = true, strides = array<i32>} : memref<8x1024xf32, #tpu.memory_space<vmem>>, vector<1x16xf32>,
        %get3A_636 = arith.index_cast %scan3A_187 : i32 to index
        %get3A_637 = arith.constant 800 : index
        %get3A_638 = tpu.vector_load %arg15[%get3A_636, %get3A_637] {strides = array<i32>} : memref<8x1024xf32, #tpu.memory_space<vmem>>, vector<1x16xf32>,
        %get3A_639 = vector.shape_cast %get3A_638 : vector<1x16xf32> to vector<16xf32>
        %swap3A_640 = arith.index_cast %scan3A_187 : i32 to index
        %swap3A_641 = arith.constant 800 : index
        %swap3A_642 = tpu.vector_load %arg11[%swap3A_640, %swap3A_641] {strides = array<i32>} : memref<8x1024xf32, #tpu.memory_space<vmem>>, vector<1x16xf32>,
        %swap3A_643 = vector.shape_cast %swap3A_642 : vector<1x16xf32> to vector<16xf32>
        %swap3A_644 = vector.shape_cast %get3A_639 : vector<16xf32> to vector<1x16xf32>
        tpu.vector_store %arg11[%swap3A_640, %swap3A_641], %swap3A_644 {add = true, strides = array<i32>} : memref<8x1024xf32, #tpu.memory_space<vmem>>, vector<1x16xf32>,
        %get3A_645 = arith.index_cast %scan3A_187 : i32 to index
        %get3A_646 = arith.constant 816 : index
        %get3A_647 = tpu.vector_load %arg15[%get3A_645, %get3A_646] {strides = array<i32>} : memref<8x1024xf32, #tpu.memory_space<vmem>>, vector<1x16xf32>,
        %get3A_648 = vector.shape_cast %get3A_647 : vector<1x16xf32> to vector<16xf32>
        %swap3A_649 = arith.index_cast %scan3A_187 : i32 to index
        %swap3A_650 = arith.constant 816 : index
        %swap3A_651 = tpu.vector_load %arg11[%swap3A_649, %swap3A_650] {strides = array<i32>} : memref<8x1024xf32, #tpu.memory_space<vmem>>, vector<1x16xf32>,
        %swap3A_652 = vector.shape_cast %swap3A_651 : vector<1x16xf32> to vector<16xf32>
        %swap3A_653 = vector.shape_cast %get3A_648 : vector<16xf32> to vector<1x16xf32>
        tpu.vector_store %arg11[%swap3A_649, %swap3A_650], %swap3A_653 {add = true, strides = array<i32>} : memref<8x1024xf32, #tpu.memory_space<vmem>>, vector<1x16xf32>,
        %get3A_654 = arith.index_cast %scan3A_187 : i32 to index
        %get3A_655 = arith.constant 832 : index
        %get3A_656 = tpu.vector_load %arg15[%get3A_654, %get3A_655] {strides = array<i32>} : memref<8x1024xf32, #tpu.memory_space<vmem>>, vector<1x16xf32>,
        %get3A_657 = vector.shape_cast %get3A_656 : vector<1x16xf32> to vector<16xf32>
        %swap3A_658 = arith.index_cast %scan3A_187 : i32 to index
        %swap3A_659 = arith.constant 832 : index
        %swap3A_660 = tpu.vector_load %arg11[%swap3A_658, %swap3A_659] {strides = array<i32>} : memref<8x1024xf32, #tpu.memory_space<vmem>>, vector<1x16xf32>,
        %swap3A_661 = vector.shape_cast %swap3A_660 : vector<1x16xf32> to vector<16xf32>
        %swap3A_662 = vector.shape_cast %get3A_657 : vector<16xf32> to vector<1x16xf32>
        tpu.vector_store %arg11[%swap3A_658, %swap3A_659], %swap3A_662 {add = true, strides = array<i32>} : memref<8x1024xf32, #tpu.memory_space<vmem>>, vector<1x16xf32>,
        %get3A_663 = arith.index_cast %scan3A_187 : i32 to index
        %get3A_664 = arith.constant 848 : index
        %get3A_665 = tpu.vector_load %arg15[%get3A_663, %get3A_664] {strides = array<i32>} : memref<8x1024xf32, #tpu.memory_space<vmem>>, vector<1x16xf32>,
        %get3A_666 = vector.shape_cast %get3A_665 : vector<1x16xf32> to vector<16xf32>
        %swap3A_667 = arith.index_cast %scan3A_187 : i32 to index
        %swap3A_668 = arith.constant 848 : index
        %swap3A_669 = tpu.vector_load %arg11[%swap3A_667, %swap3A_668] {strides = array<i32>} : memref<8x1024xf32, #tpu.memory_space<vmem>>, vector<1x16xf32>,
        %swap3A_670 = vector.shape_cast %swap3A_669 : vector<1x16xf32> to vector<16xf32>
        %swap3A_671 = vector.shape_cast %get3A_666 : vector<16xf32> to vector<1x16xf32>
        tpu.vector_store %arg11[%swap3A_667, %swap3A_668], %swap3A_671 {add = true, strides = array<i32>} : memref<8x1024xf32, #tpu.memory_space<vmem>>, vector<1x16xf32>,
        %get3A_672 = arith.index_cast %scan3A_187 : i32 to index
        %get3A_673 = arith.constant 864 : index
        %get3A_674 = tpu.vector_load %arg15[%get3A_672, %get3A_673] {strides = array<i32>} : memref<8x1024xf32, #tpu.memory_space<vmem>>, vector<1x16xf32>,
        %get3A_675 = vector.shape_cast %get3A_674 : vector<1x16xf32> to vector<16xf32>
        %swap3A_676 = arith.index_cast %scan3A_187 : i32 to index
        %swap3A_677 = arith.constant 864 : index
        %swap3A_678 = tpu.vector_load %arg11[%swap3A_676, %swap3A_677] {strides = array<i32>} : memref<8x1024xf32, #tpu.memory_space<vmem>>, vector<1x16xf32>,
        %swap3A_679 = vector.shape_cast %swap3A_678 : vector<1x16xf32> to vector<16xf32>
        %swap3A_680 = vector.shape_cast %get3A_675 : vector<16xf32> to vector<1x16xf32>
        tpu.vector_store %arg11[%swap3A_676, %swap3A_677], %swap3A_680 {add = true, strides = array<i32>} : memref<8x1024xf32, #tpu.memory_space<vmem>>, vector<1x16xf32>,
        %get3A_681 = arith.index_cast %scan3A_187 : i32 to index
        %get3A_682 = arith.constant 880 : index
        %get3A_683 = tpu.vector_load %arg15[%get3A_681, %get3A_682] {strides = array<i32>} : memref<8x1024xf32, #tpu.memory_space<vmem>>, vector<1x16xf32>,
        %get3A_684 = vector.shape_cast %get3A_683 : vector<1x16xf32> to vector<16xf32>
        %swap3A_685 = arith.index_cast %scan3A_187 : i32 to index
        %swap3A_686 = arith.constant 880 : index
        %swap3A_687 = tpu.vector_load %arg11[%swap3A_685, %swap3A_686] {strides = array<i32>} : memref<8x1024xf32, #tpu.memory_space<vmem>>, vector<1x16xf32>,
        %swap3A_688 = vector.shape_cast %swap3A_687 : vector<1x16xf32> to vector<16xf32>
        %swap3A_689 = vector.shape_cast %get3A_684 : vector<16xf32> to vector<1x16xf32>
        tpu.vector_store %arg11[%swap3A_685, %swap3A_686], %swap3A_689 {add = true, strides = array<i32>} : memref<8x1024xf32, #tpu.memory_space<vmem>>, vector<1x16xf32>,
        %get3A_690 = arith.index_cast %scan3A_187 : i32 to index
        %get3A_691 = arith.constant 896 : index
        %get3A_692 = tpu.vector_load %arg15[%get3A_690, %get3A_691] {strides = array<i32>} : memref<8x1024xf32, #tpu.memory_space<vmem>>, vector<1x16xf32>,
        %get3A_693 = vector.shape_cast %get3A_692 : vector<1x16xf32> to vector<16xf32>
        %swap3A_694 = arith.index_cast %scan3A_187 : i32 to index
        %swap3A_695 = arith.constant 896 : index
        %swap3A_696 = tpu.vector_load %arg11[%swap3A_694, %swap3A_695] {strides = array<i32>} : memref<8x1024xf32, #tpu.memory_space<vmem>>, vector<1x16xf32>,
        %swap3A_697 = vector.shape_cast %swap3A_696 : vector<1x16xf32> to vector<16xf32>
        %swap3A_698 = vector.shape_cast %get3A_693 : vector<16xf32> to vector<1x16xf32>
        tpu.vector_store %arg11[%swap3A_694, %swap3A_695], %swap3A_698 {add = true, strides = array<i32>} : memref<8x1024xf32, #tpu.memory_space<vmem>>, vector<1x16xf32>,
        %get3A_699 = arith.index_cast %scan3A_187 : i32 to index
        %get3A_700 = arith.constant 912 : index
        %get3A_701 = tpu.vector_load %arg15[%get3A_699, %get3A_700] {strides = array<i32>} : memref<8x1024xf32, #tpu.memory_space<vmem>>, vector<1x16xf32>,
        %get3A_702 = vector.shape_cast %get3A_701 : vector<1x16xf32> to vector<16xf32>
        %swap3A_703 = arith.index_cast %scan3A_187 : i32 to index
        %swap3A_704 = arith.constant 912 : index
        %swap3A_705 = tpu.vector_load %arg11[%swap3A_703, %swap3A_704] {strides = array<i32>} : memref<8x1024xf32, #tpu.memory_space<vmem>>, vector<1x16xf32>,
        %swap3A_706 = vector.shape_cast %swap3A_705 : vector<1x16xf32> to vector<16xf32>
        %swap3A_707 = vector.shape_cast %get3A_702 : vector<16xf32> to vector<1x16xf32>
        tpu.vector_store %arg11[%swap3A_703, %swap3A_704], %swap3A_707 {add = true, strides = array<i32>} : memref<8x1024xf32, #tpu.memory_space<vmem>>, vector<1x16xf32>,
        %get3A_708 = arith.index_cast %scan3A_187 : i32 to index
        %get3A_709 = arith.constant 928 : index
        %get3A_710 = tpu.vector_load %arg15[%get3A_708, %get3A_709] {strides = array<i32>} : memref<8x1024xf32, #tpu.memory_space<vmem>>, vector<1x16xf32>,
        %get3A_711 = vector.shape_cast %get3A_710 : vector<1x16xf32> to vector<16xf32>
        %swap3A_712 = arith.index_cast %scan3A_187 : i32 to index
        %swap3A_713 = arith.constant 928 : index
        %swap3A_714 = tpu.vector_load %arg11[%swap3A_712, %swap3A_713] {strides = array<i32>} : memref<8x1024xf32, #tpu.memory_space<vmem>>, vector<1x16xf32>,
        %swap3A_715 = vector.shape_cast %swap3A_714 : vector<1x16xf32> to vector<16xf32>
        %swap3A_716 = vector.shape_cast %get3A_711 : vector<16xf32> to vector<1x16xf32>
        tpu.vector_store %arg11[%swap3A_712, %swap3A_713], %swap3A_716 {add = true, strides = array<i32>} : memref<8x1024xf32, #tpu.memory_space<vmem>>, vector<1x16xf32>,
        %get3A_717 = arith.index_cast %scan3A_187 : i32 to index
        %get3A_718 = arith.constant 944 : index
        %get3A_719 = tpu.vector_load %arg15[%get3A_717, %get3A_718] {strides = array<i32>} : memref<8x1024xf32, #tpu.memory_space<vmem>>, vector<1x16xf32>,
        %get3A_720 = vector.shape_cast %get3A_719 : vector<1x16xf32> to vector<16xf32>
        %swap3A_721 = arith.index_cast %scan3A_187 : i32 to index
        %swap3A_722 = arith.constant 944 : index
        %swap3A_723 = tpu.vector_load %arg11[%swap3A_721, %swap3A_722] {strides = array<i32>} : memref<8x1024xf32, #tpu.memory_space<vmem>>, vector<1x16xf32>,
        %swap3A_724 = vector.shape_cast %swap3A_723 : vector<1x16xf32> to vector<16xf32>
        %swap3A_725 = vector.shape_cast %get3A_720 : vector<16xf32> to vector<1x16xf32>
        tpu.vector_store %arg11[%swap3A_721, %swap3A_722], %swap3A_725 {add = true, strides = array<i32>} : memref<8x1024xf32, #tpu.memory_space<vmem>>, vector<1x16xf32>,
        %get3A_726 = arith.index_cast %scan3A_187 : i32 to index
        %get3A_727 = arith.constant 960 : index
        %get3A_728 = tpu.vector_load %arg15[%get3A_726, %get3A_727] {strides = array<i32>} : memref<8x1024xf32, #tpu.memory_space<vmem>>, vector<1x16xf32>,
        %get3A_729 = vector.shape_cast %get3A_728 : vector<1x16xf32> to vector<16xf32>
        %swap3A_730 = arith.index_cast %scan3A_187 : i32 to index
        %swap3A_731 = arith.constant 960 : index
        %swap3A_732 = tpu.vector_load %arg11[%swap3A_730, %swap3A_731] {strides = array<i32>} : memref<8x1024xf32, #tpu.memory_space<vmem>>, vector<1x16xf32>,
        %swap3A_733 = vector.shape_cast %swap3A_732 : vector<1x16xf32> to vector<16xf32>
        %swap3A_734 = vector.shape_cast %get3A_729 : vector<16xf32> to vector<1x16xf32>
        tpu.vector_store %arg11[%swap3A_730, %swap3A_731], %swap3A_734 {add = true, strides = array<i32>} : memref<8x1024xf32, #tpu.memory_space<vmem>>, vector<1x16xf32>,
        %get3A_735 = arith.index_cast %scan3A_187 : i32 to index
        %get3A_736 = arith.constant 976 : index
        %get3A_737 = tpu.vector_load %arg15[%get3A_735, %get3A_736] {strides = array<i32>} : memref<8x1024xf32, #tpu.memory_space<vmem>>, vector<1x16xf32>,
        %get3A_738 = vector.shape_cast %get3A_737 : vector<1x16xf32> to vector<16xf32>
        %swap3A_739 = arith.index_cast %scan3A_187 : i32 to index
        %swap3A_740 = arith.constant 976 : index
        %swap3A_741 = tpu.vector_load %arg11[%swap3A_739, %swap3A_740] {strides = array<i32>} : memref<8x1024xf32, #tpu.memory_space<vmem>>, vector<1x16xf32>,
        %swap3A_742 = vector.shape_cast %swap3A_741 : vector<1x16xf32> to vector<16xf32>
        %swap3A_743 = vector.shape_cast %get3A_738 : vector<16xf32> to vector<1x16xf32>
        tpu.vector_store %arg11[%swap3A_739, %swap3A_740], %swap3A_743 {add = true, strides = array<i32>} : memref<8x1024xf32, #tpu.memory_space<vmem>>, vector<1x16xf32>,
        %get3A_744 = arith.index_cast %scan3A_187 : i32 to index
        %get3A_745 = arith.constant 992 : index
        %get3A_746 = tpu.vector_load %arg15[%get3A_744, %get3A_745] {strides = array<i32>} : memref<8x1024xf32, #tpu.memory_space<vmem>>, vector<1x16xf32>,
        %get3A_747 = vector.shape_cast %get3A_746 : vector<1x16xf32> to vector<16xf32>
        %swap3A_748 = arith.index_cast %scan3A_187 : i32 to index
        %swap3A_749 = arith.constant 992 : index
        %swap3A_750 = tpu.vector_load %arg11[%swap3A_748, %swap3A_749] {strides = array<i32>} : memref<8x1024xf32, #tpu.memory_space<vmem>>, vector<1x16xf32>,
        %swap3A_751 = vector.shape_cast %swap3A_750 : vector<1x16xf32> to vector<16xf32>
        %swap3A_752 = vector.shape_cast %get3A_747 : vector<16xf32> to vector<1x16xf32>
        tpu.vector_store %arg11[%swap3A_748, %swap3A_749], %swap3A_752 {add = true, strides = array<i32>} : memref<8x1024xf32, #tpu.memory_space<vmem>>, vector<1x16xf32>,
        %get3A_753 = arith.index_cast %scan3A_187 : i32 to index
        %get3A_754 = arith.constant 1008 : index
        %get3A_755 = tpu.vector_load %arg15[%get3A_753, %get3A_754] {strides = array<i32>} : memref<8x1024xf32, #tpu.memory_space<vmem>>, vector<1x16xf32>,
        %get3A_756 = vector.shape_cast %get3A_755 : vector<1x16xf32> to vector<16xf32>
        %swap3A_757 = arith.index_cast %scan3A_187 : i32 to index
        %swap3A_758 = arith.constant 1008 : index
        %swap3A_759 = tpu.vector_load %arg11[%swap3A_757, %swap3A_758] {strides = array<i32>} : memref<8x1024xf32, #tpu.memory_space<vmem>>, vector<1x16xf32>,
        %swap3A_760 = vector.shape_cast %swap3A_759 : vector<1x16xf32> to vector<16xf32>
        %swap3A_761 = vector.shape_cast %get3A_756 : vector<16xf32> to vector<1x16xf32>
        tpu.vector_store %arg11[%swap3A_757, %swap3A_758], %swap3A_761 {add = true, strides = array<i32>} : memref<8x1024xf32, #tpu.memory_space<vmem>>, vector<1x16xf32>,
      }
      %scan3A_179 = arith.constant 8 : i32
      %mul3A_180 = arith.constant 8 : i32
      %mul3A_181 = arith.muli %add3A_151, %mul3A_180 : i32
      %add3A_182 = arith.addi %mul3A_2, %mul3A_181 : i32
      %dma_start3A_183 = arith.constant 0 : i32
      %dma_start3A_184 = tpu.memref_slice %arg5[%add3A_182, %dma_start3A_183] : memref<65536x1024xf32, #tpu.memory_space<hbm>> -> memref<8x1024xf32, #tpu.memory_space<hbm>>
      %dma_start3A_185 = arith.constant 0 : i32
      %dma_start3A_186 = tpu.memref_slice %arg5[%add3A_182, %dma_start3A_185] : memref<65536x1024xf32, #tpu.memory_space<hbm>> -> memref<8x1024xf32, #tpu.memory_space<hbm>>
      tpu.enqueue_dma source(%arg11 : memref<8x1024xf32, #tpu.memory_space<vmem>>) target(%dma_start3A_186 : memref<8x1024xf32, #tpu.memory_space<hbm>>) target_semaphore(%arg27 : memref<!tpu.dma_semaphore, #tpu.memory_space<semaphore_mem>>)
    }
    %scan3A_26 = arith.constant 64 : i32
    %dma_wait3A = arith.constant 0 : i32
    %dma_wait3A_27 = tpu.memref_slice %arg5[%mul3A_2, %dma_wait3A] : memref<65536x1024xf32, #tpu.memory_space<hbm>> -> memref<8x1024xf32, #tpu.memory_space<hbm>>
    %dma_wait3A_28 = arith.constant 0 : i32
    %dma_wait3A_29 = tpu.memref_slice %arg5[%mul3A_2, %dma_wait3A_28] : memref<65536x1024xf32, #tpu.memory_space<hbm>> -> memref<8x1024xf32, #tpu.memory_space<hbm>>
    tpu.wait_dma2 semaphore(%arg26 : memref<!tpu.dma_semaphore, #tpu.memory_space<semaphore_mem>>) src(%arg10 : memref<8x1024xf32, #tpu.memory_space<vmem>>) dst(%dma_wait3A_29 : memref<8x1024xf32, #tpu.memory_space<hbm>>)
    %dma_wait3A_30 = arith.constant 0 : i32
    %dma_wait3A_31 = tpu.memref_slice %arg5[%mul3A_2, %dma_wait3A_30] : memref<65536x1024xf32, #tpu.memory_space<hbm>> -> memref<8x1024xf32, #tpu.memory_space<hbm>>
    %dma_wait3A_32 = arith.constant 0 : i32
    %dma_wait3A_33 = tpu.memref_slice %arg5[%mul3A_2, %dma_wait3A_32] : memref<65536x1024xf32, #tpu.memory_space<hbm>> -> memref<8x1024xf32, #tpu.memory_space<hbm>>
    tpu.wait_dma2 semaphore(%arg27 : memref<!tpu.dma_semaphore, #tpu.memory_space<semaphore_mem>>) src(%arg11 : memref<8x1024xf32, #tpu.memory_space<vmem>>) dst(%dma_wait3A_33 : memref<8x1024xf32, #tpu.memory_space<hbm>>)
    return
  }
}

</mosaic_0001>

<sc_bundles>
// kernel: kernel.3.cloned.1.call-start
scs
__scs_entry_jumppad:
0x0: {  	(pc) =	sbr.rel $0x88, $3  }
0x1: {  	(tag) =	ssettag $0x0;
	lr =	simm.s32 $0x1  }
0x2: {  	[smem:$0x3F9E] =	sst lr;
	_ =	strace $0xD0000000  }
0x3: {  	_ = 	snop  }
0x4: {  	_ = 	snop  }
0x5: {  	_ = 	snop  }
0x6: {  	_ = 	snop  }
0x7: {  	_ = 	snop  }
__scs_overlays_trampoline_lowered:
0x8: {  	[smem:$0x3FAD] =	sst s0  }
0x9: {  	[smem:$0x3FAE] =	sst s1  }
0xa: {  	[smem:$0x3FAF] =	sst s2  }
0xb: {  	[smem:$0x3FB0] =	sst s3  }
0xc: {  	[smem:$0x3FB1] =	sst s4  }
0xd: {  	[smem:$0x3FB2] =	sst s5  }
0xe: {  	[smem:$0x3FB3] =	sst s6  }
0xf: {  	[smem:$0x3FB4] =	sst s7  }
0x10: {  	[smem:$0x3FB5] =	sst s8  }
0x11: {  	[smem:$0x3FB6] =	sst s9;
	s0 =	simm.s32 @!p0 $0x0  }
0x12: {  	s1 =	sld [smem:$0x3F9C];
	s0 =	simm.s32 @p0 $0x1  }
0x13: {  	[smem:$0x3FB7] =	sst s0;
	s0 =	simm.s32 @!p1 $0x0  }
0x14: {  	s2 =	sld [smem:$0x3F9B];
	s0 =	simm.s32 @p1 $0x1  }
0x15: {  	[smem:$0x3FB8] =	sst s0;
	s0 =	simm.s32 @!p2 $0x0  }
0x16: {  	s3 =	sld [smem:$0x3FDB];
	s0 =	simm.s32 @p2 $0x1  }
0x17: {  	s4 =	simm.s32 $0x1BF5;
	[smem:$0x3FBA] =	sst s0  }
0x18: {  	s0 =	sld [smem:$0x3F9D];
	_ =	swait.ge [sflag:s4], $0x0  }
0x19: {  	s7 =	sld [smem:$0x3F9E]  }
0x1a: {  	s8 =	sadd.s32 $0xFFFFE003, lr  }
0x1b: {  	s9 =	sadd.s32 $0xFFFFFEF7, lr;
	s5 =	simm.s32 $0xFFFFFFFF;
	p2 =	slt.u32 s8, $0xFFFFF086  }
0x1c: {  	p1 =	slt.u32 s9, $0xF7A;
	s5 =	simm.s32 @!p2 $0x0  }
0x1d: {  	s5 =	simm.s32 @p1 $0x1;
	p0 =	seq.s32 s7, s2  }
0x1e: {  	s7 =	smul.u32 @!p0 $0xF7A, s2;
	p2 =	seq.s32 @!p0 s5, $0x0  }
0x1f: {  	s9 =	smul.u32 $0xF7A, s1;
	s8 =	simm.s32 @!p0 $0x1BF5;
	p2 =	por !p2, p0  }
0x20: {  	[sflag:s8] =	ssyncset.s32 @!p0 $0xFFFFF086;
	s6 =	sadd.s32 @!p0 s3, s7;
	s7 =	simm.s32 @!p0 $0x108  }
0x21: {  	s3 =	sadd.s32 s3, s9;
	s6 =	sadd.s32 @!p0 $0x88, s6;
	s7 =	simm.s32 @p2 $0x1082  }
0x22: {  	[simem:s7], [sflag:s8] =	dma.local @!p0 [hbm:s6], $0xF7A  }
0x23: {  	s9 =	sor.u32 $0xD0000000, s2;
	s6 =	simm.s32 $0x108;
	_ =	swait.ge @!p0 [sflag:s8], $0x0  }
0x24: {  	s3 =	sadd.s32 $0x88, s3;
	s6 =	simm.s32 @!p1 $0x1082;
	[sflag:s4] =	ssyncset.s32 $0xFFFFF086  }
0x25: {  	[simem:s6], [sflag:s4] =	dma.local [hbm:s3], $0xF7A  }
0x26: {  	[smem:$0x3F9E] =	sst s1;
	(tag) =	ssettag s2;
	_ =	strace s9  }
0x27: {  	s1 =	sld [smem:$0x3FAE]  }
0x28: {  	s2 =	sld [smem:$0x3FAF]  }
0x29: {  	s4 =	sld [smem:$0x3FB1]  }
0x2a: {  	p0 =	seq.s32 s5, $0x0;
	s5 =	sld [smem:$0x3FB2]  }
0x2b: {  	s6 =	sld [smem:$0x3FB3]  }
0x2c: {  	s7 =	sld [smem:$0x3FB4]  }
0x2d: {  	s3 =	simm.s32 $0x108;
	s8 =	sld [smem:$0x3FB5]  }
0x2e: {  	s3 =	simm.s32 @!p0 $0x1082;
	s9 =	sld [smem:$0x3FB6]  }
0x2f: {  	lr =	sadd.s32 s0, s3;
	s0 =	sld [smem:$0x3FAD]  }
0x30: {  	s3 =	sld [smem:$0x3FB0]  }
0x31: {  	[smem:$0x3FB9] =	sst s10  }
0x32: {  	s10 =	sld [smem:$0x3FB7];
	_ =	sdelay $0x3  }
0x33: {  	p0 =	seq.s32 s10, $0x1;
	s10 =	sld [smem:$0x3FB9];
	_ =	sdelay $0x3  }
0x34: {  	[smem:$0x3FB9] =	sst s10  }
0x35: {  	s10 =	sld [smem:$0x3FB8];
	_ =	sdelay $0x3  }
0x36: {  	p1 =	seq.s32 s10, $0x1;
	s10 =	sld [smem:$0x3FB9];
	_ =	sdelay $0x3  }
0x37: {  	[smem:$0x3FB9] =	sst s10  }
0x38: {  	s10 =	sld [smem:$0x3FBA]  }
0x39: {  	_ = 	snop;
	(pc) =	sbr.ind lr, $3  }
0x3a: {  	_ = 	snop  }
0x3b: {  	_ = 	snop  }
0x3c: {  	p2 =	seq.s32 s10, $0x1;
	s10 =	sld [smem:$0x3FB9]  }
0x3d: {  	_ =	shalt  }
0x3e: {  	_ =	shalt  }
0x3f: {  	_ =	shalt  }
0x40: {  	_ =	shalt  }
0x41: {  	_ =	shalt  }
0x42: {  	_ =	shalt  }
0x43: {  	_ =	shalt  }
0x44: {  	_ =	shalt  }
0x45: {  	_ =	shalt  }
0x46: {  	_ =	shalt  }
0x47: {  	_ =	shalt  }
0x48: {  	_ =	shalt  }
0x49: {  	_ =	shalt  }
0x4a: {  	_ =	shalt  }
0x4b: {  	_ =	shalt  }
0x4c: {  	_ =	shalt  }
0x4d: {  	_ =	shalt  }
0x4e: {  	_ =	shalt  }
0x4f: {  	_ =	shalt  }
0x50: {  	_ =	shalt  }
0x51: {  	_ =	shalt  }
0x52: {  	_ =	shalt  }
0x53: {  	_ =	shalt  }
0x54: {  	_ =	shalt  }
0x55: {  	_ =	shalt  }
0x56: {  	_ =	shalt  }
0x57: {  	_ =	shalt  }
0x58: {  	_ =	shalt  }
0x59: {  	_ =	shalt  }
0x5a: {  	_ =	shalt  }
0x5b: {  	_ =	shalt  }
0x5c: {  	_ =	shalt  }
0x5d: {  	_ =	shalt  }
0x5e: {  	_ =	shalt  }
0x5f: {  	_ =	shalt  }
0x60: {  	_ =	shalt  }
0x61: {  	_ =	shalt  }
0x62: {  	_ =	shalt  }
0x63: {  	_ =	shalt  }
0x64: {  	_ =	shalt  }
0x65: {  	_ =	shalt  }
0x66: {  	_ =	shalt  }
0x67: {  	_ =	shalt  }
0x68: {  	_ =	shalt  }
0x69: {  	_ =	shalt  }
0x6a: {  	_ =	shalt  }
0x6b: {  	_ =	shalt  }
0x6c: {  	_ =	shalt  }
0x6d: {  	_ =	shalt  }
0x6e: {  	_ =	shalt  }
0x6f: {  	_ =	shalt  }
0x70: {  	_ =	shalt  }
0x71: {  	_ =	shalt  }
0x72: {  	_ =	shalt  }
0x73: {  	_ =	shalt  }
0x74: {  	_ =	shalt  }
0x75: {  	_ =	shalt  }
0x76: {  	_ =	shalt  }
0x77: {  	_ =	shalt  }
0x78: {  	_ =	shalt  }
0x79: {  	_ =	shalt  }
0x7a: {  	_ =	shalt  }
0x7b: {  	_ =	shalt  }
0x7c: {  	_ =	shalt  }
0x7d: {  	_ =	shalt  }
0x7e: {  	_ =	shalt  }
0x7f: {  	_ =	shalt  }
0x80: {  	_ =	shalt  }
0x81: {  	_ =	shalt  }
0x82: {  	_ =	shalt  }
0x83: {  	_ =	shalt  }
0x84: {  	_ =	shalt  }
0x85: {  	_ =	shalt  }
0x86: {  	_ =	shalt  }
0x87: {  	_ =	shalt  }
.Lfunc_end0:
.L_simem_size_0:
called_computation_lowered:
.L_overlay_start_0:
0x88: {  	s2 =	sld [smem:$0x3FD9]  }
0x89: {  	s3 =	sld [smem:$0x3FFE];
	_ =	sdelay $0x1  }
0x8a: {  	s1 =	srdreg.scid  }
0x8b: {  	s0 =	sand.u32 $0x1, s1  }
0x8c: {  	s18 =	sshll.u32 s0, $0xA;
	s2 =	sadd.s32 s3, s2  }
0x8d: {  	s2 =	sadd.s32 s2, s18  }
0x8e: {  	[smem:$0x3FC5] =	sst s2  }
0x8f: {  	_ = 	snop  }
0x90: {  	s2 =	sld [smem:$0x3FC9]  }
0x91: {  	s19 =	sld [smem:$0x3FC8]  }
0x92: {  	s4 =	sld [smem:$0x3FC7]  }
0x93: {  	s5 =	sld [smem:$0x3FD0];
	(tm) =	ssettm $0x1  }
0x94: {  	s6 =	sld [smem:$0x3FFB];
	_ =	sdelay $0x3  }
0x95: {  	_ =	strace s6  }
0x96: {  	s6 =	sld [smem:$0x3FFC];
	_ =	sdelay $0x3  }
0x97: {  	_ =	strace s6  }
0x98: {  	s6 =	sld [smem:$0x3FFD];
	_ =	sdelay $0x3  }
0x99: {  	_ =	strace s6  }
0x9a: {  	_ =	strace $0x8FFFFFFF  }
0x9b: {  	s20 =	sld [smem:$0x3FDB];
	_ =	sdelay $0x1  }
0x9c: {  	s7 =	simm.s32 $_scs_section_size  }
0x9d: {  	s8 =	simm.s32 $_size__tile_overlayer_lowered;
	s9 =	simm.s32 $_tile_overlayer_lowered  }
0x9e: {  	s23 =	simm.s32 $0x1BFF;
	s22 =	sshll.u32 s9, $0x1;
	s6 =	sadd.s32 s7, s20  }
0x9f: {  	s10 =	simm.s32 $0x0;
	s21 =	sshll.u32 s8, $0x1;
	s8 =	sadd.s32 s22, s6  }
0xa0: {  	[timem:s10], [sflag:s23] =	dma.local [hbm:s8], s21  }
0xa1: {  	_ =	swait.ge [sflag:s23], s21  }
0xa2: {  	s7 =	ssub.s32 $0x0, s21;
	[sflag:s23] =	ssyncset.done $0x0  }
0xa3: {  	[sflag:s23] =	ssyncadd.s32 s7;
	_ =	sdelay $0x1  }
0xa4: {  	s24 =	simm.s32 $0x1B8B  }
0xa5: {  	_ =	swait.ge [sflag:s24], $0x1  }
0xa6: {  	[sflag:s24] =	ssyncset.done $0x0  }
0xa7: {  	s25 =	simm.s32 $0x1B8E;
	[sflag:s24] =	ssyncadd.s32 $0xFFFFFFFF  }
0xa8: {  	s26 =	simm.s32 $execute0_lowered;
	[smem:$0x3FD2] =	sst s25  }
0xa9: {  	s7 =	sshll.u32 s26, $0x1;
	_ =	strace $0x80000046;
	[dreg:$0x1] =	wrdreg $0xFFFFFFFF  }
0xaa: {  	s28 =	simm.s32 $_size_execute0_lowered;
	s6 =	sadd.s32 s6, s7;
	[dreg:$0x0] =	wrdreg $0x0  }
0xab: {  	s7 =	sshll.u32 s28, $0x1;
	[dreg:$0x2] =	wrdreg s6  }
0xac: {  	[dreg:$0x3] =	wrdreg s7  }
0xad: {  	[dreg:$0x4] =	wrdreg $0xC0  }
0xae: {  	_ =	task [dreg:s10], $0x5FFFF  }
0xaf: {  	[dreg:$0x1] =	wrdreg $0xFFFFFFFF  }
0xb0: {  	[dreg:$0x0] =	wrdreg $0x60  }
0xb1: {  	[dreg:$0x2] =	wrdreg s2  }
0xb2: {  	[dreg:$0x3] =	wrdreg s19  }
0xb3: {  	[dreg:$0x4] =	wrdreg s4  }
0xb4: {  	[dreg:$0x5] =	wrdreg s5  }
0xb5: {  	[dreg:$0x6] =	wrdreg $0x9  }
0xb6: {  	_ =	task.clear_ibuf [dreg:s10], $0x7FFFF;
	_ =	strace $0x90000046  }
0xb7: {  	s29 =	simm.s32 $0x9;
	_ =	strace $0x80000048  }
0xb8: {  	_ =	swait.ge [sflag:s29], $0x1  }
0xb9: {  	[sflag:s29] =	ssyncadd.s32 $0xFFFFFFFF  }
0xba: {  	_ =	strace $0x90000048  }
0xbb: {  	_ =	sfence  }
0xbc: {  	s30 =	sld [smem:$0x0];
	_ =	sdelay $0x2  }
0xbd: {  	s31 =	sshll.u32 s1, $0xD;
	s1 =	sshrl.u32 s1, $0x2  }
0xbe: {  	s3 =	sand.u32 $0x4000, s31;
	s1 =	sadd.s32 s1, s30  }
0xbf: {  	s0 =	sor.u32 s3, s0;
	s1 =	sshll.u32 s1, $0x11  }
0xc0: {  	s0 =	sor.u32 s1, s0  }
0xc1: {  	s0 =	sadd.s32 $0x8F2B, s0  }
0xc2: {  	[sflag:s0] =	ssyncadd.remote.s32 $0x1  }
0xc3: {  	_ =	sfence.sel $0xFFFF  }
0xc4: {  	[dreg:$0x0] =	wrdreg $0xFFFFFFFF;
	(pc) =	sbr.abs _section_cstart, $3  }
0xc5: {  	[dreg:$0x1] =	wrdreg $0xFFFFFFFF  }
0xc6: {  	_ =	task.clear_ibuf [dreg:s10], $0x2FFFF;
	_ =	strace $0x9FFFFFFF  }
0xc7: {  	(tm) =	ssettm $0x7FFFFFFF  }
tec
execute0_lowered:
.L_overlay_start_1:
0x0: {  	(tag) =	ssettag $0x1  }
0x1: {  	s0 =	rddreg [dreg:$0x0]  }
0x2: {  	s1 =	rddreg [dreg:$0x1]  }
0x3: {  	s2 =	rddreg [dreg:$0x2];
	s4 =	srdreg.scid  }
0x4: {  	s3 =	rddreg [dreg:$0x3];
	s6 =	stileid.u32  }
0x5: {  	s16 =	simm.s32 $0x1000;
	s24 =	simm.s32 $0x3000;
	s23 =	simm.s32 $0x1  }
0x6: {  	s25 =	simm.s32 $0x5;
	s13 =	simm.s32 $0x2;
	s14 =	simm.s32 $0x6  }
0x7: {  	s15 =	simm.s32 $0x9;
	s17 =	simm.s32 $0x3;
	s18 =	simm.s32 $0x7  }
0x8: {  	s19 =	simm.s32 $0xA;
	s20 =	simm.s32 $0x4;
	s21 =	simm.s32 $0x8  }
0x9: {  	s28 =	simm.s32 $0x0;
	s5 =	sand.u32 $0x1, s4;
	s6 =	sshll.u32 s6, $0xC  }
0xa: {  	s4 =	simm.s32 $0x0;
	s9 =	sadd.s32 $0x100, s0;
	s10 =	sadd.s32 $0x200, s0  }
0xb: {  	s11 =	sadd.s32 $0x300, s0;
	s7 =	sshll.u32 s5, $0xB;
	s8 =	ssub.s32 $0x2, s5  }
0xc: {  	[smem:$0x7FF] =	sst s4;
	s5 =	sor.u32 s7, s6;
	s26 =	sshrl.u32 s8, $0x1  }
0xd: {  	_ =	strace $0x80000047;
	s6 =	sshrl.u32 s5, $0x3;
	s7 =	ssub.s32 s8, s26  }
0xe: {  	s30 =	sshll.u32 s5, $0x7;
	s26 =	simm.s32 $0x7000;
	s1 =	sadd.s32 s1, s6  }
0xf: {  	v0 =	vlaneseq.u32;
	s8 =	simm.s32 $0x10800;
	s29 =	sadd.s32 s2, s6;
	[dreg:$0x5] =	wrdreg s1  }
0x10: {  	v1 =	vshrl.u32 v0, $0x3;
	v0 =	vand.u32 $0x7, v0;
	s12 =	sadd.s32 s3, s30;
	s31 =	smax.u32 s7, $0x1;
	[dreg:$0x6] =	wrdreg s29  }
0x11: {  	vm0 =	vmmov $0xffff;
	v1 =	vmul.u32 $0x8, v1;
	[tilespmem:$0x1FFF0] =	vst v0;
	s2 =	simm.s32 $0x5000;
	s7 =	simm.s32 $0x10000;
	[dreg:$0x7] =	wrdreg s31  }
.LBB2_1:
0x12: {  	[dreg:$0x8] =	wrdreg s28  }
0x13: {  	s1 =	rddreg [dreg:$0x5];
	s22 =	simm.s32 $0xD  }
0x14: {  	[tilespmem:s4], [sflag:$0xD] =	stream.linear.gather [hbm4b:s1+s4], $0x800, $0x38;
	[tilespmem:$0x11000] =	vst v63  }
0x15: {  	_ =	swait.ge [sflag:s22], $0x800  }
0x16: {  	[sflag:s22] =	ssyncset.done $0x0  }
0x17: {  	s31 =	simm.s32 $0x800;
	s30 =	rddreg [dreg:$0x6];
	[sflag:s22] =	ssyncadd.s32 $0xFFFFF800  }
0x18: {  	[tilespmem:s31], [sflag:$0xD] =	stream.linear.gather [hbm4b:s30+s4], $0x800, $0x38;
	[tilespmem:$0x11000] =	vst v63  }
0x19: {  	_ =	swait.ge [sflag:s22], $0x800  }
0x1a: {  	[sflag:s22] =	ssyncset.done $0x0  }
0x1b: {  	[sflag:s22] =	ssyncadd.s32 $0xFFFFF800  }
0x1c: {  	v2 =	vld.msk [tilespmem:$0x0], $0xff;
	_ =	sdelay $0x2  }
0x1d: {  	v0 =	vld [tilespmem:$0x1FFF0];
	_ =	sdelay $0x1  }
0x1e: {  	v3 =	vshll.u32 v2, $0x3  }
0x1f: {  	v2 =	vand.u32 $0x7, v2;
	v3 =	vand.u32 $0xFFFFFFC0, v3  }
0x20: {  	v2 =	vor.u32 v2, v3  }
0x21: {  	v2 =	vperm.xlane v2, v0;
	_ =	sdelay $0x1  }
0x22: {  	v2 =	vadd.s32 v1, v2;
	_ =	sdelay $0x4  }
0x23: {  	[tilespmem:s16], [sflag:$0x1] =	stream.indirect_vreg.gather [hbm4b:s0+s4], $0x80, v2, vm0, $0xb8;
	[tilespmem:$0x11000] =	vst v63  }
0x24: {  	s28 =	simm.s32 $0x1800  }
0x25: {  	[tilespmem:s28], [sflag:$0x1] =	stream.indirect_vreg.gather [hbm4b:s9+s4], $0x80, v2, vm0, $0xb8;
	[tilespmem:$0x11000] =	vst v63  }
0x26: {  	s29 =	simm.s32 $0x2000  }
0x27: {  	[tilespmem:s29], [sflag:$0x1] =	stream.indirect_vreg.gather [hbm4b:s10+s4], $0x80, v2, vm0, $0xb8;
	[tilespmem:$0x11000] =	vst v63  }
0x28: {  	s30 =	simm.s32 $0x2800  }
0x29: {  	[tilespmem:s30], [sflag:$0x1] =	stream.indirect_vreg.gather [hbm4b:s11+s4], $0x80, v2, vm0, $0xb8;
	[tilespmem:$0x11000] =	vst v63  }
0x2a: {  	v2 =	vld.msk [tilespmem:$0x800], $0xff;
	_ =	sdelay $0x4  }
0x2b: {  	v3 =	vshll.u32 v2, $0x3  }
0x2c: {  	v2 =	vand.u32 $0x7, v2;
	v3 =	vand.u32 $0xFFFFFFC0, v3  }
0x2d: {  	v2 =	vor.u32 v2, v3  }
0x2e: {  	v2 =	vperm.xlane v2, v0;
	_ =	sdelay $0x1  }
0x2f: {  	v2 =	vadd.s32 v1, v2;
	_ =	sdelay $0x3  }
0x30: {  	s31 =	simm.s32 $0x9000  }
0x31: {  	[tilespmem:s31], [sflag:$0x5] =	stream.indirect_vreg.gather [hbm4b:s0+s4], $0x80, v2, vm0, $0xb8;
	[tilespmem:$0x11000] =	vst v63  }
0x32: {  	s22 =	simm.s32 $0x9800  }
0x33: {  	[tilespmem:s22], [sflag:$0x5] =	stream.indirect_vreg.gather [hbm4b:s9+s4], $0x80, v2, vm0, $0xb8;
	[tilespmem:$0x11000] =	vst v63  }
0x34: {  	s28 =	simm.s32 $0xA000  }
0x35: {  	[tilespmem:s28], [sflag:$0x5] =	stream.indirect_vreg.gather [hbm4b:s10+s4], $0x80, v2, vm0, $0xb8;
	[tilespmem:$0x11000] =	vst v63  }
0x36: {  	s29 =	simm.s32 $0xA800  }
0x37: {  	[tilespmem:s29], [sflag:$0x5] =	stream.indirect_vreg.gather [hbm4b:s11+s4], $0x80, v2, vm0, $0xb8;
	[tilespmem:$0x11000] =	vst v63  }
0x38: {  	v2 =	vld.msk [tilespmem:$0x8], $0xff;
	_ =	sdelay $0x4  }
0x39: {  	v3 =	vshll.u32 v2, $0x3  }
0x3a: {  	v2 =	vand.u32 $0x7, v2;
	v3 =	vand.u32 $0xFFFFFFC0, v3  }
0x3b: {  	v2 =	vor.u32 v2, v3  }
0x3c: {  	v2 =	vperm.xlane v2, v0;
	_ =	sdelay $0x1  }
0x3d: {  	v2 =	vadd.s32 v1, v2;
	_ =	sdelay $0x4  }
0x3e: {  	[tilespmem:s24], [sflag:$0x2] =	stream.indirect_vreg.gather [hbm4b:s0+s4], $0x80, v2, vm0, $0xb8;
	[tilespmem:$0x11000] =	vst v63  }
0x3f: {  	s30 =	simm.s32 $0x3800  }
0x40: {  	[tilespmem:s30], [sflag:$0x2] =	stream.indirect_vreg.gather [hbm4b:s9+s4], $0x80, v2, vm0, $0xb8;
	[tilespmem:$0x11000] =	vst v63  }
0x41: {  	s31 =	simm.s32 $0x4000  }
0x42: {  	[tilespmem:s31], [sflag:$0x2] =	stream.indirect_vreg.gather [hbm4b:s10+s4], $0x80, v2, vm0, $0xb8;
	[tilespmem:$0x11000] =	vst v63  }
0x43: {  	s22 =	simm.s32 $0x4800  }
0x44: {  	[tilespmem:s22], [sflag:$0x2] =	stream.indirect_vreg.gather [hbm4b:s11+s4], $0x80, v2, vm0, $0xb8;
	[tilespmem:$0x11000] =	vst v63  }
0x45: {  	v2 =	vld.msk [tilespmem:$0x808], $0xff;
	_ =	sdelay $0x4  }
0x46: {  	v3 =	vshll.u32 v2, $0x3  }
0x47: {  	v2 =	vand.u32 $0x7, v2;
	v3 =	vand.u32 $0xFFFFFFC0, v3  }
0x48: {  	v2 =	vor.u32 v2, v3  }
0x49: {  	v2 =	vperm.xlane v2, v0;
	_ =	sdelay $0x1  }
0x4a: {  	v2 =	vadd.s32 v1, v2;
	_ =	sdelay $0x3  }
0x4b: {  	s28 =	simm.s32 $0xB000  }
0x4c: {  	[tilespmem:s28], [sflag:$0x6] =	stream.indirect_vreg.gather [hbm4b:s0+s4], $0x80, v2, vm0, $0xb8;
	[tilespmem:$0x11000] =	vst v63  }
0x4d: {  	s29 =	simm.s32 $0xB800  }
0x4e: {  	[tilespmem:s29], [sflag:$0x6] =	stream.indirect_vreg.gather [hbm4b:s9+s4], $0x80, v2, vm0, $0xb8;
	[tilespmem:$0x11000] =	vst v63  }
0x4f: {  	s30 =	simm.s32 $0xC000  }
0x50: {  	[tilespmem:s30], [sflag:$0x6] =	stream.indirect_vreg.gather [hbm4b:s10+s4], $0x80, v2, vm0, $0xb8;
	[tilespmem:$0x11000] =	vst v63  }
0x51: {  	s31 =	simm.s32 $0xC800;
	s22 =	simm.s32 $0x0  }
0x52: {  	[tilespmem:s31], [sflag:$0x6] =	stream.indirect_vreg.gather [hbm4b:s11+s4], $0x80, v2, vm0, $0xb8;
	[tilespmem:$0x11000] =	vst v63  }
.LBB2_2:
0x53: {  	p0 =	seq.s32 s22, $0x0  }
0x54: {  	s1 =	simm.s32 @!p0 $0xB  }
0x55: {  	s28 =	sshll.u32 s22, $0x2;
	_ =	swait.ge @!p0 [sflag:s1], $0x2000  }
0x56: {  	s29 =	sor.u32 $0x2, s28;
	[sflag:s1] =	ssyncset.done @!p0 $0x0  }
0x57: {  	[sflag:s1] =	ssyncadd.s32 @!p0 $0xFFFFE000;
	s1 =	sshll.u32 s29, $0x3  }
0x58: {  	v2 =	vld.msk [tilespmem:s1+$0x0], $0xff;
	_ =	sdelay $0x2  }
0x59: {  	v0 =	vld [tilespmem:$0x1FFF0];
	_ =	sdelay $0x1  }
0x5a: {  	v3 =	vshll.u32 v2, $0x3  }
0x5b: {  	v2 =	vand.u32 $0x7, v2;
	v3 =	vand.u32 $0xFFFFFFC0, v3  }
0x5c: {  	v2 =	vor.u32 v2, v3  }
0x5d: {  	v2 =	vperm.xlane v2, v0;
	_ =	sdelay $0x1  }
0x5e: {  	v2 =	vadd.s32 v1, v2;
	_ =	sdelay $0x3  }
0x5f: {  	s30 =	simm.s32 $0x0  }
0x60: {  	[tilespmem:s2], [sflag:$0x3] =	stream.indirect_vreg.gather [hbm4b:s0+s30], $0x80, v2, vm0, $0xb8;
	[tilespmem:$0x11000] =	vst v63  }
0x61: {  	s31 =	simm.s32 $0x5800  }
0x62: {  	[tilespmem:s31], [sflag:$0x3] =	stream.indirect_vreg.gather [hbm4b:s9+s30], $0x80, v2, vm0, $0xb8;
	[tilespmem:$0x11000] =	vst v63  }
0x63: {  	s31 =	simm.s32 $0x6000  }
0x64: {  	[tilespmem:s31], [sflag:$0x3] =	stream.indirect_vreg.gather [hbm4b:s10+s30], $0x80, v2, vm0, $0xb8;
	[tilespmem:$0x11000] =	vst v63  }
0x65: {  	s31 =	simm.s32 $0x6800  }
0x66: {  	[tilespmem:s31], [sflag:$0x3] =	stream.indirect_vreg.gather [hbm4b:s11+s30], $0x80, v2, vm0, $0xb8;
	[tilespmem:$0x11000] =	vst v63  }
0x67: {  	v2 =	vld.msk [tilespmem:s1+$0x800], $0xff;
	_ =	sdelay $0x4  }
0x68: {  	v3 =	vshll.u32 v2, $0x3  }
0x69: {  	v2 =	vand.u32 $0x7, v2;
	v3 =	vand.u32 $0xFFFFFFC0, v3  }
0x6a: {  	v2 =	vor.u32 v2, v3  }
0x6b: {  	v2 =	vperm.xlane v2, v0;
	_ =	sdelay $0x1  }
0x6c: {  	v2 =	vadd.s32 v1, v2;
	_ =	sdelay $0x3  }
0x6d: {  	s1 =	simm.s32 $0xD000  }
0x6e: {  	[tilespmem:s1], [sflag:$0x7] =	stream.indirect_vreg.gather [hbm4b:s0+s30], $0x80, v2, vm0, $0xb8;
	[tilespmem:$0x11000] =	vst v63  }
0x6f: {  	s1 =	simm.s32 $0xD800  }
0x70: {  	[tilespmem:s1], [sflag:$0x7] =	stream.indirect_vreg.gather [hbm4b:s9+s30], $0x80, v2, vm0, $0xb8;
	[tilespmem:$0x11000] =	vst v63  }
0x71: {  	s1 =	simm.s32 $0xE000  }
0x72: {  	[tilespmem:s1], [sflag:$0x7] =	stream.indirect_vreg.gather [hbm4b:s10+s30], $0x80, v2, vm0, $0xb8;
	[tilespmem:$0x11000] =	vst v63  }
0x73: {  	s1 =	simm.s32 $0xE800  }
0x74: {  	[tilespmem:s1], [sflag:$0x7] =	stream.indirect_vreg.gather [hbm4b:s11+s30], $0x80, v2, vm0, $0xb8;
	[tilespmem:$0x11000] =	vst v63  }
0x75: {  	_ =	swait.ge [sflag:s23], $0x2000  }
0x76: {  	[sflag:s23] =	ssyncset.done $0x0  }
0x77: {  	[sflag:s23] =	ssyncadd.s32 $0xFFFFE000  }
0x78: {  	_ =	swait.ge [sflag:s25], $0x2000  }
0x79: {  	[sflag:s25] =	ssyncset.done $0x0  }
0x7a: {  	s31 =	simm.s32 $0x200;
	s30 =	simm.s32 $0x0;
	[sflag:s25] =	ssyncadd.s32 $0xFFFFE000  }
.LBB2_3:
0x7b: {  	p1 =	sne.s32 s31, $0xE00;
	v2 =	vld [tilespmem:s30+$0xAC70]  }
0x7c: {  	v3 =	vld [tilespmem:s30+$0x9000]  }
0x7d: {  	v4 =	vld [tilespmem:s30+$0x9010]  }
0x7e: {  	v5 =	vld [tilespmem:s30+$0x9020]  }
0x7f: {  	v6 =	vld [tilespmem:s30+$0x9030]  }
0x80: {  	[tilespmem:s30+$0x2C70] =	vst.add.f32.msk $0xffff, v2  }
0x81: {  	v2 =	vld [tilespmem:s30+$0x9040]  }
0x82: {  	v7 =	vld [tilespmem:s30+$0x9050]  }
0x83: {  	v8 =	vld [tilespmem:s30+$0x9060]  }
0x84: {  	v9 =	vld [tilespmem:s30+$0x9070]  }
0x85: {  	v10 =	vld [tilespmem:s30+$0x9400]  }
0x86: {  	v11 =	vld [tilespmem:s30+$0x9410]  }
0x87: {  	v12 =	vld [tilespmem:s30+$0x9420]  }
0x88: {  	v13 =	vld [tilespmem:s30+$0x9430]  }
0x89: {  	v14 =	vld [tilespmem:s30+$0x9440]  }
0x8a: {  	v15 =	vld [tilespmem:s30+$0x9450]  }
0x8b: {  	v16 =	vld [tilespmem:s30+$0x9460]  }
0x8c: {  	v17 =	vld [tilespmem:s30+$0x9470]  }
0x8d: {  	v18 =	vld [tilespmem:s30+$0x9800]  }
0x8e: {  	v19 =	vld [tilespmem:s30+$0x9810]  }
0x8f: {  	v20 =	vld [tilespmem:s30+$0x9820]  }
0x90: {  	v21 =	vld [tilespmem:s30+$0x9830]  }
0x91: {  	v22 =	vld [tilespmem:s30+$0x9840]  }
0x92: {  	v23 =	vld [tilespmem:s30+$0x9850]  }
0x93: {  	v24 =	vld [tilespmem:s30+$0x9860]  }
0x94: {  	v25 =	vld [tilespmem:s30+$0x9870]  }
0x95: {  	v26 =	vld [tilespmem:s30+$0x9C00]  }
0x96: {  	v27 =	vld [tilespmem:s30+$0x9C10]  }
0x97: {  	v28 =	vld [tilespmem:s30+$0x9C20]  }
0x98: {  	v29 =	vld [tilespmem:s30+$0x9C30]  }
0x99: {  	v30 =	vld [tilespmem:s30+$0x9C40]  }
0x9a: {  	v31 =	vld [tilespmem:s30+$0x9C50]  }
0x9b: {  	v32 =	vld [tilespmem:s30+$0x9C60]  }
0x9c: {  	v33 =	vld [tilespmem:s30+$0x9C70]  }
0x9d: {  	v34 =	vld [tilespmem:s30+$0xA000]  }
0x9e: {  	v35 =	vld [tilespmem:s30+$0xA010]  }
0x9f: {  	v36 =	vld [tilespmem:s30+$0xA020]  }
0xa0: {  	v37 =	vld [tilespmem:s30+$0xA030]  }
0xa1: {  	v38 =	vld [tilespmem:s30+$0xA040]  }
0xa2: {  	v39 =	vld [tilespmem:s30+$0xA050]  }
0xa3: {  	v40 =	vld [tilespmem:s30+$0xA060]  }
0xa4: {  	v41 =	vld [tilespmem:s30+$0xA070]  }
0xa5: {  	v42 =	vld [tilespmem:s30+$0xA400]  }
0xa6: {  	v43 =	vld [tilespmem:s30+$0xA410]  }
0xa7: {  	v44 =	vld [tilespmem:s30+$0xA420]  }
0xa8: {  	v45 =	vld [tilespmem:s30+$0xA430]  }
0xa9: {  	v46 =	vld [tilespmem:s30+$0xA440]  }
0xaa: {  	v47 =	vld [tilespmem:s30+$0xA450]  }
0xab: {  	v48 =	vld [tilespmem:s30+$0xA460]  }
0xac: {  	v49 =	vld [tilespmem:s30+$0xA470]  }
0xad: {  	v50 =	vld [tilespmem:s30+$0xA800]  }
0xae: {  	v51 =	vld [tilespmem:s30+$0xA810]  }
0xaf: {  	v52 =	vld [tilespmem:s30+$0xA820]  }
0xb0: {  	v53 =	vld [tilespmem:s30+$0xA830]  }
0xb1: {  	v54 =	vld [tilespmem:s30+$0xA840]  }
0xb2: {  	v55 =	vld [tilespmem:s30+$0xA850]  }
0xb3: {  	v56 =	vld [tilespmem:s30+$0xA860]  }
0xb4: {  	v57 =	vld [tilespmem:s30+$0xA870]  }
0xb5: {  	v58 =	vld [tilespmem:s30+$0xAC00]  }
0xb6: {  	v59 =	vld [tilespmem:s30+$0xAC10]  }
0xb7: {  	v60 =	vld [tilespmem:s30+$0xAC20]  }
0xb8: {  	v61 =	vld [tilespmem:s30+$0xAC30]  }
0xb9: {  	v62 =	vld [tilespmem:s30+$0xAC40]  }
0xba: {  	v63 =	vld [tilespmem:s30+$0xAC50]  }
0xbb: {  	v0 =	vld [tilespmem:s30+$0xAC60]  }
0xbc: {  	[tilespmem:s30+$0x1000] =	vst.add.f32.msk $0xffff, v3  }
0xbd: {  	[tilespmem:s30+$0x1010] =	vst.add.f32.msk $0xffff, v4  }
0xbe: {  	[tilespmem:s30+$0x1020] =	vst.add.f32.msk $0xffff, v5  }
0xbf: {  	[tilespmem:s30+$0x1030] =	vst.add.f32.msk $0xffff, v6  }
0xc0: {  	[tilespmem:s30+$0x1040] =	vst.add.f32.msk $0xffff, v2  }
0xc1: {  	[tilespmem:s30+$0x1050] =	vst.add.f32.msk $0xffff, v7  }
0xc2: {  	[tilespmem:s30+$0x1060] =	vst.add.f32.msk $0xffff, v8  }
0xc3: {  	[tilespmem:s30+$0x1070] =	vst.add.f32.msk $0xffff, v9  }
0xc4: {  	[tilespmem:s30+$0x1400] =	vst.add.f32.msk $0xffff, v10  }
0xc5: {  	[tilespmem:s30+$0x1410] =	vst.add.f32.msk $0xffff, v11  }
0xc6: {  	[tilespmem:s30+$0x1420] =	vst.add.f32.msk $0xffff, v12  }
0xc7: {  	[tilespmem:s30+$0x1430] =	vst.add.f32.msk $0xffff, v13  }
0xc8: {  	[tilespmem:s30+$0x1440] =	vst.add.f32.msk $0xffff, v14  }
0xc9: {  	[tilespmem:s30+$0x1450] =	vst.add.f32.msk $0xffff, v15  }
0xca: {  	[tilespmem:s30+$0x1460] =	vst.add.f32.msk $0xffff, v16  }
0xcb: {  	[tilespmem:s30+$0x1470] =	vst.add.f32.msk $0xffff, v17  }
0xcc: {  	[tilespmem:s30+$0x1800] =	vst.add.f32.msk $0xffff, v18  }
0xcd: {  	[tilespmem:s30+$0x1810] =	vst.add.f32.msk $0xffff, v19  }
0xce: {  	[tilespmem:s30+$0x1820] =	vst.add.f32.msk $0xffff, v20  }
0xcf: {  	[tilespmem:s30+$0x1830] =	vst.add.f32.msk $0xffff, v21  }
0xd0: {  	[tilespmem:s30+$0x1840] =	vst.add.f32.msk $0xffff, v22  }
0xd1: {  	[tilespmem:s30+$0x1850] =	vst.add.f32.msk $0xffff, v23  }
0xd2: {  	[tilespmem:s30+$0x1860] =	vst.add.f32.msk $0xffff, v24  }
0xd3: {  	[tilespmem:s30+$0x1870] =	vst.add.f32.msk $0xffff, v25  }
0xd4: {  	[tilespmem:s30+$0x1C00] =	vst.add.f32.msk $0xffff, v26  }
0xd5: {  	[tilespmem:s30+$0x1C10] =	vst.add.f32.msk $0xffff, v27  }
0xd6: {  	[tilespmem:s30+$0x1C20] =	vst.add.f32.msk $0xffff, v28  }
0xd7: {  	[tilespmem:s30+$0x1C30] =	vst.add.f32.msk $0xffff, v29  }
0xd8: {  	[tilespmem:s30+$0x1C40] =	vst.add.f32.msk $0xffff, v30  }
0xd9: {  	[tilespmem:s30+$0x1C50] =	vst.add.f32.msk $0xffff, v31  }
0xda: {  	[tilespmem:s30+$0x1C60] =	vst.add.f32.msk $0xffff, v32  }
0xdb: {  	[tilespmem:s30+$0x1C70] =	vst.add.f32.msk $0xffff, v33  }
0xdc: {  	[tilespmem:s30+$0x2000] =	vst.add.f32.msk $0xffff, v34  }
0xdd: {  	[tilespmem:s30+$0x2010] =	vst.add.f32.msk $0xffff, v35  }
0xde: {  	[tilespmem:s30+$0x2020] =	vst.add.f32.msk $0xffff, v36  }
0xdf: {  	[tilespmem:s30+$0x2030] =	vst.add.f32.msk $0xffff, v37  }
0xe0: {  	[tilespmem:s30+$0x2040] =	vst.add.f32.msk $0xffff, v38  }
0xe1: {  	[tilespmem:s30+$0x2050] =	vst.add.f32.msk $0xffff, v39  }
0xe2: {  	[tilespmem:s30+$0x2060] =	vst.add.f32.msk $0xffff, v40  }
0xe3: {  	[tilespmem:s30+$0x2070] =	vst.add.f32.msk $0xffff, v41  }
0xe4: {  	[tilespmem:s30+$0x2400] =	vst.add.f32.msk $0xffff, v42  }
0xe5: {  	[tilespmem:s30+$0x2410] =	vst.add.f32.msk $0xffff, v43  }
0xe6: {  	[tilespmem:s30+$0x2420] =	vst.add.f32.msk $0xffff, v44  }
0xe7: {  	[tilespmem:s30+$0x2430] =	vst.add.f32.msk $0xffff, v45  }
0xe8: {  	[tilespmem:s30+$0x2440] =	vst.add.f32.msk $0xffff, v46  }
0xe9: {  	[tilespmem:s30+$0x2450] =	vst.add.f32.msk $0xffff, v47  }
0xea: {  	[tilespmem:s30+$0x2460] =	vst.add.f32.msk $0xffff, v48  }
0xeb: {  	[tilespmem:s30+$0x2470] =	vst.add.f32.msk $0xffff, v49  }
0xec: {  	[tilespmem:s30+$0x2800] =	vst.add.f32.msk $0xffff, v50  }
0xed: {  	[tilespmem:s30+$0x2810] =	vst.add.f32.msk $0xffff, v51  }
0xee: {  	[tilespmem:s30+$0x2820] =	vst.add.f32.msk $0xffff, v52  }
0xef: {  	[tilespmem:s30+$0x2830] =	vst.add.f32.msk $0xffff, v53  }
0xf0: {  	[tilespmem:s30+$0x2840] =	vst.add.f32.msk $0xffff, v54  }
0xf1: {  	[tilespmem:s30+$0x2850] =	vst.add.f32.msk $0xffff, v55  }
0xf2: {  	[tilespmem:s30+$0x2860] =	vst.add.f32.msk $0xffff, v56  }
0xf3: {  	[tilespmem:s30+$0x2870] =	vst.add.f32.msk $0xffff, v57  }
0xf4: {  	[tilespmem:s30+$0x2C00] =	vst.add.f32.msk $0xffff, v58  }
0xf5: {  	[tilespmem:s30+$0x2C10] =	vst.add.f32.msk $0xffff, v59  }
.Ltmp0:
0xf6: {  	[tilespmem:s30+$0x2C20] =	vst.add.f32.msk $0xffff, v60;
	(pc) =	sbr.rel @p1 .LBB2_3-.Ltmp0, $4  }
0xf7: {  	[tilespmem:s30+$0x2C30] =	vst.add.f32.msk $0xffff, v61  }
0xf8: {  	[tilespmem:s30+$0x2C40] =	vst.add.f32.msk $0xffff, v62  }
0xf9: {  	[tilespmem:s30+$0x2C50] =	vst.add.f32.msk $0xffff, v63  }
0xfa: {  	[tilespmem:s30+$0x2C60] =	vst.add.f32.msk $0xffff, v0;
	s30 =	sshra.s32 s31, $0x2;
	s31 =	sadd.s32 $0x200, s31  }
0xfb: {  	v0 =	vld [tilespmem:s30+$0xAC70]  }
0xfc: {  	v2 =	vld [tilespmem:s30+$0x9000]  }
0xfd: {  	v3 =	vld [tilespmem:s30+$0x9010]  }
0xfe: {  	v4 =	vld [tilespmem:s30+$0x9020]  }
0xff: {  	v5 =	vld [tilespmem:s30+$0x9030]  }
0x100: {  	v6 =	vld [tilespmem:s30+$0x9050]  }
0x101: {  	v7 =	vld [tilespmem:s30+$0x9060]  }
0x102: {  	v8 =	vld [tilespmem:s30+$0x9070]  }
0x103: {  	v9 =	vld [tilespmem:s30+$0x9400]  }
0x104: {  	v10 =	vld [tilespmem:s30+$0x9410]  }
0x105: {  	v11 =	vld [tilespmem:s30+$0x9420]  }
0x106: {  	v12 =	vld [tilespmem:s30+$0x9430]  }
0x107: {  	v13 =	vld [tilespmem:s30+$0x9440]  }
0x108: {  	v14 =	vld [tilespmem:s30+$0x9450]  }
0x109: {  	v15 =	vld [tilespmem:s30+$0x9460]  }
0x10a: {  	v16 =	vld [tilespmem:s30+$0x9470]  }
0x10b: {  	v17 =	vld [tilespmem:s30+$0x9800]  }
0x10c: {  	v18 =	vld [tilespmem:s30+$0x9810]  }
0x10d: {  	v19 =	vld [tilespmem:s30+$0x9820]  }
0x10e: {  	v20 =	vld [tilespmem:s30+$0x9830]  }
0x10f: {  	v21 =	vld [tilespmem:s30+$0x9840]  }
0x110: {  	v22 =	vld [tilespmem:s30+$0x9850]  }
0x111: {  	v23 =	vld [tilespmem:s30+$0x9860]  }
0x112: {  	v24 =	vld [tilespmem:s30+$0x9870]  }
0x113: {  	v25 =	vld [tilespmem:s30+$0x9C00]  }
0x114: {  	v26 =	vld [tilespmem:s30+$0x9C10]  }
0x115: {  	v27 =	vld [tilespmem:s30+$0x9C20]  }
0x116: {  	v28 =	vld [tilespmem:s30+$0x9C30]  }
0x117: {  	v29 =	vld [tilespmem:s30+$0x9C40]  }
0x118: {  	v30 =	vld [tilespmem:s30+$0x9C50]  }
0x119: {  	v31 =	vld [tilespmem:s30+$0x9C60]  }
0x11a: {  	v32 =	vld [tilespmem:s30+$0x9C70]  }
0x11b: {  	v33 =	vld [tilespmem:s30+$0xA000]  }
0x11c: {  	v34 =	vld [tilespmem:s30+$0xA010]  }
0x11d: {  	v35 =	vld [tilespmem:s30+$0xA020]  }
0x11e: {  	v36 =	vld [tilespmem:s30+$0xA030]  }
0x11f: {  	v37 =	vld [tilespmem:s30+$0xA040]  }
0x120: {  	v38 =	vld [tilespmem:s30+$0xA050]  }
0x121: {  	v39 =	vld [tilespmem:s30+$0xA060]  }
0x122: {  	v40 =	vld [tilespmem:s30+$0xA070]  }
0x123: {  	v41 =	vld [tilespmem:s30+$0xA400]  }
0x124: {  	v42 =	vld [tilespmem:s30+$0xA410]  }
0x125: {  	v43 =	vld [tilespmem:s30+$0xA420]  }
0x126: {  	v44 =	vld [tilespmem:s30+$0xA430]  }
0x127: {  	v45 =	vld [tilespmem:s30+$0xA440]  }
0x128: {  	v46 =	vld [tilespmem:s30+$0xA450]  }
0x129: {  	v47 =	vld [tilespmem:s30+$0xA460]  }
0x12a: {  	v48 =	vld [tilespmem:s30+$0xA470]  }
0x12b: {  	v49 =	vld [tilespmem:s30+$0xA800]  }
0x12c: {  	v50 =	vld [tilespmem:s30+$0xA810]  }
0x12d: {  	v51 =	vld [tilespmem:s30+$0xA820]  }
0x12e: {  	v52 =	vld [tilespmem:s30+$0xA830]  }
0x12f: {  	v53 =	vld [tilespmem:s30+$0xA840]  }
0x130: {  	v54 =	vld [tilespmem:s30+$0xA850]  }
0x131: {  	v55 =	vld [tilespmem:s30+$0xA860]  }
0x132: {  	v56 =	vld [tilespmem:s30+$0xA870]  }
0x133: {  	v57 =	vld [tilespmem:s30+$0xAC00]  }
0x134: {  	v58 =	vld [tilespmem:s30+$0xAC10]  }
0x135: {  	v59 =	vld [tilespmem:s30+$0xAC20]  }
0x136: {  	v60 =	vld [tilespmem:s30+$0xAC30]  }
0x137: {  	v61 =	vld [tilespmem:s30+$0xAC40]  }
0x138: {  	v62 =	vld [tilespmem:s30+$0xAC50]  }
0x139: {  	v63 =	vld [tilespmem:s30+$0xAC60]  }
0x13a: {  	[tilespmem:s30+$0x2C70] =	vst.add.f32.msk $0xffff, v0  }
0x13b: {  	v0 =	vld [tilespmem:s30+$0x9040]  }
0x13c: {  	[tilespmem:s30+$0x1000] =	vst.add.f32.msk $0xffff, v2  }
0x13d: {  	[tilespmem:s30+$0x1010] =	vst.add.f32.msk $0xffff, v3  }
0x13e: {  	[tilespmem:s30+$0x1020] =	vst.add.f32.msk $0xffff, v4  }
0x13f: {  	[tilespmem:s30+$0x1030] =	vst.add.f32.msk $0xffff, v5  }
0x140: {  	[tilespmem:s30+$0x1050] =	vst.add.f32.msk $0xffff, v6  }
0x141: {  	[tilespmem:s30+$0x1060] =	vst.add.f32.msk $0xffff, v7  }
0x142: {  	[tilespmem:s30+$0x1070] =	vst.add.f32.msk $0xffff, v8  }
0x143: {  	[tilespmem:s30+$0x1400] =	vst.add.f32.msk $0xffff, v9  }
0x144: {  	[tilespmem:s30+$0x1410] =	vst.add.f32.msk $0xffff, v10  }
0x145: {  	[tilespmem:s30+$0x1420] =	vst.add.f32.msk $0xffff, v11  }
0x146: {  	[tilespmem:s30+$0x1430] =	vst.add.f32.msk $0xffff, v12  }
0x147: {  	[tilespmem:s30+$0x1440] =	vst.add.f32.msk $0xffff, v13  }
0x148: {  	[tilespmem:s30+$0x1450] =	vst.add.f32.msk $0xffff, v14  }
0x149: {  	[tilespmem:s30+$0x1460] =	vst.add.f32.msk $0xffff, v15  }
0x14a: {  	[tilespmem:s30+$0x1470] =	vst.add.f32.msk $0xffff, v16  }
0x14b: {  	[tilespmem:s30+$0x1800] =	vst.add.f32.msk $0xffff, v17  }
0x14c: {  	[tilespmem:s30+$0x1810] =	vst.add.f32.msk $0xffff, v18  }
0x14d: {  	[tilespmem:s30+$0x1820] =	vst.add.f32.msk $0xffff, v19  }
0x14e: {  	[tilespmem:s30+$0x1830] =	vst.add.f32.msk $0xffff, v20  }
0x14f: {  	[tilespmem:s30+$0x1840] =	vst.add.f32.msk $0xffff, v21  }
0x150: {  	[tilespmem:s30+$0x1850] =	vst.add.f32.msk $0xffff, v22  }
0x151: {  	[tilespmem:s30+$0x1860] =	vst.add.f32.msk $0xffff, v23  }
0x152: {  	[tilespmem:s30+$0x1870] =	vst.add.f32.msk $0xffff, v24  }
0x153: {  	[tilespmem:s30+$0x1C00] =	vst.add.f32.msk $0xffff, v25  }
0x154: {  	[tilespmem:s30+$0x1C10] =	vst.add.f32.msk $0xffff, v26  }
0x155: {  	[tilespmem:s30+$0x1C20] =	vst.add.f32.msk $0xffff, v27  }
0x156: {  	[tilespmem:s30+$0x1C30] =	vst.add.f32.msk $0xffff, v28  }
0x157: {  	[tilespmem:s30+$0x1C40] =	vst.add.f32.msk $0xffff, v29  }
0x158: {  	[tilespmem:s30+$0x1C50] =	vst.add.f32.msk $0xffff, v30  }
0x159: {  	[tilespmem:s30+$0x1C60] =	vst.add.f32.msk $0xffff, v31  }
0x15a: {  	[tilespmem:s30+$0x1C70] =	vst.add.f32.msk $0xffff, v32  }
0x15b: {  	[tilespmem:s30+$0x2000] =	vst.add.f32.msk $0xffff, v33  }
0x15c: {  	[tilespmem:s30+$0x2010] =	vst.add.f32.msk $0xffff, v34  }
0x15d: {  	[tilespmem:s30+$0x2020] =	vst.add.f32.msk $0xffff, v35  }
0x15e: {  	[tilespmem:s30+$0x2030] =	vst.add.f32.msk $0xffff, v36  }
0x15f: {  	[tilespmem:s30+$0x2040] =	vst.add.f32.msk $0xffff, v37  }
0x160: {  	[tilespmem:s30+$0x2050] =	vst.add.f32.msk $0xffff, v38  }
0x161: {  	[tilespmem:s30+$0x2060] =	vst.add.f32.msk $0xffff, v39  }
0x162: {  	[tilespmem:s30+$0x2070] =	vst.add.f32.msk $0xffff, v40  }
0x163: {  	[tilespmem:s30+$0x2400] =	vst.add.f32.msk $0xffff, v41  }
0x164: {  	[tilespmem:s30+$0x2410] =	vst.add.f32.msk $0xffff, v42  }
0x165: {  	[tilespmem:s30+$0x2420] =	vst.add.f32.msk $0xffff, v43  }
0x166: {  	[tilespmem:s30+$0x2430] =	vst.add.f32.msk $0xffff, v44  }
0x167: {  	[tilespmem:s30+$0x2440] =	vst.add.f32.msk $0xffff, v45  }
0x168: {  	[tilespmem:s30+$0x2450] =	vst.add.f32.msk $0xffff, v46  }
0x169: {  	[tilespmem:s30+$0x2460] =	vst.add.f32.msk $0xffff, v47  }
0x16a: {  	[tilespmem:s30+$0x2470] =	vst.add.f32.msk $0xffff, v48  }
0x16b: {  	[tilespmem:s30+$0x2800] =	vst.add.f32.msk $0xffff, v49  }
0x16c: {  	[tilespmem:s30+$0x2810] =	vst.add.f32.msk $0xffff, v50  }
0x16d: {  	[tilespmem:s30+$0x2820] =	vst.add.f32.msk $0xffff, v51  }
0x16e: {  	[tilespmem:s30+$0x2830] =	vst.add.f32.msk $0xffff, v52  }
0x16f: {  	[tilespmem:s30+$0x2840] =	vst.add.f32.msk $0xffff, v53  }
0x170: {  	[tilespmem:s30+$0x2850] =	vst.add.f32.msk $0xffff, v54  }
0x171: {  	[tilespmem:s30+$0x2860] =	vst.add.f32.msk $0xffff, v55  }
0x172: {  	[tilespmem:s30+$0x2870] =	vst.add.f32.msk $0xffff, v56  }
0x173: {  	[tilespmem:s30+$0x2C00] =	vst.add.f32.msk $0xffff, v57  }
0x174: {  	[tilespmem:s30+$0x2C10] =	vst.add.f32.msk $0xffff, v58  }
0x175: {  	[tilespmem:s30+$0x2C20] =	vst.add.f32.msk $0xffff, v59  }
0x176: {  	[tilespmem:s30+$0x2C30] =	vst.add.f32.msk $0xffff, v60  }
0x177: {  	[tilespmem:s30+$0x2C40] =	vst.add.f32.msk $0xffff, v61  }
0x178: {  	[tilespmem:s30+$0x2C50] =	vst.add.f32.msk $0xffff, v62  }
0x179: {  	s1 =	sshll.u32 s22, $0xC;
	[tilespmem:s30+$0x2C60] =	vst.add.f32.msk $0xffff, v63  }
0x17a: {  	s1 =	sadd.s32 s1, s12;
	[tilespmem:s30+$0x1040] =	vst.add.f32.msk $0xffff, v0  }
0x17b: {  	[hbm4b:s1+s4] =	stream.linear.scatter [tilespmem:s16], [sflag:$0x9], $0x2000, $0x38;
	[tilespmem:$0x11000] =	vst v63  }
0x17c: {  	s1 =	simm.s32 @!p0 $0xC  }
0x17d: {  	_ =	swait.ge @!p0 [sflag:s1], $0x2000  }
0x17e: {  	s28 =	sor.u32 $0x3, s28;
	[sflag:s1] =	ssyncset.done @!p0 $0x0  }
0x17f: {  	[sflag:s1] =	ssyncadd.s32 @!p0 $0xFFFFE000;
	s1 =	sshll.u32 s28, $0x3  }
0x180: {  	v0 =	vld.msk [tilespmem:s1+$0x0], $0xff;
	_ =	sdelay $0x2  }
0x181: {  	v3 =	vld [tilespmem:$0x1FFF0];
	_ =	sdelay $0x1  }
0x182: {  	v2 =	vshll.u32 v0, $0x3  }
0x183: {  	v0 =	vand.u32 $0x7, v0;
	v2 =	vand.u32 $0xFFFFFFC0, v2  }
0x184: {  	v0 =	vor.u32 v0, v2  }
0x185: {  	v0 =	vperm.xlane v0, v3;
	_ =	sdelay $0x1  }
0x186: {  	v0 =	vadd.s32 v1, v0;
	_ =	sdelay $0x3  }
0x187: {  	s30 =	simm.s32 $0x0  }
0x188: {  	[tilespmem:s26], [sflag:$0x4] =	stream.indirect_vreg.gather [hbm4b:s0+s30], $0x80, v0, vm0, $0xb8;
	[tilespmem:$0x11000] =	vst v63  }
0x189: {  	s31 =	simm.s32 $0x7800  }
0x18a: {  	[tilespmem:s31], [sflag:$0x4] =	stream.indirect_vreg.gather [hbm4b:s9+s30], $0x80, v0, vm0, $0xb8;
	[tilespmem:$0x11000] =	vst v63  }
0x18b: {  	s31 =	simm.s32 $0x8000  }
0x18c: {  	[tilespmem:s31], [sflag:$0x4] =	stream.indirect_vreg.gather [hbm4b:s10+s30], $0x80, v0, vm0, $0xb8;
	[tilespmem:$0x11000] =	vst v63  }
0x18d: {  	s31 =	simm.s32 $0x8800  }
0x18e: {  	[tilespmem:s31], [sflag:$0x4] =	stream.indirect_vreg.gather [hbm4b:s11+s30], $0x80, v0, vm0, $0xb8;
	[tilespmem:$0x11000] =	vst v63  }
0x18f: {  	v0 =	vld.msk [tilespmem:s1+$0x800], $0xff;
	_ =	sdelay $0x4  }
0x190: {  	v2 =	vshll.u32 v0, $0x3  }
0x191: {  	v0 =	vand.u32 $0x7, v0;
	v2 =	vand.u32 $0xFFFFFFC0, v2  }
0x192: {  	v0 =	vor.u32 v0, v2  }
0x193: {  	v0 =	vperm.xlane v0, v3;
	_ =	sdelay $0x1  }
0x194: {  	v0 =	vadd.s32 v1, v0;
	_ =	sdelay $0x3  }
0x195: {  	s1 =	simm.s32 $0xF000  }
0x196: {  	[tilespmem:s1], [sflag:$0x8] =	stream.indirect_vreg.gather [hbm4b:s0+s30], $0x80, v0, vm0, $0xb8;
	[tilespmem:$0x11000] =	vst v63  }
0x197: {  	s1 =	simm.s32 $0xF800  }
0x198: {  	[tilespmem:s1], [sflag:$0x8] =	stream.indirect_vreg.gather [hbm4b:s9+s30], $0x80, v0, vm0, $0xb8;
	[tilespmem:$0x11000] =	vst v63  }
0x199: {  	_ = 	snop  }
0x19a: {  	[tilespmem:s7], [sflag:$0x8] =	stream.indirect_vreg.gather [hbm4b:s10+s30], $0x80, v0, vm0, $0xb8;
	[tilespmem:$0x11000] =	vst v63  }
0x19b: {  	_ = 	snop  }
0x19c: {  	[tilespmem:s8], [sflag:$0x8] =	stream.indirect_vreg.gather [hbm4b:s11+s30], $0x80, v0, vm0, $0xb8;
	[tilespmem:$0x11000] =	vst v63  }
0x19d: {  	_ =	swait.ge [sflag:s13], $0x2000  }
0x19e: {  	[sflag:s13] =	ssyncset.done $0x0  }
0x19f: {  	[sflag:s13] =	ssyncadd.s32 $0xFFFFE000  }
0x1a0: {  	_ =	swait.ge [sflag:s14], $0x2000  }
0x1a1: {  	[sflag:s14] =	ssyncset.done $0x0  }
0x1a2: {  	s31 =	simm.s32 $0x0;
	s30 =	simm.s32 $0x200;
	[sflag:s14] =	ssyncadd.s32 $0xFFFFE000  }
.LBB2_5:
0x1a3: {  	p0 =	sne.s32 s30, $0xE00;
	v0 =	vld [tilespmem:s31+$0xCC70]  }
0x1a4: {  	v2 =	vld [tilespmem:s31+$0xB000]  }
0x1a5: {  	v3 =	vld [tilespmem:s31+$0xB010]  }
0x1a6: {  	v4 =	vld [tilespmem:s31+$0xB020]  }
0x1a7: {  	v5 =	vld [tilespmem:s31+$0xB030]  }
0x1a8: {  	[tilespmem:s31+$0x4C70] =	vst.add.f32.msk $0xffff, v0  }
0x1a9: {  	v0 =	vld [tilespmem:s31+$0xB040]  }
0x1aa: {  	v6 =	vld [tilespmem:s31+$0xB050]  }
0x1ab: {  	v7 =	vld [tilespmem:s31+$0xB060]  }
0x1ac: {  	v8 =	vld [tilespmem:s31+$0xB070]  }
0x1ad: {  	v9 =	vld [tilespmem:s31+$0xB400]  }
0x1ae: {  	v10 =	vld [tilespmem:s31+$0xB410]  }
0x1af: {  	v11 =	vld [tilespmem:s31+$0xB420]  }
0x1b0: {  	v12 =	vld [tilespmem:s31+$0xB430]  }
0x1b1: {  	v13 =	vld [tilespmem:s31+$0xB440]  }
0x1b2: {  	v14 =	vld [tilespmem:s31+$0xB450]  }
0x1b3: {  	v15 =	vld [tilespmem:s31+$0xB460]  }
0x1b4: {  	v16 =	vld [tilespmem:s31+$0xB470]  }
0x1b5: {  	v17 =	vld [tilespmem:s31+$0xB800]  }
0x1b6: {  	v18 =	vld [tilespmem:s31+$0xB810]  }
0x1b7: {  	v19 =	vld [tilespmem:s31+$0xB820]  }
0x1b8: {  	v20 =	vld [tilespmem:s31+$0xB830]  }
0x1b9: {  	v21 =	vld [tilespmem:s31+$0xB840]  }
0x1ba: {  	v22 =	vld [tilespmem:s31+$0xB850]  }
0x1bb: {  	v23 =	vld [tilespmem:s31+$0xB860]  }
0x1bc: {  	v24 =	vld [tilespmem:s31+$0xB870]  }
0x1bd: {  	v25 =	vld [tilespmem:s31+$0xBC00]  }
0x1be: {  	v26 =	vld [tilespmem:s31+$0xBC10]  }
0x1bf: {  	v27 =	vld [tilespmem:s31+$0xBC20]  }
0x1c0: {  	v28 =	vld [tilespmem:s31+$0xBC30]  }
0x1c1: {  	v29 =	vld [tilespmem:s31+$0xBC40]  }
0x1c2: {  	v30 =	vld [tilespmem:s31+$0xBC50]  }
0x1c3: {  	v31 =	vld [tilespmem:s31+$0xBC60]  }
0x1c4: {  	v32 =	vld [tilespmem:s31+$0xBC70]  }
0x1c5: {  	v33 =	vld [tilespmem:s31+$0xC000]  }
0x1c6: {  	v34 =	vld [tilespmem:s31+$0xC010]  }
0x1c7: {  	v35 =	vld [tilespmem:s31+$0xC020]  }
0x1c8: {  	v36 =	vld [tilespmem:s31+$0xC030]  }
0x1c9: {  	v37 =	vld [tilespmem:s31+$0xC040]  }
0x1ca: {  	v38 =	vld [tilespmem:s31+$0xC050]  }
0x1cb: {  	v39 =	vld [tilespmem:s31+$0xC060]  }
0x1cc: {  	v40 =	vld [tilespmem:s31+$0xC070]  }
0x1cd: {  	v41 =	vld [tilespmem:s31+$0xC400]  }
0x1ce: {  	v42 =	vld [tilespmem:s31+$0xC410]  }
0x1cf: {  	v43 =	vld [tilespmem:s31+$0xC420]  }
0x1d0: {  	v44 =	vld [tilespmem:s31+$0xC430]  }
0x1d1: {  	v45 =	vld [tilespmem:s31+$0xC440]  }
0x1d2: {  	v46 =	vld [tilespmem:s31+$0xC450]  }
0x1d3: {  	v47 =	vld [tilespmem:s31+$0xC460]  }
0x1d4: {  	v48 =	vld [tilespmem:s31+$0xC470]  }
0x1d5: {  	v49 =	vld [tilespmem:s31+$0xC800]  }
0x1d6: {  	v50 =	vld [tilespmem:s31+$0xC810]  }
0x1d7: {  	v51 =	vld [tilespmem:s31+$0xC820]  }
0x1d8: {  	v52 =	vld [tilespmem:s31+$0xC830]  }
0x1d9: {  	v53 =	vld [tilespmem:s31+$0xC840]  }
0x1da: {  	v54 =	vld [tilespmem:s31+$0xC850]  }
0x1db: {  	v55 =	vld [tilespmem:s31+$0xC860]  }
0x1dc: {  	v56 =	vld [tilespmem:s31+$0xC870]  }
0x1dd: {  	v57 =	vld [tilespmem:s31+$0xCC00]  }
0x1de: {  	v58 =	vld [tilespmem:s31+$0xCC10]  }
0x1df: {  	v59 =	vld [tilespmem:s31+$0xCC20]  }
0x1e0: {  	v60 =	vld [tilespmem:s31+$0xCC30]  }
0x1e1: {  	v61 =	vld [tilespmem:s31+$0xCC40]  }
0x1e2: {  	v62 =	vld [tilespmem:s31+$0xCC50]  }
0x1e3: {  	v63 =	vld [tilespmem:s31+$0xCC60]  }
0x1e4: {  	[tilespmem:s31+$0x3000] =	vst.add.f32.msk $0xffff, v2  }
0x1e5: {  	[tilespmem:s31+$0x3010] =	vst.add.f32.msk $0xffff, v3  }
0x1e6: {  	[tilespmem:s31+$0x3020] =	vst.add.f32.msk $0xffff, v4  }
0x1e7: {  	[tilespmem:s31+$0x3030] =	vst.add.f32.msk $0xffff, v5  }
0x1e8: {  	[tilespmem:s31+$0x3040] =	vst.add.f32.msk $0xffff, v0  }
0x1e9: {  	[tilespmem:s31+$0x3050] =	vst.add.f32.msk $0xffff, v6  }
0x1ea: {  	[tilespmem:s31+$0x3060] =	vst.add.f32.msk $0xffff, v7  }
0x1eb: {  	[tilespmem:s31+$0x3070] =	vst.add.f32.msk $0xffff, v8  }
0x1ec: {  	[tilespmem:s31+$0x3400] =	vst.add.f32.msk $0xffff, v9  }
0x1ed: {  	[tilespmem:s31+$0x3410] =	vst.add.f32.msk $0xffff, v10  }
0x1ee: {  	[tilespmem:s31+$0x3420] =	vst.add.f32.msk $0xffff, v11  }
0x1ef: {  	[tilespmem:s31+$0x3430] =	vst.add.f32.msk $0xffff, v12  }
0x1f0: {  	[tilespmem:s31+$0x3440] =	vst.add.f32.msk $0xffff, v13  }
0x1f1: {  	[tilespmem:s31+$0x3450] =	vst.add.f32.msk $0xffff, v14  }
0x1f2: {  	[tilespmem:s31+$0x3460] =	vst.add.f32.msk $0xffff, v15  }
0x1f3: {  	[tilespmem:s31+$0x3470] =	vst.add.f32.msk $0xffff, v16  }
0x1f4: {  	[tilespmem:s31+$0x3800] =	vst.add.f32.msk $0xffff, v17  }
0x1f5: {  	[tilespmem:s31+$0x3810] =	vst.add.f32.msk $0xffff, v18  }
0x1f6: {  	[tilespmem:s31+$0x3820] =	vst.add.f32.msk $0xffff, v19  }
0x1f7: {  	[tilespmem:s31+$0x3830] =	vst.add.f32.msk $0xffff, v20  }
0x1f8: {  	[tilespmem:s31+$0x3840] =	vst.add.f32.msk $0xffff, v21  }
0x1f9: {  	[tilespmem:s31+$0x3850] =	vst.add.f32.msk $0xffff, v22  }
0x1fa: {  	[tilespmem:s31+$0x3860] =	vst.add.f32.msk $0xffff, v23  }
0x1fb: {  	[tilespmem:s31+$0x3870] =	vst.add.f32.msk $0xffff, v24  }
0x1fc: {  	[tilespmem:s31+$0x3C00] =	vst.add.f32.msk $0xffff, v25  }
0x1fd: {  	[tilespmem:s31+$0x3C10] =	vst.add.f32.msk $0xffff, v26  }
0x1fe: {  	[tilespmem:s31+$0x3C20] =	vst.add.f32.msk $0xffff, v27  }
0x1ff: {  	[tilespmem:s31+$0x3C30] =	vst.add.f32.msk $0xffff, v28  }
0x200: {  	[tilespmem:s31+$0x3C40] =	vst.add.f32.msk $0xffff, v29  }
0x201: {  	[tilespmem:s31+$0x3C50] =	vst.add.f32.msk $0xffff, v30  }
0x202: {  	[tilespmem:s31+$0x3C60] =	vst.add.f32.msk $0xffff, v31  }
0x203: {  	[tilespmem:s31+$0x3C70] =	vst.add.f32.msk $0xffff, v32  }
0x204: {  	[tilespmem:s31+$0x4000] =	vst.add.f32.msk $0xffff, v33  }
0x205: {  	[tilespmem:s31+$0x4010] =	vst.add.f32.msk $0xffff, v34  }
0x206: {  	[tilespmem:s31+$0x4020] =	vst.add.f32.msk $0xffff, v35  }
0x207: {  	[tilespmem:s31+$0x4030] =	vst.add.f32.msk $0xffff, v36  }
0x208: {  	[tilespmem:s31+$0x4040] =	vst.add.f32.msk $0xffff, v37  }
0x209: {  	[tilespmem:s31+$0x4050] =	vst.add.f32.msk $0xffff, v38  }
0x20a: {  	[tilespmem:s31+$0x4060] =	vst.add.f32.msk $0xffff, v39  }
0x20b: {  	[tilespmem:s31+$0x4070] =	vst.add.f32.msk $0xffff, v40  }
0x20c: {  	[tilespmem:s31+$0x4400] =	vst.add.f32.msk $0xffff, v41  }
0x20d: {  	[tilespmem:s31+$0x4410] =	vst.add.f32.msk $0xffff, v42  }
0x20e: {  	[tilespmem:s31+$0x4420] =	vst.add.f32.msk $0xffff, v43  }
0x20f: {  	[tilespmem:s31+$0x4430] =	vst.add.f32.msk $0xffff, v44  }
0x210: {  	[tilespmem:s31+$0x4440] =	vst.add.f32.msk $0xffff, v45  }
0x211: {  	[tilespmem:s31+$0x4450] =	vst.add.f32.msk $0xffff, v46  }
0x212: {  	[tilespmem:s31+$0x4460] =	vst.add.f32.msk $0xffff, v47  }
0x213: {  	[tilespmem:s31+$0x4470] =	vst.add.f32.msk $0xffff, v48  }
0x214: {  	[tilespmem:s31+$0x4800] =	vst.add.f32.msk $0xffff, v49  }
0x215: {  	[tilespmem:s31+$0x4810] =	vst.add.f32.msk $0xffff, v50  }
0x216: {  	[tilespmem:s31+$0x4820] =	vst.add.f32.msk $0xffff, v51  }
0x217: {  	[tilespmem:s31+$0x4830] =	vst.add.f32.msk $0xffff, v52  }
0x218: {  	[tilespmem:s31+$0x4840] =	vst.add.f32.msk $0xffff, v53  }
0x219: {  	[tilespmem:s31+$0x4850] =	vst.add.f32.msk $0xffff, v54  }
0x21a: {  	[tilespmem:s31+$0x4860] =	vst.add.f32.msk $0xffff, v55  }
0x21b: {  	[tilespmem:s31+$0x4870] =	vst.add.f32.msk $0xffff, v56  }
0x21c: {  	[tilespmem:s31+$0x4C00] =	vst.add.f32.msk $0xffff, v57  }
0x21d: {  	[tilespmem:s31+$0x4C10] =	vst.add.f32.msk $0xffff, v58  }
.Ltmp1:
0x21e: {  	[tilespmem:s31+$0x4C20] =	vst.add.f32.msk $0xffff, v59;
	(pc) =	sbr.rel @p0 .LBB2_5-.Ltmp1, $4  }
0x21f: {  	[tilespmem:s31+$0x4C30] =	vst.add.f32.msk $0xffff, v60  }
0x220: {  	[tilespmem:s31+$0x4C40] =	vst.add.f32.msk $0xffff, v61  }
0x221: {  	[tilespmem:s31+$0x4C50] =	vst.add.f32.msk $0xffff, v62  }
0x222: {  	[tilespmem:s31+$0x4C60] =	vst.add.f32.msk $0xffff, v63;
	s31 =	sshra.s32 s30, $0x2;
	s30 =	sadd.s32 $0x200, s30  }
0x223: {  	v0 =	vld [tilespmem:s31+$0xCC70]  }
0x224: {  	v2 =	vld [tilespmem:s31+$0xB000]  }
0x225: {  	v3 =	vld [tilespmem:s31+$0xB010]  }
0x226: {  	v4 =	vld [tilespmem:s31+$0xB020]  }
0x227: {  	v5 =	vld [tilespmem:s31+$0xB030]  }
0x228: {  	v6 =	vld [tilespmem:s31+$0xB050]  }
0x229: {  	v7 =	vld [tilespmem:s31+$0xB060]  }
0x22a: {  	v8 =	vld [tilespmem:s31+$0xB070]  }
0x22b: {  	v9 =	vld [tilespmem:s31+$0xB400]  }
0x22c: {  	v10 =	vld [tilespmem:s31+$0xB410]  }
0x22d: {  	v11 =	vld [tilespmem:s31+$0xB420]  }
0x22e: {  	v12 =	vld [tilespmem:s31+$0xB430]  }
0x22f: {  	v13 =	vld [tilespmem:s31+$0xB440]  }
0x230: {  	v14 =	vld [tilespmem:s31+$0xB450]  }
0x231: {  	v15 =	vld [tilespmem:s31+$0xB460]  }
0x232: {  	v16 =	vld [tilespmem:s31+$0xB470]  }
0x233: {  	v17 =	vld [tilespmem:s31+$0xB800]  }
0x234: {  	v18 =	vld [tilespmem:s31+$0xB810]  }
0x235: {  	v19 =	vld [tilespmem:s31+$0xB820]  }
0x236: {  	v20 =	vld [tilespmem:s31+$0xB830]  }
0x237: {  	v21 =	vld [tilespmem:s31+$0xB840]  }
0x238: {  	v22 =	vld [tilespmem:s31+$0xB850]  }
0x239: {  	v23 =	vld [tilespmem:s31+$0xB860]  }
0x23a: {  	v24 =	vld [tilespmem:s31+$0xB870]  }
0x23b: {  	v25 =	vld [tilespmem:s31+$0xBC00]  }
0x23c: {  	v26 =	vld [tilespmem:s31+$0xBC10]  }
0x23d: {  	v27 =	vld [tilespmem:s31+$0xBC20]  }
0x23e: {  	v28 =	vld [tilespmem:s31+$0xBC30]  }
0x23f: {  	v29 =	vld [tilespmem:s31+$0xBC40]  }
0x240: {  	v30 =	vld [tilespmem:s31+$0xBC50]  }
0x241: {  	v31 =	vld [tilespmem:s31+$0xBC60]  }
0x242: {  	v32 =	vld [tilespmem:s31+$0xBC70]  }
0x243: {  	v33 =	vld [tilespmem:s31+$0xC000]  }
0x244: {  	v34 =	vld [tilespmem:s31+$0xC010]  }
0x245: {  	v35 =	vld [tilespmem:s31+$0xC020]  }
0x246: {  	v36 =	vld [tilespmem:s31+$0xC030]  }
0x247: {  	v37 =	vld [tilespmem:s31+$0xC040]  }
0x248: {  	v38 =	vld [tilespmem:s31+$0xC050]  }
0x249: {  	v39 =	vld [tilespmem:s31+$0xC060]  }
0x24a: {  	v40 =	vld [tilespmem:s31+$0xC070]  }
0x24b: {  	v41 =	vld [tilespmem:s31+$0xC400]  }
0x24c: {  	v42 =	vld [tilespmem:s31+$0xC410]  }
0x24d: {  	v43 =	vld [tilespmem:s31+$0xC420]  }
0x24e: {  	v44 =	vld [tilespmem:s31+$0xC430]  }
0x24f: {  	v45 =	vld [tilespmem:s31+$0xC440]  }
0x250: {  	v46 =	vld [tilespmem:s31+$0xC450]  }
0x251: {  	v47 =	vld [tilespmem:s31+$0xC460]  }
0x252: {  	v48 =	vld [tilespmem:s31+$0xC470]  }
0x253: {  	v49 =	vld [tilespmem:s31+$0xC800]  }
0x254: {  	v50 =	vld [tilespmem:s31+$0xC810]  }
0x255: {  	v51 =	vld [tilespmem:s31+$0xC820]  }
0x256: {  	v52 =	vld [tilespmem:s31+$0xC830]  }
0x257: {  	v53 =	vld [tilespmem:s31+$0xC840]  }
0x258: {  	v54 =	vld [tilespmem:s31+$0xC850]  }
0x259: {  	v55 =	vld [tilespmem:s31+$0xC860]  }
0x25a: {  	v56 =	vld [tilespmem:s31+$0xC870]  }
0x25b: {  	v57 =	vld [tilespmem:s31+$0xCC00]  }
0x25c: {  	v58 =	vld [tilespmem:s31+$0xCC10]  }
0x25d: {  	v59 =	vld [tilespmem:s31+$0xCC20]  }
0x25e: {  	v60 =	vld [tilespmem:s31+$0xCC30]  }
0x25f: {  	v61 =	vld [tilespmem:s31+$0xCC40]  }
0x260: {  	v62 =	vld [tilespmem:s31+$0xCC50]  }
0x261: {  	v63 =	vld [tilespmem:s31+$0xCC60]  }
0x262: {  	[tilespmem:s31+$0x4C70] =	vst.add.f32.msk $0xffff, v0  }
0x263: {  	v0 =	vld [tilespmem:s31+$0xB040]  }
0x264: {  	[tilespmem:s31+$0x3000] =	vst.add.f32.msk $0xffff, v2  }
0x265: {  	[tilespmem:s31+$0x3010] =	vst.add.f32.msk $0xffff, v3  }
0x266: {  	[tilespmem:s31+$0x3020] =	vst.add.f32.msk $0xffff, v4  }
0x267: {  	[tilespmem:s31+$0x3030] =	vst.add.f32.msk $0xffff, v5  }
0x268: {  	[tilespmem:s31+$0x3050] =	vst.add.f32.msk $0xffff, v6  }
0x269: {  	[tilespmem:s31+$0x3060] =	vst.add.f32.msk $0xffff, v7  }
0x26a: {  	[tilespmem:s31+$0x3070] =	vst.add.f32.msk $0xffff, v8  }
0x26b: {  	[tilespmem:s31+$0x3400] =	vst.add.f32.msk $0xffff, v9  }
0x26c: {  	[tilespmem:s31+$0x3410] =	vst.add.f32.msk $0xffff, v10  }
0x26d: {  	[tilespmem:s31+$0x3420] =	vst.add.f32.msk $0xffff, v11  }
0x26e: {  	[tilespmem:s31+$0x3430] =	vst.add.f32.msk $0xffff, v12  }
0x26f: {  	[tilespmem:s31+$0x3440] =	vst.add.f32.msk $0xffff, v13  }
0x270: {  	[tilespmem:s31+$0x3450] =	vst.add.f32.msk $0xffff, v14  }
0x271: {  	[tilespmem:s31+$0x3460] =	vst.add.f32.msk $0xffff, v15  }
0x272: {  	[tilespmem:s31+$0x3470] =	vst.add.f32.msk $0xffff, v16  }
0x273: {  	[tilespmem:s31+$0x3800] =	vst.add.f32.msk $0xffff, v17  }
0x274: {  	[tilespmem:s31+$0x3810] =	vst.add.f32.msk $0xffff, v18  }
0x275: {  	[tilespmem:s31+$0x3820] =	vst.add.f32.msk $0xffff, v19  }
0x276: {  	[tilespmem:s31+$0x3830] =	vst.add.f32.msk $0xffff, v20  }
0x277: {  	[tilespmem:s31+$0x3840] =	vst.add.f32.msk $0xffff, v21  }
0x278: {  	[tilespmem:s31+$0x3850] =	vst.add.f32.msk $0xffff, v22  }
0x279: {  	[tilespmem:s31+$0x3860] =	vst.add.f32.msk $0xffff, v23  }
0x27a: {  	[tilespmem:s31+$0x3870] =	vst.add.f32.msk $0xffff, v24  }
0x27b: {  	[tilespmem:s31+$0x3C00] =	vst.add.f32.msk $0xffff, v25  }
0x27c: {  	[tilespmem:s31+$0x3C10] =	vst.add.f32.msk $0xffff, v26  }
0x27d: {  	[tilespmem:s31+$0x3C20] =	vst.add.f32.msk $0xffff, v27  }
0x27e: {  	[tilespmem:s31+$0x3C30] =	vst.add.f32.msk $0xffff, v28  }
0x27f: {  	[tilespmem:s31+$0x3C40] =	vst.add.f32.msk $0xffff, v29  }
0x280: {  	[tilespmem:s31+$0x3C50] =	vst.add.f32.msk $0xffff, v30  }
0x281: {  	[tilespmem:s31+$0x3C60] =	vst.add.f32.msk $0xffff, v31  }
0x282: {  	[tilespmem:s31+$0x3C70] =	vst.add.f32.msk $0xffff, v32  }
0x283: {  	[tilespmem:s31+$0x4000] =	vst.add.f32.msk $0xffff, v33  }
0x284: {  	[tilespmem:s31+$0x4010] =	vst.add.f32.msk $0xffff, v34  }
0x285: {  	[tilespmem:s31+$0x4020] =	vst.add.f32.msk $0xffff, v35  }
0x286: {  	[tilespmem:s31+$0x4030] =	vst.add.f32.msk $0xffff, v36  }
0x287: {  	[tilespmem:s31+$0x4040] =	vst.add.f32.msk $0xffff, v37  }
0x288: {  	[tilespmem:s31+$0x4050] =	vst.add.f32.msk $0xffff, v38  }
0x289: {  	[tilespmem:s31+$0x4060] =	vst.add.f32.msk $0xffff, v39  }
0x28a: {  	[tilespmem:s31+$0x4070] =	vst.add.f32.msk $0xffff, v40  }
0x28b: {  	[tilespmem:s31+$0x4400] =	vst.add.f32.msk $0xffff, v41  }
0x28c: {  	[tilespmem:s31+$0x4410] =	vst.add.f32.msk $0xffff, v42  }
0x28d: {  	[tilespmem:s31+$0x4420] =	vst.add.f32.msk $0xffff, v43  }
0x28e: {  	[tilespmem:s31+$0x4430] =	vst.add.f32.msk $0xffff, v44  }
0x28f: {  	[tilespmem:s31+$0x4440] =	vst.add.f32.msk $0xffff, v45  }
0x290: {  	[tilespmem:s31+$0x4450] =	vst.add.f32.msk $0xffff, v46  }
0x291: {  	[tilespmem:s31+$0x4460] =	vst.add.f32.msk $0xffff, v47  }
0x292: {  	[tilespmem:s31+$0x4470] =	vst.add.f32.msk $0xffff, v48  }
0x293: {  	[tilespmem:s31+$0x4800] =	vst.add.f32.msk $0xffff, v49  }
0x294: {  	[tilespmem:s31+$0x4810] =	vst.add.f32.msk $0xffff, v50  }
0x295: {  	[tilespmem:s31+$0x4820] =	vst.add.f32.msk $0xffff, v51  }
0x296: {  	[tilespmem:s31+$0x4830] =	vst.add.f32.msk $0xffff, v52  }
0x297: {  	[tilespmem:s31+$0x4840] =	vst.add.f32.msk $0xffff, v53  }
0x298: {  	[tilespmem:s31+$0x4850] =	vst.add.f32.msk $0xffff, v54  }
0x299: {  	[tilespmem:s31+$0x4860] =	vst.add.f32.msk $0xffff, v55  }
0x29a: {  	[tilespmem:s31+$0x4870] =	vst.add.f32.msk $0xffff, v56  }
0x29b: {  	[tilespmem:s31+$0x4C00] =	vst.add.f32.msk $0xffff, v57  }
0x29c: {  	[tilespmem:s31+$0x4C10] =	vst.add.f32.msk $0xffff, v58  }
0x29d: {  	[tilespmem:s31+$0x4C20] =	vst.add.f32.msk $0xffff, v59  }
0x29e: {  	s30 =	sshll.u32 s22, $0x5;
	[tilespmem:s31+$0x4C30] =	vst.add.f32.msk $0xffff, v60  }
0x29f: {  	s1 =	sadd.s32 s30, s5;
	[tilespmem:s31+$0x4C40] =	vst.add.f32.msk $0xffff, v61  }
0x2a0: {  	s1 =	sshll.u32 s1, $0x7;
	[tilespmem:s31+$0x4C50] =	vst.add.f32.msk $0xffff, v62  }
0x2a1: {  	s1 =	sadd.s32 s3, s1;
	[tilespmem:s31+$0x4C60] =	vst.add.f32.msk $0xffff, v63  }
0x2a2: {  	s1 =	sadd.s32 $0x400, s1;
	[tilespmem:s31+$0x3040] =	vst.add.f32.msk $0xffff, v0  }
0x2a3: {  	[hbm4b:s1+s4] =	stream.linear.scatter [tilespmem:s24], [sflag:$0xA], $0x2000, $0x38;
	[tilespmem:$0x11000] =	vst v63  }
0x2a4: {  	_ =	swait.ge [sflag:s15], $0x2000  }
0x2a5: {  	[sflag:s15] =	ssyncset.done $0x0  }
0x2a6: {  	p0 =	seq.s32 s22, $0x3F;
	[sflag:s15] =	ssyncadd.s32 $0xFFFFE000  }
0x2a7: {  	v0 =	vld.msk @!p0 [tilespmem:s30+$0x20], $0xff;
	_ =	sdelay $0x4  }
0x2a8: {  	v2 =	vshll.u32 @!p0 v0, $0x3  }
0x2a9: {  	v3 =	vlaneseq.u32 @!p0;
	v0 =	vand.u32 @!p0 $0x7, v0;
	v2 =	vand.u32 @!p0 $0xFFFFFFC0, v2  }
0x2aa: {  	v0 =	vor.u32 @!p0 v0, v2;
	v2 =	vand.u32 @!p0 $0x7, v3;
	v3 =	vshrl.u32 @!p0 v3, $0x3  }
0x2ab: {  	v0 =	vperm.xlane @!p0 v0, v2;
	v3 =	vmul.u32 @!p0 $0x8, v3;
	_ =	sdelay $0x1  }
0x2ac: {  	v0 =	vadd.s32 @!p0 v3, v0;
	_ =	sdelay $0x3  }
0x2ad: {  	vm1 =	vmmov @!p0 $0xffff;
	s31 =	simm.s32 @!p0 $0x1000;
	s1 =	simm.s32 @!p0 $0x0  }
0x2ae: {  	[tilespmem:s31], [sflag:$0x1] =	stream.indirect_vreg.gather @!p0 [hbm4b:s0+s1], $0x80, v0, vm1, $0xb8;
	[tilespmem:$0x11000] =	vst v63  }
0x2af: {  	s31 =	simm.s32 @!p0 $0x1800  }
0x2b0: {  	[tilespmem:s31], [sflag:$0x1] =	stream.indirect_vreg.gather @!p0 [hbm4b:s9+s1], $0x80, v0, vm1, $0xb8;
	[tilespmem:$0x11000] =	vst v63  }
0x2b1: {  	s31 =	simm.s32 @!p0 $0x2000  }
0x2b2: {  	[tilespmem:s31], [sflag:$0x1] =	stream.indirect_vreg.gather @!p0 [hbm4b:s10+s1], $0x80, v0, vm1, $0xb8;
	[tilespmem:$0x11000] =	vst v63  }
0x2b3: {  	s31 =	simm.s32 @!p0 $0x2800  }
0x2b4: {  	[tilespmem:s31], [sflag:$0x1] =	stream.indirect_vreg.gather @!p0 [hbm4b:s11+s1], $0x80, v0, vm1, $0xb8;
	[tilespmem:$0x11000] =	vst v63  }
0x2b5: {  	v0 =	vld.msk @!p0 [tilespmem:s30+$0x820], $0xff;
	_ =	sdelay $0x4  }
0x2b6: {  	v4 =	vshll.u32 @!p0 v0, $0x3  }
0x2b7: {  	v0 =	vand.u32 @!p0 $0x7, v0;
	v4 =	vand.u32 @!p0 $0xFFFFFFC0, v4  }
0x2b8: {  	v0 =	vor.u32 @!p0 v0, v4  }
0x2b9: {  	v0 =	vperm.xlane @!p0 v0, v2;
	_ =	sdelay $0x1  }
0x2ba: {  	v0 =	vadd.s32 @!p0 v3, v0;
	_ =	sdelay $0x3  }
0x2bb: {  	s31 =	simm.s32 @!p0 $0x9000  }
0x2bc: {  	[tilespmem:s31], [sflag:$0x5] =	stream.indirect_vreg.gather @!p0 [hbm4b:s0+s1], $0x80, v0, vm1, $0xb8;
	[tilespmem:$0x11000] =	vst v63  }
0x2bd: {  	s31 =	simm.s32 @!p0 $0x9800  }
0x2be: {  	[tilespmem:s31], [sflag:$0x5] =	stream.indirect_vreg.gather @!p0 [hbm4b:s9+s1], $0x80, v0, vm1, $0xb8;
	[tilespmem:$0x11000] =	vst v63  }
0x2bf: {  	s31 =	simm.s32 @!p0 $0xA000  }
0x2c0: {  	[tilespmem:s31], [sflag:$0x5] =	stream.indirect_vreg.gather @!p0 [hbm4b:s10+s1], $0x80, v0, vm1, $0xb8;
	[tilespmem:$0x11000] =	vst v63  }
0x2c1: {  	s31 =	simm.s32 @!p0 $0xA800  }
0x2c2: {  	[tilespmem:s31], [sflag:$0x5] =	stream.indirect_vreg.gather @!p0 [hbm4b:s11+s1], $0x80, v0, vm1, $0xb8;
	[tilespmem:$0x11000] =	vst v63  }
0x2c3: {  	_ =	swait.ge [sflag:s17], $0x2000  }
0x2c4: {  	[sflag:s17] =	ssyncset.done $0x0  }
0x2c5: {  	[sflag:s17] =	ssyncadd.s32 $0xFFFFE000  }
0x2c6: {  	_ =	swait.ge [sflag:s18], $0x2000  }
0x2c7: {  	[sflag:s18] =	ssyncset.done $0x0  }
0x2c8: {  	s31 =	simm.s32 $0x0;
	s1 =	simm.s32 $0x200;
	[sflag:s18] =	ssyncadd.s32 $0xFFFFE000  }
.LBB2_7:
0x2c9: {  	p1 =	sne.s32 s1, $0xE00;
	v0 =	vld [tilespmem:s31+$0xEC70]  }
0x2ca: {  	v2 =	vld [tilespmem:s31+$0xD000]  }
0x2cb: {  	v3 =	vld [tilespmem:s31+$0xD010]  }
0x2cc: {  	v4 =	vld [tilespmem:s31+$0xD020]  }
0x2cd: {  	v5 =	vld [tilespmem:s31+$0xD030]  }
0x2ce: {  	[tilespmem:s31+$0x6C70] =	vst.add.f32.msk $0xffff, v0  }
0x2cf: {  	v0 =	vld [tilespmem:s31+$0xD040]  }
0x2d0: {  	v6 =	vld [tilespmem:s31+$0xD050]  }
0x2d1: {  	v7 =	vld [tilespmem:s31+$0xD060]  }
0x2d2: {  	v8 =	vld [tilespmem:s31+$0xD070]  }
0x2d3: {  	v9 =	vld [tilespmem:s31+$0xD400]  }
0x2d4: {  	v10 =	vld [tilespmem:s31+$0xD410]  }
0x2d5: {  	v11 =	vld [tilespmem:s31+$0xD420]  }
0x2d6: {  	v12 =	vld [tilespmem:s31+$0xD430]  }
0x2d7: {  	v13 =	vld [tilespmem:s31+$0xD440]  }
0x2d8: {  	v14 =	vld [tilespmem:s31+$0xD450]  }
0x2d9: {  	v15 =	vld [tilespmem:s31+$0xD460]  }
0x2da: {  	v16 =	vld [tilespmem:s31+$0xD470]  }
0x2db: {  	v17 =	vld [tilespmem:s31+$0xD800]  }
0x2dc: {  	v18 =	vld [tilespmem:s31+$0xD810]  }
0x2dd: {  	v19 =	vld [tilespmem:s31+$0xD820]  }
0x2de: {  	v20 =	vld [tilespmem:s31+$0xD830]  }
0x2df: {  	v21 =	vld [tilespmem:s31+$0xD840]  }
0x2e0: {  	v22 =	vld [tilespmem:s31+$0xD850]  }
0x2e1: {  	v23 =	vld [tilespmem:s31+$0xD860]  }
0x2e2: {  	v24 =	vld [tilespmem:s31+$0xD870]  }
0x2e3: {  	v25 =	vld [tilespmem:s31+$0xDC00]  }
0x2e4: {  	v26 =	vld [tilespmem:s31+$0xDC10]  }
0x2e5: {  	v27 =	vld [tilespmem:s31+$0xDC20]  }
0x2e6: {  	v28 =	vld [tilespmem:s31+$0xDC30]  }
0x2e7: {  	v29 =	vld [tilespmem:s31+$0xDC40]  }
0x2e8: {  	v30 =	vld [tilespmem:s31+$0xDC50]  }
0x2e9: {  	v31 =	vld [tilespmem:s31+$0xDC60]  }
0x2ea: {  	v32 =	vld [tilespmem:s31+$0xDC70]  }
0x2eb: {  	v33 =	vld [tilespmem:s31+$0xE000]  }
0x2ec: {  	v34 =	vld [tilespmem:s31+$0xE010]  }
0x2ed: {  	v35 =	vld [tilespmem:s31+$0xE020]  }
0x2ee: {  	v36 =	vld [tilespmem:s31+$0xE030]  }
0x2ef: {  	v37 =	vld [tilespmem:s31+$0xE040]  }
0x2f0: {  	v38 =	vld [tilespmem:s31+$0xE050]  }
0x2f1: {  	v39 =	vld [tilespmem:s31+$0xE060]  }
0x2f2: {  	v40 =	vld [tilespmem:s31+$0xE070]  }
0x2f3: {  	v41 =	vld [tilespmem:s31+$0xE400]  }
0x2f4: {  	v42 =	vld [tilespmem:s31+$0xE410]  }
0x2f5: {  	v43 =	vld [tilespmem:s31+$0xE420]  }
0x2f6: {  	v44 =	vld [tilespmem:s31+$0xE430]  }
0x2f7: {  	v45 =	vld [tilespmem:s31+$0xE440]  }
0x2f8: {  	v46 =	vld [tilespmem:s31+$0xE450]  }
0x2f9: {  	v47 =	vld [tilespmem:s31+$0xE460]  }
0x2fa: {  	v48 =	vld [tilespmem:s31+$0xE470]  }
0x2fb: {  	v49 =	vld [tilespmem:s31+$0xE800]  }
0x2fc: {  	v50 =	vld [tilespmem:s31+$0xE810]  }
0x2fd: {  	v51 =	vld [tilespmem:s31+$0xE820]  }
0x2fe: {  	v52 =	vld [tilespmem:s31+$0xE830]  }
0x2ff: {  	v53 =	vld [tilespmem:s31+$0xE840]  }
0x300: {  	v54 =	vld [tilespmem:s31+$0xE850]  }
0x301: {  	v55 =	vld [tilespmem:s31+$0xE860]  }
0x302: {  	v56 =	vld [tilespmem:s31+$0xE870]  }
0x303: {  	v57 =	vld [tilespmem:s31+$0xEC00]  }
0x304: {  	v58 =	vld [tilespmem:s31+$0xEC10]  }
0x305: {  	v59 =	vld [tilespmem:s31+$0xEC20]  }
0x306: {  	v60 =	vld [tilespmem:s31+$0xEC30]  }
0x307: {  	v61 =	vld [tilespmem:s31+$0xEC40]  }
0x308: {  	v62 =	vld [tilespmem:s31+$0xEC50]  }
0x309: {  	v63 =	vld [tilespmem:s31+$0xEC60]  }
0x30a: {  	[tilespmem:s31+$0x5000] =	vst.add.f32.msk $0xffff, v2  }
0x30b: {  	[tilespmem:s31+$0x5010] =	vst.add.f32.msk $0xffff, v3  }
0x30c: {  	[tilespmem:s31+$0x5020] =	vst.add.f32.msk $0xffff, v4  }
0x30d: {  	[tilespmem:s31+$0x5030] =	vst.add.f32.msk $0xffff, v5  }
0x30e: {  	[tilespmem:s31+$0x5040] =	vst.add.f32.msk $0xffff, v0  }
0x30f: {  	[tilespmem:s31+$0x5050] =	vst.add.f32.msk $0xffff, v6  }
0x310: {  	[tilespmem:s31+$0x5060] =	vst.add.f32.msk $0xffff, v7  }
0x311: {  	[tilespmem:s31+$0x5070] =	vst.add.f32.msk $0xffff, v8  }
0x312: {  	[tilespmem:s31+$0x5400] =	vst.add.f32.msk $0xffff, v9  }
0x313: {  	[tilespmem:s31+$0x5410] =	vst.add.f32.msk $0xffff, v10  }
0x314: {  	[tilespmem:s31+$0x5420] =	vst.add.f32.msk $0xffff, v11  }
0x315: {  	[tilespmem:s31+$0x5430] =	vst.add.f32.msk $0xffff, v12  }
0x316: {  	[tilespmem:s31+$0x5440] =	vst.add.f32.msk $0xffff, v13  }
0x317: {  	[tilespmem:s31+$0x5450] =	vst.add.f32.msk $0xffff, v14  }
0x318: {  	[tilespmem:s31+$0x5460] =	vst.add.f32.msk $0xffff, v15  }
0x319: {  	[tilespmem:s31+$0x5470] =	vst.add.f32.msk $0xffff, v16  }
0x31a: {  	[tilespmem:s31+$0x5800] =	vst.add.f32.msk $0xffff, v17  }
0x31b: {  	[tilespmem:s31+$0x5810] =	vst.add.f32.msk $0xffff, v18  }
0x31c: {  	[tilespmem:s31+$0x5820] =	vst.add.f32.msk $0xffff, v19  }
0x31d: {  	[tilespmem:s31+$0x5830] =	vst.add.f32.msk $0xffff, v20  }
0x31e: {  	[tilespmem:s31+$0x5840] =	vst.add.f32.msk $0xffff, v21  }
0x31f: {  	[tilespmem:s31+$0x5850] =	vst.add.f32.msk $0xffff, v22  }
0x320: {  	[tilespmem:s31+$0x5860] =	vst.add.f32.msk $0xffff, v23  }
0x321: {  	[tilespmem:s31+$0x5870] =	vst.add.f32.msk $0xffff, v24  }
0x322: {  	[tilespmem:s31+$0x5C00] =	vst.add.f32.msk $0xffff, v25  }
0x323: {  	[tilespmem:s31+$0x5C10] =	vst.add.f32.msk $0xffff, v26  }
0x324: {  	[tilespmem:s31+$0x5C20] =	vst.add.f32.msk $0xffff, v27  }
0x325: {  	[tilespmem:s31+$0x5C30] =	vst.add.f32.msk $0xffff, v28  }
0x326: {  	[tilespmem:s31+$0x5C40] =	vst.add.f32.msk $0xffff, v29  }
0x327: {  	[tilespmem:s31+$0x5C50] =	vst.add.f32.msk $0xffff, v30  }
0x328: {  	[tilespmem:s31+$0x5C60] =	vst.add.f32.msk $0xffff, v31  }
0x329: {  	[tilespmem:s31+$0x5C70] =	vst.add.f32.msk $0xffff, v32  }
0x32a: {  	[tilespmem:s31+$0x6000] =	vst.add.f32.msk $0xffff, v33  }
0x32b: {  	[tilespmem:s31+$0x6010] =	vst.add.f32.msk $0xffff, v34  }
0x32c: {  	[tilespmem:s31+$0x6020] =	vst.add.f32.msk $0xffff, v35  }
0x32d: {  	[tilespmem:s31+$0x6030] =	vst.add.f32.msk $0xffff, v36  }
0x32e: {  	[tilespmem:s31+$0x6040] =	vst.add.f32.msk $0xffff, v37  }
0x32f: {  	[tilespmem:s31+$0x6050] =	vst.add.f32.msk $0xffff, v38  }
0x330: {  	[tilespmem:s31+$0x6060] =	vst.add.f32.msk $0xffff, v39  }
0x331: {  	[tilespmem:s31+$0x6070] =	vst.add.f32.msk $0xffff, v40  }
0x332: {  	[tilespmem:s31+$0x6400] =	vst.add.f32.msk $0xffff, v41  }
0x333: {  	[tilespmem:s31+$0x6410] =	vst.add.f32.msk $0xffff, v42  }
0x334: {  	[tilespmem:s31+$0x6420] =	vst.add.f32.msk $0xffff, v43  }
0x335: {  	[tilespmem:s31+$0x6430] =	vst.add.f32.msk $0xffff, v44  }
0x336: {  	[tilespmem:s31+$0x6440] =	vst.add.f32.msk $0xffff, v45  }
0x337: {  	[tilespmem:s31+$0x6450] =	vst.add.f32.msk $0xffff, v46  }
0x338: {  	[tilespmem:s31+$0x6460] =	vst.add.f32.msk $0xffff, v47  }
0x339: {  	[tilespmem:s31+$0x6470] =	vst.add.f32.msk $0xffff, v48  }
0x33a: {  	[tilespmem:s31+$0x6800] =	vst.add.f32.msk $0xffff, v49  }
0x33b: {  	[tilespmem:s31+$0x6810] =	vst.add.f32.msk $0xffff, v50  }
0x33c: {  	[tilespmem:s31+$0x6820] =	vst.add.f32.msk $0xffff, v51  }
0x33d: {  	[tilespmem:s31+$0x6830] =	vst.add.f32.msk $0xffff, v52  }
0x33e: {  	[tilespmem:s31+$0x6840] =	vst.add.f32.msk $0xffff, v53  }
0x33f: {  	[tilespmem:s31+$0x6850] =	vst.add.f32.msk $0xffff, v54  }
0x340: {  	[tilespmem:s31+$0x6860] =	vst.add.f32.msk $0xffff, v55  }
0x341: {  	[tilespmem:s31+$0x6870] =	vst.add.f32.msk $0xffff, v56  }
0x342: {  	[tilespmem:s31+$0x6C00] =	vst.add.f32.msk $0xffff, v57  }
0x343: {  	[tilespmem:s31+$0x6C10] =	vst.add.f32.msk $0xffff, v58  }
.Ltmp2:
0x344: {  	[tilespmem:s31+$0x6C20] =	vst.add.f32.msk $0xffff, v59;
	(pc) =	sbr.rel @p1 .LBB2_7-.Ltmp2, $4  }
0x345: {  	[tilespmem:s31+$0x6C30] =	vst.add.f32.msk $0xffff, v60  }
0x346: {  	[tilespmem:s31+$0x6C40] =	vst.add.f32.msk $0xffff, v61  }
0x347: {  	[tilespmem:s31+$0x6C50] =	vst.add.f32.msk $0xffff, v62  }
0x348: {  	[tilespmem:s31+$0x6C60] =	vst.add.f32.msk $0xffff, v63;
	s31 =	sshra.s32 s1, $0x2;
	s1 =	sadd.s32 $0x200, s1  }
0x349: {  	v0 =	vld [tilespmem:s31+$0xEC70]  }
0x34a: {  	v2 =	vld [tilespmem:s31+$0xD000]  }
0x34b: {  	v3 =	vld [tilespmem:s31+$0xD010]  }
0x34c: {  	v4 =	vld [tilespmem:s31+$0xD020]  }
0x34d: {  	v5 =	vld [tilespmem:s31+$0xD030]  }
0x34e: {  	v6 =	vld [tilespmem:s31+$0xD050]  }
0x34f: {  	v7 =	vld [tilespmem:s31+$0xD060]  }
0x350: {  	v8 =	vld [tilespmem:s31+$0xD070]  }
0x351: {  	v9 =	vld [tilespmem:s31+$0xD400]  }
0x352: {  	v10 =	vld [tilespmem:s31+$0xD410]  }
0x353: {  	v11 =	vld [tilespmem:s31+$0xD420]  }
0x354: {  	v12 =	vld [tilespmem:s31+$0xD430]  }
0x355: {  	v13 =	vld [tilespmem:s31+$0xD440]  }
0x356: {  	v14 =	vld [tilespmem:s31+$0xD450]  }
0x357: {  	v15 =	vld [tilespmem:s31+$0xD460]  }
0x358: {  	v16 =	vld [tilespmem:s31+$0xD470]  }
0x359: {  	v17 =	vld [tilespmem:s31+$0xD800]  }
0x35a: {  	v18 =	vld [tilespmem:s31+$0xD810]  }
0x35b: {  	v19 =	vld [tilespmem:s31+$0xD820]  }
0x35c: {  	v20 =	vld [tilespmem:s31+$0xD830]  }
0x35d: {  	v21 =	vld [tilespmem:s31+$0xD840]  }
0x35e: {  	v22 =	vld [tilespmem:s31+$0xD850]  }
0x35f: {  	v23 =	vld [tilespmem:s31+$0xD860]  }
0x360: {  	v24 =	vld [tilespmem:s31+$0xD870]  }
0x361: {  	v25 =	vld [tilespmem:s31+$0xDC00]  }
0x362: {  	v26 =	vld [tilespmem:s31+$0xDC10]  }
0x363: {  	v27 =	vld [tilespmem:s31+$0xDC20]  }
0x364: {  	v28 =	vld [tilespmem:s31+$0xDC30]  }
0x365: {  	v29 =	vld [tilespmem:s31+$0xDC40]  }
0x366: {  	v30 =	vld [tilespmem:s31+$0xDC50]  }
0x367: {  	v31 =	vld [tilespmem:s31+$0xDC60]  }
0x368: {  	v32 =	vld [tilespmem:s31+$0xDC70]  }
0x369: {  	v33 =	vld [tilespmem:s31+$0xE000]  }
0x36a: {  	v34 =	vld [tilespmem:s31+$0xE010]  }
0x36b: {  	v35 =	vld [tilespmem:s31+$0xE020]  }
0x36c: {  	v36 =	vld [tilespmem:s31+$0xE030]  }
0x36d: {  	v37 =	vld [tilespmem:s31+$0xE040]  }
0x36e: {  	v38 =	vld [tilespmem:s31+$0xE050]  }
0x36f: {  	v39 =	vld [tilespmem:s31+$0xE060]  }
0x370: {  	v40 =	vld [tilespmem:s31+$0xE070]  }
0x371: {  	v41 =	vld [tilespmem:s31+$0xE400]  }
0x372: {  	v42 =	vld [tilespmem:s31+$0xE410]  }
0x373: {  	v43 =	vld [tilespmem:s31+$0xE420]  }
0x374: {  	v44 =	vld [tilespmem:s31+$0xE430]  }
0x375: {  	v45 =	vld [tilespmem:s31+$0xE440]  }
0x376: {  	v46 =	vld [tilespmem:s31+$0xE450]  }
0x377: {  	v47 =	vld [tilespmem:s31+$0xE460]  }
0x378: {  	v48 =	vld [tilespmem:s31+$0xE470]  }
0x379: {  	v49 =	vld [tilespmem:s31+$0xE800]  }
0x37a: {  	v50 =	vld [tilespmem:s31+$0xE810]  }
0x37b: {  	v51 =	vld [tilespmem:s31+$0xE820]  }
0x37c: {  	v52 =	vld [tilespmem:s31+$0xE830]  }
0x37d: {  	v53 =	vld [tilespmem:s31+$0xE840]  }
0x37e: {  	v54 =	vld [tilespmem:s31+$0xE850]  }
0x37f: {  	v55 =	vld [tilespmem:s31+$0xE860]  }
0x380: {  	v56 =	vld [tilespmem:s31+$0xE870]  }
0x381: {  	v57 =	vld [tilespmem:s31+$0xEC00]  }
0x382: {  	v58 =	vld [tilespmem:s31+$0xEC10]  }
0x383: {  	v59 =	vld [tilespmem:s31+$0xEC20]  }
0x384: {  	v60 =	vld [tilespmem:s31+$0xEC30]  }
0x385: {  	v61 =	vld [tilespmem:s31+$0xEC40]  }
0x386: {  	v62 =	vld [tilespmem:s31+$0xEC50]  }
0x387: {  	v63 =	vld [tilespmem:s31+$0xEC60]  }
0x388: {  	[tilespmem:s31+$0x6C70] =	vst.add.f32.msk $0xffff, v0  }
0x389: {  	v0 =	vld [tilespmem:s31+$0xD040]  }
0x38a: {  	[tilespmem:s31+$0x5000] =	vst.add.f32.msk $0xffff, v2  }
0x38b: {  	[tilespmem:s31+$0x5010] =	vst.add.f32.msk $0xffff, v3  }
0x38c: {  	[tilespmem:s31+$0x5020] =	vst.add.f32.msk $0xffff, v4  }
0x38d: {  	[tilespmem:s31+$0x5030] =	vst.add.f32.msk $0xffff, v5  }
0x38e: {  	[tilespmem:s31+$0x5050] =	vst.add.f32.msk $0xffff, v6  }
0x38f: {  	[tilespmem:s31+$0x5060] =	vst.add.f32.msk $0xffff, v7  }
0x390: {  	[tilespmem:s31+$0x5070] =	vst.add.f32.msk $0xffff, v8  }
0x391: {  	[tilespmem:s31+$0x5400] =	vst.add.f32.msk $0xffff, v9  }
0x392: {  	[tilespmem:s31+$0x5410] =	vst.add.f32.msk $0xffff, v10  }
0x393: {  	[tilespmem:s31+$0x5420] =	vst.add.f32.msk $0xffff, v11  }
0x394: {  	[tilespmem:s31+$0x5430] =	vst.add.f32.msk $0xffff, v12  }
0x395: {  	[tilespmem:s31+$0x5440] =	vst.add.f32.msk $0xffff, v13  }
0x396: {  	[tilespmem:s31+$0x5450] =	vst.add.f32.msk $0xffff, v14  }
0x397: {  	[tilespmem:s31+$0x5460] =	vst.add.f32.msk $0xffff, v15  }
0x398: {  	[tilespmem:s31+$0x5470] =	vst.add.f32.msk $0xffff, v16  }
0x399: {  	[tilespmem:s31+$0x5800] =	vst.add.f32.msk $0xffff, v17  }
0x39a: {  	[tilespmem:s31+$0x5810] =	vst.add.f32.msk $0xffff, v18  }
0x39b: {  	[tilespmem:s31+$0x5820] =	vst.add.f32.msk $0xffff, v19  }
0x39c: {  	[tilespmem:s31+$0x5830] =	vst.add.f32.msk $0xffff, v20  }
0x39d: {  	[tilespmem:s31+$0x5840] =	vst.add.f32.msk $0xffff, v21  }
0x39e: {  	[tilespmem:s31+$0x5850] =	vst.add.f32.msk $0xffff, v22  }
0x39f: {  	[tilespmem:s31+$0x5860] =	vst.add.f32.msk $0xffff, v23  }
0x3a0: {  	[tilespmem:s31+$0x5870] =	vst.add.f32.msk $0xffff, v24  }
0x3a1: {  	[tilespmem:s31+$0x5C00] =	vst.add.f32.msk $0xffff, v25  }
0x3a2: {  	[tilespmem:s31+$0x5C10] =	vst.add.f32.msk $0xffff, v26  }
0x3a3: {  	[tilespmem:s31+$0x5C20] =	vst.add.f32.msk $0xffff, v27  }
0x3a4: {  	[tilespmem:s31+$0x5C30] =	vst.add.f32.msk $0xffff, v28  }
0x3a5: {  	[tilespmem:s31+$0x5C40] =	vst.add.f32.msk $0xffff, v29  }
0x3a6: {  	[tilespmem:s31+$0x5C50] =	vst.add.f32.msk $0xffff, v30  }
0x3a7: {  	[tilespmem:s31+$0x5C60] =	vst.add.f32.msk $0xffff, v31  }
0x3a8: {  	[tilespmem:s31+$0x5C70] =	vst.add.f32.msk $0xffff, v32  }
0x3a9: {  	[tilespmem:s31+$0x6000] =	vst.add.f32.msk $0xffff, v33  }
0x3aa: {  	[tilespmem:s31+$0x6010] =	vst.add.f32.msk $0xffff, v34  }
0x3ab: {  	[tilespmem:s31+$0x6020] =	vst.add.f32.msk $0xffff, v35  }
0x3ac: {  	[tilespmem:s31+$0x6030] =	vst.add.f32.msk $0xffff, v36  }
0x3ad: {  	[tilespmem:s31+$0x6040] =	vst.add.f32.msk $0xffff, v37  }
0x3ae: {  	[tilespmem:s31+$0x6050] =	vst.add.f32.msk $0xffff, v38  }
0x3af: {  	[tilespmem:s31+$0x6060] =	vst.add.f32.msk $0xffff, v39  }
0x3b0: {  	[tilespmem:s31+$0x6070] =	vst.add.f32.msk $0xffff, v40  }
0x3b1: {  	[tilespmem:s31+$0x6400] =	vst.add.f32.msk $0xffff, v41  }
0x3b2: {  	[tilespmem:s31+$0x6410] =	vst.add.f32.msk $0xffff, v42  }
0x3b3: {  	[tilespmem:s31+$0x6420] =	vst.add.f32.msk $0xffff, v43  }
0x3b4: {  	[tilespmem:s31+$0x6430] =	vst.add.f32.msk $0xffff, v44  }
0x3b5: {  	[tilespmem:s31+$0x6440] =	vst.add.f32.msk $0xffff, v45  }
0x3b6: {  	[tilespmem:s31+$0x6450] =	vst.add.f32.msk $0xffff, v46  }
0x3b7: {  	[tilespmem:s31+$0x6460] =	vst.add.f32.msk $0xffff, v47  }
0x3b8: {  	[tilespmem:s31+$0x6470] =	vst.add.f32.msk $0xffff, v48  }
0x3b9: {  	[tilespmem:s31+$0x6800] =	vst.add.f32.msk $0xffff, v49  }
0x3ba: {  	[tilespmem:s31+$0x6810] =	vst.add.f32.msk $0xffff, v50  }
0x3bb: {  	[tilespmem:s31+$0x6820] =	vst.add.f32.msk $0xffff, v51  }
0x3bc: {  	[tilespmem:s31+$0x6830] =	vst.add.f32.msk $0xffff, v52  }
0x3bd: {  	[tilespmem:s31+$0x6840] =	vst.add.f32.msk $0xffff, v53  }
0x3be: {  	[tilespmem:s31+$0x6850] =	vst.add.f32.msk $0xffff, v54  }
0x3bf: {  	[tilespmem:s31+$0x6860] =	vst.add.f32.msk $0xffff, v55  }
0x3c0: {  	[tilespmem:s31+$0x6870] =	vst.add.f32.msk $0xffff, v56  }
0x3c1: {  	[tilespmem:s31+$0x6C00] =	vst.add.f32.msk $0xffff, v57  }
0x3c2: {  	[tilespmem:s31+$0x6C10] =	vst.add.f32.msk $0xffff, v58  }
0x3c3: {  	[tilespmem:s31+$0x6C20] =	vst.add.f32.msk $0xffff, v59  }
0x3c4: {  	[tilespmem:s31+$0x6C30] =	vst.add.f32.msk $0xffff, v60  }
0x3c5: {  	[tilespmem:s31+$0x6C40] =	vst.add.f32.msk $0xffff, v61  }
0x3c6: {  	s1 =	sadd.s32 s6, s29;
	[tilespmem:s31+$0x6C50] =	vst.add.f32.msk $0xffff, v62  }
0x3c7: {  	s1 =	sshll.u32 s1, $0xA;
	[tilespmem:s31+$0x6C60] =	vst.add.f32.msk $0xffff, v63  }
0x3c8: {  	s1 =	sadd.s32 s3, s1;
	[tilespmem:s31+$0x5040] =	vst.add.f32.msk $0xffff, v0  }
0x3c9: {  	[hbm4b:s1+s4] =	stream.linear.scatter [tilespmem:s2], [sflag:$0xB], $0x2000, $0x38;
	[tilespmem:$0x11000] =	vst v63  }
0x3ca: {  	_ =	swait.ge [sflag:s19], $0x2000  }
0x3cb: {  	[sflag:s19] =	ssyncset.done $0x0  }
0x3cc: {  	[sflag:s19] =	ssyncadd.s32 $0xFFFFE000  }
0x3cd: {  	v0 =	vld.msk @!p0 [tilespmem:s30+$0x28], $0xff;
	_ =	sdelay $0x4  }
0x3ce: {  	v2 =	vshll.u32 @!p0 v0, $0x3  }
0x3cf: {  	v3 =	vlaneseq.u32 @!p0;
	v0 =	vand.u32 @!p0 $0x7, v0;
	v2 =	vand.u32 @!p0 $0xFFFFFFC0, v2  }
0x3d0: {  	v0 =	vor.u32 @!p0 v0, v2;
	v2 =	vand.u32 @!p0 $0x7, v3;
	v3 =	vshrl.u32 @!p0 v3, $0x3  }
0x3d1: {  	v0 =	vperm.xlane @!p0 v0, v2;
	v3 =	vmul.u32 @!p0 $0x8, v3;
	_ =	sdelay $0x1  }
0x3d2: {  	v0 =	vadd.s32 @!p0 v3, v0;
	_ =	sdelay $0x3  }
0x3d3: {  	s29 =	simm.s32 @!p0 $0x3000;
	s1 =	simm.s32 @!p0 $0x0  }
0x3d4: {  	[tilespmem:s29], [sflag:$0x2] =	stream.indirect_vreg.gather @!p0 [hbm4b:s0+s1], $0x80, v0, vm1, $0xb8;
	[tilespmem:$0x11000] =	vst v63  }
0x3d5: {  	s29 =	simm.s32 @!p0 $0x3800  }
0x3d6: {  	[tilespmem:s29], [sflag:$0x2] =	stream.indirect_vreg.gather @!p0 [hbm4b:s9+s1], $0x80, v0, vm1, $0xb8;
	[tilespmem:$0x11000] =	vst v63  }
0x3d7: {  	s29 =	simm.s32 @!p0 $0x4000  }
0x3d8: {  	[tilespmem:s29], [sflag:$0x2] =	stream.indirect_vreg.gather @!p0 [hbm4b:s10+s1], $0x80, v0, vm1, $0xb8;
	[tilespmem:$0x11000] =	vst v63  }
0x3d9: {  	s29 =	simm.s32 @!p0 $0x4800  }
0x3da: {  	[tilespmem:s29], [sflag:$0x2] =	stream.indirect_vreg.gather @!p0 [hbm4b:s11+s1], $0x80, v0, vm1, $0xb8;
	[tilespmem:$0x11000] =	vst v63  }
0x3db: {  	v0 =	vld.msk @!p0 [tilespmem:s30+$0x828], $0xff;
	_ =	sdelay $0x4  }
0x3dc: {  	v4 =	vshll.u32 @!p0 v0, $0x3  }
0x3dd: {  	v0 =	vand.u32 @!p0 $0x7, v0;
	v4 =	vand.u32 @!p0 $0xFFFFFFC0, v4  }
0x3de: {  	v0 =	vor.u32 @!p0 v0, v4  }
0x3df: {  	v0 =	vperm.xlane @!p0 v0, v2;
	_ =	sdelay $0x1  }
0x3e0: {  	v0 =	vadd.s32 @!p0 v3, v0;
	_ =	sdelay $0x3  }
0x3e1: {  	s29 =	simm.s32 @!p0 $0xB000  }
0x3e2: {  	[tilespmem:s29], [sflag:$0x6] =	stream.indirect_vreg.gather @!p0 [hbm4b:s0+s1], $0x80, v0, vm1, $0xb8;
	[tilespmem:$0x11000] =	vst v63  }
0x3e3: {  	s29 =	simm.s32 @!p0 $0xB800  }
0x3e4: {  	[tilespmem:s29], [sflag:$0x6] =	stream.indirect_vreg.gather @!p0 [hbm4b:s9+s1], $0x80, v0, vm1, $0xb8;
	[tilespmem:$0x11000] =	vst v63  }
0x3e5: {  	s29 =	simm.s32 @!p0 $0xC000  }
0x3e6: {  	[tilespmem:s29], [sflag:$0x6] =	stream.indirect_vreg.gather @!p0 [hbm4b:s10+s1], $0x80, v0, vm1, $0xb8;
	[tilespmem:$0x11000] =	vst v63  }
0x3e7: {  	s29 =	simm.s32 @!p0 $0xC800  }
0x3e8: {  	[tilespmem:s29], [sflag:$0x6] =	stream.indirect_vreg.gather @!p0 [hbm4b:s11+s1], $0x80, v0, vm1, $0xb8;
	[tilespmem:$0x11000] =	vst v63  }
0x3e9: {  	_ =	swait.ge [sflag:s20], $0x2000  }
0x3ea: {  	[sflag:s20] =	ssyncset.done $0x0  }
0x3eb: {  	[sflag:s20] =	ssyncadd.s32 $0xFFFFE000  }
0x3ec: {  	_ =	swait.ge [sflag:s21], $0x2000  }
0x3ed: {  	[sflag:s21] =	ssyncset.done $0x0  }
0x3ee: {  	s29 =	simm.s32 $0x0;
	s1 =	simm.s32 $0x200;
	[sflag:s21] =	ssyncadd.s32 $0xFFFFE000  }
.LBB2_9:
0x3ef: {  	p0 =	sne.s32 s1, $0xE00;
	v0 =	vld [tilespmem:s29+$0x10C70]  }
0x3f0: {  	v2 =	vld [tilespmem:s29+$0xF000]  }
0x3f1: {  	v3 =	vld [tilespmem:s29+$0xF010]  }
0x3f2: {  	v4 =	vld [tilespmem:s29+$0xF020]  }
0x3f3: {  	v5 =	vld [tilespmem:s29+$0xF030]  }
0x3f4: {  	[tilespmem:s29+$0x8C70] =	vst.add.f32.msk $0xffff, v0  }
0x3f5: {  	v0 =	vld [tilespmem:s29+$0xF040]  }
0x3f6: {  	v6 =	vld [tilespmem:s29+$0xF050]  }
0x3f7: {  	v7 =	vld [tilespmem:s29+$0xF060]  }
0x3f8: {  	v8 =	vld [tilespmem:s29+$0xF070]  }
0x3f9: {  	v9 =	vld [tilespmem:s29+$0xF400]  }
0x3fa: {  	v10 =	vld [tilespmem:s29+$0xF410]  }
0x3fb: {  	v11 =	vld [tilespmem:s29+$0xF420]  }
0x3fc: {  	v12 =	vld [tilespmem:s29+$0xF430]  }
0x3fd: {  	v13 =	vld [tilespmem:s29+$0xF440]  }
0x3fe: {  	v14 =	vld [tilespmem:s29+$0xF450]  }
0x3ff: {  	v15 =	vld [tilespmem:s29+$0xF460]  }
0x400: {  	v16 =	vld [tilespmem:s29+$0xF470]  }
0x401: {  	v17 =	vld [tilespmem:s29+$0xF800]  }
0x402: {  	v18 =	vld [tilespmem:s29+$0xF810]  }
0x403: {  	v19 =	vld [tilespmem:s29+$0xF820]  }
0x404: {  	v20 =	vld [tilespmem:s29+$0xF830]  }
0x405: {  	v21 =	vld [tilespmem:s29+$0xF840]  }
0x406: {  	v22 =	vld [tilespmem:s29+$0xF850]  }
0x407: {  	v23 =	vld [tilespmem:s29+$0xF860]  }
0x408: {  	v24 =	vld [tilespmem:s29+$0xF870]  }
0x409: {  	v25 =	vld [tilespmem:s29+$0xFC00]  }
0x40a: {  	v26 =	vld [tilespmem:s29+$0xFC10]  }
0x40b: {  	v27 =	vld [tilespmem:s29+$0xFC20]  }
0x40c: {  	v28 =	vld [tilespmem:s29+$0xFC30]  }
0x40d: {  	v29 =	vld [tilespmem:s29+$0xFC40]  }
0x40e: {  	v30 =	vld [tilespmem:s29+$0xFC50]  }
0x40f: {  	v31 =	vld [tilespmem:s29+$0xFC60]  }
0x410: {  	v32 =	vld [tilespmem:s29+$0xFC70]  }
0x411: {  	v33 =	vld [tilespmem:s29+$0x10000]  }
0x412: {  	v34 =	vld [tilespmem:s29+$0x10010]  }
0x413: {  	v35 =	vld [tilespmem:s29+$0x10020]  }
0x414: {  	v36 =	vld [tilespmem:s29+$0x10030]  }
0x415: {  	v37 =	vld [tilespmem:s29+$0x10040]  }
0x416: {  	v38 =	vld [tilespmem:s29+$0x10050]  }
0x417: {  	v39 =	vld [tilespmem:s29+$0x10060]  }
0x418: {  	v40 =	vld [tilespmem:s29+$0x10070]  }
0x419: {  	v41 =	vld [tilespmem:s29+$0x10400]  }
0x41a: {  	v42 =	vld [tilespmem:s29+$0x10410]  }
0x41b: {  	v43 =	vld [tilespmem:s29+$0x10420]  }
0x41c: {  	v44 =	vld [tilespmem:s29+$0x10430]  }
0x41d: {  	v45 =	vld [tilespmem:s29+$0x10440]  }
0x41e: {  	v46 =	vld [tilespmem:s29+$0x10450]  }
0x41f: {  	v47 =	vld [tilespmem:s29+$0x10460]  }
0x420: {  	v48 =	vld [tilespmem:s29+$0x10470]  }
0x421: {  	v49 =	vld [tilespmem:s29+$0x10800]  }
0x422: {  	v50 =	vld [tilespmem:s29+$0x10810]  }
0x423: {  	v51 =	vld [tilespmem:s29+$0x10820]  }
0x424: {  	v52 =	vld [tilespmem:s29+$0x10830]  }
0x425: {  	v53 =	vld [tilespmem:s29+$0x10840]  }
0x426: {  	v54 =	vld [tilespmem:s29+$0x10850]  }
0x427: {  	v55 =	vld [tilespmem:s29+$0x10860]  }
0x428: {  	v56 =	vld [tilespmem:s29+$0x10870]  }
0x429: {  	v57 =	vld [tilespmem:s29+$0x10C00]  }
0x42a: {  	v58 =	vld [tilespmem:s29+$0x10C10]  }
0x42b: {  	v59 =	vld [tilespmem:s29+$0x10C20]  }
0x42c: {  	v60 =	vld [tilespmem:s29+$0x10C30]  }
0x42d: {  	v61 =	vld [tilespmem:s29+$0x10C40]  }
0x42e: {  	v62 =	vld [tilespmem:s29+$0x10C50]  }
0x42f: {  	v63 =	vld [tilespmem:s29+$0x10C60]  }
0x430: {  	[tilespmem:s29+$0x7000] =	vst.add.f32.msk $0xffff, v2  }
0x431: {  	[tilespmem:s29+$0x7010] =	vst.add.f32.msk $0xffff, v3  }
0x432: {  	[tilespmem:s29+$0x7020] =	vst.add.f32.msk $0xffff, v4  }
0x433: {  	[tilespmem:s29+$0x7030] =	vst.add.f32.msk $0xffff, v5  }
0x434: {  	[tilespmem:s29+$0x7040] =	vst.add.f32.msk $0xffff, v0  }
0x435: {  	[tilespmem:s29+$0x7050] =	vst.add.f32.msk $0xffff, v6  }
0x436: {  	[tilespmem:s29+$0x7060] =	vst.add.f32.msk $0xffff, v7  }
0x437: {  	[tilespmem:s29+$0x7070] =	vst.add.f32.msk $0xffff, v8  }
0x438: {  	[tilespmem:s29+$0x7400] =	vst.add.f32.msk $0xffff, v9  }
0x439: {  	[tilespmem:s29+$0x7410] =	vst.add.f32.msk $0xffff, v10  }
0x43a: {  	[tilespmem:s29+$0x7420] =	vst.add.f32.msk $0xffff, v11  }
0x43b: {  	[tilespmem:s29+$0x7430] =	vst.add.f32.msk $0xffff, v12  }
0x43c: {  	[tilespmem:s29+$0x7440] =	vst.add.f32.msk $0xffff, v13  }
0x43d: {  	[tilespmem:s29+$0x7450] =	vst.add.f32.msk $0xffff, v14  }
0x43e: {  	[tilespmem:s29+$0x7460] =	vst.add.f32.msk $0xffff, v15  }
0x43f: {  	[tilespmem:s29+$0x7470] =	vst.add.f32.msk $0xffff, v16  }
0x440: {  	[tilespmem:s29+$0x7800] =	vst.add.f32.msk $0xffff, v17  }
0x441: {  	[tilespmem:s29+$0x7810] =	vst.add.f32.msk $0xffff, v18  }
0x442: {  	[tilespmem:s29+$0x7820] =	vst.add.f32.msk $0xffff, v19  }
0x443: {  	[tilespmem:s29+$0x7830] =	vst.add.f32.msk $0xffff, v20  }
0x444: {  	[tilespmem:s29+$0x7840] =	vst.add.f32.msk $0xffff, v21  }
0x445: {  	[tilespmem:s29+$0x7850] =	vst.add.f32.msk $0xffff, v22  }
0x446: {  	[tilespmem:s29+$0x7860] =	vst.add.f32.msk $0xffff, v23  }
0x447: {  	[tilespmem:s29+$0x7870] =	vst.add.f32.msk $0xffff, v24  }
0x448: {  	[tilespmem:s29+$0x7C00] =	vst.add.f32.msk $0xffff, v25  }
0x449: {  	[tilespmem:s29+$0x7C10] =	vst.add.f32.msk $0xffff, v26  }
0x44a: {  	[tilespmem:s29+$0x7C20] =	vst.add.f32.msk $0xffff, v27  }
0x44b: {  	[tilespmem:s29+$0x7C30] =	vst.add.f32.msk $0xffff, v28  }
0x44c: {  	[tilespmem:s29+$0x7C40] =	vst.add.f32.msk $0xffff, v29  }
0x44d: {  	[tilespmem:s29+$0x7C50] =	vst.add.f32.msk $0xffff, v30  }
0x44e: {  	[tilespmem:s29+$0x7C60] =	vst.add.f32.msk $0xffff, v31  }
0x44f: {  	[tilespmem:s29+$0x7C70] =	vst.add.f32.msk $0xffff, v32  }
0x450: {  	[tilespmem:s29+$0x8000] =	vst.add.f32.msk $0xffff, v33  }
0x451: {  	[tilespmem:s29+$0x8010] =	vst.add.f32.msk $0xffff, v34  }
0x452: {  	[tilespmem:s29+$0x8020] =	vst.add.f32.msk $0xffff, v35  }
0x453: {  	[tilespmem:s29+$0x8030] =	vst.add.f32.msk $0xffff, v36  }
0x454: {  	[tilespmem:s29+$0x8040] =	vst.add.f32.msk $0xffff, v37  }
0x455: {  	[tilespmem:s29+$0x8050] =	vst.add.f32.msk $0xffff, v38  }
0x456: {  	[tilespmem:s29+$0x8060] =	vst.add.f32.msk $0xffff, v39  }
0x457: {  	[tilespmem:s29+$0x8070] =	vst.add.f32.msk $0xffff, v40  }
0x458: {  	[tilespmem:s29+$0x8400] =	vst.add.f32.msk $0xffff, v41  }
0x459: {  	[tilespmem:s29+$0x8410] =	vst.add.f32.msk $0xffff, v42  }
0x45a: {  	[tilespmem:s29+$0x8420] =	vst.add.f32.msk $0xffff, v43  }
0x45b: {  	[tilespmem:s29+$0x8430] =	vst.add.f32.msk $0xffff, v44  }
0x45c: {  	[tilespmem:s29+$0x8440] =	vst.add.f32.msk $0xffff, v45  }
0x45d: {  	[tilespmem:s29+$0x8450] =	vst.add.f32.msk $0xffff, v46  }
0x45e: {  	[tilespmem:s29+$0x8460] =	vst.add.f32.msk $0xffff, v47  }
0x45f: {  	[tilespmem:s29+$0x8470] =	vst.add.f32.msk $0xffff, v48  }
0x460: {  	[tilespmem:s29+$0x8800] =	vst.add.f32.msk $0xffff, v49  }
0x461: {  	[tilespmem:s29+$0x8810] =	vst.add.f32.msk $0xffff, v50  }
0x462: {  	[tilespmem:s29+$0x8820] =	vst.add.f32.msk $0xffff, v51  }
0x463: {  	[tilespmem:s29+$0x8830] =	vst.add.f32.msk $0xffff, v52  }
0x464: {  	[tilespmem:s29+$0x8840] =	vst.add.f32.msk $0xffff, v53  }
0x465: {  	[tilespmem:s29+$0x8850] =	vst.add.f32.msk $0xffff, v54  }
0x466: {  	[tilespmem:s29+$0x8860] =	vst.add.f32.msk $0xffff, v55  }
0x467: {  	[tilespmem:s29+$0x8870] =	vst.add.f32.msk $0xffff, v56  }
0x468: {  	[tilespmem:s29+$0x8C00] =	vst.add.f32.msk $0xffff, v57  }
0x469: {  	[tilespmem:s29+$0x8C10] =	vst.add.f32.msk $0xffff, v58  }
.Ltmp3:
0x46a: {  	[tilespmem:s29+$0x8C20] =	vst.add.f32.msk $0xffff, v59;
	(pc) =	sbr.rel @p0 .LBB2_9-.Ltmp3, $4  }
0x46b: {  	[tilespmem:s29+$0x8C30] =	vst.add.f32.msk $0xffff, v60  }
0x46c: {  	[tilespmem:s29+$0x8C40] =	vst.add.f32.msk $0xffff, v61  }
0x46d: {  	[tilespmem:s29+$0x8C50] =	vst.add.f32.msk $0xffff, v62  }
0x46e: {  	[tilespmem:s29+$0x8C60] =	vst.add.f32.msk $0xffff, v63;
	s29 =	sshra.s32 s1, $0x2;
	s1 =	sadd.s32 $0x200, s1  }
0x46f: {  	v0 =	vld [tilespmem:s29+$0x10C70]  }
0x470: {  	v2 =	vld [tilespmem:s29+$0xF000]  }
0x471: {  	v3 =	vld [tilespmem:s29+$0xF010]  }
0x472: {  	v4 =	vld [tilespmem:s29+$0xF020]  }
0x473: {  	v5 =	vld [tilespmem:s29+$0xF030]  }
0x474: {  	v6 =	vld [tilespmem:s29+$0xF050]  }
0x475: {  	v7 =	vld [tilespmem:s29+$0xF060]  }
0x476: {  	v8 =	vld [tilespmem:s29+$0xF070]  }
0x477: {  	v9 =	vld [tilespmem:s29+$0xF400]  }
0x478: {  	v10 =	vld [tilespmem:s29+$0xF410]  }
0x479: {  	v11 =	vld [tilespmem:s29+$0xF420]  }
0x47a: {  	v12 =	vld [tilespmem:s29+$0xF430]  }
0x47b: {  	v13 =	vld [tilespmem:s29+$0xF440]  }
0x47c: {  	v14 =	vld [tilespmem:s29+$0xF450]  }
0x47d: {  	v15 =	vld [tilespmem:s29+$0xF460]  }
0x47e: {  	v16 =	vld [tilespmem:s29+$0xF470]  }
0x47f: {  	v17 =	vld [tilespmem:s29+$0xF800]  }
0x480: {  	v18 =	vld [tilespmem:s29+$0xF810]  }
0x481: {  	v19 =	vld [tilespmem:s29+$0xF820]  }
0x482: {  	v20 =	vld [tilespmem:s29+$0xF830]  }
0x483: {  	v21 =	vld [tilespmem:s29+$0xF840]  }
0x484: {  	v22 =	vld [tilespmem:s29+$0xF850]  }
0x485: {  	v23 =	vld [tilespmem:s29+$0xF860]  }
0x486: {  	v24 =	vld [tilespmem:s29+$0xF870]  }
0x487: {  	v25 =	vld [tilespmem:s29+$0xFC00]  }
0x488: {  	v26 =	vld [tilespmem:s29+$0xFC10]  }
0x489: {  	v27 =	vld [tilespmem:s29+$0xFC20]  }
0x48a: {  	v28 =	vld [tilespmem:s29+$0xFC30]  }
0x48b: {  	v29 =	vld [tilespmem:s29+$0xFC40]  }
0x48c: {  	v30 =	vld [tilespmem:s29+$0xFC50]  }
0x48d: {  	v31 =	vld [tilespmem:s29+$0xFC60]  }
0x48e: {  	v32 =	vld [tilespmem:s29+$0xFC70]  }
0x48f: {  	v33 =	vld [tilespmem:s29+$0x10000]  }
0x490: {  	v34 =	vld [tilespmem:s29+$0x10010]  }
0x491: {  	v35 =	vld [tilespmem:s29+$0x10020]  }
0x492: {  	v36 =	vld [tilespmem:s29+$0x10030]  }
0x493: {  	v37 =	vld [tilespmem:s29+$0x10040]  }
0x494: {  	v38 =	vld [tilespmem:s29+$0x10050]  }
0x495: {  	v39 =	vld [tilespmem:s29+$0x10060]  }
0x496: {  	v40 =	vld [tilespmem:s29+$0x10070]  }
0x497: {  	v41 =	vld [tilespmem:s29+$0x10400]  }
0x498: {  	v42 =	vld [tilespmem:s29+$0x10410]  }
0x499: {  	v43 =	vld [tilespmem:s29+$0x10420]  }
0x49a: {  	v44 =	vld [tilespmem:s29+$0x10430]  }
0x49b: {  	v45 =	vld [tilespmem:s29+$0x10440]  }
0x49c: {  	v46 =	vld [tilespmem:s29+$0x10450]  }
0x49d: {  	v47 =	vld [tilespmem:s29+$0x10460]  }
0x49e: {  	v48 =	vld [tilespmem:s29+$0x10470]  }
0x49f: {  	v49 =	vld [tilespmem:s29+$0x10800]  }
0x4a0: {  	v50 =	vld [tilespmem:s29+$0x10810]  }
0x4a1: {  	v51 =	vld [tilespmem:s29+$0x10820]  }
0x4a2: {  	v52 =	vld [tilespmem:s29+$0x10830]  }
0x4a3: {  	v53 =	vld [tilespmem:s29+$0x10840]  }
0x4a4: {  	v54 =	vld [tilespmem:s29+$0x10850]  }
0x4a5: {  	v55 =	vld [tilespmem:s29+$0x10860]  }
0x4a6: {  	v56 =	vld [tilespmem:s29+$0x10870]  }
0x4a7: {  	v57 =	vld [tilespmem:s29+$0x10C00]  }
0x4a8: {  	v58 =	vld [tilespmem:s29+$0x10C10]  }
0x4a9: {  	v59 =	vld [tilespmem:s29+$0x10C20]  }
0x4aa: {  	v60 =	vld [tilespmem:s29+$0x10C30]  }
0x4ab: {  	v61 =	vld [tilespmem:s29+$0x10C40]  }
0x4ac: {  	v62 =	vld [tilespmem:s29+$0x10C50]  }
0x4ad: {  	v63 =	vld [tilespmem:s29+$0x10C60]  }
0x4ae: {  	[tilespmem:s29+$0x8C70] =	vst.add.f32.msk $0xffff, v0  }
0x4af: {  	v0 =	vld [tilespmem:s29+$0xF040]  }
0x4b0: {  	[tilespmem:s29+$0x7000] =	vst.add.f32.msk $0xffff, v2  }
0x4b1: {  	[tilespmem:s29+$0x7010] =	vst.add.f32.msk $0xffff, v3  }
0x4b2: {  	[tilespmem:s29+$0x7020] =	vst.add.f32.msk $0xffff, v4  }
0x4b3: {  	[tilespmem:s29+$0x7030] =	vst.add.f32.msk $0xffff, v5  }
0x4b4: {  	[tilespmem:s29+$0x7050] =	vst.add.f32.msk $0xffff, v6  }
0x4b5: {  	[tilespmem:s29+$0x7060] =	vst.add.f32.msk $0xffff, v7  }
0x4b6: {  	[tilespmem:s29+$0x7070] =	vst.add.f32.msk $0xffff, v8  }
0x4b7: {  	[tilespmem:s29+$0x7400] =	vst.add.f32.msk $0xffff, v9  }
0x4b8: {  	[tilespmem:s29+$0x7410] =	vst.add.f32.msk $0xffff, v10  }
0x4b9: {  	[tilespmem:s29+$0x7420] =	vst.add.f32.msk $0xffff, v11  }
0x4ba: {  	[tilespmem:s29+$0x7430] =	vst.add.f32.msk $0xffff, v12  }
0x4bb: {  	[tilespmem:s29+$0x7440] =	vst.add.f32.msk $0xffff, v13  }
0x4bc: {  	[tilespmem:s29+$0x7450] =	vst.add.f32.msk $0xffff, v14  }
0x4bd: {  	[tilespmem:s29+$0x7460] =	vst.add.f32.msk $0xffff, v15  }
0x4be: {  	[tilespmem:s29+$0x7470] =	vst.add.f32.msk $0xffff, v16  }
0x4bf: {  	[tilespmem:s29+$0x7800] =	vst.add.f32.msk $0xffff, v17  }
0x4c0: {  	[tilespmem:s29+$0x7810] =	vst.add.f32.msk $0xffff, v18  }
0x4c1: {  	[tilespmem:s29+$0x7820] =	vst.add.f32.msk $0xffff, v19  }
0x4c2: {  	[tilespmem:s29+$0x7830] =	vst.add.f32.msk $0xffff, v20  }
0x4c3: {  	[tilespmem:s29+$0x7840] =	vst.add.f32.msk $0xffff, v21  }
0x4c4: {  	[tilespmem:s29+$0x7850] =	vst.add.f32.msk $0xffff, v22  }
0x4c5: {  	[tilespmem:s29+$0x7860] =	vst.add.f32.msk $0xffff, v23  }
0x4c6: {  	[tilespmem:s29+$0x7870] =	vst.add.f32.msk $0xffff, v24  }
0x4c7: {  	[tilespmem:s29+$0x7C00] =	vst.add.f32.msk $0xffff, v25  }
0x4c8: {  	[tilespmem:s29+$0x7C10] =	vst.add.f32.msk $0xffff, v26  }
0x4c9: {  	[tilespmem:s29+$0x7C20] =	vst.add.f32.msk $0xffff, v27  }
0x4ca: {  	[tilespmem:s29+$0x7C30] =	vst.add.f32.msk $0xffff, v28  }
0x4cb: {  	[tilespmem:s29+$0x7C40] =	vst.add.f32.msk $0xffff, v29  }
0x4cc: {  	[tilespmem:s29+$0x7C50] =	vst.add.f32.msk $0xffff, v30  }
0x4cd: {  	[tilespmem:s29+$0x7C60] =	vst.add.f32.msk $0xffff, v31  }
0x4ce: {  	[tilespmem:s29+$0x7C70] =	vst.add.f32.msk $0xffff, v32  }
0x4cf: {  	[tilespmem:s29+$0x8000] =	vst.add.f32.msk $0xffff, v33  }
0x4d0: {  	[tilespmem:s29+$0x8010] =	vst.add.f32.msk $0xffff, v34  }
0x4d1: {  	[tilespmem:s29+$0x8020] =	vst.add.f32.msk $0xffff, v35  }
0x4d2: {  	[tilespmem:s29+$0x8030] =	vst.add.f32.msk $0xffff, v36  }
0x4d3: {  	[tilespmem:s29+$0x8040] =	vst.add.f32.msk $0xffff, v37  }
0x4d4: {  	[tilespmem:s29+$0x8050] =	vst.add.f32.msk $0xffff, v38  }
0x4d5: {  	[tilespmem:s29+$0x8060] =	vst.add.f32.msk $0xffff, v39  }
0x4d6: {  	[tilespmem:s29+$0x8070] =	vst.add.f32.msk $0xffff, v40  }
0x4d7: {  	[tilespmem:s29+$0x8400] =	vst.add.f32.msk $0xffff, v41  }
0x4d8: {  	[tilespmem:s29+$0x8410] =	vst.add.f32.msk $0xffff, v42  }
0x4d9: {  	[tilespmem:s29+$0x8420] =	vst.add.f32.msk $0xffff, v43  }
0x4da: {  	[tilespmem:s29+$0x8430] =	vst.add.f32.msk $0xffff, v44  }
0x4db: {  	[tilespmem:s29+$0x8440] =	vst.add.f32.msk $0xffff, v45  }
0x4dc: {  	[tilespmem:s29+$0x8450] =	vst.add.f32.msk $0xffff, v46  }
0x4dd: {  	[tilespmem:s29+$0x8460] =	vst.add.f32.msk $0xffff, v47  }
0x4de: {  	[tilespmem:s29+$0x8470] =	vst.add.f32.msk $0xffff, v48  }
0x4df: {  	[tilespmem:s29+$0x8800] =	vst.add.f32.msk $0xffff, v49  }
0x4e0: {  	[tilespmem:s29+$0x8810] =	vst.add.f32.msk $0xffff, v50  }
0x4e1: {  	[tilespmem:s29+$0x8820] =	vst.add.f32.msk $0xffff, v51  }
0x4e2: {  	[tilespmem:s29+$0x8830] =	vst.add.f32.msk $0xffff, v52  }
0x4e3: {  	[tilespmem:s29+$0x8840] =	vst.add.f32.msk $0xffff, v53  }
0x4e4: {  	[tilespmem:s29+$0x8850] =	vst.add.f32.msk $0xffff, v54  }
0x4e5: {  	[tilespmem:s29+$0x8860] =	vst.add.f32.msk $0xffff, v55  }
0x4e6: {  	[tilespmem:s29+$0x8870] =	vst.add.f32.msk $0xffff, v56  }
0x4e7: {  	[tilespmem:s29+$0x8C00] =	vst.add.f32.msk $0xffff, v57  }
0x4e8: {  	[tilespmem:s29+$0x8C10] =	vst.add.f32.msk $0xffff, v58  }
0x4e9: {  	s22 =	sadd.s32 $0x1, s22;
	[tilespmem:s29+$0x8C20] =	vst.add.f32.msk $0xffff, v59  }
0x4ea: {  	p0 =	sne.s32 s22, $0x40;
	[tilespmem:s29+$0x8C30] =	vst.add.f32.msk $0xffff, v60  }
.Ltmp4:
0x4eb: {  	[tilespmem:s29+$0x8C40] =	vst.add.f32.msk $0xffff, v61;
	(pc) =	sbr.rel @p0 .LBB2_2-.Ltmp4, $4  }
0x4ec: {  	s1 =	sadd.s32 s6, s28;
	[tilespmem:s29+$0x8C50] =	vst.add.f32.msk $0xffff, v62  }
0x4ed: {  	s1 =	sshll.u32 s1, $0xA;
	[tilespmem:s29+$0x8C60] =	vst.add.f32.msk $0xffff, v63  }
0x4ee: {  	s1 =	sadd.s32 s3, s1;
	[tilespmem:s29+$0x7040] =	vst.add.f32.msk $0xffff, v0  }
0x4ef: {  	[hbm4b:s1+s4] =	stream.linear.scatter [tilespmem:s26], [sflag:$0xC], $0x2000, $0x38;
	[tilespmem:$0x11000] =	vst v63  }
0x4f0: {  	s1 =	simm.s32 $0xB  }
0x4f1: {  	_ =	swait.ge [sflag:s1], $0x2000  }
0x4f2: {  	[sflag:s1] =	ssyncset.done $0x0  }
0x4f3: {  	s22 =	simm.s32 $0xC;
	[sflag:s1] =	ssyncadd.s32 $0xFFFFE000  }
0x4f4: {  	_ =	swait.ge [sflag:s22], $0x2000  }
0x4f5: {  	s28 =	rddreg [dreg:$0x8]  }
0x4f6: {  	s31 =	rddreg [dreg:$0x7];
	s28 =	sadd.s32 $0x1, s28  }
0x4f7: {  	p0 =	sne.s32 s28, s31  }
.Ltmp5:
0x4f8: {  	_ = 	snop;
	(pc) =	sbr.rel @p0 .LBB2_1-.Ltmp5, $3  }
0x4f9: {  	_ =	sdelay $0x1  }
0x4fa: {  	[sflag:s22] =	ssyncset.done $0x0  }
0x4fb: {  	[sflag:s22] =	ssyncadd.s32 $0xFFFFE000  }
0x4fc: {  	_ =	sfence.sel $0x180000  }
0x4fd: {  	[bflag:$0x0] =	sbarrier.arrive $0xFFFF  }
0x4fe: {  	_ =	strace $0x90000047  }
0x4ff: {  	s0 =	stileid.u32;
	[bflag:$0x2] =	sbarrier.arrive $0xFFFF  }
0x500: {  	p0 =	sne.s32 s0, $0x0;
	s0 =	rddreg [dreg:$0x4]  }
0x501: {  	s0 =	sadd.s32 @!p0 $0x100000, s0  }
0x502: {  	[sflag:s0] =	ssyncadd.tile.s32 @!p0 $0x1;
	_ =	shalt  }
.Lfunc_end2:
_tile_overlayer_lowered:
.L_overlay_start_2:
0x503: {  	(tag) =	ssettag $0x2  }
0x504: {  	s0 =	rddreg [dreg:$0x0];
	s2 =	stileid.u32  }
0x505: {  	s1 =	rddreg [dreg:$0x1];
	p0 =	sne.s32 s2, $0x0  }
0x506: {  	s3 =	rddreg [dreg:$0x2];
	[bflag:$0x3] =	sbarrier.arrive $0xFFFF;
	s2 =	simm.s32 @!p0 $0x1C0D  }
0x507: {  	[timem:s3], [sflag:s2] =	dma.local @!p0 [hbm:s0], s1  }
0x508: {  	s0 =	simm.s32 @!p0 $0xD  }
0x509: {  	_ =	swait.ge @!p0 [sflag:s0], s1  }
0x50a: {  	s1 =	ssub.s32 @!p0 $0x0, s1;
	[sflag:s0] =	ssyncset.done @!p0 $0x0  }
0x50b: {  	[sflag:s0] =	ssyncadd.s32 @!p0 s1  }
0x50c: {  	[bflag:$0x3] =	sbarrier.arrive $0xFFFF  }
0x50d: {  	_ =	shalt  }

</sc_bundles>
